<compile_context>
chip_gen: v7x
topology: tpu7x:2x2x1
jax: 0.10.2.dev20260603
libtpu: 0.0.44.dev20260713+nightly
codegen_flags: <defaults>
</compile_context>

<pallas_src>
import functools
import math

import jax
import jax.numpy as jnp
from jax import lax
from jax.experimental import pallas as pl
from jax.experimental.pallas import tpu as pltpu
from jax.experimental.pallas import tpu_sc as plsc

DM = 64
SCALE = math.sqrt(DM)

NC = 2
NS = 16
NW = NC * NS
L = 16

CB = 4


def _emb_lookup(table, x):
    nb, sl = x.shape
    rows_per_w = nb // NW
    n_chunks = rows_per_w // CB
    assert rows_per_w % CB == 0 and n_chunks % 2 == 0
    g0 = 128
    g1 = sl - g0

    mesh = plsc.VectorSubcoreMesh(core_axis_name="c", subcore_axis_name="s")

    @functools.partial(
        pl.kernel,
        mesh=mesh,
        out_type=jax.ShapeDtypeStruct((nb, sl, DM), jnp.float32),
        scratch_types=[
            pltpu.VMEM((2, CB, sl), jnp.int32),
            pltpu.VMEM((2, CB, sl, DM), jnp.float32),
            pltpu.SemaphoreType.DMA,
            pltpu.SemaphoreType.DMA,
            pltpu.SemaphoreType.DMA,
            pltpu.SemaphoreType.DMA,
        ],
        compiler_params=pltpu.CompilerParams(use_tc_tiling_on_sc=False),
    )
    def k(table_hbm, x_hbm, out_hbm, idx_v, rows_v, gsem0, gsem1, wsem0,
          wsem1):
        gsems = (gsem0, gsem1)
        wsems = (wsem0, wsem1)
        wid = lax.axis_index("s") * NC + lax.axis_index("c")
        base = wid * rows_per_w

        def fire(c, bb):
            b0 = base + c * CB
            pltpu.sync_copy(x_hbm.at[pl.ds(b0, CB)], idx_v.at[bb])
            for r in range(CB):
                pltpu.async_copy(
                    table_hbm.at[idx_v.at[bb, r, pl.ds(0, g0)]],
                    rows_v.at[bb, r, pl.ds(0, g0)],
                    gsems[bb],
                )
                pltpu.async_copy(
                    table_hbm.at[idx_v.at[bb, r, pl.ds(g0, g1)]],
                    rows_v.at[bb, r, pl.ds(g0, g1)],
                    gsems[bb],
                )

        def drain(sem, bb):
            pltpu.make_async_copy(out_hbm.at[pl.ds(0, CB)],
                                  rows_v.at[bb], sem).wait()

        fire(0, 0)

        def pair(t, carry):
            go = t * 2
            for b in (0, 1):
                c = go + b
                nb_ = 1 - b

                @pl.when(c + 1 < n_chunks)
                def _():
                    @pl.when(c >= 1)
                    def _():
                        drain(wsems[nb_], nb_)
                    fire(c + 1, nb_)

                drain(gsems[b], b)

                for r in range(CB):

                    def scale_row(i, cr, _b=b, _r=r):
                        for j in range(DM // L):
                            s = pl.ds(j * L, L)
                            rows_v[_b, _r, i, s] = rows_v[_b, _r, i, s] * SCALE
                        return cr

                    lax.fori_loop(0, sl, scale_row, 0, unroll=4)

                pltpu.async_copy(
                    rows_v.at[b],
                    out_hbm.at[pl.ds(base + c * CB, CB)],
                    wsems[b],
                )
            return carry

        lax.fori_loop(0, n_chunks // 2, pair, 0)
        drain(wsems[0], 0)
        drain(wsems[1], 1)

    return k(table, x)


def kernel(x, table):
    return _emb_lookup(table, x)

# --- scband reference (transcript-rebuilt; emitter-appended) ---
"""Pipeline reference for scband-input-embeddings-40209483825764 (READ-ONLY COPY).

The authoritative reference and input builder live on the scoring server;
editing this copy changes nothing except your own understanding.
"""

import math
import jax, jax.numpy as jnp
import numpy as np

DMODEL = 64
VOCAB = 1000000

def setup_inputs(seed: int = 0) -> dict:
    key = jax.random.key(seed)
    k1, k2 = jax.random.split(key)
    x = jax.random.randint(k1, (4096, 200), 0, VOCAB, dtype=jnp.int64 if jax.config.jax_enable_x64 else jnp.int32)
    # nn.Embedding default init: N(0, 1)
    table = jax.random.normal(k2, (VOCAB, DMODEL), dtype=jnp.float32)
    return {"x": x, "table": table}

def reference(x, table):
    # InputEmbeddings.forward: embedding(x) * sqrt(dmodel)
    emb = jnp.take(table, x, axis=0)
    return emb * math.sqrt(DMODEL)

if __name__ == "__main__":
    import jax
    _d = setup_inputs()
    print(jax.jit(kernel)(*tuple(_d.values())))

</pallas_src>

<mosaic_0001>
#map = affine_map<(d0, d1) -> (0, 0)>
#map1 = affine_map<(d0, d1) -> (0, 0, 0)>
module attributes {stable_mosaic.version = 14 : i64} {
  func.func @k(%arg0: i32, %arg1: i32, %arg2: memref<1000000x64xf32, #tpu.memory_space<hbm>>, %arg3: memref<4096x200xi32, #tpu.memory_space<hbm>>, %arg4: memref<4096x200x64xf32, #tpu.memory_space<hbm>>, %arg5: memref<2x4x200xi32, #tpu.memory_space<vmem>>, %arg6: memref<2x4x200x64xf32, #tpu.memory_space<vmem>>, %arg7: memref<!tpu.dma_semaphore, #tpu.memory_space<semaphore_mem>>, %arg8: memref<!tpu.dma_semaphore, #tpu.memory_space<semaphore_mem>>, %arg9: memref<!tpu.dma_semaphore, #tpu.memory_space<semaphore_mem>>, %arg10: memref<!tpu.dma_semaphore, #tpu.memory_space<semaphore_mem>>) attributes {dimension_semantics = [#tpu.dimension_semantics<core_parallel>, #tpu.dimension_semantics<subcore_parallel>], iteration_bounds = array<i64: 2, 16>, scalar_prefetch = 0 : i64, scratch_operands = 6 : i64, tpu.core_type = #tpu.core_type<sc_vector_subcore>, window_params = [{transform_indices = #map}, {transform_indices = #map}, {transform_indices = #map1}]} {
    %mul3A = arith.constant 2 : i32
    %mul3A_0 = arith.muli %arg1, %mul3A : i32
    %add3A = arith.addi %mul3A_0, %arg0 : i32
    %mul3A_1 = arith.constant 128 : i32
    %mul3A_2 = arith.muli %add3A, %mul3A_1 : i32
    %add3A_3 = arith.constant 0 : i32
    %add3A_4 = arith.addi %mul3A_2, %add3A_3 : i32
    %run_scoped3A = arith.constant 0 : i32
    "tpu.region"() ({
      %run_scoped3A_158 = tpu.sem_alloc : memref<!tpu.dma_semaphore, #tpu.memory_space<semaphore_mem>>
      %dma_start3A_159 = arith.constant 0 : i32
      %dma_start3A_160 = arith.constant 0 : i32
      %dma_start3A_161 = tpu.memref_slice %arg5[%run_scoped3A, %dma_start3A_159, %dma_start3A_160] : memref<2x4x200xi32, #tpu.memory_space<vmem>> -> memref<1x4x200xi32, #tpu.memory_space<vmem>>
      %dma_start3A_162 = tpu.memref_squeeze %dma_start3A_161 : memref<1x4x200xi32, #tpu.memory_space<vmem>> -> memref<4x200xi32, #tpu.memory_space<vmem>>
      %dma_start3A_163 = arith.constant 0 : i32
      %dma_start3A_164 = tpu.memref_slice %arg3[%add3A_4, %dma_start3A_163] : memref<4096x200xi32, #tpu.memory_space<hbm>> -> memref<4x200xi32, #tpu.memory_space<hbm>>
      %dma_start3A_165 = arith.constant 0 : i32
      %dma_start3A_166 = arith.constant 0 : i32
      %dma_start3A_167 = tpu.memref_slice %arg5[%run_scoped3A, %dma_start3A_165, %dma_start3A_166] : memref<2x4x200xi32, #tpu.memory_space<vmem>> -> memref<1x4x200xi32, #tpu.memory_space<vmem>>
      %dma_start3A_168 = tpu.memref_squeeze %dma_start3A_167 : memref<1x4x200xi32, #tpu.memory_space<vmem>> -> memref<4x200xi32, #tpu.memory_space<vmem>>
      %dma_start3A_169 = arith.constant 0 : i32
      %dma_start3A_170 = tpu.memref_slice %arg3[%add3A_4, %dma_start3A_169] : memref<4096x200xi32, #tpu.memory_space<hbm>> -> memref<4x200xi32, #tpu.memory_space<hbm>>
      tpu.enqueue_dma source(%dma_start3A_170 : memref<4x200xi32, #tpu.memory_space<hbm>>) target(%dma_start3A_168 : memref<4x200xi32, #tpu.memory_space<vmem>>) target_semaphore(%run_scoped3A_158 : memref<!tpu.dma_semaphore, #tpu.memory_space<semaphore_mem>>)
      %dma_wait3A_171 = arith.constant 0 : i32
      %dma_wait3A_172 = arith.constant 0 : i32
      %dma_wait3A_173 = tpu.memref_slice %arg5[%run_scoped3A, %dma_wait3A_171, %dma_wait3A_172] : memref<2x4x200xi32, #tpu.memory_space<vmem>> -> memref<1x4x200xi32, #tpu.memory_space<vmem>>
      %dma_wait3A_174 = tpu.memref_squeeze %dma_wait3A_173 : memref<1x4x200xi32, #tpu.memory_space<vmem>> -> memref<4x200xi32, #tpu.memory_space<vmem>>
      %dma_wait3A_175 = arith.constant 0 : i32
      %dma_wait3A_176 = tpu.memref_slice %arg3[%add3A_4, %dma_wait3A_175] : memref<4096x200xi32, #tpu.memory_space<hbm>> -> memref<4x200xi32, #tpu.memory_space<hbm>>
      %dma_wait3A_177 = arith.constant 0 : i32
      %dma_wait3A_178 = arith.constant 0 : i32
      %dma_wait3A_179 = tpu.memref_slice %arg5[%run_scoped3A, %dma_wait3A_177, %dma_wait3A_178] : memref<2x4x200xi32, #tpu.memory_space<vmem>> -> memref<1x4x200xi32, #tpu.memory_space<vmem>>
      %dma_wait3A_180 = tpu.memref_squeeze %dma_wait3A_179 : memref<1x4x200xi32, #tpu.memory_space<vmem>> -> memref<4x200xi32, #tpu.memory_space<vmem>>
      %dma_wait3A_181 = arith.constant 0 : i32
      %dma_wait3A_182 = tpu.memref_slice %arg3[%add3A_4, %dma_wait3A_181] : memref<4096x200xi32, #tpu.memory_space<hbm>> -> memref<4x200xi32, #tpu.memory_space<hbm>>
      tpu.wait_dma2 semaphore(%run_scoped3A_158 : memref<!tpu.dma_semaphore, #tpu.memory_space<semaphore_mem>>) src(%dma_wait3A_182 : memref<4x200xi32, #tpu.memory_space<hbm>>) dst(%dma_wait3A_180 : memref<4x200xi32, #tpu.memory_space<vmem>>)
      tpu.yield
    }) : () -> ()
    %dma_start3A = arith.constant 0 : i32
    %dma_start3A_5 = arith.constant 0 : i32
    %dma_start3A_6 = arith.constant 0 : i32
    %dma_start3A_7 = arith.constant 0 : i32
    %dma_start3A_8 = arith.constant 0 : i32
    %dma_start3A_9 = arith.constant 0 : i32
    %dma_start3A_10 = tpu.memref_slice %arg6[%dma_start3A_6, %dma_start3A_7, %dma_start3A_8, %dma_start3A_9] : memref<2x4x200x64xf32, #tpu.memory_space<vmem>> -> memref<1x1x128x64xf32, #tpu.memory_space<vmem>>
    %dma_start3A_11 = tpu.memref_squeeze %dma_start3A_10 : memref<1x1x128x64xf32, #tpu.memory_space<vmem>> -> memref<128x64xf32, #tpu.memory_space<vmem>>
    %dma_start3A_12 = arith.constant 0 : i32
    %dma_start3A_13 = tpu.memref_slice %arg5[%dma_start3A, %dma_start3A_5, %dma_start3A_12] : memref<2x4x200xi32, #tpu.memory_space<vmem>> -> memref<1x1x128xi32, #tpu.memory_space<vmem>>
    %dma_start3A_14 = tpu.memref_squeeze %dma_start3A_13 : memref<1x1x128xi32, #tpu.memory_space<vmem>> -> memref<128xi32, #tpu.memory_space<vmem>>
    %dma_start3A_15 = arith.constant 0 : i32
    %dma_start3A_16 = arith.constant 0 : i32
    %dma_start3A_17 = tpu.memref_slice %arg2[%dma_start3A_15, %dma_start3A_16] : memref<1000000x64xf32, #tpu.memory_space<hbm>> -> memref<1000000x64xf32, #tpu.memory_space<hbm>>
    tpu.enqueue_indirect_dma source(%dma_start3A_17 : memref<1000000x64xf32, #tpu.memory_space<hbm>>) target(%dma_start3A_11 : memref<128x64xf32, #tpu.memory_space<vmem>>) offsets(%dma_start3A_14 : memref<128xi32, #tpu.memory_space<vmem>>) semaphore(%arg7 : memref<!tpu.dma_semaphore, #tpu.memory_space<semaphore_mem>>)
    %dma_start3A_18 = arith.constant 0 : i32
    %dma_start3A_19 = arith.constant 0 : i32
    %dma_start3A_20 = arith.constant 0 : i32
    %dma_start3A_21 = arith.constant 0 : i32
    %dma_start3A_22 = arith.constant 128 : i32
    %dma_start3A_23 = arith.constant 0 : i32
    %dma_start3A_24 = tpu.memref_slice %arg6[%dma_start3A_20, %dma_start3A_21, %dma_start3A_22, %dma_start3A_23] : memref<2x4x200x64xf32, #tpu.memory_space<vmem>> -> memref<1x1x72x64xf32, #tpu.memory_space<vmem>>
    %dma_start3A_25 = tpu.memref_squeeze %dma_start3A_24 : memref<1x1x72x64xf32, #tpu.memory_space<vmem>> -> memref<72x64xf32, #tpu.memory_space<vmem>>
    %dma_start3A_26 = arith.constant 128 : i32
    %dma_start3A_27 = tpu.memref_slice %arg5[%dma_start3A_18, %dma_start3A_19, %dma_start3A_26] : memref<2x4x200xi32, #tpu.memory_space<vmem>> -> memref<1x1x72xi32, #tpu.memory_space<vmem>>
    %dma_start3A_28 = tpu.memref_squeeze %dma_start3A_27 : memref<1x1x72xi32, #tpu.memory_space<vmem>> -> memref<72xi32, #tpu.memory_space<vmem>>
    %dma_start3A_29 = arith.constant 0 : i32
    %dma_start3A_30 = arith.constant 0 : i32
    %dma_start3A_31 = tpu.memref_slice %arg2[%dma_start3A_29, %dma_start3A_30] : memref<1000000x64xf32, #tpu.memory_space<hbm>> -> memref<1000000x64xf32, #tpu.memory_space<hbm>>
    tpu.enqueue_indirect_dma source(%dma_start3A_31 : memref<1000000x64xf32, #tpu.memory_space<hbm>>) target(%dma_start3A_25 : memref<72x64xf32, #tpu.memory_space<vmem>>) offsets(%dma_start3A_28 : memref<72xi32, #tpu.memory_space<vmem>>) semaphore(%arg7 : memref<!tpu.dma_semaphore, #tpu.memory_space<semaphore_mem>>)
    %dma_start3A_32 = arith.constant 0 : i32
    %dma_start3A_33 = arith.constant 1 : i32
    %dma_start3A_34 = arith.constant 0 : i32
    %dma_start3A_35 = arith.constant 1 : i32
    %dma_start3A_36 = arith.constant 0 : i32
    %dma_start3A_37 = arith.constant 0 : i32
    %dma_start3A_38 = tpu.memref_slice %arg6[%dma_start3A_34, %dma_start3A_35, %dma_start3A_36, %dma_start3A_37] : memref<2x4x200x64xf32, #tpu.memory_space<vmem>> -> memref<1x1x128x64xf32, #tpu.memory_space<vmem>>
    %dma_start3A_39 = tpu.memref_squeeze %dma_start3A_38 : memref<1x1x128x64xf32, #tpu.memory_space<vmem>> -> memref<128x64xf32, #tpu.memory_space<vmem>>
    %dma_start3A_40 = arith.constant 0 : i32
    %dma_start3A_41 = tpu.memref_slice %arg5[%dma_start3A_32, %dma_start3A_33, %dma_start3A_40] : memref<2x4x200xi32, #tpu.memory_space<vmem>> -> memref<1x1x128xi32, #tpu.memory_space<vmem>>
    %dma_start3A_42 = tpu.memref_squeeze %dma_start3A_41 : memref<1x1x128xi32, #tpu.memory_space<vmem>> -> memref<128xi32, #tpu.memory_space<vmem>>
    %dma_start3A_43 = arith.constant 0 : i32
    %dma_start3A_44 = arith.constant 0 : i32
    %dma_start3A_45 = tpu.memref_slice %arg2[%dma_start3A_43, %dma_start3A_44] : memref<1000000x64xf32, #tpu.memory_space<hbm>> -> memref<1000000x64xf32, #tpu.memory_space<hbm>>
    tpu.enqueue_indirect_dma source(%dma_start3A_45 : memref<1000000x64xf32, #tpu.memory_space<hbm>>) target(%dma_start3A_39 : memref<128x64xf32, #tpu.memory_space<vmem>>) offsets(%dma_start3A_42 : memref<128xi32, #tpu.memory_space<vmem>>) semaphore(%arg7 : memref<!tpu.dma_semaphore, #tpu.memory_space<semaphore_mem>>)
    %dma_start3A_46 = arith.constant 0 : i32
    %dma_start3A_47 = arith.constant 1 : i32
    %dma_start3A_48 = arith.constant 0 : i32
    %dma_start3A_49 = arith.constant 1 : i32
    %dma_start3A_50 = arith.constant 128 : i32
    %dma_start3A_51 = arith.constant 0 : i32
    %dma_start3A_52 = tpu.memref_slice %arg6[%dma_start3A_48, %dma_start3A_49, %dma_start3A_50, %dma_start3A_51] : memref<2x4x200x64xf32, #tpu.memory_space<vmem>> -> memref<1x1x72x64xf32, #tpu.memory_space<vmem>>
    %dma_start3A_53 = tpu.memref_squeeze %dma_start3A_52 : memref<1x1x72x64xf32, #tpu.memory_space<vmem>> -> memref<72x64xf32, #tpu.memory_space<vmem>>
    %dma_start3A_54 = arith.constant 128 : i32
    %dma_start3A_55 = tpu.memref_slice %arg5[%dma_start3A_46, %dma_start3A_47, %dma_start3A_54] : memref<2x4x200xi32, #tpu.memory_space<vmem>> -> memref<1x1x72xi32, #tpu.memory_space<vmem>>
    %dma_start3A_56 = tpu.memref_squeeze %dma_start3A_55 : memref<1x1x72xi32, #tpu.memory_space<vmem>> -> memref<72xi32, #tpu.memory_space<vmem>>
    %dma_start3A_57 = arith.constant 0 : i32
    %dma_start3A_58 = arith.constant 0 : i32
    %dma_start3A_59 = tpu.memref_slice %arg2[%dma_start3A_57, %dma_start3A_58] : memref<1000000x64xf32, #tpu.memory_space<hbm>> -> memref<1000000x64xf32, #tpu.memory_space<hbm>>
    tpu.enqueue_indirect_dma source(%dma_start3A_59 : memref<1000000x64xf32, #tpu.memory_space<hbm>>) target(%dma_start3A_53 : memref<72x64xf32, #tpu.memory_space<vmem>>) offsets(%dma_start3A_56 : memref<72xi32, #tpu.memory_space<vmem>>) semaphore(%arg7 : memref<!tpu.dma_semaphore, #tpu.memory_space<semaphore_mem>>)
    %dma_start3A_60 = arith.constant 0 : i32
    %dma_start3A_61 = arith.constant 2 : i32
    %dma_start3A_62 = arith.constant 0 : i32
    %dma_start3A_63 = arith.constant 2 : i32
    %dma_start3A_64 = arith.constant 0 : i32
    %dma_start3A_65 = arith.constant 0 : i32
    %dma_start3A_66 = tpu.memref_slice %arg6[%dma_start3A_62, %dma_start3A_63, %dma_start3A_64, %dma_start3A_65] : memref<2x4x200x64xf32, #tpu.memory_space<vmem>> -> memref<1x1x128x64xf32, #tpu.memory_space<vmem>>
    %dma_start3A_67 = tpu.memref_squeeze %dma_start3A_66 : memref<1x1x128x64xf32, #tpu.memory_space<vmem>> -> memref<128x64xf32, #tpu.memory_space<vmem>>
    %dma_start3A_68 = arith.constant 0 : i32
    %dma_start3A_69 = tpu.memref_slice %arg5[%dma_start3A_60, %dma_start3A_61, %dma_start3A_68] : memref<2x4x200xi32, #tpu.memory_space<vmem>> -> memref<1x1x128xi32, #tpu.memory_space<vmem>>
    %dma_start3A_70 = tpu.memref_squeeze %dma_start3A_69 : memref<1x1x128xi32, #tpu.memory_space<vmem>> -> memref<128xi32, #tpu.memory_space<vmem>>
    %dma_start3A_71 = arith.constant 0 : i32
    %dma_start3A_72 = arith.constant 0 : i32
    %dma_start3A_73 = tpu.memref_slice %arg2[%dma_start3A_71, %dma_start3A_72] : memref<1000000x64xf32, #tpu.memory_space<hbm>> -> memref<1000000x64xf32, #tpu.memory_space<hbm>>
    tpu.enqueue_indirect_dma source(%dma_start3A_73 : memref<1000000x64xf32, #tpu.memory_space<hbm>>) target(%dma_start3A_67 : memref<128x64xf32, #tpu.memory_space<vmem>>) offsets(%dma_start3A_70 : memref<128xi32, #tpu.memory_space<vmem>>) semaphore(%arg7 : memref<!tpu.dma_semaphore, #tpu.memory_space<semaphore_mem>>)
    %dma_start3A_74 = arith.constant 0 : i32
    %dma_start3A_75 = arith.constant 2 : i32
    %dma_start3A_76 = arith.constant 0 : i32
    %dma_start3A_77 = arith.constant 2 : i32
    %dma_start3A_78 = arith.constant 128 : i32
    %dma_start3A_79 = arith.constant 0 : i32
    %dma_start3A_80 = tpu.memref_slice %arg6[%dma_start3A_76, %dma_start3A_77, %dma_start3A_78, %dma_start3A_79] : memref<2x4x200x64xf32, #tpu.memory_space<vmem>> -> memref<1x1x72x64xf32, #tpu.memory_space<vmem>>
    %dma_start3A_81 = tpu.memref_squeeze %dma_start3A_80 : memref<1x1x72x64xf32, #tpu.memory_space<vmem>> -> memref<72x64xf32, #tpu.memory_space<vmem>>
    %dma_start3A_82 = arith.constant 128 : i32
    %dma_start3A_83 = tpu.memref_slice %arg5[%dma_start3A_74, %dma_start3A_75, %dma_start3A_82] : memref<2x4x200xi32, #tpu.memory_space<vmem>> -> memref<1x1x72xi32, #tpu.memory_space<vmem>>
    %dma_start3A_84 = tpu.memref_squeeze %dma_start3A_83 : memref<1x1x72xi32, #tpu.memory_space<vmem>> -> memref<72xi32, #tpu.memory_space<vmem>>
    %dma_start3A_85 = arith.constant 0 : i32
    %dma_start3A_86 = arith.constant 0 : i32
    %dma_start3A_87 = tpu.memref_slice %arg2[%dma_start3A_85, %dma_start3A_86] : memref<1000000x64xf32, #tpu.memory_space<hbm>> -> memref<1000000x64xf32, #tpu.memory_space<hbm>>
    tpu.enqueue_indirect_dma source(%dma_start3A_87 : memref<1000000x64xf32, #tpu.memory_space<hbm>>) target(%dma_start3A_81 : memref<72x64xf32, #tpu.memory_space<vmem>>) offsets(%dma_start3A_84 : memref<72xi32, #tpu.memory_space<vmem>>) semaphore(%arg7 : memref<!tpu.dma_semaphore, #tpu.memory_space<semaphore_mem>>)
    %dma_start3A_88 = arith.constant 0 : i32
    %dma_start3A_89 = arith.constant 3 : i32
    %dma_start3A_90 = arith.constant 0 : i32
    %dma_start3A_91 = arith.constant 3 : i32
    %dma_start3A_92 = arith.constant 0 : i32
    %dma_start3A_93 = arith.constant 0 : i32
    %dma_start3A_94 = tpu.memref_slice %arg6[%dma_start3A_90, %dma_start3A_91, %dma_start3A_92, %dma_start3A_93] : memref<2x4x200x64xf32, #tpu.memory_space<vmem>> -> memref<1x1x128x64xf32, #tpu.memory_space<vmem>>
    %dma_start3A_95 = tpu.memref_squeeze %dma_start3A_94 : memref<1x1x128x64xf32, #tpu.memory_space<vmem>> -> memref<128x64xf32, #tpu.memory_space<vmem>>
    %dma_start3A_96 = arith.constant 0 : i32
    %dma_start3A_97 = tpu.memref_slice %arg5[%dma_start3A_88, %dma_start3A_89, %dma_start3A_96] : memref<2x4x200xi32, #tpu.memory_space<vmem>> -> memref<1x1x128xi32, #tpu.memory_space<vmem>>
    %dma_start3A_98 = tpu.memref_squeeze %dma_start3A_97 : memref<1x1x128xi32, #tpu.memory_space<vmem>> -> memref<128xi32, #tpu.memory_space<vmem>>
    %dma_start3A_99 = arith.constant 0 : i32
    %dma_start3A_100 = arith.constant 0 : i32
    %dma_start3A_101 = tpu.memref_slice %arg2[%dma_start3A_99, %dma_start3A_100] : memref<1000000x64xf32, #tpu.memory_space<hbm>> -> memref<1000000x64xf32, #tpu.memory_space<hbm>>
    tpu.enqueue_indirect_dma source(%dma_start3A_101 : memref<1000000x64xf32, #tpu.memory_space<hbm>>) target(%dma_start3A_95 : memref<128x64xf32, #tpu.memory_space<vmem>>) offsets(%dma_start3A_98 : memref<128xi32, #tpu.memory_space<vmem>>) semaphore(%arg7 : memref<!tpu.dma_semaphore, #tpu.memory_space<semaphore_mem>>)
    %dma_start3A_102 = arith.constant 0 : i32
    %dma_start3A_103 = arith.constant 3 : i32
    %dma_start3A_104 = arith.constant 0 : i32
    %dma_start3A_105 = arith.constant 3 : i32
    %dma_start3A_106 = arith.constant 128 : i32
    %dma_start3A_107 = arith.constant 0 : i32
    %dma_start3A_108 = tpu.memref_slice %arg6[%dma_start3A_104, %dma_start3A_105, %dma_start3A_106, %dma_start3A_107] : memref<2x4x200x64xf32, #tpu.memory_space<vmem>> -> memref<1x1x72x64xf32, #tpu.memory_space<vmem>>
    %dma_start3A_109 = tpu.memref_squeeze %dma_start3A_108 : memref<1x1x72x64xf32, #tpu.memory_space<vmem>> -> memref<72x64xf32, #tpu.memory_space<vmem>>
    %dma_start3A_110 = arith.constant 128 : i32
    %dma_start3A_111 = tpu.memref_slice %arg5[%dma_start3A_102, %dma_start3A_103, %dma_start3A_110] : memref<2x4x200xi32, #tpu.memory_space<vmem>> -> memref<1x1x72xi32, #tpu.memory_space<vmem>>
    %dma_start3A_112 = tpu.memref_squeeze %dma_start3A_111 : memref<1x1x72xi32, #tpu.memory_space<vmem>> -> memref<72xi32, #tpu.memory_space<vmem>>
    %dma_start3A_113 = arith.constant 0 : i32
    %dma_start3A_114 = arith.constant 0 : i32
    %dma_start3A_115 = tpu.memref_slice %arg2[%dma_start3A_113, %dma_start3A_114] : memref<1000000x64xf32, #tpu.memory_space<hbm>> -> memref<1000000x64xf32, #tpu.memory_space<hbm>>
    tpu.enqueue_indirect_dma source(%dma_start3A_115 : memref<1000000x64xf32, #tpu.memory_space<hbm>>) target(%dma_start3A_109 : memref<72x64xf32, #tpu.memory_space<vmem>>) offsets(%dma_start3A_112 : memref<72xi32, #tpu.memory_space<vmem>>) semaphore(%arg7 : memref<!tpu.dma_semaphore, #tpu.memory_space<semaphore_mem>>)
    %scan3A = arith.constant 0 : i32
    %scan3A_116 = arith.constant 0 : i32
    %scan3A_117 = arith.constant 16 : i32
    %scan3A_118 = arith.addi %scan3A_116, %scan3A_117 : i32
    %scan3A_119 = arith.constant 1 : i32
    scf.for %scan3A_158 = %scan3A_116 to %scan3A_118 step %scan3A_119  : i32 {
      %mul3A_159 = arith.constant 2 : i32
      %mul3A_160 = arith.muli %scan3A_158, %mul3A_159 : i32
      %add3A_161 = arith.constant 0 : i32
      %add3A_162 = arith.addi %mul3A_160, %add3A_161 : i32
      %add3A_163 = arith.constant 1 : i32
      %add3A_164 = arith.addi %add3A_162, %add3A_163 : i32
      %lt3A = arith.constant 32 : i32
      %lt3A_165 = arith.cmpi slt, %add3A_164, %lt3A : i32
      %convert_element_type3A = arith.extui %lt3A_165 : i1 to i32
      %cond3A = arith.constant 0 : i32
      %cond3A_166 = arith.cmpi ne, %convert_element_type3A, %cond3A : i32
      scf.if %cond3A_166 {
        %ge3A = arith.constant 1 : i32
        %ge3A_302 = arith.cmpi sge, %add3A_162, %ge3A : i32
        %convert_element_type3A_303 = arith.extui %ge3A_302 : i1 to i32
        %cond3A_304 = arith.constant 0 : i32
        %cond3A_305 = arith.cmpi ne, %convert_element_type3A_303, %cond3A_304 : i32
        scf.if %cond3A_305 {
          %dma_wait3A_424 = arith.constant 1 : i32
          %dma_wait3A_425 = arith.constant 0 : i32
          %dma_wait3A_426 = arith.constant 0 : i32
          %dma_wait3A_427 = arith.constant 0 : i32
          %dma_wait3A_428 = tpu.memref_slice %arg6[%dma_wait3A_424, %dma_wait3A_425, %dma_wait3A_426, %dma_wait3A_427] : memref<2x4x200x64xf32, #tpu.memory_space<vmem>> -> memref<1x4x200x64xf32, #tpu.memory_space<vmem>>
          %dma_wait3A_429 = tpu.memref_squeeze %dma_wait3A_428 : memref<1x4x200x64xf32, #tpu.memory_space<vmem>> -> memref<4x200x64xf32, #tpu.memory_space<vmem>>
          %dma_wait3A_430 = arith.constant 0 : i32
          %dma_wait3A_431 = arith.constant 0 : i32
          %dma_wait3A_432 = arith.constant 0 : i32
          %dma_wait3A_433 = tpu.memref_slice %arg4[%dma_wait3A_430, %dma_wait3A_431, %dma_wait3A_432] : memref<4096x200x64xf32, #tpu.memory_space<hbm>> -> memref<4x200x64xf32, #tpu.memory_space<hbm>>
          %dma_wait3A_434 = arith.constant 0 : i32
          %dma_wait3A_435 = arith.constant 0 : i32
          %dma_wait3A_436 = arith.constant 0 : i32
          %dma_wait3A_437 = tpu.memref_slice %arg6[%dma_wait3A_424, %dma_wait3A_434, %dma_wait3A_435, %dma_wait3A_436] : memref<2x4x200x64xf32, #tpu.memory_space<vmem>> -> memref<1x4x200x64xf32, #tpu.memory_space<vmem>>
          %dma_wait3A_438 = tpu.memref_squeeze %dma_wait3A_437 : memref<1x4x200x64xf32, #tpu.memory_space<vmem>> -> memref<4x200x64xf32, #tpu.memory_space<vmem>>
          %dma_wait3A_439 = arith.constant 0 : i32
          %dma_wait3A_440 = arith.constant 0 : i32
          %dma_wait3A_441 = arith.constant 0 : i32
          %dma_wait3A_442 = tpu.memref_slice %arg4[%dma_wait3A_439, %dma_wait3A_440, %dma_wait3A_441] : memref<4096x200x64xf32, #tpu.memory_space<hbm>> -> memref<4x200x64xf32, #tpu.memory_space<hbm>>
          tpu.wait_dma2 semaphore(%arg10 : memref<!tpu.dma_semaphore, #tpu.memory_space<semaphore_mem>>) src(%dma_wait3A_442 : memref<4x200x64xf32, #tpu.memory_space<hbm>>) dst(%dma_wait3A_438 : memref<4x200x64xf32, #tpu.memory_space<vmem>>)
        } else {
        }
        %add3A_306 = arith.constant 1 : i32
        %add3A_307 = arith.addi %add3A_162, %add3A_306 : i32
        %mul3A_308 = arith.constant 4 : i32
        %mul3A_309 = arith.muli %add3A_307, %mul3A_308 : i32
        %add3A_310 = arith.addi %mul3A_2, %mul3A_309 : i32
        %run_scoped3A_311 = arith.constant 1 : i32
        "tpu.region"() ({
          %run_scoped3A_424 = tpu.sem_alloc : memref<!tpu.dma_semaphore, #tpu.memory_space<semaphore_mem>>
          %dma_start3A_425 = arith.constant 0 : i32
          %dma_start3A_426 = arith.constant 0 : i32
          %dma_start3A_427 = tpu.memref_slice %arg5[%run_scoped3A_311, %dma_start3A_425, %dma_start3A_426] : memref<2x4x200xi32, #tpu.memory_space<vmem>> -> memref<1x4x200xi32, #tpu.memory_space<vmem>>
          %dma_start3A_428 = tpu.memref_squeeze %dma_start3A_427 : memref<1x4x200xi32, #tpu.memory_space<vmem>> -> memref<4x200xi32, #tpu.memory_space<vmem>>
          %dma_start3A_429 = arith.constant 0 : i32
          %dma_start3A_430 = tpu.memref_slice %arg3[%add3A_310, %dma_start3A_429] : memref<4096x200xi32, #tpu.memory_space<hbm>> -> memref<4x200xi32, #tpu.memory_space<hbm>>
          %dma_start3A_431 = arith.constant 0 : i32
          %dma_start3A_432 = arith.constant 0 : i32
          %dma_start3A_433 = tpu.memref_slice %arg5[%run_scoped3A_311, %dma_start3A_431, %dma_start3A_432] : memref<2x4x200xi32, #tpu.memory_space<vmem>> -> memref<1x4x200xi32, #tpu.memory_space<vmem>>
          %dma_start3A_434 = tpu.memref_squeeze %dma_start3A_433 : memref<1x4x200xi32, #tpu.memory_space<vmem>> -> memref<4x200xi32, #tpu.memory_space<vmem>>
          %dma_start3A_435 = arith.constant 0 : i32
          %dma_start3A_436 = tpu.memref_slice %arg3[%add3A_310, %dma_start3A_435] : memref<4096x200xi32, #tpu.memory_space<hbm>> -> memref<4x200xi32, #tpu.memory_space<hbm>>
          tpu.enqueue_dma source(%dma_start3A_436 : memref<4x200xi32, #tpu.memory_space<hbm>>) target(%dma_start3A_434 : memref<4x200xi32, #tpu.memory_space<vmem>>) target_semaphore(%run_scoped3A_424 : memref<!tpu.dma_semaphore, #tpu.memory_space<semaphore_mem>>)
          %dma_wait3A_437 = arith.constant 0 : i32
          %dma_wait3A_438 = arith.constant 0 : i32
          %dma_wait3A_439 = tpu.memref_slice %arg5[%run_scoped3A_311, %dma_wait3A_437, %dma_wait3A_438] : memref<2x4x200xi32, #tpu.memory_space<vmem>> -> memref<1x4x200xi32, #tpu.memory_space<vmem>>
          %dma_wait3A_440 = tpu.memref_squeeze %dma_wait3A_439 : memref<1x4x200xi32, #tpu.memory_space<vmem>> -> memref<4x200xi32, #tpu.memory_space<vmem>>
          %dma_wait3A_441 = arith.constant 0 : i32
          %dma_wait3A_442 = tpu.memref_slice %arg3[%add3A_310, %dma_wait3A_441] : memref<4096x200xi32, #tpu.memory_space<hbm>> -> memref<4x200xi32, #tpu.memory_space<hbm>>
          %dma_wait3A_443 = arith.constant 0 : i32
          %dma_wait3A_444 = arith.constant 0 : i32
          %dma_wait3A_445 = tpu.memref_slice %arg5[%run_scoped3A_311, %dma_wait3A_443, %dma_wait3A_444] : memref<2x4x200xi32, #tpu.memory_space<vmem>> -> memref<1x4x200xi32, #tpu.memory_space<vmem>>
          %dma_wait3A_446 = tpu.memref_squeeze %dma_wait3A_445 : memref<1x4x200xi32, #tpu.memory_space<vmem>> -> memref<4x200xi32, #tpu.memory_space<vmem>>
          %dma_wait3A_447 = arith.constant 0 : i32
          %dma_wait3A_448 = tpu.memref_slice %arg3[%add3A_310, %dma_wait3A_447] : memref<4096x200xi32, #tpu.memory_space<hbm>> -> memref<4x200xi32, #tpu.memory_space<hbm>>
          tpu.wait_dma2 semaphore(%run_scoped3A_424 : memref<!tpu.dma_semaphore, #tpu.memory_space<semaphore_mem>>) src(%dma_wait3A_448 : memref<4x200xi32, #tpu.memory_space<hbm>>) dst(%dma_wait3A_446 : memref<4x200xi32, #tpu.memory_space<vmem>>)
          tpu.yield
        }) : () -> ()
        %dma_start3A_312 = arith.constant 1 : i32
        %dma_start3A_313 = arith.constant 0 : i32
        %dma_start3A_314 = arith.constant 1 : i32
        %dma_start3A_315 = arith.constant 0 : i32
        %dma_start3A_316 = arith.constant 0 : i32
        %dma_start3A_317 = arith.constant 0 : i32
        %dma_start3A_318 = tpu.memref_slice %arg6[%dma_start3A_314, %dma_start3A_315, %dma_start3A_316, %dma_start3A_317] : memref<2x4x200x64xf32, #tpu.memory_space<vmem>> -> memref<1x1x128x64xf32, #tpu.memory_space<vmem>>
        %dma_start3A_319 = tpu.memref_squeeze %dma_start3A_318 : memref<1x1x128x64xf32, #tpu.memory_space<vmem>> -> memref<128x64xf32, #tpu.memory_space<vmem>>
        %dma_start3A_320 = arith.constant 0 : i32
        %dma_start3A_321 = tpu.memref_slice %arg5[%dma_start3A_312, %dma_start3A_313, %dma_start3A_320] : memref<2x4x200xi32, #tpu.memory_space<vmem>> -> memref<1x1x128xi32, #tpu.memory_space<vmem>>
        %dma_start3A_322 = tpu.memref_squeeze %dma_start3A_321 : memref<1x1x128xi32, #tpu.memory_space<vmem>> -> memref<128xi32, #tpu.memory_space<vmem>>
        %dma_start3A_323 = arith.constant 0 : i32
        %dma_start3A_324 = arith.constant 0 : i32
        %dma_start3A_325 = tpu.memref_slice %arg2[%dma_start3A_323, %dma_start3A_324] : memref<1000000x64xf32, #tpu.memory_space<hbm>> -> memref<1000000x64xf32, #tpu.memory_space<hbm>>
        tpu.enqueue_indirect_dma source(%dma_start3A_325 : memref<1000000x64xf32, #tpu.memory_space<hbm>>) target(%dma_start3A_319 : memref<128x64xf32, #tpu.memory_space<vmem>>) offsets(%dma_start3A_322 : memref<128xi32, #tpu.memory_space<vmem>>) semaphore(%arg8 : memref<!tpu.dma_semaphore, #tpu.memory_space<semaphore_mem>>)
        %dma_start3A_326 = arith.constant 1 : i32
        %dma_start3A_327 = arith.constant 0 : i32
        %dma_start3A_328 = arith.constant 1 : i32
        %dma_start3A_329 = arith.constant 0 : i32
        %dma_start3A_330 = arith.constant 128 : i32
        %dma_start3A_331 = arith.constant 0 : i32
        %dma_start3A_332 = tpu.memref_slice %arg6[%dma_start3A_328, %dma_start3A_329, %dma_start3A_330, %dma_start3A_331] : memref<2x4x200x64xf32, #tpu.memory_space<vmem>> -> memref<1x1x72x64xf32, #tpu.memory_space<vmem>>
        %dma_start3A_333 = tpu.memref_squeeze %dma_start3A_332 : memref<1x1x72x64xf32, #tpu.memory_space<vmem>> -> memref<72x64xf32, #tpu.memory_space<vmem>>
        %dma_start3A_334 = arith.constant 128 : i32
        %dma_start3A_335 = tpu.memref_slice %arg5[%dma_start3A_326, %dma_start3A_327, %dma_start3A_334] : memref<2x4x200xi32, #tpu.memory_space<vmem>> -> memref<1x1x72xi32, #tpu.memory_space<vmem>>
        %dma_start3A_336 = tpu.memref_squeeze %dma_start3A_335 : memref<1x1x72xi32, #tpu.memory_space<vmem>> -> memref<72xi32, #tpu.memory_space<vmem>>
        %dma_start3A_337 = arith.constant 0 : i32
        %dma_start3A_338 = arith.constant 0 : i32
        %dma_start3A_339 = tpu.memref_slice %arg2[%dma_start3A_337, %dma_start3A_338] : memref<1000000x64xf32, #tpu.memory_space<hbm>> -> memref<1000000x64xf32, #tpu.memory_space<hbm>>
        tpu.enqueue_indirect_dma source(%dma_start3A_339 : memref<1000000x64xf32, #tpu.memory_space<hbm>>) target(%dma_start3A_333 : memref<72x64xf32, #tpu.memory_space<vmem>>) offsets(%dma_start3A_336 : memref<72xi32, #tpu.memory_space<vmem>>) semaphore(%arg8 : memref<!tpu.dma_semaphore, #tpu.memory_space<semaphore_mem>>)
        %dma_start3A_340 = arith.constant 1 : i32
        %dma_start3A_341 = arith.constant 1 : i32
        %dma_start3A_342 = arith.constant 1 : i32
        %dma_start3A_343 = arith.constant 1 : i32
        %dma_start3A_344 = arith.constant 0 : i32
        %dma_start3A_345 = arith.constant 0 : i32
        %dma_start3A_346 = tpu.memref_slice %arg6[%dma_start3A_342, %dma_start3A_343, %dma_start3A_344, %dma_start3A_345] : memref<2x4x200x64xf32, #tpu.memory_space<vmem>> -> memref<1x1x128x64xf32, #tpu.memory_space<vmem>>
        %dma_start3A_347 = tpu.memref_squeeze %dma_start3A_346 : memref<1x1x128x64xf32, #tpu.memory_space<vmem>> -> memref<128x64xf32, #tpu.memory_space<vmem>>
        %dma_start3A_348 = arith.constant 0 : i32
        %dma_start3A_349 = tpu.memref_slice %arg5[%dma_start3A_340, %dma_start3A_341, %dma_start3A_348] : memref<2x4x200xi32, #tpu.memory_space<vmem>> -> memref<1x1x128xi32, #tpu.memory_space<vmem>>
        %dma_start3A_350 = tpu.memref_squeeze %dma_start3A_349 : memref<1x1x128xi32, #tpu.memory_space<vmem>> -> memref<128xi32, #tpu.memory_space<vmem>>
        %dma_start3A_351 = arith.constant 0 : i32
        %dma_start3A_352 = arith.constant 0 : i32
        %dma_start3A_353 = tpu.memref_slice %arg2[%dma_start3A_351, %dma_start3A_352] : memref<1000000x64xf32, #tpu.memory_space<hbm>> -> memref<1000000x64xf32, #tpu.memory_space<hbm>>
        tpu.enqueue_indirect_dma source(%dma_start3A_353 : memref<1000000x64xf32, #tpu.memory_space<hbm>>) target(%dma_start3A_347 : memref<128x64xf32, #tpu.memory_space<vmem>>) offsets(%dma_start3A_350 : memref<128xi32, #tpu.memory_space<vmem>>) semaphore(%arg8 : memref<!tpu.dma_semaphore, #tpu.memory_space<semaphore_mem>>)
        %dma_start3A_354 = arith.constant 1 : i32
        %dma_start3A_355 = arith.constant 1 : i32
        %dma_start3A_356 = arith.constant 1 : i32
        %dma_start3A_357 = arith.constant 1 : i32
        %dma_start3A_358 = arith.constant 128 : i32
        %dma_start3A_359 = arith.constant 0 : i32
        %dma_start3A_360 = tpu.memref_slice %arg6[%dma_start3A_356, %dma_start3A_357, %dma_start3A_358, %dma_start3A_359] : memref<2x4x200x64xf32, #tpu.memory_space<vmem>> -> memref<1x1x72x64xf32, #tpu.memory_space<vmem>>
        %dma_start3A_361 = tpu.memref_squeeze %dma_start3A_360 : memref<1x1x72x64xf32, #tpu.memory_space<vmem>> -> memref<72x64xf32, #tpu.memory_space<vmem>>
        %dma_start3A_362 = arith.constant 128 : i32
        %dma_start3A_363 = tpu.memref_slice %arg5[%dma_start3A_354, %dma_start3A_355, %dma_start3A_362] : memref<2x4x200xi32, #tpu.memory_space<vmem>> -> memref<1x1x72xi32, #tpu.memory_space<vmem>>
        %dma_start3A_364 = tpu.memref_squeeze %dma_start3A_363 : memref<1x1x72xi32, #tpu.memory_space<vmem>> -> memref<72xi32, #tpu.memory_space<vmem>>
        %dma_start3A_365 = arith.constant 0 : i32
        %dma_start3A_366 = arith.constant 0 : i32
        %dma_start3A_367 = tpu.memref_slice %arg2[%dma_start3A_365, %dma_start3A_366] : memref<1000000x64xf32, #tpu.memory_space<hbm>> -> memref<1000000x64xf32, #tpu.memory_space<hbm>>
        tpu.enqueue_indirect_dma source(%dma_start3A_367 : memref<1000000x64xf32, #tpu.memory_space<hbm>>) target(%dma_start3A_361 : memref<72x64xf32, #tpu.memory_space<vmem>>) offsets(%dma_start3A_364 : memref<72xi32, #tpu.memory_space<vmem>>) semaphore(%arg8 : memref<!tpu.dma_semaphore, #tpu.memory_space<semaphore_mem>>)
        %dma_start3A_368 = arith.constant 1 : i32
        %dma_start3A_369 = arith.constant 2 : i32
        %dma_start3A_370 = arith.constant 1 : i32
        %dma_start3A_371 = arith.constant 2 : i32
        %dma_start3A_372 = arith.constant 0 : i32
        %dma_start3A_373 = arith.constant 0 : i32
        %dma_start3A_374 = tpu.memref_slice %arg6[%dma_start3A_370, %dma_start3A_371, %dma_start3A_372, %dma_start3A_373] : memref<2x4x200x64xf32, #tpu.memory_space<vmem>> -> memref<1x1x128x64xf32, #tpu.memory_space<vmem>>
        %dma_start3A_375 = tpu.memref_squeeze %dma_start3A_374 : memref<1x1x128x64xf32, #tpu.memory_space<vmem>> -> memref<128x64xf32, #tpu.memory_space<vmem>>
        %dma_start3A_376 = arith.constant 0 : i32
        %dma_start3A_377 = tpu.memref_slice %arg5[%dma_start3A_368, %dma_start3A_369, %dma_start3A_376] : memref<2x4x200xi32, #tpu.memory_space<vmem>> -> memref<1x1x128xi32, #tpu.memory_space<vmem>>
        %dma_start3A_378 = tpu.memref_squeeze %dma_start3A_377 : memref<1x1x128xi32, #tpu.memory_space<vmem>> -> memref<128xi32, #tpu.memory_space<vmem>>
        %dma_start3A_379 = arith.constant 0 : i32
        %dma_start3A_380 = arith.constant 0 : i32
        %dma_start3A_381 = tpu.memref_slice %arg2[%dma_start3A_379, %dma_start3A_380] : memref<1000000x64xf32, #tpu.memory_space<hbm>> -> memref<1000000x64xf32, #tpu.memory_space<hbm>>
        tpu.enqueue_indirect_dma source(%dma_start3A_381 : memref<1000000x64xf32, #tpu.memory_space<hbm>>) target(%dma_start3A_375 : memref<128x64xf32, #tpu.memory_space<vmem>>) offsets(%dma_start3A_378 : memref<128xi32, #tpu.memory_space<vmem>>) semaphore(%arg8 : memref<!tpu.dma_semaphore, #tpu.memory_space<semaphore_mem>>)
        %dma_start3A_382 = arith.constant 1 : i32
        %dma_start3A_383 = arith.constant 2 : i32
        %dma_start3A_384 = arith.constant 1 : i32
        %dma_start3A_385 = arith.constant 2 : i32
        %dma_start3A_386 = arith.constant 128 : i32
        %dma_start3A_387 = arith.constant 0 : i32
        %dma_start3A_388 = tpu.memref_slice %arg6[%dma_start3A_384, %dma_start3A_385, %dma_start3A_386, %dma_start3A_387] : memref<2x4x200x64xf32, #tpu.memory_space<vmem>> -> memref<1x1x72x64xf32, #tpu.memory_space<vmem>>
        %dma_start3A_389 = tpu.memref_squeeze %dma_start3A_388 : memref<1x1x72x64xf32, #tpu.memory_space<vmem>> -> memref<72x64xf32, #tpu.memory_space<vmem>>
        %dma_start3A_390 = arith.constant 128 : i32
        %dma_start3A_391 = tpu.memref_slice %arg5[%dma_start3A_382, %dma_start3A_383, %dma_start3A_390] : memref<2x4x200xi32, #tpu.memory_space<vmem>> -> memref<1x1x72xi32, #tpu.memory_space<vmem>>
        %dma_start3A_392 = tpu.memref_squeeze %dma_start3A_391 : memref<1x1x72xi32, #tpu.memory_space<vmem>> -> memref<72xi32, #tpu.memory_space<vmem>>
        %dma_start3A_393 = arith.constant 0 : i32
        %dma_start3A_394 = arith.constant 0 : i32
        %dma_start3A_395 = tpu.memref_slice %arg2[%dma_start3A_393, %dma_start3A_394] : memref<1000000x64xf32, #tpu.memory_space<hbm>> -> memref<1000000x64xf32, #tpu.memory_space<hbm>>
        tpu.enqueue_indirect_dma source(%dma_start3A_395 : memref<1000000x64xf32, #tpu.memory_space<hbm>>) target(%dma_start3A_389 : memref<72x64xf32, #tpu.memory_space<vmem>>) offsets(%dma_start3A_392 : memref<72xi32, #tpu.memory_space<vmem>>) semaphore(%arg8 : memref<!tpu.dma_semaphore, #tpu.memory_space<semaphore_mem>>)
        %dma_start3A_396 = arith.constant 1 : i32
        %dma_start3A_397 = arith.constant 3 : i32
        %dma_start3A_398 = arith.constant 1 : i32
        %dma_start3A_399 = arith.constant 3 : i32
        %dma_start3A_400 = arith.constant 0 : i32
        %dma_start3A_401 = arith.constant 0 : i32
        %dma_start3A_402 = tpu.memref_slice %arg6[%dma_start3A_398, %dma_start3A_399, %dma_start3A_400, %dma_start3A_401] : memref<2x4x200x64xf32, #tpu.memory_space<vmem>> -> memref<1x1x128x64xf32, #tpu.memory_space<vmem>>
        %dma_start3A_403 = tpu.memref_squeeze %dma_start3A_402 : memref<1x1x128x64xf32, #tpu.memory_space<vmem>> -> memref<128x64xf32, #tpu.memory_space<vmem>>
        %dma_start3A_404 = arith.constant 0 : i32
        %dma_start3A_405 = tpu.memref_slice %arg5[%dma_start3A_396, %dma_start3A_397, %dma_start3A_404] : memref<2x4x200xi32, #tpu.memory_space<vmem>> -> memref<1x1x128xi32, #tpu.memory_space<vmem>>
        %dma_start3A_406 = tpu.memref_squeeze %dma_start3A_405 : memref<1x1x128xi32, #tpu.memory_space<vmem>> -> memref<128xi32, #tpu.memory_space<vmem>>
        %dma_start3A_407 = arith.constant 0 : i32
        %dma_start3A_408 = arith.constant 0 : i32
        %dma_start3A_409 = tpu.memref_slice %arg2[%dma_start3A_407, %dma_start3A_408] : memref<1000000x64xf32, #tpu.memory_space<hbm>> -> memref<1000000x64xf32, #tpu.memory_space<hbm>>
        tpu.enqueue_indirect_dma source(%dma_start3A_409 : memref<1000000x64xf32, #tpu.memory_space<hbm>>) target(%dma_start3A_403 : memref<128x64xf32, #tpu.memory_space<vmem>>) offsets(%dma_start3A_406 : memref<128xi32, #tpu.memory_space<vmem>>) semaphore(%arg8 : memref<!tpu.dma_semaphore, #tpu.memory_space<semaphore_mem>>)
        %dma_start3A_410 = arith.constant 1 : i32
        %dma_start3A_411 = arith.constant 3 : i32
        %dma_start3A_412 = arith.constant 1 : i32
        %dma_start3A_413 = arith.constant 3 : i32
        %dma_start3A_414 = arith.constant 128 : i32
        %dma_start3A_415 = arith.constant 0 : i32
        %dma_start3A_416 = tpu.memref_slice %arg6[%dma_start3A_412, %dma_start3A_413, %dma_start3A_414, %dma_start3A_415] : memref<2x4x200x64xf32, #tpu.memory_space<vmem>> -> memref<1x1x72x64xf32, #tpu.memory_space<vmem>>
        %dma_start3A_417 = tpu.memref_squeeze %dma_start3A_416 : memref<1x1x72x64xf32, #tpu.memory_space<vmem>> -> memref<72x64xf32, #tpu.memory_space<vmem>>
        %dma_start3A_418 = arith.constant 128 : i32
        %dma_start3A_419 = tpu.memref_slice %arg5[%dma_start3A_410, %dma_start3A_411, %dma_start3A_418] : memref<2x4x200xi32, #tpu.memory_space<vmem>> -> memref<1x1x72xi32, #tpu.memory_space<vmem>>
        %dma_start3A_420 = tpu.memref_squeeze %dma_start3A_419 : memref<1x1x72xi32, #tpu.memory_space<vmem>> -> memref<72xi32, #tpu.memory_space<vmem>>
        %dma_start3A_421 = arith.constant 0 : i32
        %dma_start3A_422 = arith.constant 0 : i32
        %dma_start3A_423 = tpu.memref_slice %arg2[%dma_start3A_421, %dma_start3A_422] : memref<1000000x64xf32, #tpu.memory_space<hbm>> -> memref<1000000x64xf32, #tpu.memory_space<hbm>>
        tpu.enqueue_indirect_dma source(%dma_start3A_423 : memref<1000000x64xf32, #tpu.memory_space<hbm>>) target(%dma_start3A_417 : memref<72x64xf32, #tpu.memory_space<vmem>>) offsets(%dma_start3A_420 : memref<72xi32, #tpu.memory_space<vmem>>) semaphore(%arg8 : memref<!tpu.dma_semaphore, #tpu.memory_space<semaphore_mem>>)
      } else {
      }
      %dma_wait3A_167 = arith.constant 0 : i32
      %dma_wait3A_168 = arith.constant 0 : i32
      %dma_wait3A_169 = arith.constant 0 : i32
      %dma_wait3A_170 = arith.constant 0 : i32
      %dma_wait3A_171 = tpu.memref_slice %arg6[%dma_wait3A_167, %dma_wait3A_168, %dma_wait3A_169, %dma_wait3A_170] : memref<2x4x200x64xf32, #tpu.memory_space<vmem>> -> memref<1x4x200x64xf32, #tpu.memory_space<vmem>>
      %dma_wait3A_172 = tpu.memref_squeeze %dma_wait3A_171 : memref<1x4x200x64xf32, #tpu.memory_space<vmem>> -> memref<4x200x64xf32, #tpu.memory_space<vmem>>
      %dma_wait3A_173 = arith.constant 0 : i32
      %dma_wait3A_174 = arith.constant 0 : i32
      %dma_wait3A_175 = arith.constant 0 : i32
      %dma_wait3A_176 = tpu.memref_slice %arg4[%dma_wait3A_173, %dma_wait3A_174, %dma_wait3A_175] : memref<4096x200x64xf32, #tpu.memory_space<hbm>> -> memref<4x200x64xf32, #tpu.memory_space<hbm>>
      %dma_wait3A_177 = arith.constant 0 : i32
      %dma_wait3A_178 = arith.constant 0 : i32
      %dma_wait3A_179 = arith.constant 0 : i32
      %dma_wait3A_180 = tpu.memref_slice %arg6[%dma_wait3A_167, %dma_wait3A_177, %dma_wait3A_178, %dma_wait3A_179] : memref<2x4x200x64xf32, #tpu.memory_space<vmem>> -> memref<1x4x200x64xf32, #tpu.memory_space<vmem>>
      %dma_wait3A_181 = tpu.memref_squeeze %dma_wait3A_180 : memref<1x4x200x64xf32, #tpu.memory_space<vmem>> -> memref<4x200x64xf32, #tpu.memory_space<vmem>>
      %dma_wait3A_182 = arith.constant 0 : i32
      %dma_wait3A_183 = arith.constant 0 : i32
      %dma_wait3A_184 = arith.constant 0 : i32
      %dma_wait3A_185 = tpu.memref_slice %arg4[%dma_wait3A_182, %dma_wait3A_183, %dma_wait3A_184] : memref<4096x200x64xf32, #tpu.memory_space<hbm>> -> memref<4x200x64xf32, #tpu.memory_space<hbm>>
      tpu.wait_dma2 semaphore(%arg7 : memref<!tpu.dma_semaphore, #tpu.memory_space<semaphore_mem>>) src(%dma_wait3A_185 : memref<4x200x64xf32, #tpu.memory_space<hbm>>) dst(%dma_wait3A_181 : memref<4x200x64xf32, #tpu.memory_space<vmem>>)
      %scan3A_186 = arith.constant 0 : i32
      %scan3A_187 = arith.constant 0 : i32
      %scan3A_188 = arith.constant 200 : i32
      %scan3A_189 = arith.addi %scan3A_187, %scan3A_188 : i32
      %scan3A_190 = arith.constant 4 : i32
      scf.for %scan3A_302 = %scan3A_187 to %scan3A_189 step %scan3A_190  : i32 {
        %get3A = arith.constant 0 : i32
        %get3A_303 = arith.constant 0 : i32
        %get3A_304 = arith.index_cast %get3A : i32 to index
        %get3A_305 = arith.index_cast %get3A_303 : i32 to index
        %get3A_306 = arith.index_cast %scan3A_302 : i32 to index
        %get3A_307 = arith.constant 0 : index
        %get3A_308 = tpu.vector_load %arg6[%get3A_304, %get3A_305, %get3A_306, %get3A_307] {strides = array<i32>} : memref<2x4x200x64xf32, #tpu.memory_space<vmem>>, vector<1x1x1x16xf32>,
        %get3A_309 = vector.shape_cast %get3A_308 : vector<1x1x1x16xf32> to vector<16xf32>
        %mul3A_310 = arith.constant 8.000000e+00 : f32
        %mul3A_311 = vector.broadcast %mul3A_310 : f32 to vector<16xf32>
        %mul3A_312 = arith.mulf %get3A_309, %mul3A_311 : vector<16xf32>
        %swap3A = arith.constant 0 : i32
        %swap3A_313 = arith.constant 0 : i32
        %swap3A_314 = arith.index_cast %swap3A : i32 to index
        %swap3A_315 = arith.index_cast %swap3A_313 : i32 to index
        %swap3A_316 = arith.index_cast %scan3A_302 : i32 to index
        %swap3A_317 = arith.constant 0 : index
        %swap3A_318 = tpu.vector_load %arg6[%swap3A_314, %swap3A_315, %swap3A_316, %swap3A_317] {strides = array<i32>} : memref<2x4x200x64xf32, #tpu.memory_space<vmem>>, vector<1x1x1x16xf32>,
        %swap3A_319 = vector.shape_cast %swap3A_318 : vector<1x1x1x16xf32> to vector<16xf32>
        %swap3A_320 = vector.shape_cast %mul3A_312 : vector<16xf32> to vector<1x1x1x16xf32>
        tpu.vector_store %arg6[%swap3A_314, %swap3A_315, %swap3A_316, %swap3A_317], %swap3A_320 {strides = array<i32>} : memref<2x4x200x64xf32, #tpu.memory_space<vmem>>, vector<1x1x1x16xf32>,
        %get3A_321 = arith.constant 0 : i32
        %get3A_322 = arith.constant 0 : i32
        %get3A_323 = arith.index_cast %get3A_321 : i32 to index
        %get3A_324 = arith.index_cast %get3A_322 : i32 to index
        %get3A_325 = arith.index_cast %scan3A_302 : i32 to index
        %get3A_326 = arith.constant 16 : index
        %get3A_327 = tpu.vector_load %arg6[%get3A_323, %get3A_324, %get3A_325, %get3A_326] {strides = array<i32>} : memref<2x4x200x64xf32, #tpu.memory_space<vmem>>, vector<1x1x1x16xf32>,
        %get3A_328 = vector.shape_cast %get3A_327 : vector<1x1x1x16xf32> to vector<16xf32>
        %mul3A_329 = arith.constant 8.000000e+00 : f32
        %mul3A_330 = vector.broadcast %mul3A_329 : f32 to vector<16xf32>
        %mul3A_331 = arith.mulf %get3A_328, %mul3A_330 : vector<16xf32>
        %swap3A_332 = arith.constant 0 : i32
        %swap3A_333 = arith.constant 0 : i32
        %swap3A_334 = arith.index_cast %swap3A_332 : i32 to index
        %swap3A_335 = arith.index_cast %swap3A_333 : i32 to index
        %swap3A_336 = arith.index_cast %scan3A_302 : i32 to index
        %swap3A_337 = arith.constant 16 : index
        %swap3A_338 = tpu.vector_load %arg6[%swap3A_334, %swap3A_335, %swap3A_336, %swap3A_337] {strides = array<i32>} : memref<2x4x200x64xf32, #tpu.memory_space<vmem>>, vector<1x1x1x16xf32>,
        %swap3A_339 = vector.shape_cast %swap3A_338 : vector<1x1x1x16xf32> to vector<16xf32>
        %swap3A_340 = vector.shape_cast %mul3A_331 : vector<16xf32> to vector<1x1x1x16xf32>
        tpu.vector_store %arg6[%swap3A_334, %swap3A_335, %swap3A_336, %swap3A_337], %swap3A_340 {strides = array<i32>} : memref<2x4x200x64xf32, #tpu.memory_space<vmem>>, vector<1x1x1x16xf32>,
        %get3A_341 = arith.constant 0 : i32
        %get3A_342 = arith.constant 0 : i32
        %get3A_343 = arith.index_cast %get3A_341 : i32 to index
        %get3A_344 = arith.index_cast %get3A_342 : i32 to index
        %get3A_345 = arith.index_cast %scan3A_302 : i32 to index
        %get3A_346 = arith.constant 32 : index
        %get3A_347 = tpu.vector_load %arg6[%get3A_343, %get3A_344, %get3A_345, %get3A_346] {strides = array<i32>} : memref<2x4x200x64xf32, #tpu.memory_space<vmem>>, vector<1x1x1x16xf32>,
        %get3A_348 = vector.shape_cast %get3A_347 : vector<1x1x1x16xf32> to vector<16xf32>
        %mul3A_349 = arith.constant 8.000000e+00 : f32
        %mul3A_350 = vector.broadcast %mul3A_349 : f32 to vector<16xf32>
        %mul3A_351 = arith.mulf %get3A_348, %mul3A_350 : vector<16xf32>
        %swap3A_352 = arith.constant 0 : i32
        %swap3A_353 = arith.constant 0 : i32
        %swap3A_354 = arith.index_cast %swap3A_352 : i32 to index
        %swap3A_355 = arith.index_cast %swap3A_353 : i32 to index
        %swap3A_356 = arith.index_cast %scan3A_302 : i32 to index
        %swap3A_357 = arith.constant 32 : index
        %swap3A_358 = tpu.vector_load %arg6[%swap3A_354, %swap3A_355, %swap3A_356, %swap3A_357] {strides = array<i32>} : memref<2x4x200x64xf32, #tpu.memory_space<vmem>>, vector<1x1x1x16xf32>,
        %swap3A_359 = vector.shape_cast %swap3A_358 : vector<1x1x1x16xf32> to vector<16xf32>
        %swap3A_360 = vector.shape_cast %mul3A_351 : vector<16xf32> to vector<1x1x1x16xf32>
        tpu.vector_store %arg6[%swap3A_354, %swap3A_355, %swap3A_356, %swap3A_357], %swap3A_360 {strides = array<i32>} : memref<2x4x200x64xf32, #tpu.memory_space<vmem>>, vector<1x1x1x16xf32>,
        %get3A_361 = arith.constant 0 : i32
        %get3A_362 = arith.constant 0 : i32
        %get3A_363 = arith.index_cast %get3A_361 : i32 to index
        %get3A_364 = arith.index_cast %get3A_362 : i32 to index
        %get3A_365 = arith.index_cast %scan3A_302 : i32 to index
        %get3A_366 = arith.constant 48 : index
        %get3A_367 = tpu.vector_load %arg6[%get3A_363, %get3A_364, %get3A_365, %get3A_366] {strides = array<i32>} : memref<2x4x200x64xf32, #tpu.memory_space<vmem>>, vector<1x1x1x16xf32>,
        %get3A_368 = vector.shape_cast %get3A_367 : vector<1x1x1x16xf32> to vector<16xf32>
        %mul3A_369 = arith.constant 8.000000e+00 : f32
        %mul3A_370 = vector.broadcast %mul3A_369 : f32 to vector<16xf32>
        %mul3A_371 = arith.mulf %get3A_368, %mul3A_370 : vector<16xf32>
        %swap3A_372 = arith.constant 0 : i32
        %swap3A_373 = arith.constant 0 : i32
        %swap3A_374 = arith.index_cast %swap3A_372 : i32 to index
        %swap3A_375 = arith.index_cast %swap3A_373 : i32 to index
        %swap3A_376 = arith.index_cast %scan3A_302 : i32 to index
        %swap3A_377 = arith.constant 48 : index
        %swap3A_378 = tpu.vector_load %arg6[%swap3A_374, %swap3A_375, %swap3A_376, %swap3A_377] {strides = array<i32>} : memref<2x4x200x64xf32, #tpu.memory_space<vmem>>, vector<1x1x1x16xf32>,
        %swap3A_379 = vector.shape_cast %swap3A_378 : vector<1x1x1x16xf32> to vector<16xf32>
        %swap3A_380 = vector.shape_cast %mul3A_371 : vector<16xf32> to vector<1x1x1x16xf32>
        tpu.vector_store %arg6[%swap3A_374, %swap3A_375, %swap3A_376, %swap3A_377], %swap3A_380 {strides = array<i32>} : memref<2x4x200x64xf32, #tpu.memory_space<vmem>>, vector<1x1x1x16xf32>,
        %scan3A_381 = arith.constant 1 : i32
        %scan3A_382 = arith.addi %scan3A_302, %scan3A_381 : i32
        %get3A_383 = arith.constant 0 : i32
        %get3A_384 = arith.constant 0 : i32
        %get3A_385 = arith.index_cast %get3A_383 : i32 to index
        %get3A_386 = arith.index_cast %get3A_384 : i32 to index
        %get3A_387 = arith.index_cast %scan3A_382 : i32 to index
        %get3A_388 = arith.constant 0 : index
        %get3A_389 = tpu.vector_load %arg6[%get3A_385, %get3A_386, %get3A_387, %get3A_388] {strides = array<i32>} : memref<2x4x200x64xf32, #tpu.memory_space<vmem>>, vector<1x1x1x16xf32>,
        %get3A_390 = vector.shape_cast %get3A_389 : vector<1x1x1x16xf32> to vector<16xf32>
        %mul3A_391 = arith.constant 8.000000e+00 : f32
        %mul3A_392 = vector.broadcast %mul3A_391 : f32 to vector<16xf32>
        %mul3A_393 = arith.mulf %get3A_390, %mul3A_392 : vector<16xf32>
        %swap3A_394 = arith.constant 0 : i32
        %swap3A_395 = arith.constant 0 : i32
        %swap3A_396 = arith.index_cast %swap3A_394 : i32 to index
        %swap3A_397 = arith.index_cast %swap3A_395 : i32 to index
        %swap3A_398 = arith.index_cast %scan3A_382 : i32 to index
        %swap3A_399 = arith.constant 0 : index
        %swap3A_400 = tpu.vector_load %arg6[%swap3A_396, %swap3A_397, %swap3A_398, %swap3A_399] {strides = array<i32>} : memref<2x4x200x64xf32, #tpu.memory_space<vmem>>, vector<1x1x1x16xf32>,
        %swap3A_401 = vector.shape_cast %swap3A_400 : vector<1x1x1x16xf32> to vector<16xf32>
        %swap3A_402 = vector.shape_cast %mul3A_393 : vector<16xf32> to vector<1x1x1x16xf32>
        tpu.vector_store %arg6[%swap3A_396, %swap3A_397, %swap3A_398, %swap3A_399], %swap3A_402 {strides = array<i32>} : memref<2x4x200x64xf32, #tpu.memory_space<vmem>>, vector<1x1x1x16xf32>,
        %get3A_403 = arith.constant 0 : i32
        %get3A_404 = arith.constant 0 : i32
        %get3A_405 = arith.index_cast %get3A_403 : i32 to index
        %get3A_406 = arith.index_cast %get3A_404 : i32 to index
        %get3A_407 = arith.index_cast %scan3A_382 : i32 to index
        %get3A_408 = arith.constant 16 : index
        %get3A_409 = tpu.vector_load %arg6[%get3A_405, %get3A_406, %get3A_407, %get3A_408] {strides = array<i32>} : memref<2x4x200x64xf32, #tpu.memory_space<vmem>>, vector<1x1x1x16xf32>,
        %get3A_410 = vector.shape_cast %get3A_409 : vector<1x1x1x16xf32> to vector<16xf32>
        %mul3A_411 = arith.constant 8.000000e+00 : f32
        %mul3A_412 = vector.broadcast %mul3A_411 : f32 to vector<16xf32>
        %mul3A_413 = arith.mulf %get3A_410, %mul3A_412 : vector<16xf32>
        %swap3A_414 = arith.constant 0 : i32
        %swap3A_415 = arith.constant 0 : i32
        %swap3A_416 = arith.index_cast %swap3A_414 : i32 to index
        %swap3A_417 = arith.index_cast %swap3A_415 : i32 to index
        %swap3A_418 = arith.index_cast %scan3A_382 : i32 to index
        %swap3A_419 = arith.constant 16 : index
        %swap3A_420 = tpu.vector_load %arg6[%swap3A_416, %swap3A_417, %swap3A_418, %swap3A_419] {strides = array<i32>} : memref<2x4x200x64xf32, #tpu.memory_space<vmem>>, vector<1x1x1x16xf32>,
        %swap3A_421 = vector.shape_cast %swap3A_420 : vector<1x1x1x16xf32> to vector<16xf32>
        %swap3A_422 = vector.shape_cast %mul3A_413 : vector<16xf32> to vector<1x1x1x16xf32>
        tpu.vector_store %arg6[%swap3A_416, %swap3A_417, %swap3A_418, %swap3A_419], %swap3A_422 {strides = array<i32>} : memref<2x4x200x64xf32, #tpu.memory_space<vmem>>, vector<1x1x1x16xf32>,
        %get3A_423 = arith.constant 0 : i32
        %get3A_424 = arith.constant 0 : i32
        %get3A_425 = arith.index_cast %get3A_423 : i32 to index
        %get3A_426 = arith.index_cast %get3A_424 : i32 to index
        %get3A_427 = arith.index_cast %scan3A_382 : i32 to index
        %get3A_428 = arith.constant 32 : index
        %get3A_429 = tpu.vector_load %arg6[%get3A_425, %get3A_426, %get3A_427, %get3A_428] {strides = array<i32>} : memref<2x4x200x64xf32, #tpu.memory_space<vmem>>, vector<1x1x1x16xf32>,
        %get3A_430 = vector.shape_cast %get3A_429 : vector<1x1x1x16xf32> to vector<16xf32>
        %mul3A_431 = arith.constant 8.000000e+00 : f32
        %mul3A_432 = vector.broadcast %mul3A_431 : f32 to vector<16xf32>
        %mul3A_433 = arith.mulf %get3A_430, %mul3A_432 : vector<16xf32>
        %swap3A_434 = arith.constant 0 : i32
        %swap3A_435 = arith.constant 0 : i32
        %swap3A_436 = arith.index_cast %swap3A_434 : i32 to index
        %swap3A_437 = arith.index_cast %swap3A_435 : i32 to index
        %swap3A_438 = arith.index_cast %scan3A_382 : i32 to index
        %swap3A_439 = arith.constant 32 : index
        %swap3A_440 = tpu.vector_load %arg6[%swap3A_436, %swap3A_437, %swap3A_438, %swap3A_439] {strides = array<i32>} : memref<2x4x200x64xf32, #tpu.memory_space<vmem>>, vector<1x1x1x16xf32>,
        %swap3A_441 = vector.shape_cast %swap3A_440 : vector<1x1x1x16xf32> to vector<16xf32>
        %swap3A_442 = vector.shape_cast %mul3A_433 : vector<16xf32> to vector<1x1x1x16xf32>
        tpu.vector_store %arg6[%swap3A_436, %swap3A_437, %swap3A_438, %swap3A_439], %swap3A_442 {strides = array<i32>} : memref<2x4x200x64xf32, #tpu.memory_space<vmem>>, vector<1x1x1x16xf32>,
        %get3A_443 = arith.constant 0 : i32
        %get3A_444 = arith.constant 0 : i32
        %get3A_445 = arith.index_cast %get3A_443 : i32 to index
        %get3A_446 = arith.index_cast %get3A_444 : i32 to index
        %get3A_447 = arith.index_cast %scan3A_382 : i32 to index
        %get3A_448 = arith.constant 48 : index
        %get3A_449 = tpu.vector_load %arg6[%get3A_445, %get3A_446, %get3A_447, %get3A_448] {strides = array<i32>} : memref<2x4x200x64xf32, #tpu.memory_space<vmem>>, vector<1x1x1x16xf32>,
        %get3A_450 = vector.shape_cast %get3A_449 : vector<1x1x1x16xf32> to vector<16xf32>
        %mul3A_451 = arith.constant 8.000000e+00 : f32
        %mul3A_452 = vector.broadcast %mul3A_451 : f32 to vector<16xf32>
        %mul3A_453 = arith.mulf %get3A_450, %mul3A_452 : vector<16xf32>
        %swap3A_454 = arith.constant 0 : i32
        %swap3A_455 = arith.constant 0 : i32
        %swap3A_456 = arith.index_cast %swap3A_454 : i32 to index
        %swap3A_457 = arith.index_cast %swap3A_455 : i32 to index
        %swap3A_458 = arith.index_cast %scan3A_382 : i32 to index
        %swap3A_459 = arith.constant 48 : index
        %swap3A_460 = tpu.vector_load %arg6[%swap3A_456, %swap3A_457, %swap3A_458, %swap3A_459] {strides = array<i32>} : memref<2x4x200x64xf32, #tpu.memory_space<vmem>>, vector<1x1x1x16xf32>,
        %swap3A_461 = vector.shape_cast %swap3A_460 : vector<1x1x1x16xf32> to vector<16xf32>
        %swap3A_462 = vector.shape_cast %mul3A_453 : vector<16xf32> to vector<1x1x1x16xf32>
        tpu.vector_store %arg6[%swap3A_456, %swap3A_457, %swap3A_458, %swap3A_459], %swap3A_462 {strides = array<i32>} : memref<2x4x200x64xf32, #tpu.memory_space<vmem>>, vector<1x1x1x16xf32>,
        %scan3A_463 = arith.constant 2 : i32
        %scan3A_464 = arith.addi %scan3A_302, %scan3A_463 : i32
        %get3A_465 = arith.constant 0 : i32
        %get3A_466 = arith.constant 0 : i32
        %get3A_467 = arith.index_cast %get3A_465 : i32 to index
        %get3A_468 = arith.index_cast %get3A_466 : i32 to index
        %get3A_469 = arith.index_cast %scan3A_464 : i32 to index
        %get3A_470 = arith.constant 0 : index
        %get3A_471 = tpu.vector_load %arg6[%get3A_467, %get3A_468, %get3A_469, %get3A_470] {strides = array<i32>} : memref<2x4x200x64xf32, #tpu.memory_space<vmem>>, vector<1x1x1x16xf32>,
        %get3A_472 = vector.shape_cast %get3A_471 : vector<1x1x1x16xf32> to vector<16xf32>
        %mul3A_473 = arith.constant 8.000000e+00 : f32
        %mul3A_474 = vector.broadcast %mul3A_473 : f32 to vector<16xf32>
        %mul3A_475 = arith.mulf %get3A_472, %mul3A_474 : vector<16xf32>
        %swap3A_476 = arith.constant 0 : i32
        %swap3A_477 = arith.constant 0 : i32
        %swap3A_478 = arith.index_cast %swap3A_476 : i32 to index
        %swap3A_479 = arith.index_cast %swap3A_477 : i32 to index
        %swap3A_480 = arith.index_cast %scan3A_464 : i32 to index
        %swap3A_481 = arith.constant 0 : index
        %swap3A_482 = tpu.vector_load %arg6[%swap3A_478, %swap3A_479, %swap3A_480, %swap3A_481] {strides = array<i32>} : memref<2x4x200x64xf32, #tpu.memory_space<vmem>>, vector<1x1x1x16xf32>,
        %swap3A_483 = vector.shape_cast %swap3A_482 : vector<1x1x1x16xf32> to vector<16xf32>
        %swap3A_484 = vector.shape_cast %mul3A_475 : vector<16xf32> to vector<1x1x1x16xf32>
        tpu.vector_store %arg6[%swap3A_478, %swap3A_479, %swap3A_480, %swap3A_481], %swap3A_484 {strides = array<i32>} : memref<2x4x200x64xf32, #tpu.memory_space<vmem>>, vector<1x1x1x16xf32>,
        %get3A_485 = arith.constant 0 : i32
        %get3A_486 = arith.constant 0 : i32
        %get3A_487 = arith.index_cast %get3A_485 : i32 to index
        %get3A_488 = arith.index_cast %get3A_486 : i32 to index
        %get3A_489 = arith.index_cast %scan3A_464 : i32 to index
        %get3A_490 = arith.constant 16 : index
        %get3A_491 = tpu.vector_load %arg6[%get3A_487, %get3A_488, %get3A_489, %get3A_490] {strides = array<i32>} : memref<2x4x200x64xf32, #tpu.memory_space<vmem>>, vector<1x1x1x16xf32>,
        %get3A_492 = vector.shape_cast %get3A_491 : vector<1x1x1x16xf32> to vector<16xf32>
        %mul3A_493 = arith.constant 8.000000e+00 : f32
        %mul3A_494 = vector.broadcast %mul3A_493 : f32 to vector<16xf32>
        %mul3A_495 = arith.mulf %get3A_492, %mul3A_494 : vector<16xf32>
        %swap3A_496 = arith.constant 0 : i32
        %swap3A_497 = arith.constant 0 : i32
        %swap3A_498 = arith.index_cast %swap3A_496 : i32 to index
        %swap3A_499 = arith.index_cast %swap3A_497 : i32 to index
        %swap3A_500 = arith.index_cast %scan3A_464 : i32 to index
        %swap3A_501 = arith.constant 16 : index
        %swap3A_502 = tpu.vector_load %arg6[%swap3A_498, %swap3A_499, %swap3A_500, %swap3A_501] {strides = array<i32>} : memref<2x4x200x64xf32, #tpu.memory_space<vmem>>, vector<1x1x1x16xf32>,
        %swap3A_503 = vector.shape_cast %swap3A_502 : vector<1x1x1x16xf32> to vector<16xf32>
        %swap3A_504 = vector.shape_cast %mul3A_495 : vector<16xf32> to vector<1x1x1x16xf32>
        tpu.vector_store %arg6[%swap3A_498, %swap3A_499, %swap3A_500, %swap3A_501], %swap3A_504 {strides = array<i32>} : memref<2x4x200x64xf32, #tpu.memory_space<vmem>>, vector<1x1x1x16xf32>,
        %get3A_505 = arith.constant 0 : i32
        %get3A_506 = arith.constant 0 : i32
        %get3A_507 = arith.index_cast %get3A_505 : i32 to index
        %get3A_508 = arith.index_cast %get3A_506 : i32 to index
        %get3A_509 = arith.index_cast %scan3A_464 : i32 to index
        %get3A_510 = arith.constant 32 : index
        %get3A_511 = tpu.vector_load %arg6[%get3A_507, %get3A_508, %get3A_509, %get3A_510] {strides = array<i32>} : memref<2x4x200x64xf32, #tpu.memory_space<vmem>>, vector<1x1x1x16xf32>,
        %get3A_512 = vector.shape_cast %get3A_511 : vector<1x1x1x16xf32> to vector<16xf32>
        %mul3A_513 = arith.constant 8.000000e+00 : f32
        %mul3A_514 = vector.broadcast %mul3A_513 : f32 to vector<16xf32>
        %mul3A_515 = arith.mulf %get3A_512, %mul3A_514 : vector<16xf32>
        %swap3A_516 = arith.constant 0 : i32
        %swap3A_517 = arith.constant 0 : i32
        %swap3A_518 = arith.index_cast %swap3A_516 : i32 to index
        %swap3A_519 = arith.index_cast %swap3A_517 : i32 to index
        %swap3A_520 = arith.index_cast %scan3A_464 : i32 to index
        %swap3A_521 = arith.constant 32 : index
        %swap3A_522 = tpu.vector_load %arg6[%swap3A_518, %swap3A_519, %swap3A_520, %swap3A_521] {strides = array<i32>} : memref<2x4x200x64xf32, #tpu.memory_space<vmem>>, vector<1x1x1x16xf32>,
        %swap3A_523 = vector.shape_cast %swap3A_522 : vector<1x1x1x16xf32> to vector<16xf32>
        %swap3A_524 = vector.shape_cast %mul3A_515 : vector<16xf32> to vector<1x1x1x16xf32>
        tpu.vector_store %arg6[%swap3A_518, %swap3A_519, %swap3A_520, %swap3A_521], %swap3A_524 {strides = array<i32>} : memref<2x4x200x64xf32, #tpu.memory_space<vmem>>, vector<1x1x1x16xf32>,
        %get3A_525 = arith.constant 0 : i32
        %get3A_526 = arith.constant 0 : i32
        %get3A_527 = arith.index_cast %get3A_525 : i32 to index
        %get3A_528 = arith.index_cast %get3A_526 : i32 to index
        %get3A_529 = arith.index_cast %scan3A_464 : i32 to index
        %get3A_530 = arith.constant 48 : index
        %get3A_531 = tpu.vector_load %arg6[%get3A_527, %get3A_528, %get3A_529, %get3A_530] {strides = array<i32>} : memref<2x4x200x64xf32, #tpu.memory_space<vmem>>, vector<1x1x1x16xf32>,
        %get3A_532 = vector.shape_cast %get3A_531 : vector<1x1x1x16xf32> to vector<16xf32>
        %mul3A_533 = arith.constant 8.000000e+00 : f32
        %mul3A_534 = vector.broadcast %mul3A_533 : f32 to vector<16xf32>
        %mul3A_535 = arith.mulf %get3A_532, %mul3A_534 : vector<16xf32>
        %swap3A_536 = arith.constant 0 : i32
        %swap3A_537 = arith.constant 0 : i32
        %swap3A_538 = arith.index_cast %swap3A_536 : i32 to index
        %swap3A_539 = arith.index_cast %swap3A_537 : i32 to index
        %swap3A_540 = arith.index_cast %scan3A_464 : i32 to index
        %swap3A_541 = arith.constant 48 : index
        %swap3A_542 = tpu.vector_load %arg6[%swap3A_538, %swap3A_539, %swap3A_540, %swap3A_541] {strides = array<i32>} : memref<2x4x200x64xf32, #tpu.memory_space<vmem>>, vector<1x1x1x16xf32>,
        %swap3A_543 = vector.shape_cast %swap3A_542 : vector<1x1x1x16xf32> to vector<16xf32>
        %swap3A_544 = vector.shape_cast %mul3A_535 : vector<16xf32> to vector<1x1x1x16xf32>
        tpu.vector_store %arg6[%swap3A_538, %swap3A_539, %swap3A_540, %swap3A_541], %swap3A_544 {strides = array<i32>} : memref<2x4x200x64xf32, #tpu.memory_space<vmem>>, vector<1x1x1x16xf32>,
        %scan3A_545 = arith.constant 3 : i32
        %scan3A_546 = arith.addi %scan3A_302, %scan3A_545 : i32
        %get3A_547 = arith.constant 0 : i32
        %get3A_548 = arith.constant 0 : i32
        %get3A_549 = arith.index_cast %get3A_547 : i32 to index
        %get3A_550 = arith.index_cast %get3A_548 : i32 to index
        %get3A_551 = arith.index_cast %scan3A_546 : i32 to index
        %get3A_552 = arith.constant 0 : index
        %get3A_553 = tpu.vector_load %arg6[%get3A_549, %get3A_550, %get3A_551, %get3A_552] {strides = array<i32>} : memref<2x4x200x64xf32, #tpu.memory_space<vmem>>, vector<1x1x1x16xf32>,
        %get3A_554 = vector.shape_cast %get3A_553 : vector<1x1x1x16xf32> to vector<16xf32>
        %mul3A_555 = arith.constant 8.000000e+00 : f32
        %mul3A_556 = vector.broadcast %mul3A_555 : f32 to vector<16xf32>
        %mul3A_557 = arith.mulf %get3A_554, %mul3A_556 : vector<16xf32>
        %swap3A_558 = arith.constant 0 : i32
        %swap3A_559 = arith.constant 0 : i32
        %swap3A_560 = arith.index_cast %swap3A_558 : i32 to index
        %swap3A_561 = arith.index_cast %swap3A_559 : i32 to index
        %swap3A_562 = arith.index_cast %scan3A_546 : i32 to index
        %swap3A_563 = arith.constant 0 : index
        %swap3A_564 = tpu.vector_load %arg6[%swap3A_560, %swap3A_561, %swap3A_562, %swap3A_563] {strides = array<i32>} : memref<2x4x200x64xf32, #tpu.memory_space<vmem>>, vector<1x1x1x16xf32>,
        %swap3A_565 = vector.shape_cast %swap3A_564 : vector<1x1x1x16xf32> to vector<16xf32>
        %swap3A_566 = vector.shape_cast %mul3A_557 : vector<16xf32> to vector<1x1x1x16xf32>
        tpu.vector_store %arg6[%swap3A_560, %swap3A_561, %swap3A_562, %swap3A_563], %swap3A_566 {strides = array<i32>} : memref<2x4x200x64xf32, #tpu.memory_space<vmem>>, vector<1x1x1x16xf32>,
        %get3A_567 = arith.constant 0 : i32
        %get3A_568 = arith.constant 0 : i32
        %get3A_569 = arith.index_cast %get3A_567 : i32 to index
        %get3A_570 = arith.index_cast %get3A_568 : i32 to index
        %get3A_571 = arith.index_cast %scan3A_546 : i32 to index
        %get3A_572 = arith.constant 16 : index
        %get3A_573 = tpu.vector_load %arg6[%get3A_569, %get3A_570, %get3A_571, %get3A_572] {strides = array<i32>} : memref<2x4x200x64xf32, #tpu.memory_space<vmem>>, vector<1x1x1x16xf32>,
        %get3A_574 = vector.shape_cast %get3A_573 : vector<1x1x1x16xf32> to vector<16xf32>
        %mul3A_575 = arith.constant 8.000000e+00 : f32
        %mul3A_576 = vector.broadcast %mul3A_575 : f32 to vector<16xf32>
        %mul3A_577 = arith.mulf %get3A_574, %mul3A_576 : vector<16xf32>
        %swap3A_578 = arith.constant 0 : i32
        %swap3A_579 = arith.constant 0 : i32
        %swap3A_580 = arith.index_cast %swap3A_578 : i32 to index
        %swap3A_581 = arith.index_cast %swap3A_579 : i32 to index
        %swap3A_582 = arith.index_cast %scan3A_546 : i32 to index
        %swap3A_583 = arith.constant 16 : index
        %swap3A_584 = tpu.vector_load %arg6[%swap3A_580, %swap3A_581, %swap3A_582, %swap3A_583] {strides = array<i32>} : memref<2x4x200x64xf32, #tpu.memory_space<vmem>>, vector<1x1x1x16xf32>,
        %swap3A_585 = vector.shape_cast %swap3A_584 : vector<1x1x1x16xf32> to vector<16xf32>
        %swap3A_586 = vector.shape_cast %mul3A_577 : vector<16xf32> to vector<1x1x1x16xf32>
        tpu.vector_store %arg6[%swap3A_580, %swap3A_581, %swap3A_582, %swap3A_583], %swap3A_586 {strides = array<i32>} : memref<2x4x200x64xf32, #tpu.memory_space<vmem>>, vector<1x1x1x16xf32>,
        %get3A_587 = arith.constant 0 : i32
        %get3A_588 = arith.constant 0 : i32
        %get3A_589 = arith.index_cast %get3A_587 : i32 to index
        %get3A_590 = arith.index_cast %get3A_588 : i32 to index
        %get3A_591 = arith.index_cast %scan3A_546 : i32 to index
        %get3A_592 = arith.constant 32 : index
        %get3A_593 = tpu.vector_load %arg6[%get3A_589, %get3A_590, %get3A_591, %get3A_592] {strides = array<i32>} : memref<2x4x200x64xf32, #tpu.memory_space<vmem>>, vector<1x1x1x16xf32>,
        %get3A_594 = vector.shape_cast %get3A_593 : vector<1x1x1x16xf32> to vector<16xf32>
        %mul3A_595 = arith.constant 8.000000e+00 : f32
        %mul3A_596 = vector.broadcast %mul3A_595 : f32 to vector<16xf32>
        %mul3A_597 = arith.mulf %get3A_594, %mul3A_596 : vector<16xf32>
        %swap3A_598 = arith.constant 0 : i32
        %swap3A_599 = arith.constant 0 : i32
        %swap3A_600 = arith.index_cast %swap3A_598 : i32 to index
        %swap3A_601 = arith.index_cast %swap3A_599 : i32 to index
        %swap3A_602 = arith.index_cast %scan3A_546 : i32 to index
        %swap3A_603 = arith.constant 32 : index
        %swap3A_604 = tpu.vector_load %arg6[%swap3A_600, %swap3A_601, %swap3A_602, %swap3A_603] {strides = array<i32>} : memref<2x4x200x64xf32, #tpu.memory_space<vmem>>, vector<1x1x1x16xf32>,
        %swap3A_605 = vector.shape_cast %swap3A_604 : vector<1x1x1x16xf32> to vector<16xf32>
        %swap3A_606 = vector.shape_cast %mul3A_597 : vector<16xf32> to vector<1x1x1x16xf32>
        tpu.vector_store %arg6[%swap3A_600, %swap3A_601, %swap3A_602, %swap3A_603], %swap3A_606 {strides = array<i32>} : memref<2x4x200x64xf32, #tpu.memory_space<vmem>>, vector<1x1x1x16xf32>,
        %get3A_607 = arith.constant 0 : i32
        %get3A_608 = arith.constant 0 : i32
        %get3A_609 = arith.index_cast %get3A_607 : i32 to index
        %get3A_610 = arith.index_cast %get3A_608 : i32 to index
        %get3A_611 = arith.index_cast %scan3A_546 : i32 to index
        %get3A_612 = arith.constant 48 : index
        %get3A_613 = tpu.vector_load %arg6[%get3A_609, %get3A_610, %get3A_611, %get3A_612] {strides = array<i32>} : memref<2x4x200x64xf32, #tpu.memory_space<vmem>>, vector<1x1x1x16xf32>,
        %get3A_614 = vector.shape_cast %get3A_613 : vector<1x1x1x16xf32> to vector<16xf32>
        %mul3A_615 = arith.constant 8.000000e+00 : f32
        %mul3A_616 = vector.broadcast %mul3A_615 : f32 to vector<16xf32>
        %mul3A_617 = arith.mulf %get3A_614, %mul3A_616 : vector<16xf32>
        %swap3A_618 = arith.constant 0 : i32
        %swap3A_619 = arith.constant 0 : i32
        %swap3A_620 = arith.index_cast %swap3A_618 : i32 to index
        %swap3A_621 = arith.index_cast %swap3A_619 : i32 to index
        %swap3A_622 = arith.index_cast %scan3A_546 : i32 to index
        %swap3A_623 = arith.constant 48 : index
        %swap3A_624 = tpu.vector_load %arg6[%swap3A_620, %swap3A_621, %swap3A_622, %swap3A_623] {strides = array<i32>} : memref<2x4x200x64xf32, #tpu.memory_space<vmem>>, vector<1x1x1x16xf32>,
        %swap3A_625 = vector.shape_cast %swap3A_624 : vector<1x1x1x16xf32> to vector<16xf32>
        %swap3A_626 = vector.shape_cast %mul3A_617 : vector<16xf32> to vector<1x1x1x16xf32>
        tpu.vector_store %arg6[%swap3A_620, %swap3A_621, %swap3A_622, %swap3A_623], %swap3A_626 {strides = array<i32>} : memref<2x4x200x64xf32, #tpu.memory_space<vmem>>, vector<1x1x1x16xf32>,
      }
      %scan3A_191 = arith.constant 200 : i32
      %scan3A_192 = arith.constant 0 : i32
      %scan3A_193 = arith.constant 0 : i32
      %scan3A_194 = arith.constant 200 : i32
      %scan3A_195 = arith.addi %scan3A_193, %scan3A_194 : i32
      %scan3A_196 = arith.constant 4 : i32
      scf.for %scan3A_302 = %scan3A_193 to %scan3A_195 step %scan3A_196  : i32 {
        %get3A = arith.constant 0 : i32
        %get3A_303 = arith.constant 1 : i32
        %get3A_304 = arith.index_cast %get3A : i32 to index
        %get3A_305 = arith.index_cast %get3A_303 : i32 to index
        %get3A_306 = arith.index_cast %scan3A_302 : i32 to index
        %get3A_307 = arith.constant 0 : index
        %get3A_308 = tpu.vector_load %arg6[%get3A_304, %get3A_305, %get3A_306, %get3A_307] {strides = array<i32>} : memref<2x4x200x64xf32, #tpu.memory_space<vmem>>, vector<1x1x1x16xf32>,
        %get3A_309 = vector.shape_cast %get3A_308 : vector<1x1x1x16xf32> to vector<16xf32>
        %mul3A_310 = arith.constant 8.000000e+00 : f32
        %mul3A_311 = vector.broadcast %mul3A_310 : f32 to vector<16xf32>
        %mul3A_312 = arith.mulf %get3A_309, %mul3A_311 : vector<16xf32>
        %swap3A = arith.constant 0 : i32
        %swap3A_313 = arith.constant 1 : i32
        %swap3A_314 = arith.index_cast %swap3A : i32 to index
        %swap3A_315 = arith.index_cast %swap3A_313 : i32 to index
        %swap3A_316 = arith.index_cast %scan3A_302 : i32 to index
        %swap3A_317 = arith.constant 0 : index
        %swap3A_318 = tpu.vector_load %arg6[%swap3A_314, %swap3A_315, %swap3A_316, %swap3A_317] {strides = array<i32>} : memref<2x4x200x64xf32, #tpu.memory_space<vmem>>, vector<1x1x1x16xf32>,
        %swap3A_319 = vector.shape_cast %swap3A_318 : vector<1x1x1x16xf32> to vector<16xf32>
        %swap3A_320 = vector.shape_cast %mul3A_312 : vector<16xf32> to vector<1x1x1x16xf32>
        tpu.vector_store %arg6[%swap3A_314, %swap3A_315, %swap3A_316, %swap3A_317], %swap3A_320 {strides = array<i32>} : memref<2x4x200x64xf32, #tpu.memory_space<vmem>>, vector<1x1x1x16xf32>,
        %get3A_321 = arith.constant 0 : i32
        %get3A_322 = arith.constant 1 : i32
        %get3A_323 = arith.index_cast %get3A_321 : i32 to index
        %get3A_324 = arith.index_cast %get3A_322 : i32 to index
        %get3A_325 = arith.index_cast %scan3A_302 : i32 to index
        %get3A_326 = arith.constant 16 : index
        %get3A_327 = tpu.vector_load %arg6[%get3A_323, %get3A_324, %get3A_325, %get3A_326] {strides = array<i32>} : memref<2x4x200x64xf32, #tpu.memory_space<vmem>>, vector<1x1x1x16xf32>,
        %get3A_328 = vector.shape_cast %get3A_327 : vector<1x1x1x16xf32> to vector<16xf32>
        %mul3A_329 = arith.constant 8.000000e+00 : f32
        %mul3A_330 = vector.broadcast %mul3A_329 : f32 to vector<16xf32>
        %mul3A_331 = arith.mulf %get3A_328, %mul3A_330 : vector<16xf32>
        %swap3A_332 = arith.constant 0 : i32
        %swap3A_333 = arith.constant 1 : i32
        %swap3A_334 = arith.index_cast %swap3A_332 : i32 to index
        %swap3A_335 = arith.index_cast %swap3A_333 : i32 to index
        %swap3A_336 = arith.index_cast %scan3A_302 : i32 to index
        %swap3A_337 = arith.constant 16 : index
        %swap3A_338 = tpu.vector_load %arg6[%swap3A_334, %swap3A_335, %swap3A_336, %swap3A_337] {strides = array<i32>} : memref<2x4x200x64xf32, #tpu.memory_space<vmem>>, vector<1x1x1x16xf32>,
        %swap3A_339 = vector.shape_cast %swap3A_338 : vector<1x1x1x16xf32> to vector<16xf32>
        %swap3A_340 = vector.shape_cast %mul3A_331 : vector<16xf32> to vector<1x1x1x16xf32>
        tpu.vector_store %arg6[%swap3A_334, %swap3A_335, %swap3A_336, %swap3A_337], %swap3A_340 {strides = array<i32>} : memref<2x4x200x64xf32, #tpu.memory_space<vmem>>, vector<1x1x1x16xf32>,
        %get3A_341 = arith.constant 0 : i32
        %get3A_342 = arith.constant 1 : i32
        %get3A_343 = arith.index_cast %get3A_341 : i32 to index
        %get3A_344 = arith.index_cast %get3A_342 : i32 to index
        %get3A_345 = arith.index_cast %scan3A_302 : i32 to index
        %get3A_346 = arith.constant 32 : index
        %get3A_347 = tpu.vector_load %arg6[%get3A_343, %get3A_344, %get3A_345, %get3A_346] {strides = array<i32>} : memref<2x4x200x64xf32, #tpu.memory_space<vmem>>, vector<1x1x1x16xf32>,
        %get3A_348 = vector.shape_cast %get3A_347 : vector<1x1x1x16xf32> to vector<16xf32>
        %mul3A_349 = arith.constant 8.000000e+00 : f32
        %mul3A_350 = vector.broadcast %mul3A_349 : f32 to vector<16xf32>
        %mul3A_351 = arith.mulf %get3A_348, %mul3A_350 : vector<16xf32>
        %swap3A_352 = arith.constant 0 : i32
        %swap3A_353 = arith.constant 1 : i32
        %swap3A_354 = arith.index_cast %swap3A_352 : i32 to index
        %swap3A_355 = arith.index_cast %swap3A_353 : i32 to index
        %swap3A_356 = arith.index_cast %scan3A_302 : i32 to index
        %swap3A_357 = arith.constant 32 : index
        %swap3A_358 = tpu.vector_load %arg6[%swap3A_354, %swap3A_355, %swap3A_356, %swap3A_357] {strides = array<i32>} : memref<2x4x200x64xf32, #tpu.memory_space<vmem>>, vector<1x1x1x16xf32>,
        %swap3A_359 = vector.shape_cast %swap3A_358 : vector<1x1x1x16xf32> to vector<16xf32>
        %swap3A_360 = vector.shape_cast %mul3A_351 : vector<16xf32> to vector<1x1x1x16xf32>
        tpu.vector_store %arg6[%swap3A_354, %swap3A_355, %swap3A_356, %swap3A_357], %swap3A_360 {strides = array<i32>} : memref<2x4x200x64xf32, #tpu.memory_space<vmem>>, vector<1x1x1x16xf32>,
        %get3A_361 = arith.constant 0 : i32
        %get3A_362 = arith.constant 1 : i32
        %get3A_363 = arith.index_cast %get3A_361 : i32 to index
        %get3A_364 = arith.index_cast %get3A_362 : i32 to index
        %get3A_365 = arith.index_cast %scan3A_302 : i32 to index
        %get3A_366 = arith.constant 48 : index
        %get3A_367 = tpu.vector_load %arg6[%get3A_363, %get3A_364, %get3A_365, %get3A_366] {strides = array<i32>} : memref<2x4x200x64xf32, #tpu.memory_space<vmem>>, vector<1x1x1x16xf32>,
        %get3A_368 = vector.shape_cast %get3A_367 : vector<1x1x1x16xf32> to vector<16xf32>
        %mul3A_369 = arith.constant 8.000000e+00 : f32
        %mul3A_370 = vector.broadcast %mul3A_369 : f32 to vector<16xf32>
        %mul3A_371 = arith.mulf %get3A_368, %mul3A_370 : vector<16xf32>
        %swap3A_372 = arith.constant 0 : i32
        %swap3A_373 = arith.constant 1 : i32
        %swap3A_374 = arith.index_cast %swap3A_372 : i32 to index
        %swap3A_375 = arith.index_cast %swap3A_373 : i32 to index
        %swap3A_376 = arith.index_cast %scan3A_302 : i32 to index
        %swap3A_377 = arith.constant 48 : index
        %swap3A_378 = tpu.vector_load %arg6[%swap3A_374, %swap3A_375, %swap3A_376, %swap3A_377] {strides = array<i32>} : memref<2x4x200x64xf32, #tpu.memory_space<vmem>>, vector<1x1x1x16xf32>,
        %swap3A_379 = vector.shape_cast %swap3A_378 : vector<1x1x1x16xf32> to vector<16xf32>
        %swap3A_380 = vector.shape_cast %mul3A_371 : vector<16xf32> to vector<1x1x1x16xf32>
        tpu.vector_store %arg6[%swap3A_374, %swap3A_375, %swap3A_376, %swap3A_377], %swap3A_380 {strides = array<i32>} : memref<2x4x200x64xf32, #tpu.memory_space<vmem>>, vector<1x1x1x16xf32>,
        %scan3A_381 = arith.constant 1 : i32
        %scan3A_382 = arith.addi %scan3A_302, %scan3A_381 : i32
        %get3A_383 = arith.constant 0 : i32
        %get3A_384 = arith.constant 1 : i32
        %get3A_385 = arith.index_cast %get3A_383 : i32 to index
        %get3A_386 = arith.index_cast %get3A_384 : i32 to index
        %get3A_387 = arith.index_cast %scan3A_382 : i32 to index
        %get3A_388 = arith.constant 0 : index
        %get3A_389 = tpu.vector_load %arg6[%get3A_385, %get3A_386, %get3A_387, %get3A_388] {strides = array<i32>} : memref<2x4x200x64xf32, #tpu.memory_space<vmem>>, vector<1x1x1x16xf32>,
        %get3A_390 = vector.shape_cast %get3A_389 : vector<1x1x1x16xf32> to vector<16xf32>
        %mul3A_391 = arith.constant 8.000000e+00 : f32
        %mul3A_392 = vector.broadcast %mul3A_391 : f32 to vector<16xf32>
        %mul3A_393 = arith.mulf %get3A_390, %mul3A_392 : vector<16xf32>
        %swap3A_394 = arith.constant 0 : i32
        %swap3A_395 = arith.constant 1 : i32
        %swap3A_396 = arith.index_cast %swap3A_394 : i32 to index
        %swap3A_397 = arith.index_cast %swap3A_395 : i32 to index
        %swap3A_398 = arith.index_cast %scan3A_382 : i32 to index
        %swap3A_399 = arith.constant 0 : index
        %swap3A_400 = tpu.vector_load %arg6[%swap3A_396, %swap3A_397, %swap3A_398, %swap3A_399] {strides = array<i32>} : memref<2x4x200x64xf32, #tpu.memory_space<vmem>>, vector<1x1x1x16xf32>,
        %swap3A_401 = vector.shape_cast %swap3A_400 : vector<1x1x1x16xf32> to vector<16xf32>
        %swap3A_402 = vector.shape_cast %mul3A_393 : vector<16xf32> to vector<1x1x1x16xf32>
        tpu.vector_store %arg6[%swap3A_396, %swap3A_397, %swap3A_398, %swap3A_399], %swap3A_402 {strides = array<i32>} : memref<2x4x200x64xf32, #tpu.memory_space<vmem>>, vector<1x1x1x16xf32>,
        %get3A_403 = arith.constant 0 : i32
        %get3A_404 = arith.constant 1 : i32
        %get3A_405 = arith.index_cast %get3A_403 : i32 to index
        %get3A_406 = arith.index_cast %get3A_404 : i32 to index
        %get3A_407 = arith.index_cast %scan3A_382 : i32 to index
        %get3A_408 = arith.constant 16 : index
        %get3A_409 = tpu.vector_load %arg6[%get3A_405, %get3A_406, %get3A_407, %get3A_408] {strides = array<i32>} : memref<2x4x200x64xf32, #tpu.memory_space<vmem>>, vector<1x1x1x16xf32>,
        %get3A_410 = vector.shape_cast %get3A_409 : vector<1x1x1x16xf32> to vector<16xf32>
        %mul3A_411 = arith.constant 8.000000e+00 : f32
        %mul3A_412 = vector.broadcast %mul3A_411 : f32 to vector<16xf32>
        %mul3A_413 = arith.mulf %get3A_410, %mul3A_412 : vector<16xf32>
        %swap3A_414 = arith.constant 0 : i32
        %swap3A_415 = arith.constant 1 : i32
        %swap3A_416 = arith.index_cast %swap3A_414 : i32 to index
        %swap3A_417 = arith.index_cast %swap3A_415 : i32 to index
        %swap3A_418 = arith.index_cast %scan3A_382 : i32 to index
        %swap3A_419 = arith.constant 16 : index
        %swap3A_420 = tpu.vector_load %arg6[%swap3A_416, %swap3A_417, %swap3A_418, %swap3A_419] {strides = array<i32>} : memref<2x4x200x64xf32, #tpu.memory_space<vmem>>, vector<1x1x1x16xf32>,
        %swap3A_421 = vector.shape_cast %swap3A_420 : vector<1x1x1x16xf32> to vector<16xf32>
        %swap3A_422 = vector.shape_cast %mul3A_413 : vector<16xf32> to vector<1x1x1x16xf32>
        tpu.vector_store %arg6[%swap3A_416, %swap3A_417, %swap3A_418, %swap3A_419], %swap3A_422 {strides = array<i32>} : memref<2x4x200x64xf32, #tpu.memory_space<vmem>>, vector<1x1x1x16xf32>,
        %get3A_423 = arith.constant 0 : i32
        %get3A_424 = arith.constant 1 : i32
        %get3A_425 = arith.index_cast %get3A_423 : i32 to index
        %get3A_426 = arith.index_cast %get3A_424 : i32 to index
        %get3A_427 = arith.index_cast %scan3A_382 : i32 to index
        %get3A_428 = arith.constant 32 : index
        %get3A_429 = tpu.vector_load %arg6[%get3A_425, %get3A_426, %get3A_427, %get3A_428] {strides = array<i32>} : memref<2x4x200x64xf32, #tpu.memory_space<vmem>>, vector<1x1x1x16xf32>,
        %get3A_430 = vector.shape_cast %get3A_429 : vector<1x1x1x16xf32> to vector<16xf32>
        %mul3A_431 = arith.constant 8.000000e+00 : f32
        %mul3A_432 = vector.broadcast %mul3A_431 : f32 to vector<16xf32>
        %mul3A_433 = arith.mulf %get3A_430, %mul3A_432 : vector<16xf32>
        %swap3A_434 = arith.constant 0 : i32
        %swap3A_435 = arith.constant 1 : i32
        %swap3A_436 = arith.index_cast %swap3A_434 : i32 to index
        %swap3A_437 = arith.index_cast %swap3A_435 : i32 to index
        %swap3A_438 = arith.index_cast %scan3A_382 : i32 to index
        %swap3A_439 = arith.constant 32 : index
        %swap3A_440 = tpu.vector_load %arg6[%swap3A_436, %swap3A_437, %swap3A_438, %swap3A_439] {strides = array<i32>} : memref<2x4x200x64xf32, #tpu.memory_space<vmem>>, vector<1x1x1x16xf32>,
        %swap3A_441 = vector.shape_cast %swap3A_440 : vector<1x1x1x16xf32> to vector<16xf32>
        %swap3A_442 = vector.shape_cast %mul3A_433 : vector<16xf32> to vector<1x1x1x16xf32>
        tpu.vector_store %arg6[%swap3A_436, %swap3A_437, %swap3A_438, %swap3A_439], %swap3A_442 {strides = array<i32>} : memref<2x4x200x64xf32, #tpu.memory_space<vmem>>, vector<1x1x1x16xf32>,
        %get3A_443 = arith.constant 0 : i32
        %get3A_444 = arith.constant 1 : i32
        %get3A_445 = arith.index_cast %get3A_443 : i32 to index
        %get3A_446 = arith.index_cast %get3A_444 : i32 to index
        %get3A_447 = arith.index_cast %scan3A_382 : i32 to index
        %get3A_448 = arith.constant 48 : index
        %get3A_449 = tpu.vector_load %arg6[%get3A_445, %get3A_446, %get3A_447, %get3A_448] {strides = array<i32>} : memref<2x4x200x64xf32, #tpu.memory_space<vmem>>, vector<1x1x1x16xf32>,
        %get3A_450 = vector.shape_cast %get3A_449 : vector<1x1x1x16xf32> to vector<16xf32>
        %mul3A_451 = arith.constant 8.000000e+00 : f32
        %mul3A_452 = vector.broadcast %mul3A_451 : f32 to vector<16xf32>
        %mul3A_453 = arith.mulf %get3A_450, %mul3A_452 : vector<16xf32>
        %swap3A_454 = arith.constant 0 : i32
        %swap3A_455 = arith.constant 1 : i32
        %swap3A_456 = arith.index_cast %swap3A_454 : i32 to index
        %swap3A_457 = arith.index_cast %swap3A_455 : i32 to index
        %swap3A_458 = arith.index_cast %scan3A_382 : i32 to index
        %swap3A_459 = arith.constant 48 : index
        %swap3A_460 = tpu.vector_load %arg6[%swap3A_456, %swap3A_457, %swap3A_458, %swap3A_459] {strides = array<i32>} : memref<2x4x200x64xf32, #tpu.memory_space<vmem>>, vector<1x1x1x16xf32>,
        %swap3A_461 = vector.shape_cast %swap3A_460 : vector<1x1x1x16xf32> to vector<16xf32>
        %swap3A_462 = vector.shape_cast %mul3A_453 : vector<16xf32> to vector<1x1x1x16xf32>
        tpu.vector_store %arg6[%swap3A_456, %swap3A_457, %swap3A_458, %swap3A_459], %swap3A_462 {strides = array<i32>} : memref<2x4x200x64xf32, #tpu.memory_space<vmem>>, vector<1x1x1x16xf32>,
        %scan3A_463 = arith.constant 2 : i32
        %scan3A_464 = arith.addi %scan3A_302, %scan3A_463 : i32
        %get3A_465 = arith.constant 0 : i32
        %get3A_466 = arith.constant 1 : i32
        %get3A_467 = arith.index_cast %get3A_465 : i32 to index
        %get3A_468 = arith.index_cast %get3A_466 : i32 to index
        %get3A_469 = arith.index_cast %scan3A_464 : i32 to index
        %get3A_470 = arith.constant 0 : index
        %get3A_471 = tpu.vector_load %arg6[%get3A_467, %get3A_468, %get3A_469, %get3A_470] {strides = array<i32>} : memref<2x4x200x64xf32, #tpu.memory_space<vmem>>, vector<1x1x1x16xf32>,
        %get3A_472 = vector.shape_cast %get3A_471 : vector<1x1x1x16xf32> to vector<16xf32>
        %mul3A_473 = arith.constant 8.000000e+00 : f32
        %mul3A_474 = vector.broadcast %mul3A_473 : f32 to vector<16xf32>
        %mul3A_475 = arith.mulf %get3A_472, %mul3A_474 : vector<16xf32>
        %swap3A_476 = arith.constant 0 : i32
        %swap3A_477 = arith.constant 1 : i32
        %swap3A_478 = arith.index_cast %swap3A_476 : i32 to index
        %swap3A_479 = arith.index_cast %swap3A_477 : i32 to index
        %swap3A_480 = arith.index_cast %scan3A_464 : i32 to index
        %swap3A_481 = arith.constant 0 : index
        %swap3A_482 = tpu.vector_load %arg6[%swap3A_478, %swap3A_479, %swap3A_480, %swap3A_481] {strides = array<i32>} : memref<2x4x200x64xf32, #tpu.memory_space<vmem>>, vector<1x1x1x16xf32>,
        %swap3A_483 = vector.shape_cast %swap3A_482 : vector<1x1x1x16xf32> to vector<16xf32>
        %swap3A_484 = vector.shape_cast %mul3A_475 : vector<16xf32> to vector<1x1x1x16xf32>
        tpu.vector_store %arg6[%swap3A_478, %swap3A_479, %swap3A_480, %swap3A_481], %swap3A_484 {strides = array<i32>} : memref<2x4x200x64xf32, #tpu.memory_space<vmem>>, vector<1x1x1x16xf32>,
        %get3A_485 = arith.constant 0 : i32
        %get3A_486 = arith.constant 1 : i32
        %get3A_487 = arith.index_cast %get3A_485 : i32 to index
        %get3A_488 = arith.index_cast %get3A_486 : i32 to index
        %get3A_489 = arith.index_cast %scan3A_464 : i32 to index
        %get3A_490 = arith.constant 16 : index
        %get3A_491 = tpu.vector_load %arg6[%get3A_487, %get3A_488, %get3A_489, %get3A_490] {strides = array<i32>} : memref<2x4x200x64xf32, #tpu.memory_space<vmem>>, vector<1x1x1x16xf32>,
        %get3A_492 = vector.shape_cast %get3A_491 : vector<1x1x1x16xf32> to vector<16xf32>
        %mul3A_493 = arith.constant 8.000000e+00 : f32
        %mul3A_494 = vector.broadcast %mul3A_493 : f32 to vector<16xf32>
        %mul3A_495 = arith.mulf %get3A_492, %mul3A_494 : vector<16xf32>
        %swap3A_496 = arith.constant 0 : i32
        %swap3A_497 = arith.constant 1 : i32
        %swap3A_498 = arith.index_cast %swap3A_496 : i32 to index
        %swap3A_499 = arith.index_cast %swap3A_497 : i32 to index
        %swap3A_500 = arith.index_cast %scan3A_464 : i32 to index
        %swap3A_501 = arith.constant 16 : index
        %swap3A_502 = tpu.vector_load %arg6[%swap3A_498, %swap3A_499, %swap3A_500, %swap3A_501] {strides = array<i32>} : memref<2x4x200x64xf32, #tpu.memory_space<vmem>>, vector<1x1x1x16xf32>,
        %swap3A_503 = vector.shape_cast %swap3A_502 : vector<1x1x1x16xf32> to vector<16xf32>
        %swap3A_504 = vector.shape_cast %mul3A_495 : vector<16xf32> to vector<1x1x1x16xf32>
        tpu.vector_store %arg6[%swap3A_498, %swap3A_499, %swap3A_500, %swap3A_501], %swap3A_504 {strides = array<i32>} : memref<2x4x200x64xf32, #tpu.memory_space<vmem>>, vector<1x1x1x16xf32>,
        %get3A_505 = arith.constant 0 : i32
        %get3A_506 = arith.constant 1 : i32
        %get3A_507 = arith.index_cast %get3A_505 : i32 to index
        %get3A_508 = arith.index_cast %get3A_506 : i32 to index
        %get3A_509 = arith.index_cast %scan3A_464 : i32 to index
        %get3A_510 = arith.constant 32 : index
        %get3A_511 = tpu.vector_load %arg6[%get3A_507, %get3A_508, %get3A_509, %get3A_510] {strides = array<i32>} : memref<2x4x200x64xf32, #tpu.memory_space<vmem>>, vector<1x1x1x16xf32>,
        %get3A_512 = vector.shape_cast %get3A_511 : vector<1x1x1x16xf32> to vector<16xf32>
        %mul3A_513 = arith.constant 8.000000e+00 : f32
        %mul3A_514 = vector.broadcast %mul3A_513 : f32 to vector<16xf32>
        %mul3A_515 = arith.mulf %get3A_512, %mul3A_514 : vector<16xf32>
        %swap3A_516 = arith.constant 0 : i32
        %swap3A_517 = arith.constant 1 : i32
        %swap3A_518 = arith.index_cast %swap3A_516 : i32 to index
        %swap3A_519 = arith.index_cast %swap3A_517 : i32 to index
        %swap3A_520 = arith.index_cast %scan3A_464 : i32 to index
        %swap3A_521 = arith.constant 32 : index
        %swap3A_522 = tpu.vector_load %arg6[%swap3A_518, %swap3A_519, %swap3A_520, %swap3A_521] {strides = array<i32>} : memref<2x4x200x64xf32, #tpu.memory_space<vmem>>, vector<1x1x1x16xf32>,
        %swap3A_523 = vector.shape_cast %swap3A_522 : vector<1x1x1x16xf32> to vector<16xf32>
        %swap3A_524 = vector.shape_cast %mul3A_515 : vector<16xf32> to vector<1x1x1x16xf32>
        tpu.vector_store %arg6[%swap3A_518, %swap3A_519, %swap3A_520, %swap3A_521], %swap3A_524 {strides = array<i32>} : memref<2x4x200x64xf32, #tpu.memory_space<vmem>>, vector<1x1x1x16xf32>,
        %get3A_525 = arith.constant 0 : i32
        %get3A_526 = arith.constant 1 : i32
        %get3A_527 = arith.index_cast %get3A_525 : i32 to index
        %get3A_528 = arith.index_cast %get3A_526 : i32 to index
        %get3A_529 = arith.index_cast %scan3A_464 : i32 to index
        %get3A_530 = arith.constant 48 : index
        %get3A_531 = tpu.vector_load %arg6[%get3A_527, %get3A_528, %get3A_529, %get3A_530] {strides = array<i32>} : memref<2x4x200x64xf32, #tpu.memory_space<vmem>>, vector<1x1x1x16xf32>,
        %get3A_532 = vector.shape_cast %get3A_531 : vector<1x1x1x16xf32> to vector<16xf32>
        %mul3A_533 = arith.constant 8.000000e+00 : f32
        %mul3A_534 = vector.broadcast %mul3A_533 : f32 to vector<16xf32>
        %mul3A_535 = arith.mulf %get3A_532, %mul3A_534 : vector<16xf32>
        %swap3A_536 = arith.constant 0 : i32
        %swap3A_537 = arith.constant 1 : i32
        %swap3A_538 = arith.index_cast %swap3A_536 : i32 to index
        %swap3A_539 = arith.index_cast %swap3A_537 : i32 to index
        %swap3A_540 = arith.index_cast %scan3A_464 : i32 to index
        %swap3A_541 = arith.constant 48 : index
        %swap3A_542 = tpu.vector_load %arg6[%swap3A_538, %swap3A_539, %swap3A_540, %swap3A_541] {strides = array<i32>} : memref<2x4x200x64xf32, #tpu.memory_space<vmem>>, vector<1x1x1x16xf32>,
        %swap3A_543 = vector.shape_cast %swap3A_542 : vector<1x1x1x16xf32> to vector<16xf32>
        %swap3A_544 = vector.shape_cast %mul3A_535 : vector<16xf32> to vector<1x1x1x16xf32>
        tpu.vector_store %arg6[%swap3A_538, %swap3A_539, %swap3A_540, %swap3A_541], %swap3A_544 {strides = array<i32>} : memref<2x4x200x64xf32, #tpu.memory_space<vmem>>, vector<1x1x1x16xf32>,
        %scan3A_545 = arith.constant 3 : i32
        %scan3A_546 = arith.addi %scan3A_302, %scan3A_545 : i32
        %get3A_547 = arith.constant 0 : i32
        %get3A_548 = arith.constant 1 : i32
        %get3A_549 = arith.index_cast %get3A_547 : i32 to index
        %get3A_550 = arith.index_cast %get3A_548 : i32 to index
        %get3A_551 = arith.index_cast %scan3A_546 : i32 to index
        %get3A_552 = arith.constant 0 : index
        %get3A_553 = tpu.vector_load %arg6[%get3A_549, %get3A_550, %get3A_551, %get3A_552] {strides = array<i32>} : memref<2x4x200x64xf32, #tpu.memory_space<vmem>>, vector<1x1x1x16xf32>,
        %get3A_554 = vector.shape_cast %get3A_553 : vector<1x1x1x16xf32> to vector<16xf32>
        %mul3A_555 = arith.constant 8.000000e+00 : f32
        %mul3A_556 = vector.broadcast %mul3A_555 : f32 to vector<16xf32>
        %mul3A_557 = arith.mulf %get3A_554, %mul3A_556 : vector<16xf32>
        %swap3A_558 = arith.constant 0 : i32
        %swap3A_559 = arith.constant 1 : i32
        %swap3A_560 = arith.index_cast %swap3A_558 : i32 to index
        %swap3A_561 = arith.index_cast %swap3A_559 : i32 to index
        %swap3A_562 = arith.index_cast %scan3A_546 : i32 to index
        %swap3A_563 = arith.constant 0 : index
        %swap3A_564 = tpu.vector_load %arg6[%swap3A_560, %swap3A_561, %swap3A_562, %swap3A_563] {strides = array<i32>} : memref<2x4x200x64xf32, #tpu.memory_space<vmem>>, vector<1x1x1x16xf32>,
        %swap3A_565 = vector.shape_cast %swap3A_564 : vector<1x1x1x16xf32> to vector<16xf32>
        %swap3A_566 = vector.shape_cast %mul3A_557 : vector<16xf32> to vector<1x1x1x16xf32>
        tpu.vector_store %arg6[%swap3A_560, %swap3A_561, %swap3A_562, %swap3A_563], %swap3A_566 {strides = array<i32>} : memref<2x4x200x64xf32, #tpu.memory_space<vmem>>, vector<1x1x1x16xf32>,
        %get3A_567 = arith.constant 0 : i32
        %get3A_568 = arith.constant 1 : i32
        %get3A_569 = arith.index_cast %get3A_567 : i32 to index
        %get3A_570 = arith.index_cast %get3A_568 : i32 to index
        %get3A_571 = arith.index_cast %scan3A_546 : i32 to index
        %get3A_572 = arith.constant 16 : index
        %get3A_573 = tpu.vector_load %arg6[%get3A_569, %get3A_570, %get3A_571, %get3A_572] {strides = array<i32>} : memref<2x4x200x64xf32, #tpu.memory_space<vmem>>, vector<1x1x1x16xf32>,
        %get3A_574 = vector.shape_cast %get3A_573 : vector<1x1x1x16xf32> to vector<16xf32>
        %mul3A_575 = arith.constant 8.000000e+00 : f32
        %mul3A_576 = vector.broadcast %mul3A_575 : f32 to vector<16xf32>
        %mul3A_577 = arith.mulf %get3A_574, %mul3A_576 : vector<16xf32>
        %swap3A_578 = arith.constant 0 : i32
        %swap3A_579 = arith.constant 1 : i32
        %swap3A_580 = arith.index_cast %swap3A_578 : i32 to index
        %swap3A_581 = arith.index_cast %swap3A_579 : i32 to index
        %swap3A_582 = arith.index_cast %scan3A_546 : i32 to index
        %swap3A_583 = arith.constant 16 : index
        %swap3A_584 = tpu.vector_load %arg6[%swap3A_580, %swap3A_581, %swap3A_582, %swap3A_583] {strides = array<i32>} : memref<2x4x200x64xf32, #tpu.memory_space<vmem>>, vector<1x1x1x16xf32>,
        %swap3A_585 = vector.shape_cast %swap3A_584 : vector<1x1x1x16xf32> to vector<16xf32>
        %swap3A_586 = vector.shape_cast %mul3A_577 : vector<16xf32> to vector<1x1x1x16xf32>
        tpu.vector_store %arg6[%swap3A_580, %swap3A_581, %swap3A_582, %swap3A_583], %swap3A_586 {strides = array<i32>} : memref<2x4x200x64xf32, #tpu.memory_space<vmem>>, vector<1x1x1x16xf32>,
        %get3A_587 = arith.constant 0 : i32
        %get3A_588 = arith.constant 1 : i32
        %get3A_589 = arith.index_cast %get3A_587 : i32 to index
        %get3A_590 = arith.index_cast %get3A_588 : i32 to index
        %get3A_591 = arith.index_cast %scan3A_546 : i32 to index
        %get3A_592 = arith.constant 32 : index
        %get3A_593 = tpu.vector_load %arg6[%get3A_589, %get3A_590, %get3A_591, %get3A_592] {strides = array<i32>} : memref<2x4x200x64xf32, #tpu.memory_space<vmem>>, vector<1x1x1x16xf32>,
        %get3A_594 = vector.shape_cast %get3A_593 : vector<1x1x1x16xf32> to vector<16xf32>
        %mul3A_595 = arith.constant 8.000000e+00 : f32
        %mul3A_596 = vector.broadcast %mul3A_595 : f32 to vector<16xf32>
        %mul3A_597 = arith.mulf %get3A_594, %mul3A_596 : vector<16xf32>
        %swap3A_598 = arith.constant 0 : i32
        %swap3A_599 = arith.constant 1 : i32
        %swap3A_600 = arith.index_cast %swap3A_598 : i32 to index
        %swap3A_601 = arith.index_cast %swap3A_599 : i32 to index
        %swap3A_602 = arith.index_cast %scan3A_546 : i32 to index
        %swap3A_603 = arith.constant 32 : index
        %swap3A_604 = tpu.vector_load %arg6[%swap3A_600, %swap3A_601, %swap3A_602, %swap3A_603] {strides = array<i32>} : memref<2x4x200x64xf32, #tpu.memory_space<vmem>>, vector<1x1x1x16xf32>,
        %swap3A_605 = vector.shape_cast %swap3A_604 : vector<1x1x1x16xf32> to vector<16xf32>
        %swap3A_606 = vector.shape_cast %mul3A_597 : vector<16xf32> to vector<1x1x1x16xf32>
        tpu.vector_store %arg6[%swap3A_600, %swap3A_601, %swap3A_602, %swap3A_603], %swap3A_606 {strides = array<i32>} : memref<2x4x200x64xf32, #tpu.memory_space<vmem>>, vector<1x1x1x16xf32>,
        %get3A_607 = arith.constant 0 : i32
        %get3A_608 = arith.constant 1 : i32
        %get3A_609 = arith.index_cast %get3A_607 : i32 to index
        %get3A_610 = arith.index_cast %get3A_608 : i32 to index
        %get3A_611 = arith.index_cast %scan3A_546 : i32 to index
        %get3A_612 = arith.constant 48 : index
        %get3A_613 = tpu.vector_load %arg6[%get3A_609, %get3A_610, %get3A_611, %get3A_612] {strides = array<i32>} : memref<2x4x200x64xf32, #tpu.memory_space<vmem>>, vector<1x1x1x16xf32>,
        %get3A_614 = vector.shape_cast %get3A_613 : vector<1x1x1x16xf32> to vector<16xf32>
        %mul3A_615 = arith.constant 8.000000e+00 : f32
        %mul3A_616 = vector.broadcast %mul3A_615 : f32 to vector<16xf32>
        %mul3A_617 = arith.mulf %get3A_614, %mul3A_616 : vector<16xf32>
        %swap3A_618 = arith.constant 0 : i32
        %swap3A_619 = arith.constant 1 : i32
        %swap3A_620 = arith.index_cast %swap3A_618 : i32 to index
        %swap3A_621 = arith.index_cast %swap3A_619 : i32 to index
        %swap3A_622 = arith.index_cast %scan3A_546 : i32 to index
        %swap3A_623 = arith.constant 48 : index
        %swap3A_624 = tpu.vector_load %arg6[%swap3A_620, %swap3A_621, %swap3A_622, %swap3A_623] {strides = array<i32>} : memref<2x4x200x64xf32, #tpu.memory_space<vmem>>, vector<1x1x1x16xf32>,
        %swap3A_625 = vector.shape_cast %swap3A_624 : vector<1x1x1x16xf32> to vector<16xf32>
        %swap3A_626 = vector.shape_cast %mul3A_617 : vector<16xf32> to vector<1x1x1x16xf32>
        tpu.vector_store %arg6[%swap3A_620, %swap3A_621, %swap3A_622, %swap3A_623], %swap3A_626 {strides = array<i32>} : memref<2x4x200x64xf32, #tpu.memory_space<vmem>>, vector<1x1x1x16xf32>,
      }
      %scan3A_197 = arith.constant 200 : i32
      %scan3A_198 = arith.constant 0 : i32
      %scan3A_199 = arith.constant 0 : i32
      %scan3A_200 = arith.constant 200 : i32
      %scan3A_201 = arith.addi %scan3A_199, %scan3A_200 : i32
      %scan3A_202 = arith.constant 4 : i32
      scf.for %scan3A_302 = %scan3A_199 to %scan3A_201 step %scan3A_202  : i32 {
        %get3A = arith.constant 0 : i32
        %get3A_303 = arith.constant 2 : i32
        %get3A_304 = arith.index_cast %get3A : i32 to index
        %get3A_305 = arith.index_cast %get3A_303 : i32 to index
        %get3A_306 = arith.index_cast %scan3A_302 : i32 to index
        %get3A_307 = arith.constant 0 : index
        %get3A_308 = tpu.vector_load %arg6[%get3A_304, %get3A_305, %get3A_306, %get3A_307] {strides = array<i32>} : memref<2x4x200x64xf32, #tpu.memory_space<vmem>>, vector<1x1x1x16xf32>,
        %get3A_309 = vector.shape_cast %get3A_308 : vector<1x1x1x16xf32> to vector<16xf32>
        %mul3A_310 = arith.constant 8.000000e+00 : f32
        %mul3A_311 = vector.broadcast %mul3A_310 : f32 to vector<16xf32>
        %mul3A_312 = arith.mulf %get3A_309, %mul3A_311 : vector<16xf32>
        %swap3A = arith.constant 0 : i32
        %swap3A_313 = arith.constant 2 : i32
        %swap3A_314 = arith.index_cast %swap3A : i32 to index
        %swap3A_315 = arith.index_cast %swap3A_313 : i32 to index
        %swap3A_316 = arith.index_cast %scan3A_302 : i32 to index
        %swap3A_317 = arith.constant 0 : index
        %swap3A_318 = tpu.vector_load %arg6[%swap3A_314, %swap3A_315, %swap3A_316, %swap3A_317] {strides = array<i32>} : memref<2x4x200x64xf32, #tpu.memory_space<vmem>>, vector<1x1x1x16xf32>,
        %swap3A_319 = vector.shape_cast %swap3A_318 : vector<1x1x1x16xf32> to vector<16xf32>
        %swap3A_320 = vector.shape_cast %mul3A_312 : vector<16xf32> to vector<1x1x1x16xf32>
        tpu.vector_store %arg6[%swap3A_314, %swap3A_315, %swap3A_316, %swap3A_317], %swap3A_320 {strides = array<i32>} : memref<2x4x200x64xf32, #tpu.memory_space<vmem>>, vector<1x1x1x16xf32>,
        %get3A_321 = arith.constant 0 : i32
        %get3A_322 = arith.constant 2 : i32
        %get3A_323 = arith.index_cast %get3A_321 : i32 to index
        %get3A_324 = arith.index_cast %get3A_322 : i32 to index
        %get3A_325 = arith.index_cast %scan3A_302 : i32 to index
        %get3A_326 = arith.constant 16 : index
        %get3A_327 = tpu.vector_load %arg6[%get3A_323, %get3A_324, %get3A_325, %get3A_326] {strides = array<i32>} : memref<2x4x200x64xf32, #tpu.memory_space<vmem>>, vector<1x1x1x16xf32>,
        %get3A_328 = vector.shape_cast %get3A_327 : vector<1x1x1x16xf32> to vector<16xf32>
        %mul3A_329 = arith.constant 8.000000e+00 : f32
        %mul3A_330 = vector.broadcast %mul3A_329 : f32 to vector<16xf32>
        %mul3A_331 = arith.mulf %get3A_328, %mul3A_330 : vector<16xf32>
        %swap3A_332 = arith.constant 0 : i32
        %swap3A_333 = arith.constant 2 : i32
        %swap3A_334 = arith.index_cast %swap3A_332 : i32 to index
        %swap3A_335 = arith.index_cast %swap3A_333 : i32 to index
        %swap3A_336 = arith.index_cast %scan3A_302 : i32 to index
        %swap3A_337 = arith.constant 16 : index
        %swap3A_338 = tpu.vector_load %arg6[%swap3A_334, %swap3A_335, %swap3A_336, %swap3A_337] {strides = array<i32>} : memref<2x4x200x64xf32, #tpu.memory_space<vmem>>, vector<1x1x1x16xf32>,
        %swap3A_339 = vector.shape_cast %swap3A_338 : vector<1x1x1x16xf32> to vector<16xf32>
        %swap3A_340 = vector.shape_cast %mul3A_331 : vector<16xf32> to vector<1x1x1x16xf32>
        tpu.vector_store %arg6[%swap3A_334, %swap3A_335, %swap3A_336, %swap3A_337], %swap3A_340 {strides = array<i32>} : memref<2x4x200x64xf32, #tpu.memory_space<vmem>>, vector<1x1x1x16xf32>,
        %get3A_341 = arith.constant 0 : i32
        %get3A_342 = arith.constant 2 : i32
        %get3A_343 = arith.index_cast %get3A_341 : i32 to index
        %get3A_344 = arith.index_cast %get3A_342 : i32 to index
        %get3A_345 = arith.index_cast %scan3A_302 : i32 to index
        %get3A_346 = arith.constant 32 : index
        %get3A_347 = tpu.vector_load %arg6[%get3A_343, %get3A_344, %get3A_345, %get3A_346] {strides = array<i32>} : memref<2x4x200x64xf32, #tpu.memory_space<vmem>>, vector<1x1x1x16xf32>,
        %get3A_348 = vector.shape_cast %get3A_347 : vector<1x1x1x16xf32> to vector<16xf32>
        %mul3A_349 = arith.constant 8.000000e+00 : f32
        %mul3A_350 = vector.broadcast %mul3A_349 : f32 to vector<16xf32>
        %mul3A_351 = arith.mulf %get3A_348, %mul3A_350 : vector<16xf32>
        %swap3A_352 = arith.constant 0 : i32
        %swap3A_353 = arith.constant 2 : i32
        %swap3A_354 = arith.index_cast %swap3A_352 : i32 to index
        %swap3A_355 = arith.index_cast %swap3A_353 : i32 to index
        %swap3A_356 = arith.index_cast %scan3A_302 : i32 to index
        %swap3A_357 = arith.constant 32 : index
        %swap3A_358 = tpu.vector_load %arg6[%swap3A_354, %swap3A_355, %swap3A_356, %swap3A_357] {strides = array<i32>} : memref<2x4x200x64xf32, #tpu.memory_space<vmem>>, vector<1x1x1x16xf32>,
        %swap3A_359 = vector.shape_cast %swap3A_358 : vector<1x1x1x16xf32> to vector<16xf32>
        %swap3A_360 = vector.shape_cast %mul3A_351 : vector<16xf32> to vector<1x1x1x16xf32>
        tpu.vector_store %arg6[%swap3A_354, %swap3A_355, %swap3A_356, %swap3A_357], %swap3A_360 {strides = array<i32>} : memref<2x4x200x64xf32, #tpu.memory_space<vmem>>, vector<1x1x1x16xf32>,
        %get3A_361 = arith.constant 0 : i32
        %get3A_362 = arith.constant 2 : i32
        %get3A_363 = arith.index_cast %get3A_361 : i32 to index
        %get3A_364 = arith.index_cast %get3A_362 : i32 to index
        %get3A_365 = arith.index_cast %scan3A_302 : i32 to index
        %get3A_366 = arith.constant 48 : index
        %get3A_367 = tpu.vector_load %arg6[%get3A_363, %get3A_364, %get3A_365, %get3A_366] {strides = array<i32>} : memref<2x4x200x64xf32, #tpu.memory_space<vmem>>, vector<1x1x1x16xf32>,
        %get3A_368 = vector.shape_cast %get3A_367 : vector<1x1x1x16xf32> to vector<16xf32>
        %mul3A_369 = arith.constant 8.000000e+00 : f32
        %mul3A_370 = vector.broadcast %mul3A_369 : f32 to vector<16xf32>
        %mul3A_371 = arith.mulf %get3A_368, %mul3A_370 : vector<16xf32>
        %swap3A_372 = arith.constant 0 : i32
        %swap3A_373 = arith.constant 2 : i32
        %swap3A_374 = arith.index_cast %swap3A_372 : i32 to index
        %swap3A_375 = arith.index_cast %swap3A_373 : i32 to index
        %swap3A_376 = arith.index_cast %scan3A_302 : i32 to index
        %swap3A_377 = arith.constant 48 : index
        %swap3A_378 = tpu.vector_load %arg6[%swap3A_374, %swap3A_375, %swap3A_376, %swap3A_377] {strides = array<i32>} : memref<2x4x200x64xf32, #tpu.memory_space<vmem>>, vector<1x1x1x16xf32>,
        %swap3A_379 = vector.shape_cast %swap3A_378 : vector<1x1x1x16xf32> to vector<16xf32>
        %swap3A_380 = vector.shape_cast %mul3A_371 : vector<16xf32> to vector<1x1x1x16xf32>
        tpu.vector_store %arg6[%swap3A_374, %swap3A_375, %swap3A_376, %swap3A_377], %swap3A_380 {strides = array<i32>} : memref<2x4x200x64xf32, #tpu.memory_space<vmem>>, vector<1x1x1x16xf32>,
        %scan3A_381 = arith.constant 1 : i32
        %scan3A_382 = arith.addi %scan3A_302, %scan3A_381 : i32
        %get3A_383 = arith.constant 0 : i32
        %get3A_384 = arith.constant 2 : i32
        %get3A_385 = arith.index_cast %get3A_383 : i32 to index
        %get3A_386 = arith.index_cast %get3A_384 : i32 to index
        %get3A_387 = arith.index_cast %scan3A_382 : i32 to index
        %get3A_388 = arith.constant 0 : index
        %get3A_389 = tpu.vector_load %arg6[%get3A_385, %get3A_386, %get3A_387, %get3A_388] {strides = array<i32>} : memref<2x4x200x64xf32, #tpu.memory_space<vmem>>, vector<1x1x1x16xf32>,
        %get3A_390 = vector.shape_cast %get3A_389 : vector<1x1x1x16xf32> to vector<16xf32>
        %mul3A_391 = arith.constant 8.000000e+00 : f32
        %mul3A_392 = vector.broadcast %mul3A_391 : f32 to vector<16xf32>
        %mul3A_393 = arith.mulf %get3A_390, %mul3A_392 : vector<16xf32>
        %swap3A_394 = arith.constant 0 : i32
        %swap3A_395 = arith.constant 2 : i32
        %swap3A_396 = arith.index_cast %swap3A_394 : i32 to index
        %swap3A_397 = arith.index_cast %swap3A_395 : i32 to index
        %swap3A_398 = arith.index_cast %scan3A_382 : i32 to index
        %swap3A_399 = arith.constant 0 : index
        %swap3A_400 = tpu.vector_load %arg6[%swap3A_396, %swap3A_397, %swap3A_398, %swap3A_399] {strides = array<i32>} : memref<2x4x200x64xf32, #tpu.memory_space<vmem>>, vector<1x1x1x16xf32>,
        %swap3A_401 = vector.shape_cast %swap3A_400 : vector<1x1x1x16xf32> to vector<16xf32>
        %swap3A_402 = vector.shape_cast %mul3A_393 : vector<16xf32> to vector<1x1x1x16xf32>
        tpu.vector_store %arg6[%swap3A_396, %swap3A_397, %swap3A_398, %swap3A_399], %swap3A_402 {strides = array<i32>} : memref<2x4x200x64xf32, #tpu.memory_space<vmem>>, vector<1x1x1x16xf32>,
        %get3A_403 = arith.constant 0 : i32
        %get3A_404 = arith.constant 2 : i32
        %get3A_405 = arith.index_cast %get3A_403 : i32 to index
        %get3A_406 = arith.index_cast %get3A_404 : i32 to index
        %get3A_407 = arith.index_cast %scan3A_382 : i32 to index
        %get3A_408 = arith.constant 16 : index
        %get3A_409 = tpu.vector_load %arg6[%get3A_405, %get3A_406, %get3A_407, %get3A_408] {strides = array<i32>} : memref<2x4x200x64xf32, #tpu.memory_space<vmem>>, vector<1x1x1x16xf32>,
        %get3A_410 = vector.shape_cast %get3A_409 : vector<1x1x1x16xf32> to vector<16xf32>
        %mul3A_411 = arith.constant 8.000000e+00 : f32
        %mul3A_412 = vector.broadcast %mul3A_411 : f32 to vector<16xf32>
        %mul3A_413 = arith.mulf %get3A_410, %mul3A_412 : vector<16xf32>
        %swap3A_414 = arith.constant 0 : i32
        %swap3A_415 = arith.constant 2 : i32
        %swap3A_416 = arith.index_cast %swap3A_414 : i32 to index
        %swap3A_417 = arith.index_cast %swap3A_415 : i32 to index
        %swap3A_418 = arith.index_cast %scan3A_382 : i32 to index
        %swap3A_419 = arith.constant 16 : index
        %swap3A_420 = tpu.vector_load %arg6[%swap3A_416, %swap3A_417, %swap3A_418, %swap3A_419] {strides = array<i32>} : memref<2x4x200x64xf32, #tpu.memory_space<vmem>>, vector<1x1x1x16xf32>,
        %swap3A_421 = vector.shape_cast %swap3A_420 : vector<1x1x1x16xf32> to vector<16xf32>
        %swap3A_422 = vector.shape_cast %mul3A_413 : vector<16xf32> to vector<1x1x1x16xf32>
        tpu.vector_store %arg6[%swap3A_416, %swap3A_417, %swap3A_418, %swap3A_419], %swap3A_422 {strides = array<i32>} : memref<2x4x200x64xf32, #tpu.memory_space<vmem>>, vector<1x1x1x16xf32>,
        %get3A_423 = arith.constant 0 : i32
        %get3A_424 = arith.constant 2 : i32
        %get3A_425 = arith.index_cast %get3A_423 : i32 to index
        %get3A_426 = arith.index_cast %get3A_424 : i32 to index
        %get3A_427 = arith.index_cast %scan3A_382 : i32 to index
        %get3A_428 = arith.constant 32 : index
        %get3A_429 = tpu.vector_load %arg6[%get3A_425, %get3A_426, %get3A_427, %get3A_428] {strides = array<i32>} : memref<2x4x200x64xf32, #tpu.memory_space<vmem>>, vector<1x1x1x16xf32>,
        %get3A_430 = vector.shape_cast %get3A_429 : vector<1x1x1x16xf32> to vector<16xf32>
        %mul3A_431 = arith.constant 8.000000e+00 : f32
        %mul3A_432 = vector.broadcast %mul3A_431 : f32 to vector<16xf32>
        %mul3A_433 = arith.mulf %get3A_430, %mul3A_432 : vector<16xf32>
        %swap3A_434 = arith.constant 0 : i32
        %swap3A_435 = arith.constant 2 : i32
        %swap3A_436 = arith.index_cast %swap3A_434 : i32 to index
        %swap3A_437 = arith.index_cast %swap3A_435 : i32 to index
        %swap3A_438 = arith.index_cast %scan3A_382 : i32 to index
        %swap3A_439 = arith.constant 32 : index
        %swap3A_440 = tpu.vector_load %arg6[%swap3A_436, %swap3A_437, %swap3A_438, %swap3A_439] {strides = array<i32>} : memref<2x4x200x64xf32, #tpu.memory_space<vmem>>, vector<1x1x1x16xf32>,
        %swap3A_441 = vector.shape_cast %swap3A_440 : vector<1x1x1x16xf32> to vector<16xf32>
        %swap3A_442 = vector.shape_cast %mul3A_433 : vector<16xf32> to vector<1x1x1x16xf32>
        tpu.vector_store %arg6[%swap3A_436, %swap3A_437, %swap3A_438, %swap3A_439], %swap3A_442 {strides = array<i32>} : memref<2x4x200x64xf32, #tpu.memory_space<vmem>>, vector<1x1x1x16xf32>,
        %get3A_443 = arith.constant 0 : i32
        %get3A_444 = arith.constant 2 : i32
        %get3A_445 = arith.index_cast %get3A_443 : i32 to index
        %get3A_446 = arith.index_cast %get3A_444 : i32 to index
        %get3A_447 = arith.index_cast %scan3A_382 : i32 to index
        %get3A_448 = arith.constant 48 : index
        %get3A_449 = tpu.vector_load %arg6[%get3A_445, %get3A_446, %get3A_447, %get3A_448] {strides = array<i32>} : memref<2x4x200x64xf32, #tpu.memory_space<vmem>>, vector<1x1x1x16xf32>,
        %get3A_450 = vector.shape_cast %get3A_449 : vector<1x1x1x16xf32> to vector<16xf32>
        %mul3A_451 = arith.constant 8.000000e+00 : f32
        %mul3A_452 = vector.broadcast %mul3A_451 : f32 to vector<16xf32>
        %mul3A_453 = arith.mulf %get3A_450, %mul3A_452 : vector<16xf32>
        %swap3A_454 = arith.constant 0 : i32
        %swap3A_455 = arith.constant 2 : i32
        %swap3A_456 = arith.index_cast %swap3A_454 : i32 to index
        %swap3A_457 = arith.index_cast %swap3A_455 : i32 to index
        %swap3A_458 = arith.index_cast %scan3A_382 : i32 to index
        %swap3A_459 = arith.constant 48 : index
        %swap3A_460 = tpu.vector_load %arg6[%swap3A_456, %swap3A_457, %swap3A_458, %swap3A_459] {strides = array<i32>} : memref<2x4x200x64xf32, #tpu.memory_space<vmem>>, vector<1x1x1x16xf32>,
        %swap3A_461 = vector.shape_cast %swap3A_460 : vector<1x1x1x16xf32> to vector<16xf32>
        %swap3A_462 = vector.shape_cast %mul3A_453 : vector<16xf32> to vector<1x1x1x16xf32>
        tpu.vector_store %arg6[%swap3A_456, %swap3A_457, %swap3A_458, %swap3A_459], %swap3A_462 {strides = array<i32>} : memref<2x4x200x64xf32, #tpu.memory_space<vmem>>, vector<1x1x1x16xf32>,
        %scan3A_463 = arith.constant 2 : i32
        %scan3A_464 = arith.addi %scan3A_302, %scan3A_463 : i32
        %get3A_465 = arith.constant 0 : i32
        %get3A_466 = arith.constant 2 : i32
        %get3A_467 = arith.index_cast %get3A_465 : i32 to index
        %get3A_468 = arith.index_cast %get3A_466 : i32 to index
        %get3A_469 = arith.index_cast %scan3A_464 : i32 to index
        %get3A_470 = arith.constant 0 : index
        %get3A_471 = tpu.vector_load %arg6[%get3A_467, %get3A_468, %get3A_469, %get3A_470] {strides = array<i32>} : memref<2x4x200x64xf32, #tpu.memory_space<vmem>>, vector<1x1x1x16xf32>,
        %get3A_472 = vector.shape_cast %get3A_471 : vector<1x1x1x16xf32> to vector<16xf32>
        %mul3A_473 = arith.constant 8.000000e+00 : f32
        %mul3A_474 = vector.broadcast %mul3A_473 : f32 to vector<16xf32>
        %mul3A_475 = arith.mulf %get3A_472, %mul3A_474 : vector<16xf32>
        %swap3A_476 = arith.constant 0 : i32
        %swap3A_477 = arith.constant 2 : i32
        %swap3A_478 = arith.index_cast %swap3A_476 : i32 to index
        %swap3A_479 = arith.index_cast %swap3A_477 : i32 to index
        %swap3A_480 = arith.index_cast %scan3A_464 : i32 to index
        %swap3A_481 = arith.constant 0 : index
        %swap3A_482 = tpu.vector_load %arg6[%swap3A_478, %swap3A_479, %swap3A_480, %swap3A_481] {strides = array<i32>} : memref<2x4x200x64xf32, #tpu.memory_space<vmem>>, vector<1x1x1x16xf32>,
        %swap3A_483 = vector.shape_cast %swap3A_482 : vector<1x1x1x16xf32> to vector<16xf32>
        %swap3A_484 = vector.shape_cast %mul3A_475 : vector<16xf32> to vector<1x1x1x16xf32>
        tpu.vector_store %arg6[%swap3A_478, %swap3A_479, %swap3A_480, %swap3A_481], %swap3A_484 {strides = array<i32>} : memref<2x4x200x64xf32, #tpu.memory_space<vmem>>, vector<1x1x1x16xf32>,
        %get3A_485 = arith.constant 0 : i32
        %get3A_486 = arith.constant 2 : i32
        %get3A_487 = arith.index_cast %get3A_485 : i32 to index
        %get3A_488 = arith.index_cast %get3A_486 : i32 to index
        %get3A_489 = arith.index_cast %scan3A_464 : i32 to index
        %get3A_490 = arith.constant 16 : index
        %get3A_491 = tpu.vector_load %arg6[%get3A_487, %get3A_488, %get3A_489, %get3A_490] {strides = array<i32>} : memref<2x4x200x64xf32, #tpu.memory_space<vmem>>, vector<1x1x1x16xf32>,
        %get3A_492 = vector.shape_cast %get3A_491 : vector<1x1x1x16xf32> to vector<16xf32>
        %mul3A_493 = arith.constant 8.000000e+00 : f32
        %mul3A_494 = vector.broadcast %mul3A_493 : f32 to vector<16xf32>
        %mul3A_495 = arith.mulf %get3A_492, %mul3A_494 : vector<16xf32>
        %swap3A_496 = arith.constant 0 : i32
        %swap3A_497 = arith.constant 2 : i32
        %swap3A_498 = arith.index_cast %swap3A_496 : i32 to index
        %swap3A_499 = arith.index_cast %swap3A_497 : i32 to index
        %swap3A_500 = arith.index_cast %scan3A_464 : i32 to index
        %swap3A_501 = arith.constant 16 : index
        %swap3A_502 = tpu.vector_load %arg6[%swap3A_498, %swap3A_499, %swap3A_500, %swap3A_501] {strides = array<i32>} : memref<2x4x200x64xf32, #tpu.memory_space<vmem>>, vector<1x1x1x16xf32>,
        %swap3A_503 = vector.shape_cast %swap3A_502 : vector<1x1x1x16xf32> to vector<16xf32>
        %swap3A_504 = vector.shape_cast %mul3A_495 : vector<16xf32> to vector<1x1x1x16xf32>
        tpu.vector_store %arg6[%swap3A_498, %swap3A_499, %swap3A_500, %swap3A_501], %swap3A_504 {strides = array<i32>} : memref<2x4x200x64xf32, #tpu.memory_space<vmem>>, vector<1x1x1x16xf32>,
        %get3A_505 = arith.constant 0 : i32
        %get3A_506 = arith.constant 2 : i32
        %get3A_507 = arith.index_cast %get3A_505 : i32 to index
        %get3A_508 = arith.index_cast %get3A_506 : i32 to index
        %get3A_509 = arith.index_cast %scan3A_464 : i32 to index
        %get3A_510 = arith.constant 32 : index
        %get3A_511 = tpu.vector_load %arg6[%get3A_507, %get3A_508, %get3A_509, %get3A_510] {strides = array<i32>} : memref<2x4x200x64xf32, #tpu.memory_space<vmem>>, vector<1x1x1x16xf32>,
        %get3A_512 = vector.shape_cast %get3A_511 : vector<1x1x1x16xf32> to vector<16xf32>
        %mul3A_513 = arith.constant 8.000000e+00 : f32
        %mul3A_514 = vector.broadcast %mul3A_513 : f32 to vector<16xf32>
        %mul3A_515 = arith.mulf %get3A_512, %mul3A_514 : vector<16xf32>
        %swap3A_516 = arith.constant 0 : i32
        %swap3A_517 = arith.constant 2 : i32
        %swap3A_518 = arith.index_cast %swap3A_516 : i32 to index
        %swap3A_519 = arith.index_cast %swap3A_517 : i32 to index
        %swap3A_520 = arith.index_cast %scan3A_464 : i32 to index
        %swap3A_521 = arith.constant 32 : index
        %swap3A_522 = tpu.vector_load %arg6[%swap3A_518, %swap3A_519, %swap3A_520, %swap3A_521] {strides = array<i32>} : memref<2x4x200x64xf32, #tpu.memory_space<vmem>>, vector<1x1x1x16xf32>,
        %swap3A_523 = vector.shape_cast %swap3A_522 : vector<1x1x1x16xf32> to vector<16xf32>
        %swap3A_524 = vector.shape_cast %mul3A_515 : vector<16xf32> to vector<1x1x1x16xf32>
        tpu.vector_store %arg6[%swap3A_518, %swap3A_519, %swap3A_520, %swap3A_521], %swap3A_524 {strides = array<i32>} : memref<2x4x200x64xf32, #tpu.memory_space<vmem>>, vector<1x1x1x16xf32>,
        %get3A_525 = arith.constant 0 : i32
        %get3A_526 = arith.constant 2 : i32
        %get3A_527 = arith.index_cast %get3A_525 : i32 to index
        %get3A_528 = arith.index_cast %get3A_526 : i32 to index
        %get3A_529 = arith.index_cast %scan3A_464 : i32 to index
        %get3A_530 = arith.constant 48 : index
        %get3A_531 = tpu.vector_load %arg6[%get3A_527, %get3A_528, %get3A_529, %get3A_530] {strides = array<i32>} : memref<2x4x200x64xf32, #tpu.memory_space<vmem>>, vector<1x1x1x16xf32>,
        %get3A_532 = vector.shape_cast %get3A_531 : vector<1x1x1x16xf32> to vector<16xf32>
        %mul3A_533 = arith.constant 8.000000e+00 : f32
        %mul3A_534 = vector.broadcast %mul3A_533 : f32 to vector<16xf32>
        %mul3A_535 = arith.mulf %get3A_532, %mul3A_534 : vector<16xf32>
        %swap3A_536 = arith.constant 0 : i32
        %swap3A_537 = arith.constant 2 : i32
        %swap3A_538 = arith.index_cast %swap3A_536 : i32 to index
        %swap3A_539 = arith.index_cast %swap3A_537 : i32 to index
        %swap3A_540 = arith.index_cast %scan3A_464 : i32 to index
        %swap3A_541 = arith.constant 48 : index
        %swap3A_542 = tpu.vector_load %arg6[%swap3A_538, %swap3A_539, %swap3A_540, %swap3A_541] {strides = array<i32>} : memref<2x4x200x64xf32, #tpu.memory_space<vmem>>, vector<1x1x1x16xf32>,
        %swap3A_543 = vector.shape_cast %swap3A_542 : vector<1x1x1x16xf32> to vector<16xf32>
        %swap3A_544 = vector.shape_cast %mul3A_535 : vector<16xf32> to vector<1x1x1x16xf32>
        tpu.vector_store %arg6[%swap3A_538, %swap3A_539, %swap3A_540, %swap3A_541], %swap3A_544 {strides = array<i32>} : memref<2x4x200x64xf32, #tpu.memory_space<vmem>>, vector<1x1x1x16xf32>,
        %scan3A_545 = arith.constant 3 : i32
        %scan3A_546 = arith.addi %scan3A_302, %scan3A_545 : i32
        %get3A_547 = arith.constant 0 : i32
        %get3A_548 = arith.constant 2 : i32
        %get3A_549 = arith.index_cast %get3A_547 : i32 to index
        %get3A_550 = arith.index_cast %get3A_548 : i32 to index
        %get3A_551 = arith.index_cast %scan3A_546 : i32 to index
        %get3A_552 = arith.constant 0 : index
        %get3A_553 = tpu.vector_load %arg6[%get3A_549, %get3A_550, %get3A_551, %get3A_552] {strides = array<i32>} : memref<2x4x200x64xf32, #tpu.memory_space<vmem>>, vector<1x1x1x16xf32>,
        %get3A_554 = vector.shape_cast %get3A_553 : vector<1x1x1x16xf32> to vector<16xf32>
        %mul3A_555 = arith.constant 8.000000e+00 : f32
        %mul3A_556 = vector.broadcast %mul3A_555 : f32 to vector<16xf32>
        %mul3A_557 = arith.mulf %get3A_554, %mul3A_556 : vector<16xf32>
        %swap3A_558 = arith.constant 0 : i32
        %swap3A_559 = arith.constant 2 : i32
        %swap3A_560 = arith.index_cast %swap3A_558 : i32 to index
        %swap3A_561 = arith.index_cast %swap3A_559 : i32 to index
        %swap3A_562 = arith.index_cast %scan3A_546 : i32 to index
        %swap3A_563 = arith.constant 0 : index
        %swap3A_564 = tpu.vector_load %arg6[%swap3A_560, %swap3A_561, %swap3A_562, %swap3A_563] {strides = array<i32>} : memref<2x4x200x64xf32, #tpu.memory_space<vmem>>, vector<1x1x1x16xf32>,
        %swap3A_565 = vector.shape_cast %swap3A_564 : vector<1x1x1x16xf32> to vector<16xf32>
        %swap3A_566 = vector.shape_cast %mul3A_557 : vector<16xf32> to vector<1x1x1x16xf32>
        tpu.vector_store %arg6[%swap3A_560, %swap3A_561, %swap3A_562, %swap3A_563], %swap3A_566 {strides = array<i32>} : memref<2x4x200x64xf32, #tpu.memory_space<vmem>>, vector<1x1x1x16xf32>,
        %get3A_567 = arith.constant 0 : i32
        %get3A_568 = arith.constant 2 : i32
        %get3A_569 = arith.index_cast %get3A_567 : i32 to index
        %get3A_570 = arith.index_cast %get3A_568 : i32 to index
        %get3A_571 = arith.index_cast %scan3A_546 : i32 to index
        %get3A_572 = arith.constant 16 : index
        %get3A_573 = tpu.vector_load %arg6[%get3A_569, %get3A_570, %get3A_571, %get3A_572] {strides = array<i32>} : memref<2x4x200x64xf32, #tpu.memory_space<vmem>>, vector<1x1x1x16xf32>,
        %get3A_574 = vector.shape_cast %get3A_573 : vector<1x1x1x16xf32> to vector<16xf32>
        %mul3A_575 = arith.constant 8.000000e+00 : f32
        %mul3A_576 = vector.broadcast %mul3A_575 : f32 to vector<16xf32>
        %mul3A_577 = arith.mulf %get3A_574, %mul3A_576 : vector<16xf32>
        %swap3A_578 = arith.constant 0 : i32
        %swap3A_579 = arith.constant 2 : i32
        %swap3A_580 = arith.index_cast %swap3A_578 : i32 to index
        %swap3A_581 = arith.index_cast %swap3A_579 : i32 to index
        %swap3A_582 = arith.index_cast %scan3A_546 : i32 to index
        %swap3A_583 = arith.constant 16 : index
        %swap3A_584 = tpu.vector_load %arg6[%swap3A_580, %swap3A_581, %swap3A_582, %swap3A_583] {strides = array<i32>} : memref<2x4x200x64xf32, #tpu.memory_space<vmem>>, vector<1x1x1x16xf32>,
        %swap3A_585 = vector.shape_cast %swap3A_584 : vector<1x1x1x16xf32> to vector<16xf32>
        %swap3A_586 = vector.shape_cast %mul3A_577 : vector<16xf32> to vector<1x1x1x16xf32>
        tpu.vector_store %arg6[%swap3A_580, %swap3A_581, %swap3A_582, %swap3A_583], %swap3A_586 {strides = array<i32>} : memref<2x4x200x64xf32, #tpu.memory_space<vmem>>, vector<1x1x1x16xf32>,
        %get3A_587 = arith.constant 0 : i32
        %get3A_588 = arith.constant 2 : i32
        %get3A_589 = arith.index_cast %get3A_587 : i32 to index
        %get3A_590 = arith.index_cast %get3A_588 : i32 to index
        %get3A_591 = arith.index_cast %scan3A_546 : i32 to index
        %get3A_592 = arith.constant 32 : index
        %get3A_593 = tpu.vector_load %arg6[%get3A_589, %get3A_590, %get3A_591, %get3A_592] {strides = array<i32>} : memref<2x4x200x64xf32, #tpu.memory_space<vmem>>, vector<1x1x1x16xf32>,
        %get3A_594 = vector.shape_cast %get3A_593 : vector<1x1x1x16xf32> to vector<16xf32>
        %mul3A_595 = arith.constant 8.000000e+00 : f32
        %mul3A_596 = vector.broadcast %mul3A_595 : f32 to vector<16xf32>
        %mul3A_597 = arith.mulf %get3A_594, %mul3A_596 : vector<16xf32>
        %swap3A_598 = arith.constant 0 : i32
        %swap3A_599 = arith.constant 2 : i32
        %swap3A_600 = arith.index_cast %swap3A_598 : i32 to index
        %swap3A_601 = arith.index_cast %swap3A_599 : i32 to index
        %swap3A_602 = arith.index_cast %scan3A_546 : i32 to index
        %swap3A_603 = arith.constant 32 : index
        %swap3A_604 = tpu.vector_load %arg6[%swap3A_600, %swap3A_601, %swap3A_602, %swap3A_603] {strides = array<i32>} : memref<2x4x200x64xf32, #tpu.memory_space<vmem>>, vector<1x1x1x16xf32>,
        %swap3A_605 = vector.shape_cast %swap3A_604 : vector<1x1x1x16xf32> to vector<16xf32>
        %swap3A_606 = vector.shape_cast %mul3A_597 : vector<16xf32> to vector<1x1x1x16xf32>
        tpu.vector_store %arg6[%swap3A_600, %swap3A_601, %swap3A_602, %swap3A_603], %swap3A_606 {strides = array<i32>} : memref<2x4x200x64xf32, #tpu.memory_space<vmem>>, vector<1x1x1x16xf32>,
        %get3A_607 = arith.constant 0 : i32
        %get3A_608 = arith.constant 2 : i32
        %get3A_609 = arith.index_cast %get3A_607 : i32 to index
        %get3A_610 = arith.index_cast %get3A_608 : i32 to index
        %get3A_611 = arith.index_cast %scan3A_546 : i32 to index
        %get3A_612 = arith.constant 48 : index
        %get3A_613 = tpu.vector_load %arg6[%get3A_609, %get3A_610, %get3A_611, %get3A_612] {strides = array<i32>} : memref<2x4x200x64xf32, #tpu.memory_space<vmem>>, vector<1x1x1x16xf32>,
        %get3A_614 = vector.shape_cast %get3A_613 : vector<1x1x1x16xf32> to vector<16xf32>
        %mul3A_615 = arith.constant 8.000000e+00 : f32
        %mul3A_616 = vector.broadcast %mul3A_615 : f32 to vector<16xf32>
        %mul3A_617 = arith.mulf %get3A_614, %mul3A_616 : vector<16xf32>
        %swap3A_618 = arith.constant 0 : i32
        %swap3A_619 = arith.constant 2 : i32
        %swap3A_620 = arith.index_cast %swap3A_618 : i32 to index
        %swap3A_621 = arith.index_cast %swap3A_619 : i32 to index
        %swap3A_622 = arith.index_cast %scan3A_546 : i32 to index
        %swap3A_623 = arith.constant 48 : index
        %swap3A_624 = tpu.vector_load %arg6[%swap3A_620, %swap3A_621, %swap3A_622, %swap3A_623] {strides = array<i32>} : memref<2x4x200x64xf32, #tpu.memory_space<vmem>>, vector<1x1x1x16xf32>,
        %swap3A_625 = vector.shape_cast %swap3A_624 : vector<1x1x1x16xf32> to vector<16xf32>
        %swap3A_626 = vector.shape_cast %mul3A_617 : vector<16xf32> to vector<1x1x1x16xf32>
        tpu.vector_store %arg6[%swap3A_620, %swap3A_621, %swap3A_622, %swap3A_623], %swap3A_626 {strides = array<i32>} : memref<2x4x200x64xf32, #tpu.memory_space<vmem>>, vector<1x1x1x16xf32>,
      }
      %scan3A_203 = arith.constant 200 : i32
      %scan3A_204 = arith.constant 0 : i32
      %scan3A_205 = arith.constant 0 : i32
      %scan3A_206 = arith.constant 200 : i32
      %scan3A_207 = arith.addi %scan3A_205, %scan3A_206 : i32
      %scan3A_208 = arith.constant 4 : i32
      scf.for %scan3A_302 = %scan3A_205 to %scan3A_207 step %scan3A_208  : i32 {
        %get3A = arith.constant 0 : i32
        %get3A_303 = arith.constant 3 : i32
        %get3A_304 = arith.index_cast %get3A : i32 to index
        %get3A_305 = arith.index_cast %get3A_303 : i32 to index
        %get3A_306 = arith.index_cast %scan3A_302 : i32 to index
        %get3A_307 = arith.constant 0 : index
        %get3A_308 = tpu.vector_load %arg6[%get3A_304, %get3A_305, %get3A_306, %get3A_307] {strides = array<i32>} : memref<2x4x200x64xf32, #tpu.memory_space<vmem>>, vector<1x1x1x16xf32>,
        %get3A_309 = vector.shape_cast %get3A_308 : vector<1x1x1x16xf32> to vector<16xf32>
        %mul3A_310 = arith.constant 8.000000e+00 : f32
        %mul3A_311 = vector.broadcast %mul3A_310 : f32 to vector<16xf32>
        %mul3A_312 = arith.mulf %get3A_309, %mul3A_311 : vector<16xf32>
        %swap3A = arith.constant 0 : i32
        %swap3A_313 = arith.constant 3 : i32
        %swap3A_314 = arith.index_cast %swap3A : i32 to index
        %swap3A_315 = arith.index_cast %swap3A_313 : i32 to index
        %swap3A_316 = arith.index_cast %scan3A_302 : i32 to index
        %swap3A_317 = arith.constant 0 : index
        %swap3A_318 = tpu.vector_load %arg6[%swap3A_314, %swap3A_315, %swap3A_316, %swap3A_317] {strides = array<i32>} : memref<2x4x200x64xf32, #tpu.memory_space<vmem>>, vector<1x1x1x16xf32>,
        %swap3A_319 = vector.shape_cast %swap3A_318 : vector<1x1x1x16xf32> to vector<16xf32>
        %swap3A_320 = vector.shape_cast %mul3A_312 : vector<16xf32> to vector<1x1x1x16xf32>
        tpu.vector_store %arg6[%swap3A_314, %swap3A_315, %swap3A_316, %swap3A_317], %swap3A_320 {strides = array<i32>} : memref<2x4x200x64xf32, #tpu.memory_space<vmem>>, vector<1x1x1x16xf32>,
        %get3A_321 = arith.constant 0 : i32
        %get3A_322 = arith.constant 3 : i32
        %get3A_323 = arith.index_cast %get3A_321 : i32 to index
        %get3A_324 = arith.index_cast %get3A_322 : i32 to index
        %get3A_325 = arith.index_cast %scan3A_302 : i32 to index
        %get3A_326 = arith.constant 16 : index
        %get3A_327 = tpu.vector_load %arg6[%get3A_323, %get3A_324, %get3A_325, %get3A_326] {strides = array<i32>} : memref<2x4x200x64xf32, #tpu.memory_space<vmem>>, vector<1x1x1x16xf32>,
        %get3A_328 = vector.shape_cast %get3A_327 : vector<1x1x1x16xf32> to vector<16xf32>
        %mul3A_329 = arith.constant 8.000000e+00 : f32
        %mul3A_330 = vector.broadcast %mul3A_329 : f32 to vector<16xf32>
        %mul3A_331 = arith.mulf %get3A_328, %mul3A_330 : vector<16xf32>
        %swap3A_332 = arith.constant 0 : i32
        %swap3A_333 = arith.constant 3 : i32
        %swap3A_334 = arith.index_cast %swap3A_332 : i32 to index
        %swap3A_335 = arith.index_cast %swap3A_333 : i32 to index
        %swap3A_336 = arith.index_cast %scan3A_302 : i32 to index
        %swap3A_337 = arith.constant 16 : index
        %swap3A_338 = tpu.vector_load %arg6[%swap3A_334, %swap3A_335, %swap3A_336, %swap3A_337] {strides = array<i32>} : memref<2x4x200x64xf32, #tpu.memory_space<vmem>>, vector<1x1x1x16xf32>,
        %swap3A_339 = vector.shape_cast %swap3A_338 : vector<1x1x1x16xf32> to vector<16xf32>
        %swap3A_340 = vector.shape_cast %mul3A_331 : vector<16xf32> to vector<1x1x1x16xf32>
        tpu.vector_store %arg6[%swap3A_334, %swap3A_335, %swap3A_336, %swap3A_337], %swap3A_340 {strides = array<i32>} : memref<2x4x200x64xf32, #tpu.memory_space<vmem>>, vector<1x1x1x16xf32>,
        %get3A_341 = arith.constant 0 : i32
        %get3A_342 = arith.constant 3 : i32
        %get3A_343 = arith.index_cast %get3A_341 : i32 to index
        %get3A_344 = arith.index_cast %get3A_342 : i32 to index
        %get3A_345 = arith.index_cast %scan3A_302 : i32 to index
        %get3A_346 = arith.constant 32 : index
        %get3A_347 = tpu.vector_load %arg6[%get3A_343, %get3A_344, %get3A_345, %get3A_346] {strides = array<i32>} : memref<2x4x200x64xf32, #tpu.memory_space<vmem>>, vector<1x1x1x16xf32>,
        %get3A_348 = vector.shape_cast %get3A_347 : vector<1x1x1x16xf32> to vector<16xf32>
        %mul3A_349 = arith.constant 8.000000e+00 : f32
        %mul3A_350 = vector.broadcast %mul3A_349 : f32 to vector<16xf32>
        %mul3A_351 = arith.mulf %get3A_348, %mul3A_350 : vector<16xf32>
        %swap3A_352 = arith.constant 0 : i32
        %swap3A_353 = arith.constant 3 : i32
        %swap3A_354 = arith.index_cast %swap3A_352 : i32 to index
        %swap3A_355 = arith.index_cast %swap3A_353 : i32 to index
        %swap3A_356 = arith.index_cast %scan3A_302 : i32 to index
        %swap3A_357 = arith.constant 32 : index
        %swap3A_358 = tpu.vector_load %arg6[%swap3A_354, %swap3A_355, %swap3A_356, %swap3A_357] {strides = array<i32>} : memref<2x4x200x64xf32, #tpu.memory_space<vmem>>, vector<1x1x1x16xf32>,
        %swap3A_359 = vector.shape_cast %swap3A_358 : vector<1x1x1x16xf32> to vector<16xf32>
        %swap3A_360 = vector.shape_cast %mul3A_351 : vector<16xf32> to vector<1x1x1x16xf32>
        tpu.vector_store %arg6[%swap3A_354, %swap3A_355, %swap3A_356, %swap3A_357], %swap3A_360 {strides = array<i32>} : memref<2x4x200x64xf32, #tpu.memory_space<vmem>>, vector<1x1x1x16xf32>,
        %get3A_361 = arith.constant 0 : i32
        %get3A_362 = arith.constant 3 : i32
        %get3A_363 = arith.index_cast %get3A_361 : i32 to index
        %get3A_364 = arith.index_cast %get3A_362 : i32 to index
        %get3A_365 = arith.index_cast %scan3A_302 : i32 to index
        %get3A_366 = arith.constant 48 : index
        %get3A_367 = tpu.vector_load %arg6[%get3A_363, %get3A_364, %get3A_365, %get3A_366] {strides = array<i32>} : memref<2x4x200x64xf32, #tpu.memory_space<vmem>>, vector<1x1x1x16xf32>,
        %get3A_368 = vector.shape_cast %get3A_367 : vector<1x1x1x16xf32> to vector<16xf32>
        %mul3A_369 = arith.constant 8.000000e+00 : f32
        %mul3A_370 = vector.broadcast %mul3A_369 : f32 to vector<16xf32>
        %mul3A_371 = arith.mulf %get3A_368, %mul3A_370 : vector<16xf32>
        %swap3A_372 = arith.constant 0 : i32
        %swap3A_373 = arith.constant 3 : i32
        %swap3A_374 = arith.index_cast %swap3A_372 : i32 to index
        %swap3A_375 = arith.index_cast %swap3A_373 : i32 to index
        %swap3A_376 = arith.index_cast %scan3A_302 : i32 to index
        %swap3A_377 = arith.constant 48 : index
        %swap3A_378 = tpu.vector_load %arg6[%swap3A_374, %swap3A_375, %swap3A_376, %swap3A_377] {strides = array<i32>} : memref<2x4x200x64xf32, #tpu.memory_space<vmem>>, vector<1x1x1x16xf32>,
        %swap3A_379 = vector.shape_cast %swap3A_378 : vector<1x1x1x16xf32> to vector<16xf32>
        %swap3A_380 = vector.shape_cast %mul3A_371 : vector<16xf32> to vector<1x1x1x16xf32>
        tpu.vector_store %arg6[%swap3A_374, %swap3A_375, %swap3A_376, %swap3A_377], %swap3A_380 {strides = array<i32>} : memref<2x4x200x64xf32, #tpu.memory_space<vmem>>, vector<1x1x1x16xf32>,
        %scan3A_381 = arith.constant 1 : i32
        %scan3A_382 = arith.addi %scan3A_302, %scan3A_381 : i32
        %get3A_383 = arith.constant 0 : i32
        %get3A_384 = arith.constant 3 : i32
        %get3A_385 = arith.index_cast %get3A_383 : i32 to index
        %get3A_386 = arith.index_cast %get3A_384 : i32 to index
        %get3A_387 = arith.index_cast %scan3A_382 : i32 to index
        %get3A_388 = arith.constant 0 : index
        %get3A_389 = tpu.vector_load %arg6[%get3A_385, %get3A_386, %get3A_387, %get3A_388] {strides = array<i32>} : memref<2x4x200x64xf32, #tpu.memory_space<vmem>>, vector<1x1x1x16xf32>,
        %get3A_390 = vector.shape_cast %get3A_389 : vector<1x1x1x16xf32> to vector<16xf32>
        %mul3A_391 = arith.constant 8.000000e+00 : f32
        %mul3A_392 = vector.broadcast %mul3A_391 : f32 to vector<16xf32>
        %mul3A_393 = arith.mulf %get3A_390, %mul3A_392 : vector<16xf32>
        %swap3A_394 = arith.constant 0 : i32
        %swap3A_395 = arith.constant 3 : i32
        %swap3A_396 = arith.index_cast %swap3A_394 : i32 to index
        %swap3A_397 = arith.index_cast %swap3A_395 : i32 to index
        %swap3A_398 = arith.index_cast %scan3A_382 : i32 to index
        %swap3A_399 = arith.constant 0 : index
        %swap3A_400 = tpu.vector_load %arg6[%swap3A_396, %swap3A_397, %swap3A_398, %swap3A_399] {strides = array<i32>} : memref<2x4x200x64xf32, #tpu.memory_space<vmem>>, vector<1x1x1x16xf32>,
        %swap3A_401 = vector.shape_cast %swap3A_400 : vector<1x1x1x16xf32> to vector<16xf32>
        %swap3A_402 = vector.shape_cast %mul3A_393 : vector<16xf32> to vector<1x1x1x16xf32>
        tpu.vector_store %arg6[%swap3A_396, %swap3A_397, %swap3A_398, %swap3A_399], %swap3A_402 {strides = array<i32>} : memref<2x4x200x64xf32, #tpu.memory_space<vmem>>, vector<1x1x1x16xf32>,
        %get3A_403 = arith.constant 0 : i32
        %get3A_404 = arith.constant 3 : i32
        %get3A_405 = arith.index_cast %get3A_403 : i32 to index
        %get3A_406 = arith.index_cast %get3A_404 : i32 to index
        %get3A_407 = arith.index_cast %scan3A_382 : i32 to index
        %get3A_408 = arith.constant 16 : index
        %get3A_409 = tpu.vector_load %arg6[%get3A_405, %get3A_406, %get3A_407, %get3A_408] {strides = array<i32>} : memref<2x4x200x64xf32, #tpu.memory_space<vmem>>, vector<1x1x1x16xf32>,
        %get3A_410 = vector.shape_cast %get3A_409 : vector<1x1x1x16xf32> to vector<16xf32>
        %mul3A_411 = arith.constant 8.000000e+00 : f32
        %mul3A_412 = vector.broadcast %mul3A_411 : f32 to vector<16xf32>
        %mul3A_413 = arith.mulf %get3A_410, %mul3A_412 : vector<16xf32>
        %swap3A_414 = arith.constant 0 : i32
        %swap3A_415 = arith.constant 3 : i32
        %swap3A_416 = arith.index_cast %swap3A_414 : i32 to index
        %swap3A_417 = arith.index_cast %swap3A_415 : i32 to index
        %swap3A_418 = arith.index_cast %scan3A_382 : i32 to index
        %swap3A_419 = arith.constant 16 : index
        %swap3A_420 = tpu.vector_load %arg6[%swap3A_416, %swap3A_417, %swap3A_418, %swap3A_419] {strides = array<i32>} : memref<2x4x200x64xf32, #tpu.memory_space<vmem>>, vector<1x1x1x16xf32>,
        %swap3A_421 = vector.shape_cast %swap3A_420 : vector<1x1x1x16xf32> to vector<16xf32>
        %swap3A_422 = vector.shape_cast %mul3A_413 : vector<16xf32> to vector<1x1x1x16xf32>
        tpu.vector_store %arg6[%swap3A_416, %swap3A_417, %swap3A_418, %swap3A_419], %swap3A_422 {strides = array<i32>} : memref<2x4x200x64xf32, #tpu.memory_space<vmem>>, vector<1x1x1x16xf32>,
        %get3A_423 = arith.constant 0 : i32
        %get3A_424 = arith.constant 3 : i32
        %get3A_425 = arith.index_cast %get3A_423 : i32 to index
        %get3A_426 = arith.index_cast %get3A_424 : i32 to index
        %get3A_427 = arith.index_cast %scan3A_382 : i32 to index
        %get3A_428 = arith.constant 32 : index
        %get3A_429 = tpu.vector_load %arg6[%get3A_425, %get3A_426, %get3A_427, %get3A_428] {strides = array<i32>} : memref<2x4x200x64xf32, #tpu.memory_space<vmem>>, vector<1x1x1x16xf32>,
        %get3A_430 = vector.shape_cast %get3A_429 : vector<1x1x1x16xf32> to vector<16xf32>
        %mul3A_431 = arith.constant 8.000000e+00 : f32
        %mul3A_432 = vector.broadcast %mul3A_431 : f32 to vector<16xf32>
        %mul3A_433 = arith.mulf %get3A_430, %mul3A_432 : vector<16xf32>
        %swap3A_434 = arith.constant 0 : i32
        %swap3A_435 = arith.constant 3 : i32
        %swap3A_436 = arith.index_cast %swap3A_434 : i32 to index
        %swap3A_437 = arith.index_cast %swap3A_435 : i32 to index
        %swap3A_438 = arith.index_cast %scan3A_382 : i32 to index
        %swap3A_439 = arith.constant 32 : index
        %swap3A_440 = tpu.vector_load %arg6[%swap3A_436, %swap3A_437, %swap3A_438, %swap3A_439] {strides = array<i32>} : memref<2x4x200x64xf32, #tpu.memory_space<vmem>>, vector<1x1x1x16xf32>,
        %swap3A_441 = vector.shape_cast %swap3A_440 : vector<1x1x1x16xf32> to vector<16xf32>
        %swap3A_442 = vector.shape_cast %mul3A_433 : vector<16xf32> to vector<1x1x1x16xf32>
        tpu.vector_store %arg6[%swap3A_436, %swap3A_437, %swap3A_438, %swap3A_439], %swap3A_442 {strides = array<i32>} : memref<2x4x200x64xf32, #tpu.memory_space<vmem>>, vector<1x1x1x16xf32>,
        %get3A_443 = arith.constant 0 : i32
        %get3A_444 = arith.constant 3 : i32
        %get3A_445 = arith.index_cast %get3A_443 : i32 to index
        %get3A_446 = arith.index_cast %get3A_444 : i32 to index
        %get3A_447 = arith.index_cast %scan3A_382 : i32 to index
        %get3A_448 = arith.constant 48 : index
        %get3A_449 = tpu.vector_load %arg6[%get3A_445, %get3A_446, %get3A_447, %get3A_448] {strides = array<i32>} : memref<2x4x200x64xf32, #tpu.memory_space<vmem>>, vector<1x1x1x16xf32>,
        %get3A_450 = vector.shape_cast %get3A_449 : vector<1x1x1x16xf32> to vector<16xf32>
        %mul3A_451 = arith.constant 8.000000e+00 : f32
        %mul3A_452 = vector.broadcast %mul3A_451 : f32 to vector<16xf32>
        %mul3A_453 = arith.mulf %get3A_450, %mul3A_452 : vector<16xf32>
        %swap3A_454 = arith.constant 0 : i32
        %swap3A_455 = arith.constant 3 : i32
        %swap3A_456 = arith.index_cast %swap3A_454 : i32 to index
        %swap3A_457 = arith.index_cast %swap3A_455 : i32 to index
        %swap3A_458 = arith.index_cast %scan3A_382 : i32 to index
        %swap3A_459 = arith.constant 48 : index
        %swap3A_460 = tpu.vector_load %arg6[%swap3A_456, %swap3A_457, %swap3A_458, %swap3A_459] {strides = array<i32>} : memref<2x4x200x64xf32, #tpu.memory_space<vmem>>, vector<1x1x1x16xf32>,
        %swap3A_461 = vector.shape_cast %swap3A_460 : vector<1x1x1x16xf32> to vector<16xf32>
        %swap3A_462 = vector.shape_cast %mul3A_453 : vector<16xf32> to vector<1x1x1x16xf32>
        tpu.vector_store %arg6[%swap3A_456, %swap3A_457, %swap3A_458, %swap3A_459], %swap3A_462 {strides = array<i32>} : memref<2x4x200x64xf32, #tpu.memory_space<vmem>>, vector<1x1x1x16xf32>,
        %scan3A_463 = arith.constant 2 : i32
        %scan3A_464 = arith.addi %scan3A_302, %scan3A_463 : i32
        %get3A_465 = arith.constant 0 : i32
        %get3A_466 = arith.constant 3 : i32
        %get3A_467 = arith.index_cast %get3A_465 : i32 to index
        %get3A_468 = arith.index_cast %get3A_466 : i32 to index
        %get3A_469 = arith.index_cast %scan3A_464 : i32 to index
        %get3A_470 = arith.constant 0 : index
        %get3A_471 = tpu.vector_load %arg6[%get3A_467, %get3A_468, %get3A_469, %get3A_470] {strides = array<i32>} : memref<2x4x200x64xf32, #tpu.memory_space<vmem>>, vector<1x1x1x16xf32>,
        %get3A_472 = vector.shape_cast %get3A_471 : vector<1x1x1x16xf32> to vector<16xf32>
        %mul3A_473 = arith.constant 8.000000e+00 : f32
        %mul3A_474 = vector.broadcast %mul3A_473 : f32 to vector<16xf32>
        %mul3A_475 = arith.mulf %get3A_472, %mul3A_474 : vector<16xf32>
        %swap3A_476 = arith.constant 0 : i32
        %swap3A_477 = arith.constant 3 : i32
        %swap3A_478 = arith.index_cast %swap3A_476 : i32 to index
        %swap3A_479 = arith.index_cast %swap3A_477 : i32 to index
        %swap3A_480 = arith.index_cast %scan3A_464 : i32 to index
        %swap3A_481 = arith.constant 0 : index
        %swap3A_482 = tpu.vector_load %arg6[%swap3A_478, %swap3A_479, %swap3A_480, %swap3A_481] {strides = array<i32>} : memref<2x4x200x64xf32, #tpu.memory_space<vmem>>, vector<1x1x1x16xf32>,
        %swap3A_483 = vector.shape_cast %swap3A_482 : vector<1x1x1x16xf32> to vector<16xf32>
        %swap3A_484 = vector.shape_cast %mul3A_475 : vector<16xf32> to vector<1x1x1x16xf32>
        tpu.vector_store %arg6[%swap3A_478, %swap3A_479, %swap3A_480, %swap3A_481], %swap3A_484 {strides = array<i32>} : memref<2x4x200x64xf32, #tpu.memory_space<vmem>>, vector<1x1x1x16xf32>,
        %get3A_485 = arith.constant 0 : i32
        %get3A_486 = arith.constant 3 : i32
        %get3A_487 = arith.index_cast %get3A_485 : i32 to index
        %get3A_488 = arith.index_cast %get3A_486 : i32 to index
        %get3A_489 = arith.index_cast %scan3A_464 : i32 to index
        %get3A_490 = arith.constant 16 : index
        %get3A_491 = tpu.vector_load %arg6[%get3A_487, %get3A_488, %get3A_489, %get3A_490] {strides = array<i32>} : memref<2x4x200x64xf32, #tpu.memory_space<vmem>>, vector<1x1x1x16xf32>,
        %get3A_492 = vector.shape_cast %get3A_491 : vector<1x1x1x16xf32> to vector<16xf32>
        %mul3A_493 = arith.constant 8.000000e+00 : f32
        %mul3A_494 = vector.broadcast %mul3A_493 : f32 to vector<16xf32>
        %mul3A_495 = arith.mulf %get3A_492, %mul3A_494 : vector<16xf32>
        %swap3A_496 = arith.constant 0 : i32
        %swap3A_497 = arith.constant 3 : i32
        %swap3A_498 = arith.index_cast %swap3A_496 : i32 to index
        %swap3A_499 = arith.index_cast %swap3A_497 : i32 to index
        %swap3A_500 = arith.index_cast %scan3A_464 : i32 to index
        %swap3A_501 = arith.constant 16 : index
        %swap3A_502 = tpu.vector_load %arg6[%swap3A_498, %swap3A_499, %swap3A_500, %swap3A_501] {strides = array<i32>} : memref<2x4x200x64xf32, #tpu.memory_space<vmem>>, vector<1x1x1x16xf32>,
        %swap3A_503 = vector.shape_cast %swap3A_502 : vector<1x1x1x16xf32> to vector<16xf32>
        %swap3A_504 = vector.shape_cast %mul3A_495 : vector<16xf32> to vector<1x1x1x16xf32>
        tpu.vector_store %arg6[%swap3A_498, %swap3A_499, %swap3A_500, %swap3A_501], %swap3A_504 {strides = array<i32>} : memref<2x4x200x64xf32, #tpu.memory_space<vmem>>, vector<1x1x1x16xf32>,
        %get3A_505 = arith.constant 0 : i32
        %get3A_506 = arith.constant 3 : i32
        %get3A_507 = arith.index_cast %get3A_505 : i32 to index
        %get3A_508 = arith.index_cast %get3A_506 : i32 to index
        %get3A_509 = arith.index_cast %scan3A_464 : i32 to index
        %get3A_510 = arith.constant 32 : index
        %get3A_511 = tpu.vector_load %arg6[%get3A_507, %get3A_508, %get3A_509, %get3A_510] {strides = array<i32>} : memref<2x4x200x64xf32, #tpu.memory_space<vmem>>, vector<1x1x1x16xf32>,
        %get3A_512 = vector.shape_cast %get3A_511 : vector<1x1x1x16xf32> to vector<16xf32>
        %mul3A_513 = arith.constant 8.000000e+00 : f32
        %mul3A_514 = vector.broadcast %mul3A_513 : f32 to vector<16xf32>
        %mul3A_515 = arith.mulf %get3A_512, %mul3A_514 : vector<16xf32>
        %swap3A_516 = arith.constant 0 : i32
        %swap3A_517 = arith.constant 3 : i32
        %swap3A_518 = arith.index_cast %swap3A_516 : i32 to index
        %swap3A_519 = arith.index_cast %swap3A_517 : i32 to index
        %swap3A_520 = arith.index_cast %scan3A_464 : i32 to index
        %swap3A_521 = arith.constant 32 : index
        %swap3A_522 = tpu.vector_load %arg6[%swap3A_518, %swap3A_519, %swap3A_520, %swap3A_521] {strides = array<i32>} : memref<2x4x200x64xf32, #tpu.memory_space<vmem>>, vector<1x1x1x16xf32>,
        %swap3A_523 = vector.shape_cast %swap3A_522 : vector<1x1x1x16xf32> to vector<16xf32>
        %swap3A_524 = vector.shape_cast %mul3A_515 : vector<16xf32> to vector<1x1x1x16xf32>
        tpu.vector_store %arg6[%swap3A_518, %swap3A_519, %swap3A_520, %swap3A_521], %swap3A_524 {strides = array<i32>} : memref<2x4x200x64xf32, #tpu.memory_space<vmem>>, vector<1x1x1x16xf32>,
        %get3A_525 = arith.constant 0 : i32
        %get3A_526 = arith.constant 3 : i32
        %get3A_527 = arith.index_cast %get3A_525 : i32 to index
        %get3A_528 = arith.index_cast %get3A_526 : i32 to index
        %get3A_529 = arith.index_cast %scan3A_464 : i32 to index
        %get3A_530 = arith.constant 48 : index
        %get3A_531 = tpu.vector_load %arg6[%get3A_527, %get3A_528, %get3A_529, %get3A_530] {strides = array<i32>} : memref<2x4x200x64xf32, #tpu.memory_space<vmem>>, vector<1x1x1x16xf32>,
        %get3A_532 = vector.shape_cast %get3A_531 : vector<1x1x1x16xf32> to vector<16xf32>
        %mul3A_533 = arith.constant 8.000000e+00 : f32
        %mul3A_534 = vector.broadcast %mul3A_533 : f32 to vector<16xf32>
        %mul3A_535 = arith.mulf %get3A_532, %mul3A_534 : vector<16xf32>
        %swap3A_536 = arith.constant 0 : i32
        %swap3A_537 = arith.constant 3 : i32
        %swap3A_538 = arith.index_cast %swap3A_536 : i32 to index
        %swap3A_539 = arith.index_cast %swap3A_537 : i32 to index
        %swap3A_540 = arith.index_cast %scan3A_464 : i32 to index
        %swap3A_541 = arith.constant 48 : index
        %swap3A_542 = tpu.vector_load %arg6[%swap3A_538, %swap3A_539, %swap3A_540, %swap3A_541] {strides = array<i32>} : memref<2x4x200x64xf32, #tpu.memory_space<vmem>>, vector<1x1x1x16xf32>,
        %swap3A_543 = vector.shape_cast %swap3A_542 : vector<1x1x1x16xf32> to vector<16xf32>
        %swap3A_544 = vector.shape_cast %mul3A_535 : vector<16xf32> to vector<1x1x1x16xf32>
        tpu.vector_store %arg6[%swap3A_538, %swap3A_539, %swap3A_540, %swap3A_541], %swap3A_544 {strides = array<i32>} : memref<2x4x200x64xf32, #tpu.memory_space<vmem>>, vector<1x1x1x16xf32>,
        %scan3A_545 = arith.constant 3 : i32
        %scan3A_546 = arith.addi %scan3A_302, %scan3A_545 : i32
        %get3A_547 = arith.constant 0 : i32
        %get3A_548 = arith.constant 3 : i32
        %get3A_549 = arith.index_cast %get3A_547 : i32 to index
        %get3A_550 = arith.index_cast %get3A_548 : i32 to index
        %get3A_551 = arith.index_cast %scan3A_546 : i32 to index
        %get3A_552 = arith.constant 0 : index
        %get3A_553 = tpu.vector_load %arg6[%get3A_549, %get3A_550, %get3A_551, %get3A_552] {strides = array<i32>} : memref<2x4x200x64xf32, #tpu.memory_space<vmem>>, vector<1x1x1x16xf32>,
        %get3A_554 = vector.shape_cast %get3A_553 : vector<1x1x1x16xf32> to vector<16xf32>
        %mul3A_555 = arith.constant 8.000000e+00 : f32
        %mul3A_556 = vector.broadcast %mul3A_555 : f32 to vector<16xf32>
        %mul3A_557 = arith.mulf %get3A_554, %mul3A_556 : vector<16xf32>
        %swap3A_558 = arith.constant 0 : i32
        %swap3A_559 = arith.constant 3 : i32
        %swap3A_560 = arith.index_cast %swap3A_558 : i32 to index
        %swap3A_561 = arith.index_cast %swap3A_559 : i32 to index
        %swap3A_562 = arith.index_cast %scan3A_546 : i32 to index
        %swap3A_563 = arith.constant 0 : index
        %swap3A_564 = tpu.vector_load %arg6[%swap3A_560, %swap3A_561, %swap3A_562, %swap3A_563] {strides = array<i32>} : memref<2x4x200x64xf32, #tpu.memory_space<vmem>>, vector<1x1x1x16xf32>,
        %swap3A_565 = vector.shape_cast %swap3A_564 : vector<1x1x1x16xf32> to vector<16xf32>
        %swap3A_566 = vector.shape_cast %mul3A_557 : vector<16xf32> to vector<1x1x1x16xf32>
        tpu.vector_store %arg6[%swap3A_560, %swap3A_561, %swap3A_562, %swap3A_563], %swap3A_566 {strides = array<i32>} : memref<2x4x200x64xf32, #tpu.memory_space<vmem>>, vector<1x1x1x16xf32>,
        %get3A_567 = arith.constant 0 : i32
        %get3A_568 = arith.constant 3 : i32
        %get3A_569 = arith.index_cast %get3A_567 : i32 to index
        %get3A_570 = arith.index_cast %get3A_568 : i32 to index
        %get3A_571 = arith.index_cast %scan3A_546 : i32 to index
        %get3A_572 = arith.constant 16 : index
        %get3A_573 = tpu.vector_load %arg6[%get3A_569, %get3A_570, %get3A_571, %get3A_572] {strides = array<i32>} : memref<2x4x200x64xf32, #tpu.memory_space<vmem>>, vector<1x1x1x16xf32>,
        %get3A_574 = vector.shape_cast %get3A_573 : vector<1x1x1x16xf32> to vector<16xf32>
        %mul3A_575 = arith.constant 8.000000e+00 : f32
        %mul3A_576 = vector.broadcast %mul3A_575 : f32 to vector<16xf32>
        %mul3A_577 = arith.mulf %get3A_574, %mul3A_576 : vector<16xf32>
        %swap3A_578 = arith.constant 0 : i32
        %swap3A_579 = arith.constant 3 : i32
        %swap3A_580 = arith.index_cast %swap3A_578 : i32 to index
        %swap3A_581 = arith.index_cast %swap3A_579 : i32 to index
        %swap3A_582 = arith.index_cast %scan3A_546 : i32 to index
        %swap3A_583 = arith.constant 16 : index
        %swap3A_584 = tpu.vector_load %arg6[%swap3A_580, %swap3A_581, %swap3A_582, %swap3A_583] {strides = array<i32>} : memref<2x4x200x64xf32, #tpu.memory_space<vmem>>, vector<1x1x1x16xf32>,
        %swap3A_585 = vector.shape_cast %swap3A_584 : vector<1x1x1x16xf32> to vector<16xf32>
        %swap3A_586 = vector.shape_cast %mul3A_577 : vector<16xf32> to vector<1x1x1x16xf32>
        tpu.vector_store %arg6[%swap3A_580, %swap3A_581, %swap3A_582, %swap3A_583], %swap3A_586 {strides = array<i32>} : memref<2x4x200x64xf32, #tpu.memory_space<vmem>>, vector<1x1x1x16xf32>,
        %get3A_587 = arith.constant 0 : i32
        %get3A_588 = arith.constant 3 : i32
        %get3A_589 = arith.index_cast %get3A_587 : i32 to index
        %get3A_590 = arith.index_cast %get3A_588 : i32 to index
        %get3A_591 = arith.index_cast %scan3A_546 : i32 to index
        %get3A_592 = arith.constant 32 : index
        %get3A_593 = tpu.vector_load %arg6[%get3A_589, %get3A_590, %get3A_591, %get3A_592] {strides = array<i32>} : memref<2x4x200x64xf32, #tpu.memory_space<vmem>>, vector<1x1x1x16xf32>,
        %get3A_594 = vector.shape_cast %get3A_593 : vector<1x1x1x16xf32> to vector<16xf32>
        %mul3A_595 = arith.constant 8.000000e+00 : f32
        %mul3A_596 = vector.broadcast %mul3A_595 : f32 to vector<16xf32>
        %mul3A_597 = arith.mulf %get3A_594, %mul3A_596 : vector<16xf32>
        %swap3A_598 = arith.constant 0 : i32
        %swap3A_599 = arith.constant 3 : i32
        %swap3A_600 = arith.index_cast %swap3A_598 : i32 to index
        %swap3A_601 = arith.index_cast %swap3A_599 : i32 to index
        %swap3A_602 = arith.index_cast %scan3A_546 : i32 to index
        %swap3A_603 = arith.constant 32 : index
        %swap3A_604 = tpu.vector_load %arg6[%swap3A_600, %swap3A_601, %swap3A_602, %swap3A_603] {strides = array<i32>} : memref<2x4x200x64xf32, #tpu.memory_space<vmem>>, vector<1x1x1x16xf32>,
        %swap3A_605 = vector.shape_cast %swap3A_604 : vector<1x1x1x16xf32> to vector<16xf32>
        %swap3A_606 = vector.shape_cast %mul3A_597 : vector<16xf32> to vector<1x1x1x16xf32>
        tpu.vector_store %arg6[%swap3A_600, %swap3A_601, %swap3A_602, %swap3A_603], %swap3A_606 {strides = array<i32>} : memref<2x4x200x64xf32, #tpu.memory_space<vmem>>, vector<1x1x1x16xf32>,
        %get3A_607 = arith.constant 0 : i32
        %get3A_608 = arith.constant 3 : i32
        %get3A_609 = arith.index_cast %get3A_607 : i32 to index
        %get3A_610 = arith.index_cast %get3A_608 : i32 to index
        %get3A_611 = arith.index_cast %scan3A_546 : i32 to index
        %get3A_612 = arith.constant 48 : index
        %get3A_613 = tpu.vector_load %arg6[%get3A_609, %get3A_610, %get3A_611, %get3A_612] {strides = array<i32>} : memref<2x4x200x64xf32, #tpu.memory_space<vmem>>, vector<1x1x1x16xf32>,
        %get3A_614 = vector.shape_cast %get3A_613 : vector<1x1x1x16xf32> to vector<16xf32>
        %mul3A_615 = arith.constant 8.000000e+00 : f32
        %mul3A_616 = vector.broadcast %mul3A_615 : f32 to vector<16xf32>
        %mul3A_617 = arith.mulf %get3A_614, %mul3A_616 : vector<16xf32>
        %swap3A_618 = arith.constant 0 : i32
        %swap3A_619 = arith.constant 3 : i32
        %swap3A_620 = arith.index_cast %swap3A_618 : i32 to index
        %swap3A_621 = arith.index_cast %swap3A_619 : i32 to index
        %swap3A_622 = arith.index_cast %scan3A_546 : i32 to index
        %swap3A_623 = arith.constant 48 : index
        %swap3A_624 = tpu.vector_load %arg6[%swap3A_620, %swap3A_621, %swap3A_622, %swap3A_623] {strides = array<i32>} : memref<2x4x200x64xf32, #tpu.memory_space<vmem>>, vector<1x1x1x16xf32>,
        %swap3A_625 = vector.shape_cast %swap3A_624 : vector<1x1x1x16xf32> to vector<16xf32>
        %swap3A_626 = vector.shape_cast %mul3A_617 : vector<16xf32> to vector<1x1x1x16xf32>
        tpu.vector_store %arg6[%swap3A_620, %swap3A_621, %swap3A_622, %swap3A_623], %swap3A_626 {strides = array<i32>} : memref<2x4x200x64xf32, #tpu.memory_space<vmem>>, vector<1x1x1x16xf32>,
      }
      %scan3A_209 = arith.constant 200 : i32
      %mul3A_210 = arith.constant 4 : i32
      %mul3A_211 = arith.muli %add3A_162, %mul3A_210 : i32
      %add3A_212 = arith.addi %mul3A_2, %mul3A_211 : i32
      %dma_start3A_213 = arith.constant 0 : i32
      %dma_start3A_214 = arith.constant 0 : i32
      %dma_start3A_215 = arith.constant 0 : i32
      %dma_start3A_216 = arith.constant 0 : i32
      %dma_start3A_217 = tpu.memref_slice %arg6[%dma_start3A_213, %dma_start3A_214, %dma_start3A_215, %dma_start3A_216] : memref<2x4x200x64xf32, #tpu.memory_space<vmem>> -> memref<1x4x200x64xf32, #tpu.memory_space<vmem>>
      %dma_start3A_218 = tpu.memref_squeeze %dma_start3A_217 : memref<1x4x200x64xf32, #tpu.memory_space<vmem>> -> memref<4x200x64xf32, #tpu.memory_space<vmem>>
      %dma_start3A_219 = arith.constant 0 : i32
      %dma_start3A_220 = arith.constant 0 : i32
      %dma_start3A_221 = tpu.memref_slice %arg4[%add3A_212, %dma_start3A_219, %dma_start3A_220] : memref<4096x200x64xf32, #tpu.memory_space<hbm>> -> memref<4x200x64xf32, #tpu.memory_space<hbm>>
      %dma_start3A_222 = arith.constant 0 : i32
      %dma_start3A_223 = arith.constant 0 : i32
      %dma_start3A_224 = tpu.memref_slice %arg4[%add3A_212, %dma_start3A_222, %dma_start3A_223] : memref<4096x200x64xf32, #tpu.memory_space<hbm>> -> memref<4x200x64xf32, #tpu.memory_space<hbm>>
      %dma_start3A_225 = arith.constant 0 : i32
      %dma_start3A_226 = arith.constant 0 : i32
      %dma_start3A_227 = arith.constant 0 : i32
      %dma_start3A_228 = tpu.memref_slice %arg6[%dma_start3A_213, %dma_start3A_225, %dma_start3A_226, %dma_start3A_227] : memref<2x4x200x64xf32, #tpu.memory_space<vmem>> -> memref<1x4x200x64xf32, #tpu.memory_space<vmem>>
      %dma_start3A_229 = tpu.memref_squeeze %dma_start3A_228 : memref<1x4x200x64xf32, #tpu.memory_space<vmem>> -> memref<4x200x64xf32, #tpu.memory_space<vmem>>
      tpu.enqueue_dma source(%dma_start3A_229 : memref<4x200x64xf32, #tpu.memory_space<vmem>>) target(%dma_start3A_224 : memref<4x200x64xf32, #tpu.memory_space<hbm>>) target_semaphore(%arg9 : memref<!tpu.dma_semaphore, #tpu.memory_space<semaphore_mem>>)
      %add3A_230 = arith.constant 1 : i32
      %add3A_231 = arith.addi %mul3A_160, %add3A_230 : i32
      %add3A_232 = arith.constant 1 : i32
      %add3A_233 = arith.addi %add3A_231, %add3A_232 : i32
      %lt3A_234 = arith.constant 32 : i32
      %lt3A_235 = arith.cmpi slt, %add3A_233, %lt3A_234 : i32
      %convert_element_type3A_236 = arith.extui %lt3A_235 : i1 to i32
      %cond3A_237 = arith.constant 0 : i32
      %cond3A_238 = arith.cmpi ne, %convert_element_type3A_236, %cond3A_237 : i32
      scf.if %cond3A_238 {
        %ge3A = arith.constant 1 : i32
        %ge3A_302 = arith.cmpi sge, %add3A_231, %ge3A : i32
        %convert_element_type3A_303 = arith.extui %ge3A_302 : i1 to i32
        %cond3A_304 = arith.constant 0 : i32
        %cond3A_305 = arith.cmpi ne, %convert_element_type3A_303, %cond3A_304 : i32
        scf.if %cond3A_305 {
          %dma_wait3A_424 = arith.constant 0 : i32
          %dma_wait3A_425 = arith.constant 0 : i32
          %dma_wait3A_426 = arith.constant 0 : i32
          %dma_wait3A_427 = arith.constant 0 : i32
          %dma_wait3A_428 = tpu.memref_slice %arg6[%dma_wait3A_424, %dma_wait3A_425, %dma_wait3A_426, %dma_wait3A_427] : memref<2x4x200x64xf32, #tpu.memory_space<vmem>> -> memref<1x4x200x64xf32, #tpu.memory_space<vmem>>
          %dma_wait3A_429 = tpu.memref_squeeze %dma_wait3A_428 : memref<1x4x200x64xf32, #tpu.memory_space<vmem>> -> memref<4x200x64xf32, #tpu.memory_space<vmem>>
          %dma_wait3A_430 = arith.constant 0 : i32
          %dma_wait3A_431 = arith.constant 0 : i32
          %dma_wait3A_432 = arith.constant 0 : i32
          %dma_wait3A_433 = tpu.memref_slice %arg4[%dma_wait3A_430, %dma_wait3A_431, %dma_wait3A_432] : memref<4096x200x64xf32, #tpu.memory_space<hbm>> -> memref<4x200x64xf32, #tpu.memory_space<hbm>>
          %dma_wait3A_434 = arith.constant 0 : i32
          %dma_wait3A_435 = arith.constant 0 : i32
          %dma_wait3A_436 = arith.constant 0 : i32
          %dma_wait3A_437 = tpu.memref_slice %arg6[%dma_wait3A_424, %dma_wait3A_434, %dma_wait3A_435, %dma_wait3A_436] : memref<2x4x200x64xf32, #tpu.memory_space<vmem>> -> memref<1x4x200x64xf32, #tpu.memory_space<vmem>>
          %dma_wait3A_438 = tpu.memref_squeeze %dma_wait3A_437 : memref<1x4x200x64xf32, #tpu.memory_space<vmem>> -> memref<4x200x64xf32, #tpu.memory_space<vmem>>
          %dma_wait3A_439 = arith.constant 0 : i32
          %dma_wait3A_440 = arith.constant 0 : i32
          %dma_wait3A_441 = arith.constant 0 : i32
          %dma_wait3A_442 = tpu.memref_slice %arg4[%dma_wait3A_439, %dma_wait3A_440, %dma_wait3A_441] : memref<4096x200x64xf32, #tpu.memory_space<hbm>> -> memref<4x200x64xf32, #tpu.memory_space<hbm>>
          tpu.wait_dma2 semaphore(%arg9 : memref<!tpu.dma_semaphore, #tpu.memory_space<semaphore_mem>>) src(%dma_wait3A_442 : memref<4x200x64xf32, #tpu.memory_space<hbm>>) dst(%dma_wait3A_438 : memref<4x200x64xf32, #tpu.memory_space<vmem>>)
        } else {
        }
        %add3A_306 = arith.constant 1 : i32
        %add3A_307 = arith.addi %add3A_231, %add3A_306 : i32
        %mul3A_308 = arith.constant 4 : i32
        %mul3A_309 = arith.muli %add3A_307, %mul3A_308 : i32
        %add3A_310 = arith.addi %mul3A_2, %mul3A_309 : i32
        %run_scoped3A_311 = arith.constant 0 : i32
        "tpu.region"() ({
          %run_scoped3A_424 = tpu.sem_alloc : memref<!tpu.dma_semaphore, #tpu.memory_space<semaphore_mem>>
          %dma_start3A_425 = arith.constant 0 : i32
          %dma_start3A_426 = arith.constant 0 : i32
          %dma_start3A_427 = tpu.memref_slice %arg5[%run_scoped3A_311, %dma_start3A_425, %dma_start3A_426] : memref<2x4x200xi32, #tpu.memory_space<vmem>> -> memref<1x4x200xi32, #tpu.memory_space<vmem>>
          %dma_start3A_428 = tpu.memref_squeeze %dma_start3A_427 : memref<1x4x200xi32, #tpu.memory_space<vmem>> -> memref<4x200xi32, #tpu.memory_space<vmem>>
          %dma_start3A_429 = arith.constant 0 : i32
          %dma_start3A_430 = tpu.memref_slice %arg3[%add3A_310, %dma_start3A_429] : memref<4096x200xi32, #tpu.memory_space<hbm>> -> memref<4x200xi32, #tpu.memory_space<hbm>>
          %dma_start3A_431 = arith.constant 0 : i32
          %dma_start3A_432 = arith.constant 0 : i32
          %dma_start3A_433 = tpu.memref_slice %arg5[%run_scoped3A_311, %dma_start3A_431, %dma_start3A_432] : memref<2x4x200xi32, #tpu.memory_space<vmem>> -> memref<1x4x200xi32, #tpu.memory_space<vmem>>
          %dma_start3A_434 = tpu.memref_squeeze %dma_start3A_433 : memref<1x4x200xi32, #tpu.memory_space<vmem>> -> memref<4x200xi32, #tpu.memory_space<vmem>>
          %dma_start3A_435 = arith.constant 0 : i32
          %dma_start3A_436 = tpu.memref_slice %arg3[%add3A_310, %dma_start3A_435] : memref<4096x200xi32, #tpu.memory_space<hbm>> -> memref<4x200xi32, #tpu.memory_space<hbm>>
          tpu.enqueue_dma source(%dma_start3A_436 : memref<4x200xi32, #tpu.memory_space<hbm>>) target(%dma_start3A_434 : memref<4x200xi32, #tpu.memory_space<vmem>>) target_semaphore(%run_scoped3A_424 : memref<!tpu.dma_semaphore, #tpu.memory_space<semaphore_mem>>)
          %dma_wait3A_437 = arith.constant 0 : i32
          %dma_wait3A_438 = arith.constant 0 : i32
          %dma_wait3A_439 = tpu.memref_slice %arg5[%run_scoped3A_311, %dma_wait3A_437, %dma_wait3A_438] : memref<2x4x200xi32, #tpu.memory_space<vmem>> -> memref<1x4x200xi32, #tpu.memory_space<vmem>>
          %dma_wait3A_440 = tpu.memref_squeeze %dma_wait3A_439 : memref<1x4x200xi32, #tpu.memory_space<vmem>> -> memref<4x200xi32, #tpu.memory_space<vmem>>
          %dma_wait3A_441 = arith.constant 0 : i32
          %dma_wait3A_442 = tpu.memref_slice %arg3[%add3A_310, %dma_wait3A_441] : memref<4096x200xi32, #tpu.memory_space<hbm>> -> memref<4x200xi32, #tpu.memory_space<hbm>>
          %dma_wait3A_443 = arith.constant 0 : i32
          %dma_wait3A_444 = arith.constant 0 : i32
          %dma_wait3A_445 = tpu.memref_slice %arg5[%run_scoped3A_311, %dma_wait3A_443, %dma_wait3A_444] : memref<2x4x200xi32, #tpu.memory_space<vmem>> -> memref<1x4x200xi32, #tpu.memory_space<vmem>>
          %dma_wait3A_446 = tpu.memref_squeeze %dma_wait3A_445 : memref<1x4x200xi32, #tpu.memory_space<vmem>> -> memref<4x200xi32, #tpu.memory_space<vmem>>
          %dma_wait3A_447 = arith.constant 0 : i32
          %dma_wait3A_448 = tpu.memref_slice %arg3[%add3A_310, %dma_wait3A_447] : memref<4096x200xi32, #tpu.memory_space<hbm>> -> memref<4x200xi32, #tpu.memory_space<hbm>>
          tpu.wait_dma2 semaphore(%run_scoped3A_424 : memref<!tpu.dma_semaphore, #tpu.memory_space<semaphore_mem>>) src(%dma_wait3A_448 : memref<4x200xi32, #tpu.memory_space<hbm>>) dst(%dma_wait3A_446 : memref<4x200xi32, #tpu.memory_space<vmem>>)
          tpu.yield
        }) : () -> ()
        %dma_start3A_312 = arith.constant 0 : i32
        %dma_start3A_313 = arith.constant 0 : i32
        %dma_start3A_314 = arith.constant 0 : i32
        %dma_start3A_315 = arith.constant 0 : i32
        %dma_start3A_316 = arith.constant 0 : i32
        %dma_start3A_317 = arith.constant 0 : i32
        %dma_start3A_318 = tpu.memref_slice %arg6[%dma_start3A_314, %dma_start3A_315, %dma_start3A_316, %dma_start3A_317] : memref<2x4x200x64xf32, #tpu.memory_space<vmem>> -> memref<1x1x128x64xf32, #tpu.memory_space<vmem>>
        %dma_start3A_319 = tpu.memref_squeeze %dma_start3A_318 : memref<1x1x128x64xf32, #tpu.memory_space<vmem>> -> memref<128x64xf32, #tpu.memory_space<vmem>>
        %dma_start3A_320 = arith.constant 0 : i32
        %dma_start3A_321 = tpu.memref_slice %arg5[%dma_start3A_312, %dma_start3A_313, %dma_start3A_320] : memref<2x4x200xi32, #tpu.memory_space<vmem>> -> memref<1x1x128xi32, #tpu.memory_space<vmem>>
        %dma_start3A_322 = tpu.memref_squeeze %dma_start3A_321 : memref<1x1x128xi32, #tpu.memory_space<vmem>> -> memref<128xi32, #tpu.memory_space<vmem>>
        %dma_start3A_323 = arith.constant 0 : i32
        %dma_start3A_324 = arith.constant 0 : i32
        %dma_start3A_325 = tpu.memref_slice %arg2[%dma_start3A_323, %dma_start3A_324] : memref<1000000x64xf32, #tpu.memory_space<hbm>> -> memref<1000000x64xf32, #tpu.memory_space<hbm>>
        tpu.enqueue_indirect_dma source(%dma_start3A_325 : memref<1000000x64xf32, #tpu.memory_space<hbm>>) target(%dma_start3A_319 : memref<128x64xf32, #tpu.memory_space<vmem>>) offsets(%dma_start3A_322 : memref<128xi32, #tpu.memory_space<vmem>>) semaphore(%arg7 : memref<!tpu.dma_semaphore, #tpu.memory_space<semaphore_mem>>)
        %dma_start3A_326 = arith.constant 0 : i32
        %dma_start3A_327 = arith.constant 0 : i32
        %dma_start3A_328 = arith.constant 0 : i32
        %dma_start3A_329 = arith.constant 0 : i32
        %dma_start3A_330 = arith.constant 128 : i32
        %dma_start3A_331 = arith.constant 0 : i32
        %dma_start3A_332 = tpu.memref_slice %arg6[%dma_start3A_328, %dma_start3A_329, %dma_start3A_330, %dma_start3A_331] : memref<2x4x200x64xf32, #tpu.memory_space<vmem>> -> memref<1x1x72x64xf32, #tpu.memory_space<vmem>>
        %dma_start3A_333 = tpu.memref_squeeze %dma_start3A_332 : memref<1x1x72x64xf32, #tpu.memory_space<vmem>> -> memref<72x64xf32, #tpu.memory_space<vmem>>
        %dma_start3A_334 = arith.constant 128 : i32
        %dma_start3A_335 = tpu.memref_slice %arg5[%dma_start3A_326, %dma_start3A_327, %dma_start3A_334] : memref<2x4x200xi32, #tpu.memory_space<vmem>> -> memref<1x1x72xi32, #tpu.memory_space<vmem>>
        %dma_start3A_336 = tpu.memref_squeeze %dma_start3A_335 : memref<1x1x72xi32, #tpu.memory_space<vmem>> -> memref<72xi32, #tpu.memory_space<vmem>>
        %dma_start3A_337 = arith.constant 0 : i32
        %dma_start3A_338 = arith.constant 0 : i32
        %dma_start3A_339 = tpu.memref_slice %arg2[%dma_start3A_337, %dma_start3A_338] : memref<1000000x64xf32, #tpu.memory_space<hbm>> -> memref<1000000x64xf32, #tpu.memory_space<hbm>>
        tpu.enqueue_indirect_dma source(%dma_start3A_339 : memref<1000000x64xf32, #tpu.memory_space<hbm>>) target(%dma_start3A_333 : memref<72x64xf32, #tpu.memory_space<vmem>>) offsets(%dma_start3A_336 : memref<72xi32, #tpu.memory_space<vmem>>) semaphore(%arg7 : memref<!tpu.dma_semaphore, #tpu.memory_space<semaphore_mem>>)
        %dma_start3A_340 = arith.constant 0 : i32
        %dma_start3A_341 = arith.constant 1 : i32
        %dma_start3A_342 = arith.constant 0 : i32
        %dma_start3A_343 = arith.constant 1 : i32
        %dma_start3A_344 = arith.constant 0 : i32
        %dma_start3A_345 = arith.constant 0 : i32
        %dma_start3A_346 = tpu.memref_slice %arg6[%dma_start3A_342, %dma_start3A_343, %dma_start3A_344, %dma_start3A_345] : memref<2x4x200x64xf32, #tpu.memory_space<vmem>> -> memref<1x1x128x64xf32, #tpu.memory_space<vmem>>
        %dma_start3A_347 = tpu.memref_squeeze %dma_start3A_346 : memref<1x1x128x64xf32, #tpu.memory_space<vmem>> -> memref<128x64xf32, #tpu.memory_space<vmem>>
        %dma_start3A_348 = arith.constant 0 : i32
        %dma_start3A_349 = tpu.memref_slice %arg5[%dma_start3A_340, %dma_start3A_341, %dma_start3A_348] : memref<2x4x200xi32, #tpu.memory_space<vmem>> -> memref<1x1x128xi32, #tpu.memory_space<vmem>>
        %dma_start3A_350 = tpu.memref_squeeze %dma_start3A_349 : memref<1x1x128xi32, #tpu.memory_space<vmem>> -> memref<128xi32, #tpu.memory_space<vmem>>
        %dma_start3A_351 = arith.constant 0 : i32
        %dma_start3A_352 = arith.constant 0 : i32
        %dma_start3A_353 = tpu.memref_slice %arg2[%dma_start3A_351, %dma_start3A_352] : memref<1000000x64xf32, #tpu.memory_space<hbm>> -> memref<1000000x64xf32, #tpu.memory_space<hbm>>
        tpu.enqueue_indirect_dma source(%dma_start3A_353 : memref<1000000x64xf32, #tpu.memory_space<hbm>>) target(%dma_start3A_347 : memref<128x64xf32, #tpu.memory_space<vmem>>) offsets(%dma_start3A_350 : memref<128xi32, #tpu.memory_space<vmem>>) semaphore(%arg7 : memref<!tpu.dma_semaphore, #tpu.memory_space<semaphore_mem>>)
        %dma_start3A_354 = arith.constant 0 : i32
        %dma_start3A_355 = arith.constant 1 : i32
        %dma_start3A_356 = arith.constant 0 : i32
        %dma_start3A_357 = arith.constant 1 : i32
        %dma_start3A_358 = arith.constant 128 : i32
        %dma_start3A_359 = arith.constant 0 : i32
        %dma_start3A_360 = tpu.memref_slice %arg6[%dma_start3A_356, %dma_start3A_357, %dma_start3A_358, %dma_start3A_359] : memref<2x4x200x64xf32, #tpu.memory_space<vmem>> -> memref<1x1x72x64xf32, #tpu.memory_space<vmem>>
        %dma_start3A_361 = tpu.memref_squeeze %dma_start3A_360 : memref<1x1x72x64xf32, #tpu.memory_space<vmem>> -> memref<72x64xf32, #tpu.memory_space<vmem>>
        %dma_start3A_362 = arith.constant 128 : i32
        %dma_start3A_363 = tpu.memref_slice %arg5[%dma_start3A_354, %dma_start3A_355, %dma_start3A_362] : memref<2x4x200xi32, #tpu.memory_space<vmem>> -> memref<1x1x72xi32, #tpu.memory_space<vmem>>
        %dma_start3A_364 = tpu.memref_squeeze %dma_start3A_363 : memref<1x1x72xi32, #tpu.memory_space<vmem>> -> memref<72xi32, #tpu.memory_space<vmem>>
        %dma_start3A_365 = arith.constant 0 : i32
        %dma_start3A_366 = arith.constant 0 : i32
        %dma_start3A_367 = tpu.memref_slice %arg2[%dma_start3A_365, %dma_start3A_366] : memref<1000000x64xf32, #tpu.memory_space<hbm>> -> memref<1000000x64xf32, #tpu.memory_space<hbm>>
        tpu.enqueue_indirect_dma source(%dma_start3A_367 : memref<1000000x64xf32, #tpu.memory_space<hbm>>) target(%dma_start3A_361 : memref<72x64xf32, #tpu.memory_space<vmem>>) offsets(%dma_start3A_364 : memref<72xi32, #tpu.memory_space<vmem>>) semaphore(%arg7 : memref<!tpu.dma_semaphore, #tpu.memory_space<semaphore_mem>>)
        %dma_start3A_368 = arith.constant 0 : i32
        %dma_start3A_369 = arith.constant 2 : i32
        %dma_start3A_370 = arith.constant 0 : i32
        %dma_start3A_371 = arith.constant 2 : i32
        %dma_start3A_372 = arith.constant 0 : i32
        %dma_start3A_373 = arith.constant 0 : i32
        %dma_start3A_374 = tpu.memref_slice %arg6[%dma_start3A_370, %dma_start3A_371, %dma_start3A_372, %dma_start3A_373] : memref<2x4x200x64xf32, #tpu.memory_space<vmem>> -> memref<1x1x128x64xf32, #tpu.memory_space<vmem>>
        %dma_start3A_375 = tpu.memref_squeeze %dma_start3A_374 : memref<1x1x128x64xf32, #tpu.memory_space<vmem>> -> memref<128x64xf32, #tpu.memory_space<vmem>>
        %dma_start3A_376 = arith.constant 0 : i32
        %dma_start3A_377 = tpu.memref_slice %arg5[%dma_start3A_368, %dma_start3A_369, %dma_start3A_376] : memref<2x4x200xi32, #tpu.memory_space<vmem>> -> memref<1x1x128xi32, #tpu.memory_space<vmem>>
        %dma_start3A_378 = tpu.memref_squeeze %dma_start3A_377 : memref<1x1x128xi32, #tpu.memory_space<vmem>> -> memref<128xi32, #tpu.memory_space<vmem>>
        %dma_start3A_379 = arith.constant 0 : i32
        %dma_start3A_380 = arith.constant 0 : i32
        %dma_start3A_381 = tpu.memref_slice %arg2[%dma_start3A_379, %dma_start3A_380] : memref<1000000x64xf32, #tpu.memory_space<hbm>> -> memref<1000000x64xf32, #tpu.memory_space<hbm>>
        tpu.enqueue_indirect_dma source(%dma_start3A_381 : memref<1000000x64xf32, #tpu.memory_space<hbm>>) target(%dma_start3A_375 : memref<128x64xf32, #tpu.memory_space<vmem>>) offsets(%dma_start3A_378 : memref<128xi32, #tpu.memory_space<vmem>>) semaphore(%arg7 : memref<!tpu.dma_semaphore, #tpu.memory_space<semaphore_mem>>)
        %dma_start3A_382 = arith.constant 0 : i32
        %dma_start3A_383 = arith.constant 2 : i32
        %dma_start3A_384 = arith.constant 0 : i32
        %dma_start3A_385 = arith.constant 2 : i32
        %dma_start3A_386 = arith.constant 128 : i32
        %dma_start3A_387 = arith.constant 0 : i32
        %dma_start3A_388 = tpu.memref_slice %arg6[%dma_start3A_384, %dma_start3A_385, %dma_start3A_386, %dma_start3A_387] : memref<2x4x200x64xf32, #tpu.memory_space<vmem>> -> memref<1x1x72x64xf32, #tpu.memory_space<vmem>>
        %dma_start3A_389 = tpu.memref_squeeze %dma_start3A_388 : memref<1x1x72x64xf32, #tpu.memory_space<vmem>> -> memref<72x64xf32, #tpu.memory_space<vmem>>
        %dma_start3A_390 = arith.constant 128 : i32
        %dma_start3A_391 = tpu.memref_slice %arg5[%dma_start3A_382, %dma_start3A_383, %dma_start3A_390] : memref<2x4x200xi32, #tpu.memory_space<vmem>> -> memref<1x1x72xi32, #tpu.memory_space<vmem>>
        %dma_start3A_392 = tpu.memref_squeeze %dma_start3A_391 : memref<1x1x72xi32, #tpu.memory_space<vmem>> -> memref<72xi32, #tpu.memory_space<vmem>>
        %dma_start3A_393 = arith.constant 0 : i32
        %dma_start3A_394 = arith.constant 0 : i32
        %dma_start3A_395 = tpu.memref_slice %arg2[%dma_start3A_393, %dma_start3A_394] : memref<1000000x64xf32, #tpu.memory_space<hbm>> -> memref<1000000x64xf32, #tpu.memory_space<hbm>>
        tpu.enqueue_indirect_dma source(%dma_start3A_395 : memref<1000000x64xf32, #tpu.memory_space<hbm>>) target(%dma_start3A_389 : memref<72x64xf32, #tpu.memory_space<vmem>>) offsets(%dma_start3A_392 : memref<72xi32, #tpu.memory_space<vmem>>) semaphore(%arg7 : memref<!tpu.dma_semaphore, #tpu.memory_space<semaphore_mem>>)
        %dma_start3A_396 = arith.constant 0 : i32
        %dma_start3A_397 = arith.constant 3 : i32
        %dma_start3A_398 = arith.constant 0 : i32
        %dma_start3A_399 = arith.constant 3 : i32
        %dma_start3A_400 = arith.constant 0 : i32
        %dma_start3A_401 = arith.constant 0 : i32
        %dma_start3A_402 = tpu.memref_slice %arg6[%dma_start3A_398, %dma_start3A_399, %dma_start3A_400, %dma_start3A_401] : memref<2x4x200x64xf32, #tpu.memory_space<vmem>> -> memref<1x1x128x64xf32, #tpu.memory_space<vmem>>
        %dma_start3A_403 = tpu.memref_squeeze %dma_start3A_402 : memref<1x1x128x64xf32, #tpu.memory_space<vmem>> -> memref<128x64xf32, #tpu.memory_space<vmem>>
        %dma_start3A_404 = arith.constant 0 : i32
        %dma_start3A_405 = tpu.memref_slice %arg5[%dma_start3A_396, %dma_start3A_397, %dma_start3A_404] : memref<2x4x200xi32, #tpu.memory_space<vmem>> -> memref<1x1x128xi32, #tpu.memory_space<vmem>>
        %dma_start3A_406 = tpu.memref_squeeze %dma_start3A_405 : memref<1x1x128xi32, #tpu.memory_space<vmem>> -> memref<128xi32, #tpu.memory_space<vmem>>
        %dma_start3A_407 = arith.constant 0 : i32
        %dma_start3A_408 = arith.constant 0 : i32
        %dma_start3A_409 = tpu.memref_slice %arg2[%dma_start3A_407, %dma_start3A_408] : memref<1000000x64xf32, #tpu.memory_space<hbm>> -> memref<1000000x64xf32, #tpu.memory_space<hbm>>
        tpu.enqueue_indirect_dma source(%dma_start3A_409 : memref<1000000x64xf32, #tpu.memory_space<hbm>>) target(%dma_start3A_403 : memref<128x64xf32, #tpu.memory_space<vmem>>) offsets(%dma_start3A_406 : memref<128xi32, #tpu.memory_space<vmem>>) semaphore(%arg7 : memref<!tpu.dma_semaphore, #tpu.memory_space<semaphore_mem>>)
        %dma_start3A_410 = arith.constant 0 : i32
        %dma_start3A_411 = arith.constant 3 : i32
        %dma_start3A_412 = arith.constant 0 : i32
        %dma_start3A_413 = arith.constant 3 : i32
        %dma_start3A_414 = arith.constant 128 : i32
        %dma_start3A_415 = arith.constant 0 : i32
        %dma_start3A_416 = tpu.memref_slice %arg6[%dma_start3A_412, %dma_start3A_413, %dma_start3A_414, %dma_start3A_415] : memref<2x4x200x64xf32, #tpu.memory_space<vmem>> -> memref<1x1x72x64xf32, #tpu.memory_space<vmem>>
        %dma_start3A_417 = tpu.memref_squeeze %dma_start3A_416 : memref<1x1x72x64xf32, #tpu.memory_space<vmem>> -> memref<72x64xf32, #tpu.memory_space<vmem>>
        %dma_start3A_418 = arith.constant 128 : i32
        %dma_start3A_419 = tpu.memref_slice %arg5[%dma_start3A_410, %dma_start3A_411, %dma_start3A_418] : memref<2x4x200xi32, #tpu.memory_space<vmem>> -> memref<1x1x72xi32, #tpu.memory_space<vmem>>
        %dma_start3A_420 = tpu.memref_squeeze %dma_start3A_419 : memref<1x1x72xi32, #tpu.memory_space<vmem>> -> memref<72xi32, #tpu.memory_space<vmem>>
        %dma_start3A_421 = arith.constant 0 : i32
        %dma_start3A_422 = arith.constant 0 : i32
        %dma_start3A_423 = tpu.memref_slice %arg2[%dma_start3A_421, %dma_start3A_422] : memref<1000000x64xf32, #tpu.memory_space<hbm>> -> memref<1000000x64xf32, #tpu.memory_space<hbm>>
        tpu.enqueue_indirect_dma source(%dma_start3A_423 : memref<1000000x64xf32, #tpu.memory_space<hbm>>) target(%dma_start3A_417 : memref<72x64xf32, #tpu.memory_space<vmem>>) offsets(%dma_start3A_420 : memref<72xi32, #tpu.memory_space<vmem>>) semaphore(%arg7 : memref<!tpu.dma_semaphore, #tpu.memory_space<semaphore_mem>>)
      } else {
      }
      %dma_wait3A_239 = arith.constant 1 : i32
      %dma_wait3A_240 = arith.constant 0 : i32
      %dma_wait3A_241 = arith.constant 0 : i32
      %dma_wait3A_242 = arith.constant 0 : i32
      %dma_wait3A_243 = tpu.memref_slice %arg6[%dma_wait3A_239, %dma_wait3A_240, %dma_wait3A_241, %dma_wait3A_242] : memref<2x4x200x64xf32, #tpu.memory_space<vmem>> -> memref<1x4x200x64xf32, #tpu.memory_space<vmem>>
      %dma_wait3A_244 = tpu.memref_squeeze %dma_wait3A_243 : memref<1x4x200x64xf32, #tpu.memory_space<vmem>> -> memref<4x200x64xf32, #tpu.memory_space<vmem>>
      %dma_wait3A_245 = arith.constant 0 : i32
      %dma_wait3A_246 = arith.constant 0 : i32
      %dma_wait3A_247 = arith.constant 0 : i32
      %dma_wait3A_248 = tpu.memref_slice %arg4[%dma_wait3A_245, %dma_wait3A_246, %dma_wait3A_247] : memref<4096x200x64xf32, #tpu.memory_space<hbm>> -> memref<4x200x64xf32, #tpu.memory_space<hbm>>
      %dma_wait3A_249 = arith.constant 0 : i32
      %dma_wait3A_250 = arith.constant 0 : i32
      %dma_wait3A_251 = arith.constant 0 : i32
      %dma_wait3A_252 = tpu.memref_slice %arg6[%dma_wait3A_239, %dma_wait3A_249, %dma_wait3A_250, %dma_wait3A_251] : memref<2x4x200x64xf32, #tpu.memory_space<vmem>> -> memref<1x4x200x64xf32, #tpu.memory_space<vmem>>
      %dma_wait3A_253 = tpu.memref_squeeze %dma_wait3A_252 : memref<1x4x200x64xf32, #tpu.memory_space<vmem>> -> memref<4x200x64xf32, #tpu.memory_space<vmem>>
      %dma_wait3A_254 = arith.constant 0 : i32
      %dma_wait3A_255 = arith.constant 0 : i32
      %dma_wait3A_256 = arith.constant 0 : i32
      %dma_wait3A_257 = tpu.memref_slice %arg4[%dma_wait3A_254, %dma_wait3A_255, %dma_wait3A_256] : memref<4096x200x64xf32, #tpu.memory_space<hbm>> -> memref<4x200x64xf32, #tpu.memory_space<hbm>>
      tpu.wait_dma2 semaphore(%arg8 : memref<!tpu.dma_semaphore, #tpu.memory_space<semaphore_mem>>) src(%dma_wait3A_257 : memref<4x200x64xf32, #tpu.memory_space<hbm>>) dst(%dma_wait3A_253 : memref<4x200x64xf32, #tpu.memory_space<vmem>>)
      %scan3A_258 = arith.constant 0 : i32
      %scan3A_259 = arith.constant 0 : i32
      %scan3A_260 = arith.constant 200 : i32
      %scan3A_261 = arith.addi %scan3A_259, %scan3A_260 : i32
      %scan3A_262 = arith.constant 4 : i32
      scf.for %scan3A_302 = %scan3A_259 to %scan3A_261 step %scan3A_262  : i32 {
        %get3A = arith.constant 1 : i32
        %get3A_303 = arith.constant 0 : i32
        %get3A_304 = arith.index_cast %get3A : i32 to index
        %get3A_305 = arith.index_cast %get3A_303 : i32 to index
        %get3A_306 = arith.index_cast %scan3A_302 : i32 to index
        %get3A_307 = arith.constant 0 : index
        %get3A_308 = tpu.vector_load %arg6[%get3A_304, %get3A_305, %get3A_306, %get3A_307] {strides = array<i32>} : memref<2x4x200x64xf32, #tpu.memory_space<vmem>>, vector<1x1x1x16xf32>,
        %get3A_309 = vector.shape_cast %get3A_308 : vector<1x1x1x16xf32> to vector<16xf32>
        %mul3A_310 = arith.constant 8.000000e+00 : f32
        %mul3A_311 = vector.broadcast %mul3A_310 : f32 to vector<16xf32>
        %mul3A_312 = arith.mulf %get3A_309, %mul3A_311 : vector<16xf32>
        %swap3A = arith.constant 1 : i32
        %swap3A_313 = arith.constant 0 : i32
        %swap3A_314 = arith.index_cast %swap3A : i32 to index
        %swap3A_315 = arith.index_cast %swap3A_313 : i32 to index
        %swap3A_316 = arith.index_cast %scan3A_302 : i32 to index
        %swap3A_317 = arith.constant 0 : index
        %swap3A_318 = tpu.vector_load %arg6[%swap3A_314, %swap3A_315, %swap3A_316, %swap3A_317] {strides = array<i32>} : memref<2x4x200x64xf32, #tpu.memory_space<vmem>>, vector<1x1x1x16xf32>,
        %swap3A_319 = vector.shape_cast %swap3A_318 : vector<1x1x1x16xf32> to vector<16xf32>
        %swap3A_320 = vector.shape_cast %mul3A_312 : vector<16xf32> to vector<1x1x1x16xf32>
        tpu.vector_store %arg6[%swap3A_314, %swap3A_315, %swap3A_316, %swap3A_317], %swap3A_320 {strides = array<i32>} : memref<2x4x200x64xf32, #tpu.memory_space<vmem>>, vector<1x1x1x16xf32>,
        %get3A_321 = arith.constant 1 : i32
        %get3A_322 = arith.constant 0 : i32
        %get3A_323 = arith.index_cast %get3A_321 : i32 to index
        %get3A_324 = arith.index_cast %get3A_322 : i32 to index
        %get3A_325 = arith.index_cast %scan3A_302 : i32 to index
        %get3A_326 = arith.constant 16 : index
        %get3A_327 = tpu.vector_load %arg6[%get3A_323, %get3A_324, %get3A_325, %get3A_326] {strides = array<i32>} : memref<2x4x200x64xf32, #tpu.memory_space<vmem>>, vector<1x1x1x16xf32>,
        %get3A_328 = vector.shape_cast %get3A_327 : vector<1x1x1x16xf32> to vector<16xf32>
        %mul3A_329 = arith.constant 8.000000e+00 : f32
        %mul3A_330 = vector.broadcast %mul3A_329 : f32 to vector<16xf32>
        %mul3A_331 = arith.mulf %get3A_328, %mul3A_330 : vector<16xf32>
        %swap3A_332 = arith.constant 1 : i32
        %swap3A_333 = arith.constant 0 : i32
        %swap3A_334 = arith.index_cast %swap3A_332 : i32 to index
        %swap3A_335 = arith.index_cast %swap3A_333 : i32 to index
        %swap3A_336 = arith.index_cast %scan3A_302 : i32 to index
        %swap3A_337 = arith.constant 16 : index
        %swap3A_338 = tpu.vector_load %arg6[%swap3A_334, %swap3A_335, %swap3A_336, %swap3A_337] {strides = array<i32>} : memref<2x4x200x64xf32, #tpu.memory_space<vmem>>, vector<1x1x1x16xf32>,
        %swap3A_339 = vector.shape_cast %swap3A_338 : vector<1x1x1x16xf32> to vector<16xf32>
        %swap3A_340 = vector.shape_cast %mul3A_331 : vector<16xf32> to vector<1x1x1x16xf32>
        tpu.vector_store %arg6[%swap3A_334, %swap3A_335, %swap3A_336, %swap3A_337], %swap3A_340 {strides = array<i32>} : memref<2x4x200x64xf32, #tpu.memory_space<vmem>>, vector<1x1x1x16xf32>,
        %get3A_341 = arith.constant 1 : i32
        %get3A_342 = arith.constant 0 : i32
        %get3A_343 = arith.index_cast %get3A_341 : i32 to index
        %get3A_344 = arith.index_cast %get3A_342 : i32 to index
        %get3A_345 = arith.index_cast %scan3A_302 : i32 to index
        %get3A_346 = arith.constant 32 : index
        %get3A_347 = tpu.vector_load %arg6[%get3A_343, %get3A_344, %get3A_345, %get3A_346] {strides = array<i32>} : memref<2x4x200x64xf32, #tpu.memory_space<vmem>>, vector<1x1x1x16xf32>,
        %get3A_348 = vector.shape_cast %get3A_347 : vector<1x1x1x16xf32> to vector<16xf32>
        %mul3A_349 = arith.constant 8.000000e+00 : f32
        %mul3A_350 = vector.broadcast %mul3A_349 : f32 to vector<16xf32>
        %mul3A_351 = arith.mulf %get3A_348, %mul3A_350 : vector<16xf32>
        %swap3A_352 = arith.constant 1 : i32
        %swap3A_353 = arith.constant 0 : i32
        %swap3A_354 = arith.index_cast %swap3A_352 : i32 to index
        %swap3A_355 = arith.index_cast %swap3A_353 : i32 to index
        %swap3A_356 = arith.index_cast %scan3A_302 : i32 to index
        %swap3A_357 = arith.constant 32 : index
        %swap3A_358 = tpu.vector_load %arg6[%swap3A_354, %swap3A_355, %swap3A_356, %swap3A_357] {strides = array<i32>} : memref<2x4x200x64xf32, #tpu.memory_space<vmem>>, vector<1x1x1x16xf32>,
        %swap3A_359 = vector.shape_cast %swap3A_358 : vector<1x1x1x16xf32> to vector<16xf32>
        %swap3A_360 = vector.shape_cast %mul3A_351 : vector<16xf32> to vector<1x1x1x16xf32>
        tpu.vector_store %arg6[%swap3A_354, %swap3A_355, %swap3A_356, %swap3A_357], %swap3A_360 {strides = array<i32>} : memref<2x4x200x64xf32, #tpu.memory_space<vmem>>, vector<1x1x1x16xf32>,
        %get3A_361 = arith.constant 1 : i32
        %get3A_362 = arith.constant 0 : i32
        %get3A_363 = arith.index_cast %get3A_361 : i32 to index
        %get3A_364 = arith.index_cast %get3A_362 : i32 to index
        %get3A_365 = arith.index_cast %scan3A_302 : i32 to index
        %get3A_366 = arith.constant 48 : index
        %get3A_367 = tpu.vector_load %arg6[%get3A_363, %get3A_364, %get3A_365, %get3A_366] {strides = array<i32>} : memref<2x4x200x64xf32, #tpu.memory_space<vmem>>, vector<1x1x1x16xf32>,
        %get3A_368 = vector.shape_cast %get3A_367 : vector<1x1x1x16xf32> to vector<16xf32>
        %mul3A_369 = arith.constant 8.000000e+00 : f32
        %mul3A_370 = vector.broadcast %mul3A_369 : f32 to vector<16xf32>
        %mul3A_371 = arith.mulf %get3A_368, %mul3A_370 : vector<16xf32>
        %swap3A_372 = arith.constant 1 : i32
        %swap3A_373 = arith.constant 0 : i32
        %swap3A_374 = arith.index_cast %swap3A_372 : i32 to index
        %swap3A_375 = arith.index_cast %swap3A_373 : i32 to index
        %swap3A_376 = arith.index_cast %scan3A_302 : i32 to index
        %swap3A_377 = arith.constant 48 : index
        %swap3A_378 = tpu.vector_load %arg6[%swap3A_374, %swap3A_375, %swap3A_376, %swap3A_377] {strides = array<i32>} : memref<2x4x200x64xf32, #tpu.memory_space<vmem>>, vector<1x1x1x16xf32>,
        %swap3A_379 = vector.shape_cast %swap3A_378 : vector<1x1x1x16xf32> to vector<16xf32>
        %swap3A_380 = vector.shape_cast %mul3A_371 : vector<16xf32> to vector<1x1x1x16xf32>
        tpu.vector_store %arg6[%swap3A_374, %swap3A_375, %swap3A_376, %swap3A_377], %swap3A_380 {strides = array<i32>} : memref<2x4x200x64xf32, #tpu.memory_space<vmem>>, vector<1x1x1x16xf32>,
        %scan3A_381 = arith.constant 1 : i32
        %scan3A_382 = arith.addi %scan3A_302, %scan3A_381 : i32
        %get3A_383 = arith.constant 1 : i32
        %get3A_384 = arith.constant 0 : i32
        %get3A_385 = arith.index_cast %get3A_383 : i32 to index
        %get3A_386 = arith.index_cast %get3A_384 : i32 to index
        %get3A_387 = arith.index_cast %scan3A_382 : i32 to index
        %get3A_388 = arith.constant 0 : index
        %get3A_389 = tpu.vector_load %arg6[%get3A_385, %get3A_386, %get3A_387, %get3A_388] {strides = array<i32>} : memref<2x4x200x64xf32, #tpu.memory_space<vmem>>, vector<1x1x1x16xf32>,
        %get3A_390 = vector.shape_cast %get3A_389 : vector<1x1x1x16xf32> to vector<16xf32>
        %mul3A_391 = arith.constant 8.000000e+00 : f32
        %mul3A_392 = vector.broadcast %mul3A_391 : f32 to vector<16xf32>
        %mul3A_393 = arith.mulf %get3A_390, %mul3A_392 : vector<16xf32>
        %swap3A_394 = arith.constant 1 : i32
        %swap3A_395 = arith.constant 0 : i32
        %swap3A_396 = arith.index_cast %swap3A_394 : i32 to index
        %swap3A_397 = arith.index_cast %swap3A_395 : i32 to index
        %swap3A_398 = arith.index_cast %scan3A_382 : i32 to index
        %swap3A_399 = arith.constant 0 : index
        %swap3A_400 = tpu.vector_load %arg6[%swap3A_396, %swap3A_397, %swap3A_398, %swap3A_399] {strides = array<i32>} : memref<2x4x200x64xf32, #tpu.memory_space<vmem>>, vector<1x1x1x16xf32>,
        %swap3A_401 = vector.shape_cast %swap3A_400 : vector<1x1x1x16xf32> to vector<16xf32>
        %swap3A_402 = vector.shape_cast %mul3A_393 : vector<16xf32> to vector<1x1x1x16xf32>
        tpu.vector_store %arg6[%swap3A_396, %swap3A_397, %swap3A_398, %swap3A_399], %swap3A_402 {strides = array<i32>} : memref<2x4x200x64xf32, #tpu.memory_space<vmem>>, vector<1x1x1x16xf32>,
        %get3A_403 = arith.constant 1 : i32
        %get3A_404 = arith.constant 0 : i32
        %get3A_405 = arith.index_cast %get3A_403 : i32 to index
        %get3A_406 = arith.index_cast %get3A_404 : i32 to index
        %get3A_407 = arith.index_cast %scan3A_382 : i32 to index
        %get3A_408 = arith.constant 16 : index
        %get3A_409 = tpu.vector_load %arg6[%get3A_405, %get3A_406, %get3A_407, %get3A_408] {strides = array<i32>} : memref<2x4x200x64xf32, #tpu.memory_space<vmem>>, vector<1x1x1x16xf32>,
        %get3A_410 = vector.shape_cast %get3A_409 : vector<1x1x1x16xf32> to vector<16xf32>
        %mul3A_411 = arith.constant 8.000000e+00 : f32
        %mul3A_412 = vector.broadcast %mul3A_411 : f32 to vector<16xf32>
        %mul3A_413 = arith.mulf %get3A_410, %mul3A_412 : vector<16xf32>
        %swap3A_414 = arith.constant 1 : i32
        %swap3A_415 = arith.constant 0 : i32
        %swap3A_416 = arith.index_cast %swap3A_414 : i32 to index
        %swap3A_417 = arith.index_cast %swap3A_415 : i32 to index
        %swap3A_418 = arith.index_cast %scan3A_382 : i32 to index
        %swap3A_419 = arith.constant 16 : index
        %swap3A_420 = tpu.vector_load %arg6[%swap3A_416, %swap3A_417, %swap3A_418, %swap3A_419] {strides = array<i32>} : memref<2x4x200x64xf32, #tpu.memory_space<vmem>>, vector<1x1x1x16xf32>,
        %swap3A_421 = vector.shape_cast %swap3A_420 : vector<1x1x1x16xf32> to vector<16xf32>
        %swap3A_422 = vector.shape_cast %mul3A_413 : vector<16xf32> to vector<1x1x1x16xf32>
        tpu.vector_store %arg6[%swap3A_416, %swap3A_417, %swap3A_418, %swap3A_419], %swap3A_422 {strides = array<i32>} : memref<2x4x200x64xf32, #tpu.memory_space<vmem>>, vector<1x1x1x16xf32>,
        %get3A_423 = arith.constant 1 : i32
        %get3A_424 = arith.constant 0 : i32
        %get3A_425 = arith.index_cast %get3A_423 : i32 to index
        %get3A_426 = arith.index_cast %get3A_424 : i32 to index
        %get3A_427 = arith.index_cast %scan3A_382 : i32 to index
        %get3A_428 = arith.constant 32 : index
        %get3A_429 = tpu.vector_load %arg6[%get3A_425, %get3A_426, %get3A_427, %get3A_428] {strides = array<i32>} : memref<2x4x200x64xf32, #tpu.memory_space<vmem>>, vector<1x1x1x16xf32>,
        %get3A_430 = vector.shape_cast %get3A_429 : vector<1x1x1x16xf32> to vector<16xf32>
        %mul3A_431 = arith.constant 8.000000e+00 : f32
        %mul3A_432 = vector.broadcast %mul3A_431 : f32 to vector<16xf32>
        %mul3A_433 = arith.mulf %get3A_430, %mul3A_432 : vector<16xf32>
        %swap3A_434 = arith.constant 1 : i32
        %swap3A_435 = arith.constant 0 : i32
        %swap3A_436 = arith.index_cast %swap3A_434 : i32 to index
        %swap3A_437 = arith.index_cast %swap3A_435 : i32 to index
        %swap3A_438 = arith.index_cast %scan3A_382 : i32 to index
        %swap3A_439 = arith.constant 32 : index
        %swap3A_440 = tpu.vector_load %arg6[%swap3A_436, %swap3A_437, %swap3A_438, %swap3A_439] {strides = array<i32>} : memref<2x4x200x64xf32, #tpu.memory_space<vmem>>, vector<1x1x1x16xf32>,
        %swap3A_441 = vector.shape_cast %swap3A_440 : vector<1x1x1x16xf32> to vector<16xf32>
        %swap3A_442 = vector.shape_cast %mul3A_433 : vector<16xf32> to vector<1x1x1x16xf32>
        tpu.vector_store %arg6[%swap3A_436, %swap3A_437, %swap3A_438, %swap3A_439], %swap3A_442 {strides = array<i32>} : memref<2x4x200x64xf32, #tpu.memory_space<vmem>>, vector<1x1x1x16xf32>,
        %get3A_443 = arith.constant 1 : i32
        %get3A_444 = arith.constant 0 : i32
        %get3A_445 = arith.index_cast %get3A_443 : i32 to index
        %get3A_446 = arith.index_cast %get3A_444 : i32 to index
        %get3A_447 = arith.index_cast %scan3A_382 : i32 to index
        %get3A_448 = arith.constant 48 : index
        %get3A_449 = tpu.vector_load %arg6[%get3A_445, %get3A_446, %get3A_447, %get3A_448] {strides = array<i32>} : memref<2x4x200x64xf32, #tpu.memory_space<vmem>>, vector<1x1x1x16xf32>,
        %get3A_450 = vector.shape_cast %get3A_449 : vector<1x1x1x16xf32> to vector<16xf32>
        %mul3A_451 = arith.constant 8.000000e+00 : f32
        %mul3A_452 = vector.broadcast %mul3A_451 : f32 to vector<16xf32>
        %mul3A_453 = arith.mulf %get3A_450, %mul3A_452 : vector<16xf32>
        %swap3A_454 = arith.constant 1 : i32
        %swap3A_455 = arith.constant 0 : i32
        %swap3A_456 = arith.index_cast %swap3A_454 : i32 to index
        %swap3A_457 = arith.index_cast %swap3A_455 : i32 to index
        %swap3A_458 = arith.index_cast %scan3A_382 : i32 to index
        %swap3A_459 = arith.constant 48 : index
        %swap3A_460 = tpu.vector_load %arg6[%swap3A_456, %swap3A_457, %swap3A_458, %swap3A_459] {strides = array<i32>} : memref<2x4x200x64xf32, #tpu.memory_space<vmem>>, vector<1x1x1x16xf32>,
        %swap3A_461 = vector.shape_cast %swap3A_460 : vector<1x1x1x16xf32> to vector<16xf32>
        %swap3A_462 = vector.shape_cast %mul3A_453 : vector<16xf32> to vector<1x1x1x16xf32>
        tpu.vector_store %arg6[%swap3A_456, %swap3A_457, %swap3A_458, %swap3A_459], %swap3A_462 {strides = array<i32>} : memref<2x4x200x64xf32, #tpu.memory_space<vmem>>, vector<1x1x1x16xf32>,
        %scan3A_463 = arith.constant 2 : i32
        %scan3A_464 = arith.addi %scan3A_302, %scan3A_463 : i32
        %get3A_465 = arith.constant 1 : i32
        %get3A_466 = arith.constant 0 : i32
        %get3A_467 = arith.index_cast %get3A_465 : i32 to index
        %get3A_468 = arith.index_cast %get3A_466 : i32 to index
        %get3A_469 = arith.index_cast %scan3A_464 : i32 to index
        %get3A_470 = arith.constant 0 : index
        %get3A_471 = tpu.vector_load %arg6[%get3A_467, %get3A_468, %get3A_469, %get3A_470] {strides = array<i32>} : memref<2x4x200x64xf32, #tpu.memory_space<vmem>>, vector<1x1x1x16xf32>,
        %get3A_472 = vector.shape_cast %get3A_471 : vector<1x1x1x16xf32> to vector<16xf32>
        %mul3A_473 = arith.constant 8.000000e+00 : f32
        %mul3A_474 = vector.broadcast %mul3A_473 : f32 to vector<16xf32>
        %mul3A_475 = arith.mulf %get3A_472, %mul3A_474 : vector<16xf32>
        %swap3A_476 = arith.constant 1 : i32
        %swap3A_477 = arith.constant 0 : i32
        %swap3A_478 = arith.index_cast %swap3A_476 : i32 to index
        %swap3A_479 = arith.index_cast %swap3A_477 : i32 to index
        %swap3A_480 = arith.index_cast %scan3A_464 : i32 to index
        %swap3A_481 = arith.constant 0 : index
        %swap3A_482 = tpu.vector_load %arg6[%swap3A_478, %swap3A_479, %swap3A_480, %swap3A_481] {strides = array<i32>} : memref<2x4x200x64xf32, #tpu.memory_space<vmem>>, vector<1x1x1x16xf32>,
        %swap3A_483 = vector.shape_cast %swap3A_482 : vector<1x1x1x16xf32> to vector<16xf32>
        %swap3A_484 = vector.shape_cast %mul3A_475 : vector<16xf32> to vector<1x1x1x16xf32>
        tpu.vector_store %arg6[%swap3A_478, %swap3A_479, %swap3A_480, %swap3A_481], %swap3A_484 {strides = array<i32>} : memref<2x4x200x64xf32, #tpu.memory_space<vmem>>, vector<1x1x1x16xf32>,
        %get3A_485 = arith.constant 1 : i32
        %get3A_486 = arith.constant 0 : i32
        %get3A_487 = arith.index_cast %get3A_485 : i32 to index
        %get3A_488 = arith.index_cast %get3A_486 : i32 to index
        %get3A_489 = arith.index_cast %scan3A_464 : i32 to index
        %get3A_490 = arith.constant 16 : index
        %get3A_491 = tpu.vector_load %arg6[%get3A_487, %get3A_488, %get3A_489, %get3A_490] {strides = array<i32>} : memref<2x4x200x64xf32, #tpu.memory_space<vmem>>, vector<1x1x1x16xf32>,
        %get3A_492 = vector.shape_cast %get3A_491 : vector<1x1x1x16xf32> to vector<16xf32>
        %mul3A_493 = arith.constant 8.000000e+00 : f32
        %mul3A_494 = vector.broadcast %mul3A_493 : f32 to vector<16xf32>
        %mul3A_495 = arith.mulf %get3A_492, %mul3A_494 : vector<16xf32>
        %swap3A_496 = arith.constant 1 : i32
        %swap3A_497 = arith.constant 0 : i32
        %swap3A_498 = arith.index_cast %swap3A_496 : i32 to index
        %swap3A_499 = arith.index_cast %swap3A_497 : i32 to index
        %swap3A_500 = arith.index_cast %scan3A_464 : i32 to index
        %swap3A_501 = arith.constant 16 : index
        %swap3A_502 = tpu.vector_load %arg6[%swap3A_498, %swap3A_499, %swap3A_500, %swap3A_501] {strides = array<i32>} : memref<2x4x200x64xf32, #tpu.memory_space<vmem>>, vector<1x1x1x16xf32>,
        %swap3A_503 = vector.shape_cast %swap3A_502 : vector<1x1x1x16xf32> to vector<16xf32>
        %swap3A_504 = vector.shape_cast %mul3A_495 : vector<16xf32> to vector<1x1x1x16xf32>
        tpu.vector_store %arg6[%swap3A_498, %swap3A_499, %swap3A_500, %swap3A_501], %swap3A_504 {strides = array<i32>} : memref<2x4x200x64xf32, #tpu.memory_space<vmem>>, vector<1x1x1x16xf32>,
        %get3A_505 = arith.constant 1 : i32
        %get3A_506 = arith.constant 0 : i32
        %get3A_507 = arith.index_cast %get3A_505 : i32 to index
        %get3A_508 = arith.index_cast %get3A_506 : i32 to index
        %get3A_509 = arith.index_cast %scan3A_464 : i32 to index
        %get3A_510 = arith.constant 32 : index
        %get3A_511 = tpu.vector_load %arg6[%get3A_507, %get3A_508, %get3A_509, %get3A_510] {strides = array<i32>} : memref<2x4x200x64xf32, #tpu.memory_space<vmem>>, vector<1x1x1x16xf32>,
        %get3A_512 = vector.shape_cast %get3A_511 : vector<1x1x1x16xf32> to vector<16xf32>
        %mul3A_513 = arith.constant 8.000000e+00 : f32
        %mul3A_514 = vector.broadcast %mul3A_513 : f32 to vector<16xf32>
        %mul3A_515 = arith.mulf %get3A_512, %mul3A_514 : vector<16xf32>
        %swap3A_516 = arith.constant 1 : i32
        %swap3A_517 = arith.constant 0 : i32
        %swap3A_518 = arith.index_cast %swap3A_516 : i32 to index
        %swap3A_519 = arith.index_cast %swap3A_517 : i32 to index
        %swap3A_520 = arith.index_cast %scan3A_464 : i32 to index
        %swap3A_521 = arith.constant 32 : index
        %swap3A_522 = tpu.vector_load %arg6[%swap3A_518, %swap3A_519, %swap3A_520, %swap3A_521] {strides = array<i32>} : memref<2x4x200x64xf32, #tpu.memory_space<vmem>>, vector<1x1x1x16xf32>,
        %swap3A_523 = vector.shape_cast %swap3A_522 : vector<1x1x1x16xf32> to vector<16xf32>
        %swap3A_524 = vector.shape_cast %mul3A_515 : vector<16xf32> to vector<1x1x1x16xf32>
        tpu.vector_store %arg6[%swap3A_518, %swap3A_519, %swap3A_520, %swap3A_521], %swap3A_524 {strides = array<i32>} : memref<2x4x200x64xf32, #tpu.memory_space<vmem>>, vector<1x1x1x16xf32>,
        %get3A_525 = arith.constant 1 : i32
        %get3A_526 = arith.constant 0 : i32
        %get3A_527 = arith.index_cast %get3A_525 : i32 to index
        %get3A_528 = arith.index_cast %get3A_526 : i32 to index
        %get3A_529 = arith.index_cast %scan3A_464 : i32 to index
        %get3A_530 = arith.constant 48 : index
        %get3A_531 = tpu.vector_load %arg6[%get3A_527, %get3A_528, %get3A_529, %get3A_530] {strides = array<i32>} : memref<2x4x200x64xf32, #tpu.memory_space<vmem>>, vector<1x1x1x16xf32>,
        %get3A_532 = vector.shape_cast %get3A_531 : vector<1x1x1x16xf32> to vector<16xf32>
        %mul3A_533 = arith.constant 8.000000e+00 : f32
        %mul3A_534 = vector.broadcast %mul3A_533 : f32 to vector<16xf32>
        %mul3A_535 = arith.mulf %get3A_532, %mul3A_534 : vector<16xf32>
        %swap3A_536 = arith.constant 1 : i32
        %swap3A_537 = arith.constant 0 : i32
        %swap3A_538 = arith.index_cast %swap3A_536 : i32 to index
        %swap3A_539 = arith.index_cast %swap3A_537 : i32 to index
        %swap3A_540 = arith.index_cast %scan3A_464 : i32 to index
        %swap3A_541 = arith.constant 48 : index
        %swap3A_542 = tpu.vector_load %arg6[%swap3A_538, %swap3A_539, %swap3A_540, %swap3A_541] {strides = array<i32>} : memref<2x4x200x64xf32, #tpu.memory_space<vmem>>, vector<1x1x1x16xf32>,
        %swap3A_543 = vector.shape_cast %swap3A_542 : vector<1x1x1x16xf32> to vector<16xf32>
        %swap3A_544 = vector.shape_cast %mul3A_535 : vector<16xf32> to vector<1x1x1x16xf32>
        tpu.vector_store %arg6[%swap3A_538, %swap3A_539, %swap3A_540, %swap3A_541], %swap3A_544 {strides = array<i32>} : memref<2x4x200x64xf32, #tpu.memory_space<vmem>>, vector<1x1x1x16xf32>,
        %scan3A_545 = arith.constant 3 : i32
        %scan3A_546 = arith.addi %scan3A_302, %scan3A_545 : i32
        %get3A_547 = arith.constant 1 : i32
        %get3A_548 = arith.constant 0 : i32
        %get3A_549 = arith.index_cast %get3A_547 : i32 to index
        %get3A_550 = arith.index_cast %get3A_548 : i32 to index
        %get3A_551 = arith.index_cast %scan3A_546 : i32 to index
        %get3A_552 = arith.constant 0 : index
        %get3A_553 = tpu.vector_load %arg6[%get3A_549, %get3A_550, %get3A_551, %get3A_552] {strides = array<i32>} : memref<2x4x200x64xf32, #tpu.memory_space<vmem>>, vector<1x1x1x16xf32>,
        %get3A_554 = vector.shape_cast %get3A_553 : vector<1x1x1x16xf32> to vector<16xf32>
        %mul3A_555 = arith.constant 8.000000e+00 : f32
        %mul3A_556 = vector.broadcast %mul3A_555 : f32 to vector<16xf32>
        %mul3A_557 = arith.mulf %get3A_554, %mul3A_556 : vector<16xf32>
        %swap3A_558 = arith.constant 1 : i32
        %swap3A_559 = arith.constant 0 : i32
        %swap3A_560 = arith.index_cast %swap3A_558 : i32 to index
        %swap3A_561 = arith.index_cast %swap3A_559 : i32 to index
        %swap3A_562 = arith.index_cast %scan3A_546 : i32 to index
        %swap3A_563 = arith.constant 0 : index
        %swap3A_564 = tpu.vector_load %arg6[%swap3A_560, %swap3A_561, %swap3A_562, %swap3A_563] {strides = array<i32>} : memref<2x4x200x64xf32, #tpu.memory_space<vmem>>, vector<1x1x1x16xf32>,
        %swap3A_565 = vector.shape_cast %swap3A_564 : vector<1x1x1x16xf32> to vector<16xf32>
        %swap3A_566 = vector.shape_cast %mul3A_557 : vector<16xf32> to vector<1x1x1x16xf32>
        tpu.vector_store %arg6[%swap3A_560, %swap3A_561, %swap3A_562, %swap3A_563], %swap3A_566 {strides = array<i32>} : memref<2x4x200x64xf32, #tpu.memory_space<vmem>>, vector<1x1x1x16xf32>,
        %get3A_567 = arith.constant 1 : i32
        %get3A_568 = arith.constant 0 : i32
        %get3A_569 = arith.index_cast %get3A_567 : i32 to index
        %get3A_570 = arith.index_cast %get3A_568 : i32 to index
        %get3A_571 = arith.index_cast %scan3A_546 : i32 to index
        %get3A_572 = arith.constant 16 : index
        %get3A_573 = tpu.vector_load %arg6[%get3A_569, %get3A_570, %get3A_571, %get3A_572] {strides = array<i32>} : memref<2x4x200x64xf32, #tpu.memory_space<vmem>>, vector<1x1x1x16xf32>,
        %get3A_574 = vector.shape_cast %get3A_573 : vector<1x1x1x16xf32> to vector<16xf32>
        %mul3A_575 = arith.constant 8.000000e+00 : f32
        %mul3A_576 = vector.broadcast %mul3A_575 : f32 to vector<16xf32>
        %mul3A_577 = arith.mulf %get3A_574, %mul3A_576 : vector<16xf32>
        %swap3A_578 = arith.constant 1 : i32
        %swap3A_579 = arith.constant 0 : i32
        %swap3A_580 = arith.index_cast %swap3A_578 : i32 to index
        %swap3A_581 = arith.index_cast %swap3A_579 : i32 to index
        %swap3A_582 = arith.index_cast %scan3A_546 : i32 to index
        %swap3A_583 = arith.constant 16 : index
        %swap3A_584 = tpu.vector_load %arg6[%swap3A_580, %swap3A_581, %swap3A_582, %swap3A_583] {strides = array<i32>} : memref<2x4x200x64xf32, #tpu.memory_space<vmem>>, vector<1x1x1x16xf32>,
        %swap3A_585 = vector.shape_cast %swap3A_584 : vector<1x1x1x16xf32> to vector<16xf32>
        %swap3A_586 = vector.shape_cast %mul3A_577 : vector<16xf32> to vector<1x1x1x16xf32>
        tpu.vector_store %arg6[%swap3A_580, %swap3A_581, %swap3A_582, %swap3A_583], %swap3A_586 {strides = array<i32>} : memref<2x4x200x64xf32, #tpu.memory_space<vmem>>, vector<1x1x1x16xf32>,
        %get3A_587 = arith.constant 1 : i32
        %get3A_588 = arith.constant 0 : i32
        %get3A_589 = arith.index_cast %get3A_587 : i32 to index
        %get3A_590 = arith.index_cast %get3A_588 : i32 to index
        %get3A_591 = arith.index_cast %scan3A_546 : i32 to index
        %get3A_592 = arith.constant 32 : index
        %get3A_593 = tpu.vector_load %arg6[%get3A_589, %get3A_590, %get3A_591, %get3A_592] {strides = array<i32>} : memref<2x4x200x64xf32, #tpu.memory_space<vmem>>, vector<1x1x1x16xf32>,
        %get3A_594 = vector.shape_cast %get3A_593 : vector<1x1x1x16xf32> to vector<16xf32>
        %mul3A_595 = arith.constant 8.000000e+00 : f32
        %mul3A_596 = vector.broadcast %mul3A_595 : f32 to vector<16xf32>
        %mul3A_597 = arith.mulf %get3A_594, %mul3A_596 : vector<16xf32>
        %swap3A_598 = arith.constant 1 : i32
        %swap3A_599 = arith.constant 0 : i32
        %swap3A_600 = arith.index_cast %swap3A_598 : i32 to index
        %swap3A_601 = arith.index_cast %swap3A_599 : i32 to index
        %swap3A_602 = arith.index_cast %scan3A_546 : i32 to index
        %swap3A_603 = arith.constant 32 : index
        %swap3A_604 = tpu.vector_load %arg6[%swap3A_600, %swap3A_601, %swap3A_602, %swap3A_603] {strides = array<i32>} : memref<2x4x200x64xf32, #tpu.memory_space<vmem>>, vector<1x1x1x16xf32>,
        %swap3A_605 = vector.shape_cast %swap3A_604 : vector<1x1x1x16xf32> to vector<16xf32>
        %swap3A_606 = vector.shape_cast %mul3A_597 : vector<16xf32> to vector<1x1x1x16xf32>
        tpu.vector_store %arg6[%swap3A_600, %swap3A_601, %swap3A_602, %swap3A_603], %swap3A_606 {strides = array<i32>} : memref<2x4x200x64xf32, #tpu.memory_space<vmem>>, vector<1x1x1x16xf32>,
        %get3A_607 = arith.constant 1 : i32
        %get3A_608 = arith.constant 0 : i32
        %get3A_609 = arith.index_cast %get3A_607 : i32 to index
        %get3A_610 = arith.index_cast %get3A_608 : i32 to index
        %get3A_611 = arith.index_cast %scan3A_546 : i32 to index
        %get3A_612 = arith.constant 48 : index
        %get3A_613 = tpu.vector_load %arg6[%get3A_609, %get3A_610, %get3A_611, %get3A_612] {strides = array<i32>} : memref<2x4x200x64xf32, #tpu.memory_space<vmem>>, vector<1x1x1x16xf32>,
        %get3A_614 = vector.shape_cast %get3A_613 : vector<1x1x1x16xf32> to vector<16xf32>
        %mul3A_615 = arith.constant 8.000000e+00 : f32
        %mul3A_616 = vector.broadcast %mul3A_615 : f32 to vector<16xf32>
        %mul3A_617 = arith.mulf %get3A_614, %mul3A_616 : vector<16xf32>
        %swap3A_618 = arith.constant 1 : i32
        %swap3A_619 = arith.constant 0 : i32
        %swap3A_620 = arith.index_cast %swap3A_618 : i32 to index
        %swap3A_621 = arith.index_cast %swap3A_619 : i32 to index
        %swap3A_622 = arith.index_cast %scan3A_546 : i32 to index
        %swap3A_623 = arith.constant 48 : index
        %swap3A_624 = tpu.vector_load %arg6[%swap3A_620, %swap3A_621, %swap3A_622, %swap3A_623] {strides = array<i32>} : memref<2x4x200x64xf32, #tpu.memory_space<vmem>>, vector<1x1x1x16xf32>,
        %swap3A_625 = vector.shape_cast %swap3A_624 : vector<1x1x1x16xf32> to vector<16xf32>
        %swap3A_626 = vector.shape_cast %mul3A_617 : vector<16xf32> to vector<1x1x1x16xf32>
        tpu.vector_store %arg6[%swap3A_620, %swap3A_621, %swap3A_622, %swap3A_623], %swap3A_626 {strides = array<i32>} : memref<2x4x200x64xf32, #tpu.memory_space<vmem>>, vector<1x1x1x16xf32>,
      }
      %scan3A_263 = arith.constant 200 : i32
      %scan3A_264 = arith.constant 0 : i32
      %scan3A_265 = arith.constant 0 : i32
      %scan3A_266 = arith.constant 200 : i32
      %scan3A_267 = arith.addi %scan3A_265, %scan3A_266 : i32
      %scan3A_268 = arith.constant 4 : i32
      scf.for %scan3A_302 = %scan3A_265 to %scan3A_267 step %scan3A_268  : i32 {
        %get3A = arith.constant 1 : i32
        %get3A_303 = arith.constant 1 : i32
        %get3A_304 = arith.index_cast %get3A : i32 to index
        %get3A_305 = arith.index_cast %get3A_303 : i32 to index
        %get3A_306 = arith.index_cast %scan3A_302 : i32 to index
        %get3A_307 = arith.constant 0 : index
        %get3A_308 = tpu.vector_load %arg6[%get3A_304, %get3A_305, %get3A_306, %get3A_307] {strides = array<i32>} : memref<2x4x200x64xf32, #tpu.memory_space<vmem>>, vector<1x1x1x16xf32>,
        %get3A_309 = vector.shape_cast %get3A_308 : vector<1x1x1x16xf32> to vector<16xf32>
        %mul3A_310 = arith.constant 8.000000e+00 : f32
        %mul3A_311 = vector.broadcast %mul3A_310 : f32 to vector<16xf32>
        %mul3A_312 = arith.mulf %get3A_309, %mul3A_311 : vector<16xf32>
        %swap3A = arith.constant 1 : i32
        %swap3A_313 = arith.constant 1 : i32
        %swap3A_314 = arith.index_cast %swap3A : i32 to index
        %swap3A_315 = arith.index_cast %swap3A_313 : i32 to index
        %swap3A_316 = arith.index_cast %scan3A_302 : i32 to index
        %swap3A_317 = arith.constant 0 : index
        %swap3A_318 = tpu.vector_load %arg6[%swap3A_314, %swap3A_315, %swap3A_316, %swap3A_317] {strides = array<i32>} : memref<2x4x200x64xf32, #tpu.memory_space<vmem>>, vector<1x1x1x16xf32>,
        %swap3A_319 = vector.shape_cast %swap3A_318 : vector<1x1x1x16xf32> to vector<16xf32>
        %swap3A_320 = vector.shape_cast %mul3A_312 : vector<16xf32> to vector<1x1x1x16xf32>
        tpu.vector_store %arg6[%swap3A_314, %swap3A_315, %swap3A_316, %swap3A_317], %swap3A_320 {strides = array<i32>} : memref<2x4x200x64xf32, #tpu.memory_space<vmem>>, vector<1x1x1x16xf32>,
        %get3A_321 = arith.constant 1 : i32
        %get3A_322 = arith.constant 1 : i32
        %get3A_323 = arith.index_cast %get3A_321 : i32 to index
        %get3A_324 = arith.index_cast %get3A_322 : i32 to index
        %get3A_325 = arith.index_cast %scan3A_302 : i32 to index
        %get3A_326 = arith.constant 16 : index
        %get3A_327 = tpu.vector_load %arg6[%get3A_323, %get3A_324, %get3A_325, %get3A_326] {strides = array<i32>} : memref<2x4x200x64xf32, #tpu.memory_space<vmem>>, vector<1x1x1x16xf32>,
        %get3A_328 = vector.shape_cast %get3A_327 : vector<1x1x1x16xf32> to vector<16xf32>
        %mul3A_329 = arith.constant 8.000000e+00 : f32
        %mul3A_330 = vector.broadcast %mul3A_329 : f32 to vector<16xf32>
        %mul3A_331 = arith.mulf %get3A_328, %mul3A_330 : vector<16xf32>
        %swap3A_332 = arith.constant 1 : i32
        %swap3A_333 = arith.constant 1 : i32
        %swap3A_334 = arith.index_cast %swap3A_332 : i32 to index
        %swap3A_335 = arith.index_cast %swap3A_333 : i32 to index
        %swap3A_336 = arith.index_cast %scan3A_302 : i32 to index
        %swap3A_337 = arith.constant 16 : index
        %swap3A_338 = tpu.vector_load %arg6[%swap3A_334, %swap3A_335, %swap3A_336, %swap3A_337] {strides = array<i32>} : memref<2x4x200x64xf32, #tpu.memory_space<vmem>>, vector<1x1x1x16xf32>,
        %swap3A_339 = vector.shape_cast %swap3A_338 : vector<1x1x1x16xf32> to vector<16xf32>
        %swap3A_340 = vector.shape_cast %mul3A_331 : vector<16xf32> to vector<1x1x1x16xf32>
        tpu.vector_store %arg6[%swap3A_334, %swap3A_335, %swap3A_336, %swap3A_337], %swap3A_340 {strides = array<i32>} : memref<2x4x200x64xf32, #tpu.memory_space<vmem>>, vector<1x1x1x16xf32>,
        %get3A_341 = arith.constant 1 : i32
        %get3A_342 = arith.constant 1 : i32
        %get3A_343 = arith.index_cast %get3A_341 : i32 to index
        %get3A_344 = arith.index_cast %get3A_342 : i32 to index
        %get3A_345 = arith.index_cast %scan3A_302 : i32 to index
        %get3A_346 = arith.constant 32 : index
        %get3A_347 = tpu.vector_load %arg6[%get3A_343, %get3A_344, %get3A_345, %get3A_346] {strides = array<i32>} : memref<2x4x200x64xf32, #tpu.memory_space<vmem>>, vector<1x1x1x16xf32>,
        %get3A_348 = vector.shape_cast %get3A_347 : vector<1x1x1x16xf32> to vector<16xf32>
        %mul3A_349 = arith.constant 8.000000e+00 : f32
        %mul3A_350 = vector.broadcast %mul3A_349 : f32 to vector<16xf32>
        %mul3A_351 = arith.mulf %get3A_348, %mul3A_350 : vector<16xf32>
        %swap3A_352 = arith.constant 1 : i32
        %swap3A_353 = arith.constant 1 : i32
        %swap3A_354 = arith.index_cast %swap3A_352 : i32 to index
        %swap3A_355 = arith.index_cast %swap3A_353 : i32 to index
        %swap3A_356 = arith.index_cast %scan3A_302 : i32 to index
        %swap3A_357 = arith.constant 32 : index
        %swap3A_358 = tpu.vector_load %arg6[%swap3A_354, %swap3A_355, %swap3A_356, %swap3A_357] {strides = array<i32>} : memref<2x4x200x64xf32, #tpu.memory_space<vmem>>, vector<1x1x1x16xf32>,
        %swap3A_359 = vector.shape_cast %swap3A_358 : vector<1x1x1x16xf32> to vector<16xf32>
        %swap3A_360 = vector.shape_cast %mul3A_351 : vector<16xf32> to vector<1x1x1x16xf32>
        tpu.vector_store %arg6[%swap3A_354, %swap3A_355, %swap3A_356, %swap3A_357], %swap3A_360 {strides = array<i32>} : memref<2x4x200x64xf32, #tpu.memory_space<vmem>>, vector<1x1x1x16xf32>,
        %get3A_361 = arith.constant 1 : i32
        %get3A_362 = arith.constant 1 : i32
        %get3A_363 = arith.index_cast %get3A_361 : i32 to index
        %get3A_364 = arith.index_cast %get3A_362 : i32 to index
        %get3A_365 = arith.index_cast %scan3A_302 : i32 to index
        %get3A_366 = arith.constant 48 : index
        %get3A_367 = tpu.vector_load %arg6[%get3A_363, %get3A_364, %get3A_365, %get3A_366] {strides = array<i32>} : memref<2x4x200x64xf32, #tpu.memory_space<vmem>>, vector<1x1x1x16xf32>,
        %get3A_368 = vector.shape_cast %get3A_367 : vector<1x1x1x16xf32> to vector<16xf32>
        %mul3A_369 = arith.constant 8.000000e+00 : f32
        %mul3A_370 = vector.broadcast %mul3A_369 : f32 to vector<16xf32>
        %mul3A_371 = arith.mulf %get3A_368, %mul3A_370 : vector<16xf32>
        %swap3A_372 = arith.constant 1 : i32
        %swap3A_373 = arith.constant 1 : i32
        %swap3A_374 = arith.index_cast %swap3A_372 : i32 to index
        %swap3A_375 = arith.index_cast %swap3A_373 : i32 to index
        %swap3A_376 = arith.index_cast %scan3A_302 : i32 to index
        %swap3A_377 = arith.constant 48 : index
        %swap3A_378 = tpu.vector_load %arg6[%swap3A_374, %swap3A_375, %swap3A_376, %swap3A_377] {strides = array<i32>} : memref<2x4x200x64xf32, #tpu.memory_space<vmem>>, vector<1x1x1x16xf32>,
        %swap3A_379 = vector.shape_cast %swap3A_378 : vector<1x1x1x16xf32> to vector<16xf32>
        %swap3A_380 = vector.shape_cast %mul3A_371 : vector<16xf32> to vector<1x1x1x16xf32>
        tpu.vector_store %arg6[%swap3A_374, %swap3A_375, %swap3A_376, %swap3A_377], %swap3A_380 {strides = array<i32>} : memref<2x4x200x64xf32, #tpu.memory_space<vmem>>, vector<1x1x1x16xf32>,
        %scan3A_381 = arith.constant 1 : i32
        %scan3A_382 = arith.addi %scan3A_302, %scan3A_381 : i32
        %get3A_383 = arith.constant 1 : i32
        %get3A_384 = arith.constant 1 : i32
        %get3A_385 = arith.index_cast %get3A_383 : i32 to index
        %get3A_386 = arith.index_cast %get3A_384 : i32 to index
        %get3A_387 = arith.index_cast %scan3A_382 : i32 to index
        %get3A_388 = arith.constant 0 : index
        %get3A_389 = tpu.vector_load %arg6[%get3A_385, %get3A_386, %get3A_387, %get3A_388] {strides = array<i32>} : memref<2x4x200x64xf32, #tpu.memory_space<vmem>>, vector<1x1x1x16xf32>,
        %get3A_390 = vector.shape_cast %get3A_389 : vector<1x1x1x16xf32> to vector<16xf32>
        %mul3A_391 = arith.constant 8.000000e+00 : f32
        %mul3A_392 = vector.broadcast %mul3A_391 : f32 to vector<16xf32>
        %mul3A_393 = arith.mulf %get3A_390, %mul3A_392 : vector<16xf32>
        %swap3A_394 = arith.constant 1 : i32
        %swap3A_395 = arith.constant 1 : i32
        %swap3A_396 = arith.index_cast %swap3A_394 : i32 to index
        %swap3A_397 = arith.index_cast %swap3A_395 : i32 to index
        %swap3A_398 = arith.index_cast %scan3A_382 : i32 to index
        %swap3A_399 = arith.constant 0 : index
        %swap3A_400 = tpu.vector_load %arg6[%swap3A_396, %swap3A_397, %swap3A_398, %swap3A_399] {strides = array<i32>} : memref<2x4x200x64xf32, #tpu.memory_space<vmem>>, vector<1x1x1x16xf32>,
        %swap3A_401 = vector.shape_cast %swap3A_400 : vector<1x1x1x16xf32> to vector<16xf32>
        %swap3A_402 = vector.shape_cast %mul3A_393 : vector<16xf32> to vector<1x1x1x16xf32>
        tpu.vector_store %arg6[%swap3A_396, %swap3A_397, %swap3A_398, %swap3A_399], %swap3A_402 {strides = array<i32>} : memref<2x4x200x64xf32, #tpu.memory_space<vmem>>, vector<1x1x1x16xf32>,
        %get3A_403 = arith.constant 1 : i32
        %get3A_404 = arith.constant 1 : i32
        %get3A_405 = arith.index_cast %get3A_403 : i32 to index
        %get3A_406 = arith.index_cast %get3A_404 : i32 to index
        %get3A_407 = arith.index_cast %scan3A_382 : i32 to index
        %get3A_408 = arith.constant 16 : index
        %get3A_409 = tpu.vector_load %arg6[%get3A_405, %get3A_406, %get3A_407, %get3A_408] {strides = array<i32>} : memref<2x4x200x64xf32, #tpu.memory_space<vmem>>, vector<1x1x1x16xf32>,
        %get3A_410 = vector.shape_cast %get3A_409 : vector<1x1x1x16xf32> to vector<16xf32>
        %mul3A_411 = arith.constant 8.000000e+00 : f32
        %mul3A_412 = vector.broadcast %mul3A_411 : f32 to vector<16xf32>
        %mul3A_413 = arith.mulf %get3A_410, %mul3A_412 : vector<16xf32>
        %swap3A_414 = arith.constant 1 : i32
        %swap3A_415 = arith.constant 1 : i32
        %swap3A_416 = arith.index_cast %swap3A_414 : i32 to index
        %swap3A_417 = arith.index_cast %swap3A_415 : i32 to index
        %swap3A_418 = arith.index_cast %scan3A_382 : i32 to index
        %swap3A_419 = arith.constant 16 : index
        %swap3A_420 = tpu.vector_load %arg6[%swap3A_416, %swap3A_417, %swap3A_418, %swap3A_419] {strides = array<i32>} : memref<2x4x200x64xf32, #tpu.memory_space<vmem>>, vector<1x1x1x16xf32>,
        %swap3A_421 = vector.shape_cast %swap3A_420 : vector<1x1x1x16xf32> to vector<16xf32>
        %swap3A_422 = vector.shape_cast %mul3A_413 : vector<16xf32> to vector<1x1x1x16xf32>
        tpu.vector_store %arg6[%swap3A_416, %swap3A_417, %swap3A_418, %swap3A_419], %swap3A_422 {strides = array<i32>} : memref<2x4x200x64xf32, #tpu.memory_space<vmem>>, vector<1x1x1x16xf32>,
        %get3A_423 = arith.constant 1 : i32
        %get3A_424 = arith.constant 1 : i32
        %get3A_425 = arith.index_cast %get3A_423 : i32 to index
        %get3A_426 = arith.index_cast %get3A_424 : i32 to index
        %get3A_427 = arith.index_cast %scan3A_382 : i32 to index
        %get3A_428 = arith.constant 32 : index
        %get3A_429 = tpu.vector_load %arg6[%get3A_425, %get3A_426, %get3A_427, %get3A_428] {strides = array<i32>} : memref<2x4x200x64xf32, #tpu.memory_space<vmem>>, vector<1x1x1x16xf32>,
        %get3A_430 = vector.shape_cast %get3A_429 : vector<1x1x1x16xf32> to vector<16xf32>
        %mul3A_431 = arith.constant 8.000000e+00 : f32
        %mul3A_432 = vector.broadcast %mul3A_431 : f32 to vector<16xf32>
        %mul3A_433 = arith.mulf %get3A_430, %mul3A_432 : vector<16xf32>
        %swap3A_434 = arith.constant 1 : i32
        %swap3A_435 = arith.constant 1 : i32
        %swap3A_436 = arith.index_cast %swap3A_434 : i32 to index
        %swap3A_437 = arith.index_cast %swap3A_435 : i32 to index
        %swap3A_438 = arith.index_cast %scan3A_382 : i32 to index
        %swap3A_439 = arith.constant 32 : index
        %swap3A_440 = tpu.vector_load %arg6[%swap3A_436, %swap3A_437, %swap3A_438, %swap3A_439] {strides = array<i32>} : memref<2x4x200x64xf32, #tpu.memory_space<vmem>>, vector<1x1x1x16xf32>,
        %swap3A_441 = vector.shape_cast %swap3A_440 : vector<1x1x1x16xf32> to vector<16xf32>
        %swap3A_442 = vector.shape_cast %mul3A_433 : vector<16xf32> to vector<1x1x1x16xf32>
        tpu.vector_store %arg6[%swap3A_436, %swap3A_437, %swap3A_438, %swap3A_439], %swap3A_442 {strides = array<i32>} : memref<2x4x200x64xf32, #tpu.memory_space<vmem>>, vector<1x1x1x16xf32>,
        %get3A_443 = arith.constant 1 : i32
        %get3A_444 = arith.constant 1 : i32
        %get3A_445 = arith.index_cast %get3A_443 : i32 to index
        %get3A_446 = arith.index_cast %get3A_444 : i32 to index
        %get3A_447 = arith.index_cast %scan3A_382 : i32 to index
        %get3A_448 = arith.constant 48 : index
        %get3A_449 = tpu.vector_load %arg6[%get3A_445, %get3A_446, %get3A_447, %get3A_448] {strides = array<i32>} : memref<2x4x200x64xf32, #tpu.memory_space<vmem>>, vector<1x1x1x16xf32>,
        %get3A_450 = vector.shape_cast %get3A_449 : vector<1x1x1x16xf32> to vector<16xf32>
        %mul3A_451 = arith.constant 8.000000e+00 : f32
        %mul3A_452 = vector.broadcast %mul3A_451 : f32 to vector<16xf32>
        %mul3A_453 = arith.mulf %get3A_450, %mul3A_452 : vector<16xf32>
        %swap3A_454 = arith.constant 1 : i32
        %swap3A_455 = arith.constant 1 : i32
        %swap3A_456 = arith.index_cast %swap3A_454 : i32 to index
        %swap3A_457 = arith.index_cast %swap3A_455 : i32 to index
        %swap3A_458 = arith.index_cast %scan3A_382 : i32 to index
        %swap3A_459 = arith.constant 48 : index
        %swap3A_460 = tpu.vector_load %arg6[%swap3A_456, %swap3A_457, %swap3A_458, %swap3A_459] {strides = array<i32>} : memref<2x4x200x64xf32, #tpu.memory_space<vmem>>, vector<1x1x1x16xf32>,
        %swap3A_461 = vector.shape_cast %swap3A_460 : vector<1x1x1x16xf32> to vector<16xf32>
        %swap3A_462 = vector.shape_cast %mul3A_453 : vector<16xf32> to vector<1x1x1x16xf32>
        tpu.vector_store %arg6[%swap3A_456, %swap3A_457, %swap3A_458, %swap3A_459], %swap3A_462 {strides = array<i32>} : memref<2x4x200x64xf32, #tpu.memory_space<vmem>>, vector<1x1x1x16xf32>,
        %scan3A_463 = arith.constant 2 : i32
        %scan3A_464 = arith.addi %scan3A_302, %scan3A_463 : i32
        %get3A_465 = arith.constant 1 : i32
        %get3A_466 = arith.constant 1 : i32
        %get3A_467 = arith.index_cast %get3A_465 : i32 to index
        %get3A_468 = arith.index_cast %get3A_466 : i32 to index
        %get3A_469 = arith.index_cast %scan3A_464 : i32 to index
        %get3A_470 = arith.constant 0 : index
        %get3A_471 = tpu.vector_load %arg6[%get3A_467, %get3A_468, %get3A_469, %get3A_470] {strides = array<i32>} : memref<2x4x200x64xf32, #tpu.memory_space<vmem>>, vector<1x1x1x16xf32>,
        %get3A_472 = vector.shape_cast %get3A_471 : vector<1x1x1x16xf32> to vector<16xf32>
        %mul3A_473 = arith.constant 8.000000e+00 : f32
        %mul3A_474 = vector.broadcast %mul3A_473 : f32 to vector<16xf32>
        %mul3A_475 = arith.mulf %get3A_472, %mul3A_474 : vector<16xf32>
        %swap3A_476 = arith.constant 1 : i32
        %swap3A_477 = arith.constant 1 : i32
        %swap3A_478 = arith.index_cast %swap3A_476 : i32 to index
        %swap3A_479 = arith.index_cast %swap3A_477 : i32 to index
        %swap3A_480 = arith.index_cast %scan3A_464 : i32 to index
        %swap3A_481 = arith.constant 0 : index
        %swap3A_482 = tpu.vector_load %arg6[%swap3A_478, %swap3A_479, %swap3A_480, %swap3A_481] {strides = array<i32>} : memref<2x4x200x64xf32, #tpu.memory_space<vmem>>, vector<1x1x1x16xf32>,
        %swap3A_483 = vector.shape_cast %swap3A_482 : vector<1x1x1x16xf32> to vector<16xf32>
        %swap3A_484 = vector.shape_cast %mul3A_475 : vector<16xf32> to vector<1x1x1x16xf32>
        tpu.vector_store %arg6[%swap3A_478, %swap3A_479, %swap3A_480, %swap3A_481], %swap3A_484 {strides = array<i32>} : memref<2x4x200x64xf32, #tpu.memory_space<vmem>>, vector<1x1x1x16xf32>,
        %get3A_485 = arith.constant 1 : i32
        %get3A_486 = arith.constant 1 : i32
        %get3A_487 = arith.index_cast %get3A_485 : i32 to index
        %get3A_488 = arith.index_cast %get3A_486 : i32 to index
        %get3A_489 = arith.index_cast %scan3A_464 : i32 to index
        %get3A_490 = arith.constant 16 : index
        %get3A_491 = tpu.vector_load %arg6[%get3A_487, %get3A_488, %get3A_489, %get3A_490] {strides = array<i32>} : memref<2x4x200x64xf32, #tpu.memory_space<vmem>>, vector<1x1x1x16xf32>,
        %get3A_492 = vector.shape_cast %get3A_491 : vector<1x1x1x16xf32> to vector<16xf32>
        %mul3A_493 = arith.constant 8.000000e+00 : f32
        %mul3A_494 = vector.broadcast %mul3A_493 : f32 to vector<16xf32>
        %mul3A_495 = arith.mulf %get3A_492, %mul3A_494 : vector<16xf32>
        %swap3A_496 = arith.constant 1 : i32
        %swap3A_497 = arith.constant 1 : i32
        %swap3A_498 = arith.index_cast %swap3A_496 : i32 to index
        %swap3A_499 = arith.index_cast %swap3A_497 : i32 to index
        %swap3A_500 = arith.index_cast %scan3A_464 : i32 to index
        %swap3A_501 = arith.constant 16 : index
        %swap3A_502 = tpu.vector_load %arg6[%swap3A_498, %swap3A_499, %swap3A_500, %swap3A_501] {strides = array<i32>} : memref<2x4x200x64xf32, #tpu.memory_space<vmem>>, vector<1x1x1x16xf32>,
        %swap3A_503 = vector.shape_cast %swap3A_502 : vector<1x1x1x16xf32> to vector<16xf32>
        %swap3A_504 = vector.shape_cast %mul3A_495 : vector<16xf32> to vector<1x1x1x16xf32>
        tpu.vector_store %arg6[%swap3A_498, %swap3A_499, %swap3A_500, %swap3A_501], %swap3A_504 {strides = array<i32>} : memref<2x4x200x64xf32, #tpu.memory_space<vmem>>, vector<1x1x1x16xf32>,
        %get3A_505 = arith.constant 1 : i32
        %get3A_506 = arith.constant 1 : i32
        %get3A_507 = arith.index_cast %get3A_505 : i32 to index
        %get3A_508 = arith.index_cast %get3A_506 : i32 to index
        %get3A_509 = arith.index_cast %scan3A_464 : i32 to index
        %get3A_510 = arith.constant 32 : index
        %get3A_511 = tpu.vector_load %arg6[%get3A_507, %get3A_508, %get3A_509, %get3A_510] {strides = array<i32>} : memref<2x4x200x64xf32, #tpu.memory_space<vmem>>, vector<1x1x1x16xf32>,
        %get3A_512 = vector.shape_cast %get3A_511 : vector<1x1x1x16xf32> to vector<16xf32>
        %mul3A_513 = arith.constant 8.000000e+00 : f32
        %mul3A_514 = vector.broadcast %mul3A_513 : f32 to vector<16xf32>
        %mul3A_515 = arith.mulf %get3A_512, %mul3A_514 : vector<16xf32>
        %swap3A_516 = arith.constant 1 : i32
        %swap3A_517 = arith.constant 1 : i32
        %swap3A_518 = arith.index_cast %swap3A_516 : i32 to index
        %swap3A_519 = arith.index_cast %swap3A_517 : i32 to index
        %swap3A_520 = arith.index_cast %scan3A_464 : i32 to index
        %swap3A_521 = arith.constant 32 : index
        %swap3A_522 = tpu.vector_load %arg6[%swap3A_518, %swap3A_519, %swap3A_520, %swap3A_521] {strides = array<i32>} : memref<2x4x200x64xf32, #tpu.memory_space<vmem>>, vector<1x1x1x16xf32>,
        %swap3A_523 = vector.shape_cast %swap3A_522 : vector<1x1x1x16xf32> to vector<16xf32>
        %swap3A_524 = vector.shape_cast %mul3A_515 : vector<16xf32> to vector<1x1x1x16xf32>
        tpu.vector_store %arg6[%swap3A_518, %swap3A_519, %swap3A_520, %swap3A_521], %swap3A_524 {strides = array<i32>} : memref<2x4x200x64xf32, #tpu.memory_space<vmem>>, vector<1x1x1x16xf32>,
        %get3A_525 = arith.constant 1 : i32
        %get3A_526 = arith.constant 1 : i32
        %get3A_527 = arith.index_cast %get3A_525 : i32 to index
        %get3A_528 = arith.index_cast %get3A_526 : i32 to index
        %get3A_529 = arith.index_cast %scan3A_464 : i32 to index
        %get3A_530 = arith.constant 48 : index
        %get3A_531 = tpu.vector_load %arg6[%get3A_527, %get3A_528, %get3A_529, %get3A_530] {strides = array<i32>} : memref<2x4x200x64xf32, #tpu.memory_space<vmem>>, vector<1x1x1x16xf32>,
        %get3A_532 = vector.shape_cast %get3A_531 : vector<1x1x1x16xf32> to vector<16xf32>
        %mul3A_533 = arith.constant 8.000000e+00 : f32
        %mul3A_534 = vector.broadcast %mul3A_533 : f32 to vector<16xf32>
        %mul3A_535 = arith.mulf %get3A_532, %mul3A_534 : vector<16xf32>
        %swap3A_536 = arith.constant 1 : i32
        %swap3A_537 = arith.constant 1 : i32
        %swap3A_538 = arith.index_cast %swap3A_536 : i32 to index
        %swap3A_539 = arith.index_cast %swap3A_537 : i32 to index
        %swap3A_540 = arith.index_cast %scan3A_464 : i32 to index
        %swap3A_541 = arith.constant 48 : index
        %swap3A_542 = tpu.vector_load %arg6[%swap3A_538, %swap3A_539, %swap3A_540, %swap3A_541] {strides = array<i32>} : memref<2x4x200x64xf32, #tpu.memory_space<vmem>>, vector<1x1x1x16xf32>,
        %swap3A_543 = vector.shape_cast %swap3A_542 : vector<1x1x1x16xf32> to vector<16xf32>
        %swap3A_544 = vector.shape_cast %mul3A_535 : vector<16xf32> to vector<1x1x1x16xf32>
        tpu.vector_store %arg6[%swap3A_538, %swap3A_539, %swap3A_540, %swap3A_541], %swap3A_544 {strides = array<i32>} : memref<2x4x200x64xf32, #tpu.memory_space<vmem>>, vector<1x1x1x16xf32>,
        %scan3A_545 = arith.constant 3 : i32
        %scan3A_546 = arith.addi %scan3A_302, %scan3A_545 : i32
        %get3A_547 = arith.constant 1 : i32
        %get3A_548 = arith.constant 1 : i32
        %get3A_549 = arith.index_cast %get3A_547 : i32 to index
        %get3A_550 = arith.index_cast %get3A_548 : i32 to index
        %get3A_551 = arith.index_cast %scan3A_546 : i32 to index
        %get3A_552 = arith.constant 0 : index
        %get3A_553 = tpu.vector_load %arg6[%get3A_549, %get3A_550, %get3A_551, %get3A_552] {strides = array<i32>} : memref<2x4x200x64xf32, #tpu.memory_space<vmem>>, vector<1x1x1x16xf32>,
        %get3A_554 = vector.shape_cast %get3A_553 : vector<1x1x1x16xf32> to vector<16xf32>
        %mul3A_555 = arith.constant 8.000000e+00 : f32
        %mul3A_556 = vector.broadcast %mul3A_555 : f32 to vector<16xf32>
        %mul3A_557 = arith.mulf %get3A_554, %mul3A_556 : vector<16xf32>
        %swap3A_558 = arith.constant 1 : i32
        %swap3A_559 = arith.constant 1 : i32
        %swap3A_560 = arith.index_cast %swap3A_558 : i32 to index
        %swap3A_561 = arith.index_cast %swap3A_559 : i32 to index
        %swap3A_562 = arith.index_cast %scan3A_546 : i32 to index
        %swap3A_563 = arith.constant 0 : index
        %swap3A_564 = tpu.vector_load %arg6[%swap3A_560, %swap3A_561, %swap3A_562, %swap3A_563] {strides = array<i32>} : memref<2x4x200x64xf32, #tpu.memory_space<vmem>>, vector<1x1x1x16xf32>,
        %swap3A_565 = vector.shape_cast %swap3A_564 : vector<1x1x1x16xf32> to vector<16xf32>
        %swap3A_566 = vector.shape_cast %mul3A_557 : vector<16xf32> to vector<1x1x1x16xf32>
        tpu.vector_store %arg6[%swap3A_560, %swap3A_561, %swap3A_562, %swap3A_563], %swap3A_566 {strides = array<i32>} : memref<2x4x200x64xf32, #tpu.memory_space<vmem>>, vector<1x1x1x16xf32>,
        %get3A_567 = arith.constant 1 : i32
        %get3A_568 = arith.constant 1 : i32
        %get3A_569 = arith.index_cast %get3A_567 : i32 to index
        %get3A_570 = arith.index_cast %get3A_568 : i32 to index
        %get3A_571 = arith.index_cast %scan3A_546 : i32 to index
        %get3A_572 = arith.constant 16 : index
        %get3A_573 = tpu.vector_load %arg6[%get3A_569, %get3A_570, %get3A_571, %get3A_572] {strides = array<i32>} : memref<2x4x200x64xf32, #tpu.memory_space<vmem>>, vector<1x1x1x16xf32>,
        %get3A_574 = vector.shape_cast %get3A_573 : vector<1x1x1x16xf32> to vector<16xf32>
        %mul3A_575 = arith.constant 8.000000e+00 : f32
        %mul3A_576 = vector.broadcast %mul3A_575 : f32 to vector<16xf32>
        %mul3A_577 = arith.mulf %get3A_574, %mul3A_576 : vector<16xf32>
        %swap3A_578 = arith.constant 1 : i32
        %swap3A_579 = arith.constant 1 : i32
        %swap3A_580 = arith.index_cast %swap3A_578 : i32 to index
        %swap3A_581 = arith.index_cast %swap3A_579 : i32 to index
        %swap3A_582 = arith.index_cast %scan3A_546 : i32 to index
        %swap3A_583 = arith.constant 16 : index
        %swap3A_584 = tpu.vector_load %arg6[%swap3A_580, %swap3A_581, %swap3A_582, %swap3A_583] {strides = array<i32>} : memref<2x4x200x64xf32, #tpu.memory_space<vmem>>, vector<1x1x1x16xf32>,
        %swap3A_585 = vector.shape_cast %swap3A_584 : vector<1x1x1x16xf32> to vector<16xf32>
        %swap3A_586 = vector.shape_cast %mul3A_577 : vector<16xf32> to vector<1x1x1x16xf32>
        tpu.vector_store %arg6[%swap3A_580, %swap3A_581, %swap3A_582, %swap3A_583], %swap3A_586 {strides = array<i32>} : memref<2x4x200x64xf32, #tpu.memory_space<vmem>>, vector<1x1x1x16xf32>,
        %get3A_587 = arith.constant 1 : i32
        %get3A_588 = arith.constant 1 : i32
        %get3A_589 = arith.index_cast %get3A_587 : i32 to index
        %get3A_590 = arith.index_cast %get3A_588 : i32 to index
        %get3A_591 = arith.index_cast %scan3A_546 : i32 to index
        %get3A_592 = arith.constant 32 : index
        %get3A_593 = tpu.vector_load %arg6[%get3A_589, %get3A_590, %get3A_591, %get3A_592] {strides = array<i32>} : memref<2x4x200x64xf32, #tpu.memory_space<vmem>>, vector<1x1x1x16xf32>,
        %get3A_594 = vector.shape_cast %get3A_593 : vector<1x1x1x16xf32> to vector<16xf32>
        %mul3A_595 = arith.constant 8.000000e+00 : f32
        %mul3A_596 = vector.broadcast %mul3A_595 : f32 to vector<16xf32>
        %mul3A_597 = arith.mulf %get3A_594, %mul3A_596 : vector<16xf32>
        %swap3A_598 = arith.constant 1 : i32
        %swap3A_599 = arith.constant 1 : i32
        %swap3A_600 = arith.index_cast %swap3A_598 : i32 to index
        %swap3A_601 = arith.index_cast %swap3A_599 : i32 to index
        %swap3A_602 = arith.index_cast %scan3A_546 : i32 to index
        %swap3A_603 = arith.constant 32 : index
        %swap3A_604 = tpu.vector_load %arg6[%swap3A_600, %swap3A_601, %swap3A_602, %swap3A_603] {strides = array<i32>} : memref<2x4x200x64xf32, #tpu.memory_space<vmem>>, vector<1x1x1x16xf32>,
        %swap3A_605 = vector.shape_cast %swap3A_604 : vector<1x1x1x16xf32> to vector<16xf32>
        %swap3A_606 = vector.shape_cast %mul3A_597 : vector<16xf32> to vector<1x1x1x16xf32>
        tpu.vector_store %arg6[%swap3A_600, %swap3A_601, %swap3A_602, %swap3A_603], %swap3A_606 {strides = array<i32>} : memref<2x4x200x64xf32, #tpu.memory_space<vmem>>, vector<1x1x1x16xf32>,
        %get3A_607 = arith.constant 1 : i32
        %get3A_608 = arith.constant 1 : i32
        %get3A_609 = arith.index_cast %get3A_607 : i32 to index
        %get3A_610 = arith.index_cast %get3A_608 : i32 to index
        %get3A_611 = arith.index_cast %scan3A_546 : i32 to index
        %get3A_612 = arith.constant 48 : index
        %get3A_613 = tpu.vector_load %arg6[%get3A_609, %get3A_610, %get3A_611, %get3A_612] {strides = array<i32>} : memref<2x4x200x64xf32, #tpu.memory_space<vmem>>, vector<1x1x1x16xf32>,
        %get3A_614 = vector.shape_cast %get3A_613 : vector<1x1x1x16xf32> to vector<16xf32>
        %mul3A_615 = arith.constant 8.000000e+00 : f32
        %mul3A_616 = vector.broadcast %mul3A_615 : f32 to vector<16xf32>
        %mul3A_617 = arith.mulf %get3A_614, %mul3A_616 : vector<16xf32>
        %swap3A_618 = arith.constant 1 : i32
        %swap3A_619 = arith.constant 1 : i32
        %swap3A_620 = arith.index_cast %swap3A_618 : i32 to index
        %swap3A_621 = arith.index_cast %swap3A_619 : i32 to index
        %swap3A_622 = arith.index_cast %scan3A_546 : i32 to index
        %swap3A_623 = arith.constant 48 : index
        %swap3A_624 = tpu.vector_load %arg6[%swap3A_620, %swap3A_621, %swap3A_622, %swap3A_623] {strides = array<i32>} : memref<2x4x200x64xf32, #tpu.memory_space<vmem>>, vector<1x1x1x16xf32>,
        %swap3A_625 = vector.shape_cast %swap3A_624 : vector<1x1x1x16xf32> to vector<16xf32>
        %swap3A_626 = vector.shape_cast %mul3A_617 : vector<16xf32> to vector<1x1x1x16xf32>
        tpu.vector_store %arg6[%swap3A_620, %swap3A_621, %swap3A_622, %swap3A_623], %swap3A_626 {strides = array<i32>} : memref<2x4x200x64xf32, #tpu.memory_space<vmem>>, vector<1x1x1x16xf32>,
      }
      %scan3A_269 = arith.constant 200 : i32
      %scan3A_270 = arith.constant 0 : i32
      %scan3A_271 = arith.constant 0 : i32
      %scan3A_272 = arith.constant 200 : i32
      %scan3A_273 = arith.addi %scan3A_271, %scan3A_272 : i32
      %scan3A_274 = arith.constant 4 : i32
      scf.for %scan3A_302 = %scan3A_271 to %scan3A_273 step %scan3A_274  : i32 {
        %get3A = arith.constant 1 : i32
        %get3A_303 = arith.constant 2 : i32
        %get3A_304 = arith.index_cast %get3A : i32 to index
        %get3A_305 = arith.index_cast %get3A_303 : i32 to index
        %get3A_306 = arith.index_cast %scan3A_302 : i32 to index
        %get3A_307 = arith.constant 0 : index
        %get3A_308 = tpu.vector_load %arg6[%get3A_304, %get3A_305, %get3A_306, %get3A_307] {strides = array<i32>} : memref<2x4x200x64xf32, #tpu.memory_space<vmem>>, vector<1x1x1x16xf32>,
        %get3A_309 = vector.shape_cast %get3A_308 : vector<1x1x1x16xf32> to vector<16xf32>
        %mul3A_310 = arith.constant 8.000000e+00 : f32
        %mul3A_311 = vector.broadcast %mul3A_310 : f32 to vector<16xf32>
        %mul3A_312 = arith.mulf %get3A_309, %mul3A_311 : vector<16xf32>
        %swap3A = arith.constant 1 : i32
        %swap3A_313 = arith.constant 2 : i32
        %swap3A_314 = arith.index_cast %swap3A : i32 to index
        %swap3A_315 = arith.index_cast %swap3A_313 : i32 to index
        %swap3A_316 = arith.index_cast %scan3A_302 : i32 to index
        %swap3A_317 = arith.constant 0 : index
        %swap3A_318 = tpu.vector_load %arg6[%swap3A_314, %swap3A_315, %swap3A_316, %swap3A_317] {strides = array<i32>} : memref<2x4x200x64xf32, #tpu.memory_space<vmem>>, vector<1x1x1x16xf32>,
        %swap3A_319 = vector.shape_cast %swap3A_318 : vector<1x1x1x16xf32> to vector<16xf32>
        %swap3A_320 = vector.shape_cast %mul3A_312 : vector<16xf32> to vector<1x1x1x16xf32>
        tpu.vector_store %arg6[%swap3A_314, %swap3A_315, %swap3A_316, %swap3A_317], %swap3A_320 {strides = array<i32>} : memref<2x4x200x64xf32, #tpu.memory_space<vmem>>, vector<1x1x1x16xf32>,
        %get3A_321 = arith.constant 1 : i32
        %get3A_322 = arith.constant 2 : i32
        %get3A_323 = arith.index_cast %get3A_321 : i32 to index
        %get3A_324 = arith.index_cast %get3A_322 : i32 to index
        %get3A_325 = arith.index_cast %scan3A_302 : i32 to index
        %get3A_326 = arith.constant 16 : index
        %get3A_327 = tpu.vector_load %arg6[%get3A_323, %get3A_324, %get3A_325, %get3A_326] {strides = array<i32>} : memref<2x4x200x64xf32, #tpu.memory_space<vmem>>, vector<1x1x1x16xf32>,
        %get3A_328 = vector.shape_cast %get3A_327 : vector<1x1x1x16xf32> to vector<16xf32>
        %mul3A_329 = arith.constant 8.000000e+00 : f32
        %mul3A_330 = vector.broadcast %mul3A_329 : f32 to vector<16xf32>
        %mul3A_331 = arith.mulf %get3A_328, %mul3A_330 : vector<16xf32>
        %swap3A_332 = arith.constant 1 : i32
        %swap3A_333 = arith.constant 2 : i32
        %swap3A_334 = arith.index_cast %swap3A_332 : i32 to index
        %swap3A_335 = arith.index_cast %swap3A_333 : i32 to index
        %swap3A_336 = arith.index_cast %scan3A_302 : i32 to index
        %swap3A_337 = arith.constant 16 : index
        %swap3A_338 = tpu.vector_load %arg6[%swap3A_334, %swap3A_335, %swap3A_336, %swap3A_337] {strides = array<i32>} : memref<2x4x200x64xf32, #tpu.memory_space<vmem>>, vector<1x1x1x16xf32>,
        %swap3A_339 = vector.shape_cast %swap3A_338 : vector<1x1x1x16xf32> to vector<16xf32>
        %swap3A_340 = vector.shape_cast %mul3A_331 : vector<16xf32> to vector<1x1x1x16xf32>
        tpu.vector_store %arg6[%swap3A_334, %swap3A_335, %swap3A_336, %swap3A_337], %swap3A_340 {strides = array<i32>} : memref<2x4x200x64xf32, #tpu.memory_space<vmem>>, vector<1x1x1x16xf32>,
        %get3A_341 = arith.constant 1 : i32
        %get3A_342 = arith.constant 2 : i32
        %get3A_343 = arith.index_cast %get3A_341 : i32 to index
        %get3A_344 = arith.index_cast %get3A_342 : i32 to index
        %get3A_345 = arith.index_cast %scan3A_302 : i32 to index
        %get3A_346 = arith.constant 32 : index
        %get3A_347 = tpu.vector_load %arg6[%get3A_343, %get3A_344, %get3A_345, %get3A_346] {strides = array<i32>} : memref<2x4x200x64xf32, #tpu.memory_space<vmem>>, vector<1x1x1x16xf32>,
        %get3A_348 = vector.shape_cast %get3A_347 : vector<1x1x1x16xf32> to vector<16xf32>
        %mul3A_349 = arith.constant 8.000000e+00 : f32
        %mul3A_350 = vector.broadcast %mul3A_349 : f32 to vector<16xf32>
        %mul3A_351 = arith.mulf %get3A_348, %mul3A_350 : vector<16xf32>
        %swap3A_352 = arith.constant 1 : i32
        %swap3A_353 = arith.constant 2 : i32
        %swap3A_354 = arith.index_cast %swap3A_352 : i32 to index
        %swap3A_355 = arith.index_cast %swap3A_353 : i32 to index
        %swap3A_356 = arith.index_cast %scan3A_302 : i32 to index
        %swap3A_357 = arith.constant 32 : index
        %swap3A_358 = tpu.vector_load %arg6[%swap3A_354, %swap3A_355, %swap3A_356, %swap3A_357] {strides = array<i32>} : memref<2x4x200x64xf32, #tpu.memory_space<vmem>>, vector<1x1x1x16xf32>,
        %swap3A_359 = vector.shape_cast %swap3A_358 : vector<1x1x1x16xf32> to vector<16xf32>
        %swap3A_360 = vector.shape_cast %mul3A_351 : vector<16xf32> to vector<1x1x1x16xf32>
        tpu.vector_store %arg6[%swap3A_354, %swap3A_355, %swap3A_356, %swap3A_357], %swap3A_360 {strides = array<i32>} : memref<2x4x200x64xf32, #tpu.memory_space<vmem>>, vector<1x1x1x16xf32>,
        %get3A_361 = arith.constant 1 : i32
        %get3A_362 = arith.constant 2 : i32
        %get3A_363 = arith.index_cast %get3A_361 : i32 to index
        %get3A_364 = arith.index_cast %get3A_362 : i32 to index
        %get3A_365 = arith.index_cast %scan3A_302 : i32 to index
        %get3A_366 = arith.constant 48 : index
        %get3A_367 = tpu.vector_load %arg6[%get3A_363, %get3A_364, %get3A_365, %get3A_366] {strides = array<i32>} : memref<2x4x200x64xf32, #tpu.memory_space<vmem>>, vector<1x1x1x16xf32>,
        %get3A_368 = vector.shape_cast %get3A_367 : vector<1x1x1x16xf32> to vector<16xf32>
        %mul3A_369 = arith.constant 8.000000e+00 : f32
        %mul3A_370 = vector.broadcast %mul3A_369 : f32 to vector<16xf32>
        %mul3A_371 = arith.mulf %get3A_368, %mul3A_370 : vector<16xf32>
        %swap3A_372 = arith.constant 1 : i32
        %swap3A_373 = arith.constant 2 : i32
        %swap3A_374 = arith.index_cast %swap3A_372 : i32 to index
        %swap3A_375 = arith.index_cast %swap3A_373 : i32 to index
        %swap3A_376 = arith.index_cast %scan3A_302 : i32 to index
        %swap3A_377 = arith.constant 48 : index
        %swap3A_378 = tpu.vector_load %arg6[%swap3A_374, %swap3A_375, %swap3A_376, %swap3A_377] {strides = array<i32>} : memref<2x4x200x64xf32, #tpu.memory_space<vmem>>, vector<1x1x1x16xf32>,
        %swap3A_379 = vector.shape_cast %swap3A_378 : vector<1x1x1x16xf32> to vector<16xf32>
        %swap3A_380 = vector.shape_cast %mul3A_371 : vector<16xf32> to vector<1x1x1x16xf32>
        tpu.vector_store %arg6[%swap3A_374, %swap3A_375, %swap3A_376, %swap3A_377], %swap3A_380 {strides = array<i32>} : memref<2x4x200x64xf32, #tpu.memory_space<vmem>>, vector<1x1x1x16xf32>,
        %scan3A_381 = arith.constant 1 : i32
        %scan3A_382 = arith.addi %scan3A_302, %scan3A_381 : i32
        %get3A_383 = arith.constant 1 : i32
        %get3A_384 = arith.constant 2 : i32
        %get3A_385 = arith.index_cast %get3A_383 : i32 to index
        %get3A_386 = arith.index_cast %get3A_384 : i32 to index
        %get3A_387 = arith.index_cast %scan3A_382 : i32 to index
        %get3A_388 = arith.constant 0 : index
        %get3A_389 = tpu.vector_load %arg6[%get3A_385, %get3A_386, %get3A_387, %get3A_388] {strides = array<i32>} : memref<2x4x200x64xf32, #tpu.memory_space<vmem>>, vector<1x1x1x16xf32>,
        %get3A_390 = vector.shape_cast %get3A_389 : vector<1x1x1x16xf32> to vector<16xf32>
        %mul3A_391 = arith.constant 8.000000e+00 : f32
        %mul3A_392 = vector.broadcast %mul3A_391 : f32 to vector<16xf32>
        %mul3A_393 = arith.mulf %get3A_390, %mul3A_392 : vector<16xf32>
        %swap3A_394 = arith.constant 1 : i32
        %swap3A_395 = arith.constant 2 : i32
        %swap3A_396 = arith.index_cast %swap3A_394 : i32 to index
        %swap3A_397 = arith.index_cast %swap3A_395 : i32 to index
        %swap3A_398 = arith.index_cast %scan3A_382 : i32 to index
        %swap3A_399 = arith.constant 0 : index
        %swap3A_400 = tpu.vector_load %arg6[%swap3A_396, %swap3A_397, %swap3A_398, %swap3A_399] {strides = array<i32>} : memref<2x4x200x64xf32, #tpu.memory_space<vmem>>, vector<1x1x1x16xf32>,
        %swap3A_401 = vector.shape_cast %swap3A_400 : vector<1x1x1x16xf32> to vector<16xf32>
        %swap3A_402 = vector.shape_cast %mul3A_393 : vector<16xf32> to vector<1x1x1x16xf32>
        tpu.vector_store %arg6[%swap3A_396, %swap3A_397, %swap3A_398, %swap3A_399], %swap3A_402 {strides = array<i32>} : memref<2x4x200x64xf32, #tpu.memory_space<vmem>>, vector<1x1x1x16xf32>,
        %get3A_403 = arith.constant 1 : i32
        %get3A_404 = arith.constant 2 : i32
        %get3A_405 = arith.index_cast %get3A_403 : i32 to index
        %get3A_406 = arith.index_cast %get3A_404 : i32 to index
        %get3A_407 = arith.index_cast %scan3A_382 : i32 to index
        %get3A_408 = arith.constant 16 : index
        %get3A_409 = tpu.vector_load %arg6[%get3A_405, %get3A_406, %get3A_407, %get3A_408] {strides = array<i32>} : memref<2x4x200x64xf32, #tpu.memory_space<vmem>>, vector<1x1x1x16xf32>,
        %get3A_410 = vector.shape_cast %get3A_409 : vector<1x1x1x16xf32> to vector<16xf32>
        %mul3A_411 = arith.constant 8.000000e+00 : f32
        %mul3A_412 = vector.broadcast %mul3A_411 : f32 to vector<16xf32>
        %mul3A_413 = arith.mulf %get3A_410, %mul3A_412 : vector<16xf32>
        %swap3A_414 = arith.constant 1 : i32
        %swap3A_415 = arith.constant 2 : i32
        %swap3A_416 = arith.index_cast %swap3A_414 : i32 to index
        %swap3A_417 = arith.index_cast %swap3A_415 : i32 to index
        %swap3A_418 = arith.index_cast %scan3A_382 : i32 to index
        %swap3A_419 = arith.constant 16 : index
        %swap3A_420 = tpu.vector_load %arg6[%swap3A_416, %swap3A_417, %swap3A_418, %swap3A_419] {strides = array<i32>} : memref<2x4x200x64xf32, #tpu.memory_space<vmem>>, vector<1x1x1x16xf32>,
        %swap3A_421 = vector.shape_cast %swap3A_420 : vector<1x1x1x16xf32> to vector<16xf32>
        %swap3A_422 = vector.shape_cast %mul3A_413 : vector<16xf32> to vector<1x1x1x16xf32>
        tpu.vector_store %arg6[%swap3A_416, %swap3A_417, %swap3A_418, %swap3A_419], %swap3A_422 {strides = array<i32>} : memref<2x4x200x64xf32, #tpu.memory_space<vmem>>, vector<1x1x1x16xf32>,
        %get3A_423 = arith.constant 1 : i32
        %get3A_424 = arith.constant 2 : i32
        %get3A_425 = arith.index_cast %get3A_423 : i32 to index
        %get3A_426 = arith.index_cast %get3A_424 : i32 to index
        %get3A_427 = arith.index_cast %scan3A_382 : i32 to index
        %get3A_428 = arith.constant 32 : index
        %get3A_429 = tpu.vector_load %arg6[%get3A_425, %get3A_426, %get3A_427, %get3A_428] {strides = array<i32>} : memref<2x4x200x64xf32, #tpu.memory_space<vmem>>, vector<1x1x1x16xf32>,
        %get3A_430 = vector.shape_cast %get3A_429 : vector<1x1x1x16xf32> to vector<16xf32>
        %mul3A_431 = arith.constant 8.000000e+00 : f32
        %mul3A_432 = vector.broadcast %mul3A_431 : f32 to vector<16xf32>
        %mul3A_433 = arith.mulf %get3A_430, %mul3A_432 : vector<16xf32>
        %swap3A_434 = arith.constant 1 : i32
        %swap3A_435 = arith.constant 2 : i32
        %swap3A_436 = arith.index_cast %swap3A_434 : i32 to index
        %swap3A_437 = arith.index_cast %swap3A_435 : i32 to index
        %swap3A_438 = arith.index_cast %scan3A_382 : i32 to index
        %swap3A_439 = arith.constant 32 : index
        %swap3A_440 = tpu.vector_load %arg6[%swap3A_436, %swap3A_437, %swap3A_438, %swap3A_439] {strides = array<i32>} : memref<2x4x200x64xf32, #tpu.memory_space<vmem>>, vector<1x1x1x16xf32>,
        %swap3A_441 = vector.shape_cast %swap3A_440 : vector<1x1x1x16xf32> to vector<16xf32>
        %swap3A_442 = vector.shape_cast %mul3A_433 : vector<16xf32> to vector<1x1x1x16xf32>
        tpu.vector_store %arg6[%swap3A_436, %swap3A_437, %swap3A_438, %swap3A_439], %swap3A_442 {strides = array<i32>} : memref<2x4x200x64xf32, #tpu.memory_space<vmem>>, vector<1x1x1x16xf32>,
        %get3A_443 = arith.constant 1 : i32
        %get3A_444 = arith.constant 2 : i32
        %get3A_445 = arith.index_cast %get3A_443 : i32 to index
        %get3A_446 = arith.index_cast %get3A_444 : i32 to index
        %get3A_447 = arith.index_cast %scan3A_382 : i32 to index
        %get3A_448 = arith.constant 48 : index
        %get3A_449 = tpu.vector_load %arg6[%get3A_445, %get3A_446, %get3A_447, %get3A_448] {strides = array<i32>} : memref<2x4x200x64xf32, #tpu.memory_space<vmem>>, vector<1x1x1x16xf32>,
        %get3A_450 = vector.shape_cast %get3A_449 : vector<1x1x1x16xf32> to vector<16xf32>
        %mul3A_451 = arith.constant 8.000000e+00 : f32
        %mul3A_452 = vector.broadcast %mul3A_451 : f32 to vector<16xf32>
        %mul3A_453 = arith.mulf %get3A_450, %mul3A_452 : vector<16xf32>
        %swap3A_454 = arith.constant 1 : i32
        %swap3A_455 = arith.constant 2 : i32
        %swap3A_456 = arith.index_cast %swap3A_454 : i32 to index
        %swap3A_457 = arith.index_cast %swap3A_455 : i32 to index
        %swap3A_458 = arith.index_cast %scan3A_382 : i32 to index
        %swap3A_459 = arith.constant 48 : index
        %swap3A_460 = tpu.vector_load %arg6[%swap3A_456, %swap3A_457, %swap3A_458, %swap3A_459] {strides = array<i32>} : memref<2x4x200x64xf32, #tpu.memory_space<vmem>>, vector<1x1x1x16xf32>,
        %swap3A_461 = vector.shape_cast %swap3A_460 : vector<1x1x1x16xf32> to vector<16xf32>
        %swap3A_462 = vector.shape_cast %mul3A_453 : vector<16xf32> to vector<1x1x1x16xf32>
        tpu.vector_store %arg6[%swap3A_456, %swap3A_457, %swap3A_458, %swap3A_459], %swap3A_462 {strides = array<i32>} : memref<2x4x200x64xf32, #tpu.memory_space<vmem>>, vector<1x1x1x16xf32>,
        %scan3A_463 = arith.constant 2 : i32
        %scan3A_464 = arith.addi %scan3A_302, %scan3A_463 : i32
        %get3A_465 = arith.constant 1 : i32
        %get3A_466 = arith.constant 2 : i32
        %get3A_467 = arith.index_cast %get3A_465 : i32 to index
        %get3A_468 = arith.index_cast %get3A_466 : i32 to index
        %get3A_469 = arith.index_cast %scan3A_464 : i32 to index
        %get3A_470 = arith.constant 0 : index
        %get3A_471 = tpu.vector_load %arg6[%get3A_467, %get3A_468, %get3A_469, %get3A_470] {strides = array<i32>} : memref<2x4x200x64xf32, #tpu.memory_space<vmem>>, vector<1x1x1x16xf32>,
        %get3A_472 = vector.shape_cast %get3A_471 : vector<1x1x1x16xf32> to vector<16xf32>
        %mul3A_473 = arith.constant 8.000000e+00 : f32
        %mul3A_474 = vector.broadcast %mul3A_473 : f32 to vector<16xf32>
        %mul3A_475 = arith.mulf %get3A_472, %mul3A_474 : vector<16xf32>
        %swap3A_476 = arith.constant 1 : i32
        %swap3A_477 = arith.constant 2 : i32
        %swap3A_478 = arith.index_cast %swap3A_476 : i32 to index
        %swap3A_479 = arith.index_cast %swap3A_477 : i32 to index
        %swap3A_480 = arith.index_cast %scan3A_464 : i32 to index
        %swap3A_481 = arith.constant 0 : index
        %swap3A_482 = tpu.vector_load %arg6[%swap3A_478, %swap3A_479, %swap3A_480, %swap3A_481] {strides = array<i32>} : memref<2x4x200x64xf32, #tpu.memory_space<vmem>>, vector<1x1x1x16xf32>,
        %swap3A_483 = vector.shape_cast %swap3A_482 : vector<1x1x1x16xf32> to vector<16xf32>
        %swap3A_484 = vector.shape_cast %mul3A_475 : vector<16xf32> to vector<1x1x1x16xf32>
        tpu.vector_store %arg6[%swap3A_478, %swap3A_479, %swap3A_480, %swap3A_481], %swap3A_484 {strides = array<i32>} : memref<2x4x200x64xf32, #tpu.memory_space<vmem>>, vector<1x1x1x16xf32>,
        %get3A_485 = arith.constant 1 : i32
        %get3A_486 = arith.constant 2 : i32
        %get3A_487 = arith.index_cast %get3A_485 : i32 to index
        %get3A_488 = arith.index_cast %get3A_486 : i32 to index
        %get3A_489 = arith.index_cast %scan3A_464 : i32 to index
        %get3A_490 = arith.constant 16 : index
        %get3A_491 = tpu.vector_load %arg6[%get3A_487, %get3A_488, %get3A_489, %get3A_490] {strides = array<i32>} : memref<2x4x200x64xf32, #tpu.memory_space<vmem>>, vector<1x1x1x16xf32>,
        %get3A_492 = vector.shape_cast %get3A_491 : vector<1x1x1x16xf32> to vector<16xf32>
        %mul3A_493 = arith.constant 8.000000e+00 : f32
        %mul3A_494 = vector.broadcast %mul3A_493 : f32 to vector<16xf32>
        %mul3A_495 = arith.mulf %get3A_492, %mul3A_494 : vector<16xf32>
        %swap3A_496 = arith.constant 1 : i32
        %swap3A_497 = arith.constant 2 : i32
        %swap3A_498 = arith.index_cast %swap3A_496 : i32 to index
        %swap3A_499 = arith.index_cast %swap3A_497 : i32 to index
        %swap3A_500 = arith.index_cast %scan3A_464 : i32 to index
        %swap3A_501 = arith.constant 16 : index
        %swap3A_502 = tpu.vector_load %arg6[%swap3A_498, %swap3A_499, %swap3A_500, %swap3A_501] {strides = array<i32>} : memref<2x4x200x64xf32, #tpu.memory_space<vmem>>, vector<1x1x1x16xf32>,
        %swap3A_503 = vector.shape_cast %swap3A_502 : vector<1x1x1x16xf32> to vector<16xf32>
        %swap3A_504 = vector.shape_cast %mul3A_495 : vector<16xf32> to vector<1x1x1x16xf32>
        tpu.vector_store %arg6[%swap3A_498, %swap3A_499, %swap3A_500, %swap3A_501], %swap3A_504 {strides = array<i32>} : memref<2x4x200x64xf32, #tpu.memory_space<vmem>>, vector<1x1x1x16xf32>,
        %get3A_505 = arith.constant 1 : i32
        %get3A_506 = arith.constant 2 : i32
        %get3A_507 = arith.index_cast %get3A_505 : i32 to index
        %get3A_508 = arith.index_cast %get3A_506 : i32 to index
        %get3A_509 = arith.index_cast %scan3A_464 : i32 to index
        %get3A_510 = arith.constant 32 : index
        %get3A_511 = tpu.vector_load %arg6[%get3A_507, %get3A_508, %get3A_509, %get3A_510] {strides = array<i32>} : memref<2x4x200x64xf32, #tpu.memory_space<vmem>>, vector<1x1x1x16xf32>,
        %get3A_512 = vector.shape_cast %get3A_511 : vector<1x1x1x16xf32> to vector<16xf32>
        %mul3A_513 = arith.constant 8.000000e+00 : f32
        %mul3A_514 = vector.broadcast %mul3A_513 : f32 to vector<16xf32>
        %mul3A_515 = arith.mulf %get3A_512, %mul3A_514 : vector<16xf32>
        %swap3A_516 = arith.constant 1 : i32
        %swap3A_517 = arith.constant 2 : i32
        %swap3A_518 = arith.index_cast %swap3A_516 : i32 to index
        %swap3A_519 = arith.index_cast %swap3A_517 : i32 to index
        %swap3A_520 = arith.index_cast %scan3A_464 : i32 to index
        %swap3A_521 = arith.constant 32 : index
        %swap3A_522 = tpu.vector_load %arg6[%swap3A_518, %swap3A_519, %swap3A_520, %swap3A_521] {strides = array<i32>} : memref<2x4x200x64xf32, #tpu.memory_space<vmem>>, vector<1x1x1x16xf32>,
        %swap3A_523 = vector.shape_cast %swap3A_522 : vector<1x1x1x16xf32> to vector<16xf32>
        %swap3A_524 = vector.shape_cast %mul3A_515 : vector<16xf32> to vector<1x1x1x16xf32>
        tpu.vector_store %arg6[%swap3A_518, %swap3A_519, %swap3A_520, %swap3A_521], %swap3A_524 {strides = array<i32>} : memref<2x4x200x64xf32, #tpu.memory_space<vmem>>, vector<1x1x1x16xf32>,
        %get3A_525 = arith.constant 1 : i32
        %get3A_526 = arith.constant 2 : i32
        %get3A_527 = arith.index_cast %get3A_525 : i32 to index
        %get3A_528 = arith.index_cast %get3A_526 : i32 to index
        %get3A_529 = arith.index_cast %scan3A_464 : i32 to index
        %get3A_530 = arith.constant 48 : index
        %get3A_531 = tpu.vector_load %arg6[%get3A_527, %get3A_528, %get3A_529, %get3A_530] {strides = array<i32>} : memref<2x4x200x64xf32, #tpu.memory_space<vmem>>, vector<1x1x1x16xf32>,
        %get3A_532 = vector.shape_cast %get3A_531 : vector<1x1x1x16xf32> to vector<16xf32>
        %mul3A_533 = arith.constant 8.000000e+00 : f32
        %mul3A_534 = vector.broadcast %mul3A_533 : f32 to vector<16xf32>
        %mul3A_535 = arith.mulf %get3A_532, %mul3A_534 : vector<16xf32>
        %swap3A_536 = arith.constant 1 : i32
        %swap3A_537 = arith.constant 2 : i32
        %swap3A_538 = arith.index_cast %swap3A_536 : i32 to index
        %swap3A_539 = arith.index_cast %swap3A_537 : i32 to index
        %swap3A_540 = arith.index_cast %scan3A_464 : i32 to index
        %swap3A_541 = arith.constant 48 : index
        %swap3A_542 = tpu.vector_load %arg6[%swap3A_538, %swap3A_539, %swap3A_540, %swap3A_541] {strides = array<i32>} : memref<2x4x200x64xf32, #tpu.memory_space<vmem>>, vector<1x1x1x16xf32>,
        %swap3A_543 = vector.shape_cast %swap3A_542 : vector<1x1x1x16xf32> to vector<16xf32>
        %swap3A_544 = vector.shape_cast %mul3A_535 : vector<16xf32> to vector<1x1x1x16xf32>
        tpu.vector_store %arg6[%swap3A_538, %swap3A_539, %swap3A_540, %swap3A_541], %swap3A_544 {strides = array<i32>} : memref<2x4x200x64xf32, #tpu.memory_space<vmem>>, vector<1x1x1x16xf32>,
        %scan3A_545 = arith.constant 3 : i32
        %scan3A_546 = arith.addi %scan3A_302, %scan3A_545 : i32
        %get3A_547 = arith.constant 1 : i32
        %get3A_548 = arith.constant 2 : i32
        %get3A_549 = arith.index_cast %get3A_547 : i32 to index
        %get3A_550 = arith.index_cast %get3A_548 : i32 to index
        %get3A_551 = arith.index_cast %scan3A_546 : i32 to index
        %get3A_552 = arith.constant 0 : index
        %get3A_553 = tpu.vector_load %arg6[%get3A_549, %get3A_550, %get3A_551, %get3A_552] {strides = array<i32>} : memref<2x4x200x64xf32, #tpu.memory_space<vmem>>, vector<1x1x1x16xf32>,
        %get3A_554 = vector.shape_cast %get3A_553 : vector<1x1x1x16xf32> to vector<16xf32>
        %mul3A_555 = arith.constant 8.000000e+00 : f32
        %mul3A_556 = vector.broadcast %mul3A_555 : f32 to vector<16xf32>
        %mul3A_557 = arith.mulf %get3A_554, %mul3A_556 : vector<16xf32>
        %swap3A_558 = arith.constant 1 : i32
        %swap3A_559 = arith.constant 2 : i32
        %swap3A_560 = arith.index_cast %swap3A_558 : i32 to index
        %swap3A_561 = arith.index_cast %swap3A_559 : i32 to index
        %swap3A_562 = arith.index_cast %scan3A_546 : i32 to index
        %swap3A_563 = arith.constant 0 : index
        %swap3A_564 = tpu.vector_load %arg6[%swap3A_560, %swap3A_561, %swap3A_562, %swap3A_563] {strides = array<i32>} : memref<2x4x200x64xf32, #tpu.memory_space<vmem>>, vector<1x1x1x16xf32>,
        %swap3A_565 = vector.shape_cast %swap3A_564 : vector<1x1x1x16xf32> to vector<16xf32>
        %swap3A_566 = vector.shape_cast %mul3A_557 : vector<16xf32> to vector<1x1x1x16xf32>
        tpu.vector_store %arg6[%swap3A_560, %swap3A_561, %swap3A_562, %swap3A_563], %swap3A_566 {strides = array<i32>} : memref<2x4x200x64xf32, #tpu.memory_space<vmem>>, vector<1x1x1x16xf32>,
        %get3A_567 = arith.constant 1 : i32
        %get3A_568 = arith.constant 2 : i32
        %get3A_569 = arith.index_cast %get3A_567 : i32 to index
        %get3A_570 = arith.index_cast %get3A_568 : i32 to index
        %get3A_571 = arith.index_cast %scan3A_546 : i32 to index
        %get3A_572 = arith.constant 16 : index
        %get3A_573 = tpu.vector_load %arg6[%get3A_569, %get3A_570, %get3A_571, %get3A_572] {strides = array<i32>} : memref<2x4x200x64xf32, #tpu.memory_space<vmem>>, vector<1x1x1x16xf32>,
        %get3A_574 = vector.shape_cast %get3A_573 : vector<1x1x1x16xf32> to vector<16xf32>
        %mul3A_575 = arith.constant 8.000000e+00 : f32
        %mul3A_576 = vector.broadcast %mul3A_575 : f32 to vector<16xf32>
        %mul3A_577 = arith.mulf %get3A_574, %mul3A_576 : vector<16xf32>
        %swap3A_578 = arith.constant 1 : i32
        %swap3A_579 = arith.constant 2 : i32
        %swap3A_580 = arith.index_cast %swap3A_578 : i32 to index
        %swap3A_581 = arith.index_cast %swap3A_579 : i32 to index
        %swap3A_582 = arith.index_cast %scan3A_546 : i32 to index
        %swap3A_583 = arith.constant 16 : index
        %swap3A_584 = tpu.vector_load %arg6[%swap3A_580, %swap3A_581, %swap3A_582, %swap3A_583] {strides = array<i32>} : memref<2x4x200x64xf32, #tpu.memory_space<vmem>>, vector<1x1x1x16xf32>,
        %swap3A_585 = vector.shape_cast %swap3A_584 : vector<1x1x1x16xf32> to vector<16xf32>
        %swap3A_586 = vector.shape_cast %mul3A_577 : vector<16xf32> to vector<1x1x1x16xf32>
        tpu.vector_store %arg6[%swap3A_580, %swap3A_581, %swap3A_582, %swap3A_583], %swap3A_586 {strides = array<i32>} : memref<2x4x200x64xf32, #tpu.memory_space<vmem>>, vector<1x1x1x16xf32>,
        %get3A_587 = arith.constant 1 : i32
        %get3A_588 = arith.constant 2 : i32
        %get3A_589 = arith.index_cast %get3A_587 : i32 to index
        %get3A_590 = arith.index_cast %get3A_588 : i32 to index
        %get3A_591 = arith.index_cast %scan3A_546 : i32 to index
        %get3A_592 = arith.constant 32 : index
        %get3A_593 = tpu.vector_load %arg6[%get3A_589, %get3A_590, %get3A_591, %get3A_592] {strides = array<i32>} : memref<2x4x200x64xf32, #tpu.memory_space<vmem>>, vector<1x1x1x16xf32>,
        %get3A_594 = vector.shape_cast %get3A_593 : vector<1x1x1x16xf32> to vector<16xf32>
        %mul3A_595 = arith.constant 8.000000e+00 : f32
        %mul3A_596 = vector.broadcast %mul3A_595 : f32 to vector<16xf32>
        %mul3A_597 = arith.mulf %get3A_594, %mul3A_596 : vector<16xf32>
        %swap3A_598 = arith.constant 1 : i32
        %swap3A_599 = arith.constant 2 : i32
        %swap3A_600 = arith.index_cast %swap3A_598 : i32 to index
        %swap3A_601 = arith.index_cast %swap3A_599 : i32 to index
        %swap3A_602 = arith.index_cast %scan3A_546 : i32 to index
        %swap3A_603 = arith.constant 32 : index
        %swap3A_604 = tpu.vector_load %arg6[%swap3A_600, %swap3A_601, %swap3A_602, %swap3A_603] {strides = array<i32>} : memref<2x4x200x64xf32, #tpu.memory_space<vmem>>, vector<1x1x1x16xf32>,
        %swap3A_605 = vector.shape_cast %swap3A_604 : vector<1x1x1x16xf32> to vector<16xf32>
        %swap3A_606 = vector.shape_cast %mul3A_597 : vector<16xf32> to vector<1x1x1x16xf32>
        tpu.vector_store %arg6[%swap3A_600, %swap3A_601, %swap3A_602, %swap3A_603], %swap3A_606 {strides = array<i32>} : memref<2x4x200x64xf32, #tpu.memory_space<vmem>>, vector<1x1x1x16xf32>,
        %get3A_607 = arith.constant 1 : i32
        %get3A_608 = arith.constant 2 : i32
        %get3A_609 = arith.index_cast %get3A_607 : i32 to index
        %get3A_610 = arith.index_cast %get3A_608 : i32 to index
        %get3A_611 = arith.index_cast %scan3A_546 : i32 to index
        %get3A_612 = arith.constant 48 : index
        %get3A_613 = tpu.vector_load %arg6[%get3A_609, %get3A_610, %get3A_611, %get3A_612] {strides = array<i32>} : memref<2x4x200x64xf32, #tpu.memory_space<vmem>>, vector<1x1x1x16xf32>,
        %get3A_614 = vector.shape_cast %get3A_613 : vector<1x1x1x16xf32> to vector<16xf32>
        %mul3A_615 = arith.constant 8.000000e+00 : f32
        %mul3A_616 = vector.broadcast %mul3A_615 : f32 to vector<16xf32>
        %mul3A_617 = arith.mulf %get3A_614, %mul3A_616 : vector<16xf32>
        %swap3A_618 = arith.constant 1 : i32
        %swap3A_619 = arith.constant 2 : i32
        %swap3A_620 = arith.index_cast %swap3A_618 : i32 to index
        %swap3A_621 = arith.index_cast %swap3A_619 : i32 to index
        %swap3A_622 = arith.index_cast %scan3A_546 : i32 to index
        %swap3A_623 = arith.constant 48 : index
        %swap3A_624 = tpu.vector_load %arg6[%swap3A_620, %swap3A_621, %swap3A_622, %swap3A_623] {strides = array<i32>} : memref<2x4x200x64xf32, #tpu.memory_space<vmem>>, vector<1x1x1x16xf32>,
        %swap3A_625 = vector.shape_cast %swap3A_624 : vector<1x1x1x16xf32> to vector<16xf32>
        %swap3A_626 = vector.shape_cast %mul3A_617 : vector<16xf32> to vector<1x1x1x16xf32>
        tpu.vector_store %arg6[%swap3A_620, %swap3A_621, %swap3A_622, %swap3A_623], %swap3A_626 {strides = array<i32>} : memref<2x4x200x64xf32, #tpu.memory_space<vmem>>, vector<1x1x1x16xf32>,
      }
      %scan3A_275 = arith.constant 200 : i32
      %scan3A_276 = arith.constant 0 : i32
      %scan3A_277 = arith.constant 0 : i32
      %scan3A_278 = arith.constant 200 : i32
      %scan3A_279 = arith.addi %scan3A_277, %scan3A_278 : i32
      %scan3A_280 = arith.constant 4 : i32
      scf.for %scan3A_302 = %scan3A_277 to %scan3A_279 step %scan3A_280  : i32 {
        %get3A = arith.constant 1 : i32
        %get3A_303 = arith.constant 3 : i32
        %get3A_304 = arith.index_cast %get3A : i32 to index
        %get3A_305 = arith.index_cast %get3A_303 : i32 to index
        %get3A_306 = arith.index_cast %scan3A_302 : i32 to index
        %get3A_307 = arith.constant 0 : index
        %get3A_308 = tpu.vector_load %arg6[%get3A_304, %get3A_305, %get3A_306, %get3A_307] {strides = array<i32>} : memref<2x4x200x64xf32, #tpu.memory_space<vmem>>, vector<1x1x1x16xf32>,
        %get3A_309 = vector.shape_cast %get3A_308 : vector<1x1x1x16xf32> to vector<16xf32>
        %mul3A_310 = arith.constant 8.000000e+00 : f32
        %mul3A_311 = vector.broadcast %mul3A_310 : f32 to vector<16xf32>
        %mul3A_312 = arith.mulf %get3A_309, %mul3A_311 : vector<16xf32>
        %swap3A = arith.constant 1 : i32
        %swap3A_313 = arith.constant 3 : i32
        %swap3A_314 = arith.index_cast %swap3A : i32 to index
        %swap3A_315 = arith.index_cast %swap3A_313 : i32 to index
        %swap3A_316 = arith.index_cast %scan3A_302 : i32 to index
        %swap3A_317 = arith.constant 0 : index
        %swap3A_318 = tpu.vector_load %arg6[%swap3A_314, %swap3A_315, %swap3A_316, %swap3A_317] {strides = array<i32>} : memref<2x4x200x64xf32, #tpu.memory_space<vmem>>, vector<1x1x1x16xf32>,
        %swap3A_319 = vector.shape_cast %swap3A_318 : vector<1x1x1x16xf32> to vector<16xf32>
        %swap3A_320 = vector.shape_cast %mul3A_312 : vector<16xf32> to vector<1x1x1x16xf32>
        tpu.vector_store %arg6[%swap3A_314, %swap3A_315, %swap3A_316, %swap3A_317], %swap3A_320 {strides = array<i32>} : memref<2x4x200x64xf32, #tpu.memory_space<vmem>>, vector<1x1x1x16xf32>,
        %get3A_321 = arith.constant 1 : i32
        %get3A_322 = arith.constant 3 : i32
        %get3A_323 = arith.index_cast %get3A_321 : i32 to index
        %get3A_324 = arith.index_cast %get3A_322 : i32 to index
        %get3A_325 = arith.index_cast %scan3A_302 : i32 to index
        %get3A_326 = arith.constant 16 : index
        %get3A_327 = tpu.vector_load %arg6[%get3A_323, %get3A_324, %get3A_325, %get3A_326] {strides = array<i32>} : memref<2x4x200x64xf32, #tpu.memory_space<vmem>>, vector<1x1x1x16xf32>,
        %get3A_328 = vector.shape_cast %get3A_327 : vector<1x1x1x16xf32> to vector<16xf32>
        %mul3A_329 = arith.constant 8.000000e+00 : f32
        %mul3A_330 = vector.broadcast %mul3A_329 : f32 to vector<16xf32>
        %mul3A_331 = arith.mulf %get3A_328, %mul3A_330 : vector<16xf32>
        %swap3A_332 = arith.constant 1 : i32
        %swap3A_333 = arith.constant 3 : i32
        %swap3A_334 = arith.index_cast %swap3A_332 : i32 to index
        %swap3A_335 = arith.index_cast %swap3A_333 : i32 to index
        %swap3A_336 = arith.index_cast %scan3A_302 : i32 to index
        %swap3A_337 = arith.constant 16 : index
        %swap3A_338 = tpu.vector_load %arg6[%swap3A_334, %swap3A_335, %swap3A_336, %swap3A_337] {strides = array<i32>} : memref<2x4x200x64xf32, #tpu.memory_space<vmem>>, vector<1x1x1x16xf32>,
        %swap3A_339 = vector.shape_cast %swap3A_338 : vector<1x1x1x16xf32> to vector<16xf32>
        %swap3A_340 = vector.shape_cast %mul3A_331 : vector<16xf32> to vector<1x1x1x16xf32>
        tpu.vector_store %arg6[%swap3A_334, %swap3A_335, %swap3A_336, %swap3A_337], %swap3A_340 {strides = array<i32>} : memref<2x4x200x64xf32, #tpu.memory_space<vmem>>, vector<1x1x1x16xf32>,
        %get3A_341 = arith.constant 1 : i32
        %get3A_342 = arith.constant 3 : i32
        %get3A_343 = arith.index_cast %get3A_341 : i32 to index
        %get3A_344 = arith.index_cast %get3A_342 : i32 to index
        %get3A_345 = arith.index_cast %scan3A_302 : i32 to index
        %get3A_346 = arith.constant 32 : index
        %get3A_347 = tpu.vector_load %arg6[%get3A_343, %get3A_344, %get3A_345, %get3A_346] {strides = array<i32>} : memref<2x4x200x64xf32, #tpu.memory_space<vmem>>, vector<1x1x1x16xf32>,
        %get3A_348 = vector.shape_cast %get3A_347 : vector<1x1x1x16xf32> to vector<16xf32>
        %mul3A_349 = arith.constant 8.000000e+00 : f32
        %mul3A_350 = vector.broadcast %mul3A_349 : f32 to vector<16xf32>
        %mul3A_351 = arith.mulf %get3A_348, %mul3A_350 : vector<16xf32>
        %swap3A_352 = arith.constant 1 : i32
        %swap3A_353 = arith.constant 3 : i32
        %swap3A_354 = arith.index_cast %swap3A_352 : i32 to index
        %swap3A_355 = arith.index_cast %swap3A_353 : i32 to index
        %swap3A_356 = arith.index_cast %scan3A_302 : i32 to index
        %swap3A_357 = arith.constant 32 : index
        %swap3A_358 = tpu.vector_load %arg6[%swap3A_354, %swap3A_355, %swap3A_356, %swap3A_357] {strides = array<i32>} : memref<2x4x200x64xf32, #tpu.memory_space<vmem>>, vector<1x1x1x16xf32>,
        %swap3A_359 = vector.shape_cast %swap3A_358 : vector<1x1x1x16xf32> to vector<16xf32>
        %swap3A_360 = vector.shape_cast %mul3A_351 : vector<16xf32> to vector<1x1x1x16xf32>
        tpu.vector_store %arg6[%swap3A_354, %swap3A_355, %swap3A_356, %swap3A_357], %swap3A_360 {strides = array<i32>} : memref<2x4x200x64xf32, #tpu.memory_space<vmem>>, vector<1x1x1x16xf32>,
        %get3A_361 = arith.constant 1 : i32
        %get3A_362 = arith.constant 3 : i32
        %get3A_363 = arith.index_cast %get3A_361 : i32 to index
        %get3A_364 = arith.index_cast %get3A_362 : i32 to index
        %get3A_365 = arith.index_cast %scan3A_302 : i32 to index
        %get3A_366 = arith.constant 48 : index
        %get3A_367 = tpu.vector_load %arg6[%get3A_363, %get3A_364, %get3A_365, %get3A_366] {strides = array<i32>} : memref<2x4x200x64xf32, #tpu.memory_space<vmem>>, vector<1x1x1x16xf32>,
        %get3A_368 = vector.shape_cast %get3A_367 : vector<1x1x1x16xf32> to vector<16xf32>
        %mul3A_369 = arith.constant 8.000000e+00 : f32
        %mul3A_370 = vector.broadcast %mul3A_369 : f32 to vector<16xf32>
        %mul3A_371 = arith.mulf %get3A_368, %mul3A_370 : vector<16xf32>
        %swap3A_372 = arith.constant 1 : i32
        %swap3A_373 = arith.constant 3 : i32
        %swap3A_374 = arith.index_cast %swap3A_372 : i32 to index
        %swap3A_375 = arith.index_cast %swap3A_373 : i32 to index
        %swap3A_376 = arith.index_cast %scan3A_302 : i32 to index
        %swap3A_377 = arith.constant 48 : index
        %swap3A_378 = tpu.vector_load %arg6[%swap3A_374, %swap3A_375, %swap3A_376, %swap3A_377] {strides = array<i32>} : memref<2x4x200x64xf32, #tpu.memory_space<vmem>>, vector<1x1x1x16xf32>,
        %swap3A_379 = vector.shape_cast %swap3A_378 : vector<1x1x1x16xf32> to vector<16xf32>
        %swap3A_380 = vector.shape_cast %mul3A_371 : vector<16xf32> to vector<1x1x1x16xf32>
        tpu.vector_store %arg6[%swap3A_374, %swap3A_375, %swap3A_376, %swap3A_377], %swap3A_380 {strides = array<i32>} : memref<2x4x200x64xf32, #tpu.memory_space<vmem>>, vector<1x1x1x16xf32>,
        %scan3A_381 = arith.constant 1 : i32
        %scan3A_382 = arith.addi %scan3A_302, %scan3A_381 : i32
        %get3A_383 = arith.constant 1 : i32
        %get3A_384 = arith.constant 3 : i32
        %get3A_385 = arith.index_cast %get3A_383 : i32 to index
        %get3A_386 = arith.index_cast %get3A_384 : i32 to index
        %get3A_387 = arith.index_cast %scan3A_382 : i32 to index
        %get3A_388 = arith.constant 0 : index
        %get3A_389 = tpu.vector_load %arg6[%get3A_385, %get3A_386, %get3A_387, %get3A_388] {strides = array<i32>} : memref<2x4x200x64xf32, #tpu.memory_space<vmem>>, vector<1x1x1x16xf32>,
        %get3A_390 = vector.shape_cast %get3A_389 : vector<1x1x1x16xf32> to vector<16xf32>
        %mul3A_391 = arith.constant 8.000000e+00 : f32
        %mul3A_392 = vector.broadcast %mul3A_391 : f32 to vector<16xf32>
        %mul3A_393 = arith.mulf %get3A_390, %mul3A_392 : vector<16xf32>
        %swap3A_394 = arith.constant 1 : i32
        %swap3A_395 = arith.constant 3 : i32
        %swap3A_396 = arith.index_cast %swap3A_394 : i32 to index
        %swap3A_397 = arith.index_cast %swap3A_395 : i32 to index
        %swap3A_398 = arith.index_cast %scan3A_382 : i32 to index
        %swap3A_399 = arith.constant 0 : index
        %swap3A_400 = tpu.vector_load %arg6[%swap3A_396, %swap3A_397, %swap3A_398, %swap3A_399] {strides = array<i32>} : memref<2x4x200x64xf32, #tpu.memory_space<vmem>>, vector<1x1x1x16xf32>,
        %swap3A_401 = vector.shape_cast %swap3A_400 : vector<1x1x1x16xf32> to vector<16xf32>
        %swap3A_402 = vector.shape_cast %mul3A_393 : vector<16xf32> to vector<1x1x1x16xf32>
        tpu.vector_store %arg6[%swap3A_396, %swap3A_397, %swap3A_398, %swap3A_399], %swap3A_402 {strides = array<i32>} : memref<2x4x200x64xf32, #tpu.memory_space<vmem>>, vector<1x1x1x16xf32>,
        %get3A_403 = arith.constant 1 : i32
        %get3A_404 = arith.constant 3 : i32
        %get3A_405 = arith.index_cast %get3A_403 : i32 to index
        %get3A_406 = arith.index_cast %get3A_404 : i32 to index
        %get3A_407 = arith.index_cast %scan3A_382 : i32 to index
        %get3A_408 = arith.constant 16 : index
        %get3A_409 = tpu.vector_load %arg6[%get3A_405, %get3A_406, %get3A_407, %get3A_408] {strides = array<i32>} : memref<2x4x200x64xf32, #tpu.memory_space<vmem>>, vector<1x1x1x16xf32>,
        %get3A_410 = vector.shape_cast %get3A_409 : vector<1x1x1x16xf32> to vector<16xf32>
        %mul3A_411 = arith.constant 8.000000e+00 : f32
        %mul3A_412 = vector.broadcast %mul3A_411 : f32 to vector<16xf32>
        %mul3A_413 = arith.mulf %get3A_410, %mul3A_412 : vector<16xf32>
        %swap3A_414 = arith.constant 1 : i32
        %swap3A_415 = arith.constant 3 : i32
        %swap3A_416 = arith.index_cast %swap3A_414 : i32 to index
        %swap3A_417 = arith.index_cast %swap3A_415 : i32 to index
        %swap3A_418 = arith.index_cast %scan3A_382 : i32 to index
        %swap3A_419 = arith.constant 16 : index
        %swap3A_420 = tpu.vector_load %arg6[%swap3A_416, %swap3A_417, %swap3A_418, %swap3A_419] {strides = array<i32>} : memref<2x4x200x64xf32, #tpu.memory_space<vmem>>, vector<1x1x1x16xf32>,
        %swap3A_421 = vector.shape_cast %swap3A_420 : vector<1x1x1x16xf32> to vector<16xf32>
        %swap3A_422 = vector.shape_cast %mul3A_413 : vector<16xf32> to vector<1x1x1x16xf32>
        tpu.vector_store %arg6[%swap3A_416, %swap3A_417, %swap3A_418, %swap3A_419], %swap3A_422 {strides = array<i32>} : memref<2x4x200x64xf32, #tpu.memory_space<vmem>>, vector<1x1x1x16xf32>,
        %get3A_423 = arith.constant 1 : i32
        %get3A_424 = arith.constant 3 : i32
        %get3A_425 = arith.index_cast %get3A_423 : i32 to index
        %get3A_426 = arith.index_cast %get3A_424 : i32 to index
        %get3A_427 = arith.index_cast %scan3A_382 : i32 to index
        %get3A_428 = arith.constant 32 : index
        %get3A_429 = tpu.vector_load %arg6[%get3A_425, %get3A_426, %get3A_427, %get3A_428] {strides = array<i32>} : memref<2x4x200x64xf32, #tpu.memory_space<vmem>>, vector<1x1x1x16xf32>,
        %get3A_430 = vector.shape_cast %get3A_429 : vector<1x1x1x16xf32> to vector<16xf32>
        %mul3A_431 = arith.constant 8.000000e+00 : f32
        %mul3A_432 = vector.broadcast %mul3A_431 : f32 to vector<16xf32>
        %mul3A_433 = arith.mulf %get3A_430, %mul3A_432 : vector<16xf32>
        %swap3A_434 = arith.constant 1 : i32
        %swap3A_435 = arith.constant 3 : i32
        %swap3A_436 = arith.index_cast %swap3A_434 : i32 to index
        %swap3A_437 = arith.index_cast %swap3A_435 : i32 to index
        %swap3A_438 = arith.index_cast %scan3A_382 : i32 to index
        %swap3A_439 = arith.constant 32 : index
        %swap3A_440 = tpu.vector_load %arg6[%swap3A_436, %swap3A_437, %swap3A_438, %swap3A_439] {strides = array<i32>} : memref<2x4x200x64xf32, #tpu.memory_space<vmem>>, vector<1x1x1x16xf32>,
        %swap3A_441 = vector.shape_cast %swap3A_440 : vector<1x1x1x16xf32> to vector<16xf32>
        %swap3A_442 = vector.shape_cast %mul3A_433 : vector<16xf32> to vector<1x1x1x16xf32>
        tpu.vector_store %arg6[%swap3A_436, %swap3A_437, %swap3A_438, %swap3A_439], %swap3A_442 {strides = array<i32>} : memref<2x4x200x64xf32, #tpu.memory_space<vmem>>, vector<1x1x1x16xf32>,
        %get3A_443 = arith.constant 1 : i32
        %get3A_444 = arith.constant 3 : i32
        %get3A_445 = arith.index_cast %get3A_443 : i32 to index
        %get3A_446 = arith.index_cast %get3A_444 : i32 to index
        %get3A_447 = arith.index_cast %scan3A_382 : i32 to index
        %get3A_448 = arith.constant 48 : index
        %get3A_449 = tpu.vector_load %arg6[%get3A_445, %get3A_446, %get3A_447, %get3A_448] {strides = array<i32>} : memref<2x4x200x64xf32, #tpu.memory_space<vmem>>, vector<1x1x1x16xf32>,
        %get3A_450 = vector.shape_cast %get3A_449 : vector<1x1x1x16xf32> to vector<16xf32>
        %mul3A_451 = arith.constant 8.000000e+00 : f32
        %mul3A_452 = vector.broadcast %mul3A_451 : f32 to vector<16xf32>
        %mul3A_453 = arith.mulf %get3A_450, %mul3A_452 : vector<16xf32>
        %swap3A_454 = arith.constant 1 : i32
        %swap3A_455 = arith.constant 3 : i32
        %swap3A_456 = arith.index_cast %swap3A_454 : i32 to index
        %swap3A_457 = arith.index_cast %swap3A_455 : i32 to index
        %swap3A_458 = arith.index_cast %scan3A_382 : i32 to index
        %swap3A_459 = arith.constant 48 : index
        %swap3A_460 = tpu.vector_load %arg6[%swap3A_456, %swap3A_457, %swap3A_458, %swap3A_459] {strides = array<i32>} : memref<2x4x200x64xf32, #tpu.memory_space<vmem>>, vector<1x1x1x16xf32>,
        %swap3A_461 = vector.shape_cast %swap3A_460 : vector<1x1x1x16xf32> to vector<16xf32>
        %swap3A_462 = vector.shape_cast %mul3A_453 : vector<16xf32> to vector<1x1x1x16xf32>
        tpu.vector_store %arg6[%swap3A_456, %swap3A_457, %swap3A_458, %swap3A_459], %swap3A_462 {strides = array<i32>} : memref<2x4x200x64xf32, #tpu.memory_space<vmem>>, vector<1x1x1x16xf32>,
        %scan3A_463 = arith.constant 2 : i32
        %scan3A_464 = arith.addi %scan3A_302, %scan3A_463 : i32
        %get3A_465 = arith.constant 1 : i32
        %get3A_466 = arith.constant 3 : i32
        %get3A_467 = arith.index_cast %get3A_465 : i32 to index
        %get3A_468 = arith.index_cast %get3A_466 : i32 to index
        %get3A_469 = arith.index_cast %scan3A_464 : i32 to index
        %get3A_470 = arith.constant 0 : index
        %get3A_471 = tpu.vector_load %arg6[%get3A_467, %get3A_468, %get3A_469, %get3A_470] {strides = array<i32>} : memref<2x4x200x64xf32, #tpu.memory_space<vmem>>, vector<1x1x1x16xf32>,
        %get3A_472 = vector.shape_cast %get3A_471 : vector<1x1x1x16xf32> to vector<16xf32>
        %mul3A_473 = arith.constant 8.000000e+00 : f32
        %mul3A_474 = vector.broadcast %mul3A_473 : f32 to vector<16xf32>
        %mul3A_475 = arith.mulf %get3A_472, %mul3A_474 : vector<16xf32>
        %swap3A_476 = arith.constant 1 : i32
        %swap3A_477 = arith.constant 3 : i32
        %swap3A_478 = arith.index_cast %swap3A_476 : i32 to index
        %swap3A_479 = arith.index_cast %swap3A_477 : i32 to index
        %swap3A_480 = arith.index_cast %scan3A_464 : i32 to index
        %swap3A_481 = arith.constant 0 : index
        %swap3A_482 = tpu.vector_load %arg6[%swap3A_478, %swap3A_479, %swap3A_480, %swap3A_481] {strides = array<i32>} : memref<2x4x200x64xf32, #tpu.memory_space<vmem>>, vector<1x1x1x16xf32>,
        %swap3A_483 = vector.shape_cast %swap3A_482 : vector<1x1x1x16xf32> to vector<16xf32>
        %swap3A_484 = vector.shape_cast %mul3A_475 : vector<16xf32> to vector<1x1x1x16xf32>
        tpu.vector_store %arg6[%swap3A_478, %swap3A_479, %swap3A_480, %swap3A_481], %swap3A_484 {strides = array<i32>} : memref<2x4x200x64xf32, #tpu.memory_space<vmem>>, vector<1x1x1x16xf32>,
        %get3A_485 = arith.constant 1 : i32
        %get3A_486 = arith.constant 3 : i32
        %get3A_487 = arith.index_cast %get3A_485 : i32 to index
        %get3A_488 = arith.index_cast %get3A_486 : i32 to index
        %get3A_489 = arith.index_cast %scan3A_464 : i32 to index
        %get3A_490 = arith.constant 16 : index
        %get3A_491 = tpu.vector_load %arg6[%get3A_487, %get3A_488, %get3A_489, %get3A_490] {strides = array<i32>} : memref<2x4x200x64xf32, #tpu.memory_space<vmem>>, vector<1x1x1x16xf32>,
        %get3A_492 = vector.shape_cast %get3A_491 : vector<1x1x1x16xf32> to vector<16xf32>
        %mul3A_493 = arith.constant 8.000000e+00 : f32
        %mul3A_494 = vector.broadcast %mul3A_493 : f32 to vector<16xf32>
        %mul3A_495 = arith.mulf %get3A_492, %mul3A_494 : vector<16xf32>
        %swap3A_496 = arith.constant 1 : i32
        %swap3A_497 = arith.constant 3 : i32
        %swap3A_498 = arith.index_cast %swap3A_496 : i32 to index
        %swap3A_499 = arith.index_cast %swap3A_497 : i32 to index
        %swap3A_500 = arith.index_cast %scan3A_464 : i32 to index
        %swap3A_501 = arith.constant 16 : index
        %swap3A_502 = tpu.vector_load %arg6[%swap3A_498, %swap3A_499, %swap3A_500, %swap3A_501] {strides = array<i32>} : memref<2x4x200x64xf32, #tpu.memory_space<vmem>>, vector<1x1x1x16xf32>,
        %swap3A_503 = vector.shape_cast %swap3A_502 : vector<1x1x1x16xf32> to vector<16xf32>
        %swap3A_504 = vector.shape_cast %mul3A_495 : vector<16xf32> to vector<1x1x1x16xf32>
        tpu.vector_store %arg6[%swap3A_498, %swap3A_499, %swap3A_500, %swap3A_501], %swap3A_504 {strides = array<i32>} : memref<2x4x200x64xf32, #tpu.memory_space<vmem>>, vector<1x1x1x16xf32>,
        %get3A_505 = arith.constant 1 : i32
        %get3A_506 = arith.constant 3 : i32
        %get3A_507 = arith.index_cast %get3A_505 : i32 to index
        %get3A_508 = arith.index_cast %get3A_506 : i32 to index
        %get3A_509 = arith.index_cast %scan3A_464 : i32 to index
        %get3A_510 = arith.constant 32 : index
        %get3A_511 = tpu.vector_load %arg6[%get3A_507, %get3A_508, %get3A_509, %get3A_510] {strides = array<i32>} : memref<2x4x200x64xf32, #tpu.memory_space<vmem>>, vector<1x1x1x16xf32>,
        %get3A_512 = vector.shape_cast %get3A_511 : vector<1x1x1x16xf32> to vector<16xf32>
        %mul3A_513 = arith.constant 8.000000e+00 : f32
        %mul3A_514 = vector.broadcast %mul3A_513 : f32 to vector<16xf32>
        %mul3A_515 = arith.mulf %get3A_512, %mul3A_514 : vector<16xf32>
        %swap3A_516 = arith.constant 1 : i32
        %swap3A_517 = arith.constant 3 : i32
        %swap3A_518 = arith.index_cast %swap3A_516 : i32 to index
        %swap3A_519 = arith.index_cast %swap3A_517 : i32 to index
        %swap3A_520 = arith.index_cast %scan3A_464 : i32 to index
        %swap3A_521 = arith.constant 32 : index
        %swap3A_522 = tpu.vector_load %arg6[%swap3A_518, %swap3A_519, %swap3A_520, %swap3A_521] {strides = array<i32>} : memref<2x4x200x64xf32, #tpu.memory_space<vmem>>, vector<1x1x1x16xf32>,
        %swap3A_523 = vector.shape_cast %swap3A_522 : vector<1x1x1x16xf32> to vector<16xf32>
        %swap3A_524 = vector.shape_cast %mul3A_515 : vector<16xf32> to vector<1x1x1x16xf32>
        tpu.vector_store %arg6[%swap3A_518, %swap3A_519, %swap3A_520, %swap3A_521], %swap3A_524 {strides = array<i32>} : memref<2x4x200x64xf32, #tpu.memory_space<vmem>>, vector<1x1x1x16xf32>,
        %get3A_525 = arith.constant 1 : i32
        %get3A_526 = arith.constant 3 : i32
        %get3A_527 = arith.index_cast %get3A_525 : i32 to index
        %get3A_528 = arith.index_cast %get3A_526 : i32 to index
        %get3A_529 = arith.index_cast %scan3A_464 : i32 to index
        %get3A_530 = arith.constant 48 : index
        %get3A_531 = tpu.vector_load %arg6[%get3A_527, %get3A_528, %get3A_529, %get3A_530] {strides = array<i32>} : memref<2x4x200x64xf32, #tpu.memory_space<vmem>>, vector<1x1x1x16xf32>,
        %get3A_532 = vector.shape_cast %get3A_531 : vector<1x1x1x16xf32> to vector<16xf32>
        %mul3A_533 = arith.constant 8.000000e+00 : f32
        %mul3A_534 = vector.broadcast %mul3A_533 : f32 to vector<16xf32>
        %mul3A_535 = arith.mulf %get3A_532, %mul3A_534 : vector<16xf32>
        %swap3A_536 = arith.constant 1 : i32
        %swap3A_537 = arith.constant 3 : i32
        %swap3A_538 = arith.index_cast %swap3A_536 : i32 to index
        %swap3A_539 = arith.index_cast %swap3A_537 : i32 to index
        %swap3A_540 = arith.index_cast %scan3A_464 : i32 to index
        %swap3A_541 = arith.constant 48 : index
        %swap3A_542 = tpu.vector_load %arg6[%swap3A_538, %swap3A_539, %swap3A_540, %swap3A_541] {strides = array<i32>} : memref<2x4x200x64xf32, #tpu.memory_space<vmem>>, vector<1x1x1x16xf32>,
        %swap3A_543 = vector.shape_cast %swap3A_542 : vector<1x1x1x16xf32> to vector<16xf32>
        %swap3A_544 = vector.shape_cast %mul3A_535 : vector<16xf32> to vector<1x1x1x16xf32>
        tpu.vector_store %arg6[%swap3A_538, %swap3A_539, %swap3A_540, %swap3A_541], %swap3A_544 {strides = array<i32>} : memref<2x4x200x64xf32, #tpu.memory_space<vmem>>, vector<1x1x1x16xf32>,
        %scan3A_545 = arith.constant 3 : i32
        %scan3A_546 = arith.addi %scan3A_302, %scan3A_545 : i32
        %get3A_547 = arith.constant 1 : i32
        %get3A_548 = arith.constant 3 : i32
        %get3A_549 = arith.index_cast %get3A_547 : i32 to index
        %get3A_550 = arith.index_cast %get3A_548 : i32 to index
        %get3A_551 = arith.index_cast %scan3A_546 : i32 to index
        %get3A_552 = arith.constant 0 : index
        %get3A_553 = tpu.vector_load %arg6[%get3A_549, %get3A_550, %get3A_551, %get3A_552] {strides = array<i32>} : memref<2x4x200x64xf32, #tpu.memory_space<vmem>>, vector<1x1x1x16xf32>,
        %get3A_554 = vector.shape_cast %get3A_553 : vector<1x1x1x16xf32> to vector<16xf32>
        %mul3A_555 = arith.constant 8.000000e+00 : f32
        %mul3A_556 = vector.broadcast %mul3A_555 : f32 to vector<16xf32>
        %mul3A_557 = arith.mulf %get3A_554, %mul3A_556 : vector<16xf32>
        %swap3A_558 = arith.constant 1 : i32
        %swap3A_559 = arith.constant 3 : i32
        %swap3A_560 = arith.index_cast %swap3A_558 : i32 to index
        %swap3A_561 = arith.index_cast %swap3A_559 : i32 to index
        %swap3A_562 = arith.index_cast %scan3A_546 : i32 to index
        %swap3A_563 = arith.constant 0 : index
        %swap3A_564 = tpu.vector_load %arg6[%swap3A_560, %swap3A_561, %swap3A_562, %swap3A_563] {strides = array<i32>} : memref<2x4x200x64xf32, #tpu.memory_space<vmem>>, vector<1x1x1x16xf32>,
        %swap3A_565 = vector.shape_cast %swap3A_564 : vector<1x1x1x16xf32> to vector<16xf32>
        %swap3A_566 = vector.shape_cast %mul3A_557 : vector<16xf32> to vector<1x1x1x16xf32>
        tpu.vector_store %arg6[%swap3A_560, %swap3A_561, %swap3A_562, %swap3A_563], %swap3A_566 {strides = array<i32>} : memref<2x4x200x64xf32, #tpu.memory_space<vmem>>, vector<1x1x1x16xf32>,
        %get3A_567 = arith.constant 1 : i32
        %get3A_568 = arith.constant 3 : i32
        %get3A_569 = arith.index_cast %get3A_567 : i32 to index
        %get3A_570 = arith.index_cast %get3A_568 : i32 to index
        %get3A_571 = arith.index_cast %scan3A_546 : i32 to index
        %get3A_572 = arith.constant 16 : index
        %get3A_573 = tpu.vector_load %arg6[%get3A_569, %get3A_570, %get3A_571, %get3A_572] {strides = array<i32>} : memref<2x4x200x64xf32, #tpu.memory_space<vmem>>, vector<1x1x1x16xf32>,
        %get3A_574 = vector.shape_cast %get3A_573 : vector<1x1x1x16xf32> to vector<16xf32>
        %mul3A_575 = arith.constant 8.000000e+00 : f32
        %mul3A_576 = vector.broadcast %mul3A_575 : f32 to vector<16xf32>
        %mul3A_577 = arith.mulf %get3A_574, %mul3A_576 : vector<16xf32>
        %swap3A_578 = arith.constant 1 : i32
        %swap3A_579 = arith.constant 3 : i32
        %swap3A_580 = arith.index_cast %swap3A_578 : i32 to index
        %swap3A_581 = arith.index_cast %swap3A_579 : i32 to index
        %swap3A_582 = arith.index_cast %scan3A_546 : i32 to index
        %swap3A_583 = arith.constant 16 : index
        %swap3A_584 = tpu.vector_load %arg6[%swap3A_580, %swap3A_581, %swap3A_582, %swap3A_583] {strides = array<i32>} : memref<2x4x200x64xf32, #tpu.memory_space<vmem>>, vector<1x1x1x16xf32>,
        %swap3A_585 = vector.shape_cast %swap3A_584 : vector<1x1x1x16xf32> to vector<16xf32>
        %swap3A_586 = vector.shape_cast %mul3A_577 : vector<16xf32> to vector<1x1x1x16xf32>
        tpu.vector_store %arg6[%swap3A_580, %swap3A_581, %swap3A_582, %swap3A_583], %swap3A_586 {strides = array<i32>} : memref<2x4x200x64xf32, #tpu.memory_space<vmem>>, vector<1x1x1x16xf32>,
        %get3A_587 = arith.constant 1 : i32
        %get3A_588 = arith.constant 3 : i32
        %get3A_589 = arith.index_cast %get3A_587 : i32 to index
        %get3A_590 = arith.index_cast %get3A_588 : i32 to index
        %get3A_591 = arith.index_cast %scan3A_546 : i32 to index
        %get3A_592 = arith.constant 32 : index
        %get3A_593 = tpu.vector_load %arg6[%get3A_589, %get3A_590, %get3A_591, %get3A_592] {strides = array<i32>} : memref<2x4x200x64xf32, #tpu.memory_space<vmem>>, vector<1x1x1x16xf32>,
        %get3A_594 = vector.shape_cast %get3A_593 : vector<1x1x1x16xf32> to vector<16xf32>
        %mul3A_595 = arith.constant 8.000000e+00 : f32
        %mul3A_596 = vector.broadcast %mul3A_595 : f32 to vector<16xf32>
        %mul3A_597 = arith.mulf %get3A_594, %mul3A_596 : vector<16xf32>
        %swap3A_598 = arith.constant 1 : i32
        %swap3A_599 = arith.constant 3 : i32
        %swap3A_600 = arith.index_cast %swap3A_598 : i32 to index
        %swap3A_601 = arith.index_cast %swap3A_599 : i32 to index
        %swap3A_602 = arith.index_cast %scan3A_546 : i32 to index
        %swap3A_603 = arith.constant 32 : index
        %swap3A_604 = tpu.vector_load %arg6[%swap3A_600, %swap3A_601, %swap3A_602, %swap3A_603] {strides = array<i32>} : memref<2x4x200x64xf32, #tpu.memory_space<vmem>>, vector<1x1x1x16xf32>,
        %swap3A_605 = vector.shape_cast %swap3A_604 : vector<1x1x1x16xf32> to vector<16xf32>
        %swap3A_606 = vector.shape_cast %mul3A_597 : vector<16xf32> to vector<1x1x1x16xf32>
        tpu.vector_store %arg6[%swap3A_600, %swap3A_601, %swap3A_602, %swap3A_603], %swap3A_606 {strides = array<i32>} : memref<2x4x200x64xf32, #tpu.memory_space<vmem>>, vector<1x1x1x16xf32>,
        %get3A_607 = arith.constant 1 : i32
        %get3A_608 = arith.constant 3 : i32
        %get3A_609 = arith.index_cast %get3A_607 : i32 to index
        %get3A_610 = arith.index_cast %get3A_608 : i32 to index
        %get3A_611 = arith.index_cast %scan3A_546 : i32 to index
        %get3A_612 = arith.constant 48 : index
        %get3A_613 = tpu.vector_load %arg6[%get3A_609, %get3A_610, %get3A_611, %get3A_612] {strides = array<i32>} : memref<2x4x200x64xf32, #tpu.memory_space<vmem>>, vector<1x1x1x16xf32>,
        %get3A_614 = vector.shape_cast %get3A_613 : vector<1x1x1x16xf32> to vector<16xf32>
        %mul3A_615 = arith.constant 8.000000e+00 : f32
        %mul3A_616 = vector.broadcast %mul3A_615 : f32 to vector<16xf32>
        %mul3A_617 = arith.mulf %get3A_614, %mul3A_616 : vector<16xf32>
        %swap3A_618 = arith.constant 1 : i32
        %swap3A_619 = arith.constant 3 : i32
        %swap3A_620 = arith.index_cast %swap3A_618 : i32 to index
        %swap3A_621 = arith.index_cast %swap3A_619 : i32 to index
        %swap3A_622 = arith.index_cast %scan3A_546 : i32 to index
        %swap3A_623 = arith.constant 48 : index
        %swap3A_624 = tpu.vector_load %arg6[%swap3A_620, %swap3A_621, %swap3A_622, %swap3A_623] {strides = array<i32>} : memref<2x4x200x64xf32, #tpu.memory_space<vmem>>, vector<1x1x1x16xf32>,
        %swap3A_625 = vector.shape_cast %swap3A_624 : vector<1x1x1x16xf32> to vector<16xf32>
        %swap3A_626 = vector.shape_cast %mul3A_617 : vector<16xf32> to vector<1x1x1x16xf32>
        tpu.vector_store %arg6[%swap3A_620, %swap3A_621, %swap3A_622, %swap3A_623], %swap3A_626 {strides = array<i32>} : memref<2x4x200x64xf32, #tpu.memory_space<vmem>>, vector<1x1x1x16xf32>,
      }
      %scan3A_281 = arith.constant 200 : i32
      %mul3A_282 = arith.constant 4 : i32
      %mul3A_283 = arith.muli %add3A_231, %mul3A_282 : i32
      %add3A_284 = arith.addi %mul3A_2, %mul3A_283 : i32
      %dma_start3A_285 = arith.constant 1 : i32
      %dma_start3A_286 = arith.constant 0 : i32
      %dma_start3A_287 = arith.constant 0 : i32
      %dma_start3A_288 = arith.constant 0 : i32
      %dma_start3A_289 = tpu.memref_slice %arg6[%dma_start3A_285, %dma_start3A_286, %dma_start3A_287, %dma_start3A_288] : memref<2x4x200x64xf32, #tpu.memory_space<vmem>> -> memref<1x4x200x64xf32, #tpu.memory_space<vmem>>
      %dma_start3A_290 = tpu.memref_squeeze %dma_start3A_289 : memref<1x4x200x64xf32, #tpu.memory_space<vmem>> -> memref<4x200x64xf32, #tpu.memory_space<vmem>>
      %dma_start3A_291 = arith.constant 0 : i32
      %dma_start3A_292 = arith.constant 0 : i32
      %dma_start3A_293 = tpu.memref_slice %arg4[%add3A_284, %dma_start3A_291, %dma_start3A_292] : memref<4096x200x64xf32, #tpu.memory_space<hbm>> -> memref<4x200x64xf32, #tpu.memory_space<hbm>>
      %dma_start3A_294 = arith.constant 0 : i32
      %dma_start3A_295 = arith.constant 0 : i32
      %dma_start3A_296 = tpu.memref_slice %arg4[%add3A_284, %dma_start3A_294, %dma_start3A_295] : memref<4096x200x64xf32, #tpu.memory_space<hbm>> -> memref<4x200x64xf32, #tpu.memory_space<hbm>>
      %dma_start3A_297 = arith.constant 0 : i32
      %dma_start3A_298 = arith.constant 0 : i32
      %dma_start3A_299 = arith.constant 0 : i32
      %dma_start3A_300 = tpu.memref_slice %arg6[%dma_start3A_285, %dma_start3A_297, %dma_start3A_298, %dma_start3A_299] : memref<2x4x200x64xf32, #tpu.memory_space<vmem>> -> memref<1x4x200x64xf32, #tpu.memory_space<vmem>>
      %dma_start3A_301 = tpu.memref_squeeze %dma_start3A_300 : memref<1x4x200x64xf32, #tpu.memory_space<vmem>> -> memref<4x200x64xf32, #tpu.memory_space<vmem>>
      tpu.enqueue_dma source(%dma_start3A_301 : memref<4x200x64xf32, #tpu.memory_space<vmem>>) target(%dma_start3A_296 : memref<4x200x64xf32, #tpu.memory_space<hbm>>) target_semaphore(%arg10 : memref<!tpu.dma_semaphore, #tpu.memory_space<semaphore_mem>>)
    }
    %scan3A_120 = arith.constant 16 : i32
    %dma_wait3A = arith.constant 0 : i32
    %dma_wait3A_121 = arith.constant 0 : i32
    %dma_wait3A_122 = arith.constant 0 : i32
    %dma_wait3A_123 = arith.constant 0 : i32
    %dma_wait3A_124 = tpu.memref_slice %arg6[%dma_wait3A, %dma_wait3A_121, %dma_wait3A_122, %dma_wait3A_123] : memref<2x4x200x64xf32, #tpu.memory_space<vmem>> -> memref<1x4x200x64xf32, #tpu.memory_space<vmem>>
    %dma_wait3A_125 = tpu.memref_squeeze %dma_wait3A_124 : memref<1x4x200x64xf32, #tpu.memory_space<vmem>> -> memref<4x200x64xf32, #tpu.memory_space<vmem>>
    %dma_wait3A_126 = arith.constant 0 : i32
    %dma_wait3A_127 = arith.constant 0 : i32
    %dma_wait3A_128 = arith.constant 0 : i32
    %dma_wait3A_129 = tpu.memref_slice %arg4[%dma_wait3A_126, %dma_wait3A_127, %dma_wait3A_128] : memref<4096x200x64xf32, #tpu.memory_space<hbm>> -> memref<4x200x64xf32, #tpu.memory_space<hbm>>
    %dma_wait3A_130 = arith.constant 0 : i32
    %dma_wait3A_131 = arith.constant 0 : i32
    %dma_wait3A_132 = arith.constant 0 : i32
    %dma_wait3A_133 = tpu.memref_slice %arg6[%dma_wait3A, %dma_wait3A_130, %dma_wait3A_131, %dma_wait3A_132] : memref<2x4x200x64xf32, #tpu.memory_space<vmem>> -> memref<1x4x200x64xf32, #tpu.memory_space<vmem>>
    %dma_wait3A_134 = tpu.memref_squeeze %dma_wait3A_133 : memref<1x4x200x64xf32, #tpu.memory_space<vmem>> -> memref<4x200x64xf32, #tpu.memory_space<vmem>>
    %dma_wait3A_135 = arith.constant 0 : i32
    %dma_wait3A_136 = arith.constant 0 : i32
    %dma_wait3A_137 = arith.constant 0 : i32
    %dma_wait3A_138 = tpu.memref_slice %arg4[%dma_wait3A_135, %dma_wait3A_136, %dma_wait3A_137] : memref<4096x200x64xf32, #tpu.memory_space<hbm>> -> memref<4x200x64xf32, #tpu.memory_space<hbm>>
    tpu.wait_dma2 semaphore(%arg9 : memref<!tpu.dma_semaphore, #tpu.memory_space<semaphore_mem>>) src(%dma_wait3A_138 : memref<4x200x64xf32, #tpu.memory_space<hbm>>) dst(%dma_wait3A_134 : memref<4x200x64xf32, #tpu.memory_space<vmem>>)
    %dma_wait3A_139 = arith.constant 1 : i32
    %dma_wait3A_140 = arith.constant 0 : i32
    %dma_wait3A_141 = arith.constant 0 : i32
    %dma_wait3A_142 = arith.constant 0 : i32
    %dma_wait3A_143 = tpu.memref_slice %arg6[%dma_wait3A_139, %dma_wait3A_140, %dma_wait3A_141, %dma_wait3A_142] : memref<2x4x200x64xf32, #tpu.memory_space<vmem>> -> memref<1x4x200x64xf32, #tpu.memory_space<vmem>>
    %dma_wait3A_144 = tpu.memref_squeeze %dma_wait3A_143 : memref<1x4x200x64xf32, #tpu.memory_space<vmem>> -> memref<4x200x64xf32, #tpu.memory_space<vmem>>
    %dma_wait3A_145 = arith.constant 0 : i32
    %dma_wait3A_146 = arith.constant 0 : i32
    %dma_wait3A_147 = arith.constant 0 : i32
    %dma_wait3A_148 = tpu.memref_slice %arg4[%dma_wait3A_145, %dma_wait3A_146, %dma_wait3A_147] : memref<4096x200x64xf32, #tpu.memory_space<hbm>> -> memref<4x200x64xf32, #tpu.memory_space<hbm>>
    %dma_wait3A_149 = arith.constant 0 : i32
    %dma_wait3A_150 = arith.constant 0 : i32
    %dma_wait3A_151 = arith.constant 0 : i32
    %dma_wait3A_152 = tpu.memref_slice %arg6[%dma_wait3A_139, %dma_wait3A_149, %dma_wait3A_150, %dma_wait3A_151] : memref<2x4x200x64xf32, #tpu.memory_space<vmem>> -> memref<1x4x200x64xf32, #tpu.memory_space<vmem>>
    %dma_wait3A_153 = tpu.memref_squeeze %dma_wait3A_152 : memref<1x4x200x64xf32, #tpu.memory_space<vmem>> -> memref<4x200x64xf32, #tpu.memory_space<vmem>>
    %dma_wait3A_154 = arith.constant 0 : i32
    %dma_wait3A_155 = arith.constant 0 : i32
    %dma_wait3A_156 = arith.constant 0 : i32
    %dma_wait3A_157 = tpu.memref_slice %arg4[%dma_wait3A_154, %dma_wait3A_155, %dma_wait3A_156] : memref<4096x200x64xf32, #tpu.memory_space<hbm>> -> memref<4x200x64xf32, #tpu.memory_space<hbm>>
    tpu.wait_dma2 semaphore(%arg10 : memref<!tpu.dma_semaphore, #tpu.memory_space<semaphore_mem>>) src(%dma_wait3A_157 : memref<4x200x64xf32, #tpu.memory_space<hbm>>) dst(%dma_wait3A_153 : memref<4x200x64xf32, #tpu.memory_space<vmem>>)
    return
  }
}

</mosaic_0001>

<sc_bundles>
// kernel: kernel.3.cloned.1.call-start
scs
__scs_entry_jumppad:
0x0: {  	(pc) =	sbr.rel $0x88, $3  }
0x1: {  	(tag) =	ssettag $0x0;
	lr =	simm.s32 $0x1  }
0x2: {  	[smem:$0x3F9F] =	sst lr;
	_ =	strace $0xD0000000  }
0x3: {  	_ = 	snop  }
0x4: {  	_ = 	snop  }
0x5: {  	_ = 	snop  }
0x6: {  	_ = 	snop  }
0x7: {  	_ = 	snop  }
__scs_overlays_trampoline_lowered:
0x8: {  	[smem:$0x3FAE] =	sst s0  }
0x9: {  	[smem:$0x3FAF] =	sst s1  }
0xa: {  	[smem:$0x3FB0] =	sst s2  }
0xb: {  	[smem:$0x3FB1] =	sst s3  }
0xc: {  	[smem:$0x3FB2] =	sst s4  }
0xd: {  	[smem:$0x3FB3] =	sst s5  }
0xe: {  	[smem:$0x3FB4] =	sst s6  }
0xf: {  	[smem:$0x3FB5] =	sst s7  }
0x10: {  	[smem:$0x3FB6] =	sst s8  }
0x11: {  	[smem:$0x3FB7] =	sst s9;
	s0 =	simm.s32 @!p0 $0x0  }
0x12: {  	s1 =	sld [smem:$0x3F9D];
	s0 =	simm.s32 @p0 $0x1  }
0x13: {  	[smem:$0x3FB8] =	sst s0;
	s0 =	simm.s32 @!p1 $0x0  }
0x14: {  	s2 =	sld [smem:$0x3F9C];
	s0 =	simm.s32 @p1 $0x1  }
0x15: {  	[smem:$0x3FB9] =	sst s0;
	s0 =	simm.s32 @!p2 $0x0  }
0x16: {  	s3 =	sld [smem:$0x3FDB];
	s0 =	simm.s32 @p2 $0x1  }
0x17: {  	s4 =	simm.s32 $0x1BF5;
	[smem:$0x3FBB] =	sst s0  }
0x18: {  	s0 =	sld [smem:$0x3F9E];
	_ =	swait.ge [sflag:s4], $0x0  }
0x19: {  	s7 =	sld [smem:$0x3F9F]  }
0x1a: {  	s8 =	sadd.s32 $0xFFFFE003, lr  }
0x1b: {  	s9 =	sadd.s32 $0xFFFFFEF7, lr;
	s5 =	simm.s32 $0xFFFFFFFF;
	p2 =	slt.u32 s8, $0xFFFFF086  }
0x1c: {  	p1 =	slt.u32 s9, $0xF7A;
	s5 =	simm.s32 @!p2 $0x0  }
0x1d: {  	s5 =	simm.s32 @p1 $0x1;
	p0 =	seq.s32 s7, s2  }
0x1e: {  	s7 =	smul.u32 @!p0 $0xF7A, s2;
	p2 =	seq.s32 @!p0 s5, $0x0  }
0x1f: {  	s9 =	smul.u32 $0xF7A, s1;
	s8 =	simm.s32 @!p0 $0x1BF5;
	p2 =	por !p2, p0  }
0x20: {  	[sflag:s8] =	ssyncset.s32 @!p0 $0xFFFFF086;
	s6 =	sadd.s32 @!p0 s3, s7;
	s7 =	simm.s32 @!p0 $0x108  }
0x21: {  	s3 =	sadd.s32 s3, s9;
	s6 =	sadd.s32 @!p0 $0x88, s6;
	s7 =	simm.s32 @p2 $0x1082  }
0x22: {  	[simem:s7], [sflag:s8] =	dma.local @!p0 [hbm:s6], $0xF7A  }
0x23: {  	s9 =	sor.u32 $0xD0000000, s2;
	s6 =	simm.s32 $0x108;
	_ =	swait.ge @!p0 [sflag:s8], $0x0  }
0x24: {  	s3 =	sadd.s32 $0x88, s3;
	s6 =	simm.s32 @!p1 $0x1082;
	[sflag:s4] =	ssyncset.s32 $0xFFFFF086  }
0x25: {  	[simem:s6], [sflag:s4] =	dma.local [hbm:s3], $0xF7A  }
0x26: {  	[smem:$0x3F9F] =	sst s1;
	(tag) =	ssettag s2;
	_ =	strace s9  }
0x27: {  	s1 =	sld [smem:$0x3FAF]  }
0x28: {  	s2 =	sld [smem:$0x3FB0]  }
0x29: {  	s4 =	sld [smem:$0x3FB2]  }
0x2a: {  	p0 =	seq.s32 s5, $0x0;
	s5 =	sld [smem:$0x3FB3]  }
0x2b: {  	s6 =	sld [smem:$0x3FB4]  }
0x2c: {  	s7 =	sld [smem:$0x3FB5]  }
0x2d: {  	s3 =	simm.s32 $0x108;
	s8 =	sld [smem:$0x3FB6]  }
0x2e: {  	s3 =	simm.s32 @!p0 $0x1082;
	s9 =	sld [smem:$0x3FB7]  }
0x2f: {  	lr =	sadd.s32 s0, s3;
	s0 =	sld [smem:$0x3FAE]  }
0x30: {  	s3 =	sld [smem:$0x3FB1]  }
0x31: {  	[smem:$0x3FBA] =	sst s10  }
0x32: {  	s10 =	sld [smem:$0x3FB8];
	_ =	sdelay $0x3  }
0x33: {  	p0 =	seq.s32 s10, $0x1;
	s10 =	sld [smem:$0x3FBA];
	_ =	sdelay $0x3  }
0x34: {  	[smem:$0x3FBA] =	sst s10  }
0x35: {  	s10 =	sld [smem:$0x3FB9];
	_ =	sdelay $0x3  }
0x36: {  	p1 =	seq.s32 s10, $0x1;
	s10 =	sld [smem:$0x3FBA];
	_ =	sdelay $0x3  }
0x37: {  	[smem:$0x3FBA] =	sst s10  }
0x38: {  	s10 =	sld [smem:$0x3FBB]  }
0x39: {  	_ = 	snop;
	(pc) =	sbr.ind lr, $3  }
0x3a: {  	_ = 	snop  }
0x3b: {  	_ = 	snop  }
0x3c: {  	p2 =	seq.s32 s10, $0x1;
	s10 =	sld [smem:$0x3FBA]  }
0x3d: {  	_ =	shalt  }
0x3e: {  	_ =	shalt  }
0x3f: {  	_ =	shalt  }
0x40: {  	_ =	shalt  }
0x41: {  	_ =	shalt  }
0x42: {  	_ =	shalt  }
0x43: {  	_ =	shalt  }
0x44: {  	_ =	shalt  }
0x45: {  	_ =	shalt  }
0x46: {  	_ =	shalt  }
0x47: {  	_ =	shalt  }
0x48: {  	_ =	shalt  }
0x49: {  	_ =	shalt  }
0x4a: {  	_ =	shalt  }
0x4b: {  	_ =	shalt  }
0x4c: {  	_ =	shalt  }
0x4d: {  	_ =	shalt  }
0x4e: {  	_ =	shalt  }
0x4f: {  	_ =	shalt  }
0x50: {  	_ =	shalt  }
0x51: {  	_ =	shalt  }
0x52: {  	_ =	shalt  }
0x53: {  	_ =	shalt  }
0x54: {  	_ =	shalt  }
0x55: {  	_ =	shalt  }
0x56: {  	_ =	shalt  }
0x57: {  	_ =	shalt  }
0x58: {  	_ =	shalt  }
0x59: {  	_ =	shalt  }
0x5a: {  	_ =	shalt  }
0x5b: {  	_ =	shalt  }
0x5c: {  	_ =	shalt  }
0x5d: {  	_ =	shalt  }
0x5e: {  	_ =	shalt  }
0x5f: {  	_ =	shalt  }
0x60: {  	_ =	shalt  }
0x61: {  	_ =	shalt  }
0x62: {  	_ =	shalt  }
0x63: {  	_ =	shalt  }
0x64: {  	_ =	shalt  }
0x65: {  	_ =	shalt  }
0x66: {  	_ =	shalt  }
0x67: {  	_ =	shalt  }
0x68: {  	_ =	shalt  }
0x69: {  	_ =	shalt  }
0x6a: {  	_ =	shalt  }
0x6b: {  	_ =	shalt  }
0x6c: {  	_ =	shalt  }
0x6d: {  	_ =	shalt  }
0x6e: {  	_ =	shalt  }
0x6f: {  	_ =	shalt  }
0x70: {  	_ =	shalt  }
0x71: {  	_ =	shalt  }
0x72: {  	_ =	shalt  }
0x73: {  	_ =	shalt  }
0x74: {  	_ =	shalt  }
0x75: {  	_ =	shalt  }
0x76: {  	_ =	shalt  }
0x77: {  	_ =	shalt  }
0x78: {  	_ =	shalt  }
0x79: {  	_ =	shalt  }
0x7a: {  	_ =	shalt  }
0x7b: {  	_ =	shalt  }
0x7c: {  	_ =	shalt  }
0x7d: {  	_ =	shalt  }
0x7e: {  	_ =	shalt  }
0x7f: {  	_ =	shalt  }
0x80: {  	_ =	shalt  }
0x81: {  	_ =	shalt  }
0x82: {  	_ =	shalt  }
0x83: {  	_ =	shalt  }
0x84: {  	_ =	shalt  }
0x85: {  	_ =	shalt  }
0x86: {  	_ =	shalt  }
0x87: {  	_ =	shalt  }
.Lfunc_end0:
.L_simem_size_0:
called_computation.1_lowered:
.L_overlay_start_0:
0x88: {  	s2 =	sld [smem:$0x3FD9]  }
0x89: {  	s3 =	sld [smem:$0x3FFE];
	_ =	sdelay $0x1  }
0x8a: {  	s1 =	srdreg.scid  }
0x8b: {  	s0 =	sand.u32 $0x1, s1  }
0x8c: {  	s17 =	sshll.u32 s0, $0xA;
	s2 =	sadd.s32 s3, s2  }
0x8d: {  	s2 =	sadd.s32 s2, s17  }
0x8e: {  	[smem:$0x3FC6] =	sst s2  }
0x8f: {  	_ = 	snop  }
0x90: {  	s2 =	sld [smem:$0x3FD0];
	(tm) =	ssettm $0x1  }
0x91: {  	s18 =	sld [smem:$0x3FFB];
	_ =	sdelay $0x3  }
0x92: {  	_ =	strace s18  }
0x93: {  	s3 =	sld [smem:$0x3FFC];
	_ =	sdelay $0x3  }
0x94: {  	_ =	strace s3  }
0x95: {  	s3 =	sld [smem:$0x3FFD];
	_ =	sdelay $0x3  }
0x96: {  	_ =	strace s3  }
0x97: {  	_ =	strace $0x8FFFFFFF  }
0x98: {  	s19 =	sld [smem:$0x3FDB];
	_ =	sdelay $0x1  }
0x99: {  	s4 =	simm.s32 $_scs_section_size  }
0x9a: {  	s5 =	simm.s32 $_size__tile_overlayer_lowered;
	s6 =	simm.s32 $_tile_overlayer_lowered  }
0x9b: {  	s22 =	simm.s32 $0x1BFF;
	s21 =	sshll.u32 s6, $0x1;
	s3 =	sadd.s32 s4, s19  }
0x9c: {  	s7 =	simm.s32 $0x0;
	s20 =	sshll.u32 s5, $0x1;
	s5 =	sadd.s32 s21, s3  }
0x9d: {  	[timem:s7], [sflag:s22] =	dma.local [hbm:s5], s20  }
0x9e: {  	_ =	swait.ge [sflag:s22], s20  }
0x9f: {  	s4 =	ssub.s32 $0x0, s20;
	[sflag:s22] =	ssyncset.done $0x0  }
0xa0: {  	[sflag:s22] =	ssyncadd.s32 s4;
	_ =	sdelay $0x1  }
0xa1: {  	s23 =	simm.s32 $0x1B8B  }
0xa2: {  	_ =	swait.ge [sflag:s23], $0x1  }
0xa3: {  	[sflag:s23] =	ssyncset.done $0x0  }
0xa4: {  	s25 =	simm.s32 $0x1B8E;
	s24 =	sld [smem:$0x3FFE];
	[sflag:s23] =	ssyncadd.s32 $0xFFFFFFFF  }
0xa5: {  	s26 =	simm.s32 $execute0_lowered;
	[smem:$0x3FD2] =	sst s25  }
0xa6: {  	s5 =	sshll.u32 s26, $0x1;
	_ =	strace $0x80000046;
	[dreg:$0x1] =	wrdreg $0xFFFFFFFF  }
0xa7: {  	s28 =	simm.s32 $_size_execute0_lowered;
	s3 =	sadd.s32 s3, s5;
	[dreg:$0x0] =	wrdreg $0x0  }
0xa8: {  	s5 =	sshll.u32 s28, $0x1;
	[dreg:$0x2] =	wrdreg s3  }
0xa9: {  	[dreg:$0x3] =	wrdreg s5  }
0xaa: {  	[dreg:$0x4] =	wrdreg $0xC0  }
0xab: {  	_ =	task [dreg:s7], $0x5FFFF  }
0xac: {  	[dreg:$0x1] =	wrdreg $0xFFFFFFFF  }
0xad: {  	[dreg:$0x0] =	wrdreg $0x60  }
0xae: {  	[dreg:$0x2] =	wrdreg s24  }
0xaf: {  	[dreg:$0x3] =	wrdreg s2  }
0xb0: {  	[dreg:$0x4] =	wrdreg $0x9  }
0xb1: {  	_ =	task.clear_ibuf [dreg:s7], $0x5FFFF;
	_ =	strace $0x90000046  }
0xb2: {  	s29 =	simm.s32 $0x9;
	_ =	strace $0x80000048  }
0xb3: {  	_ =	swait.ge [sflag:s29], $0x1  }
0xb4: {  	[sflag:s29] =	ssyncadd.s32 $0xFFFFFFFF  }
0xb5: {  	_ =	strace $0x90000048  }
0xb6: {  	_ =	sfence  }
0xb7: {  	s30 =	sld [smem:$0x0];
	_ =	sdelay $0x2  }
0xb8: {  	s31 =	sshll.u32 s1, $0xD;
	s1 =	sshrl.u32 s1, $0x2  }
0xb9: {  	s3 =	sand.u32 $0x4000, s31;
	s1 =	sadd.s32 s1, s30  }
0xba: {  	s0 =	sor.u32 s3, s0;
	s1 =	sshll.u32 s1, $0x11  }
0xbb: {  	s0 =	sor.u32 s1, s0  }
0xbc: {  	s0 =	sadd.s32 $0x8F2B, s0  }
0xbd: {  	[sflag:s0] =	ssyncadd.remote.s32 $0x1  }
0xbe: {  	_ =	sfence.sel $0xFFFF  }
0xbf: {  	[dreg:$0x0] =	wrdreg $0xFFFFFFFF;
	(pc) =	sbr.abs _section_cstart, $3  }
0xc0: {  	[dreg:$0x1] =	wrdreg $0xFFFFFFFF  }
0xc1: {  	_ =	task.clear_ibuf [dreg:s7], $0x2FFFF;
	_ =	strace $0x9FFFFFFF  }
0xc2: {  	(tm) =	ssettm $0x7FFFFFFF  }
0xc3: {  	_ =	shalt  }
tec
execute0_lowered:
.L_overlay_start_1:
0x0: {  	(tag) =	ssettag $0x1  }
0x1: {  	s0 =	rddreg [dreg:$0x0]  }
0x2: {  	s2 =	rddreg [dreg:$0x1]  }
0x3: {  	s1 =	srdreg.scid;
	s4 =	stileid.u32;
	s3 =	simm.s32 $0x0  }
0x4: {  	s11 =	simm.s32 $0x5;
	s12 =	simm.s32 $0x80;
	s13 =	simm.s32 $0x640  }
0x5: {  	s14 =	simm.s32 $0x48;
	s29 =	simm.s32 $0x320;
	s30 =	simm.s32 $0xCE40  }
0x6: {  	s17 =	simm.s32 $0x12040;
	s18 =	simm.s32 $0x4B0;
	s19 =	simm.s32 $0x13240  }
0x7: {  	s20 =	simm.s32 $0x530;
	s21 =	simm.s32 $0x15240;
	s22 =	simm.s32 $0x578  }
0x8: {  	s23 =	simm.s32 $0x16440;
	s24 =	simm.s32 $0x5F8;
	s25 =	simm.s32 $0x18440  }
0x9: {  	s28 =	simm.s32 $0x2;
	s1 =	sand.u32 $0x1, s1;
	s4 =	sshll.u32 s4, $0x8  }
0xa: {  	[smem:$0x7FF] =	sst s3;
	s5 =	sshll.u32 s1, $0x7;
	s1 =	ssub.s32 $0x2, s1  }
0xb: {  	s6 =	sadd.s32 $0xA00, s0;
	s4 =	sor.u32 s5, s4;
	s7 =	sshrl.u32 s1, $0x1  }
0xc: {  	_ =	strace $0x80000047;
	s8 =	smul.u32 $0x19, s4;
	s26 =	ssub.s32 s1, s7  }
0xd: {  	s5 =	sadd.s32 $0xF42E00, s0;
	s9 =	sor.u32 $0x8, s4;
	s0 =	smax.u32 s26, $0x1  }
0xe: {  	s7 =	simm.s32 $0x0;
	s31 =	sadd.s32 s6, s8;
	[dreg:$0x4] =	wrdreg s0  }
0xf: {  	s26 =	simm.s32 $0x1;
	s8 =	sor.u32 $0x4, s4;
	[dreg:$0x3] =	wrdreg s31  }
.LBB2_1:
0x10: {  	[dreg:$0x5] =	wrdreg s7  }
0x11: {  	s0 =	rddreg [dreg:$0x3]  }
0x12: {  	[tilespmem:s3], [sflag:$0x5] =	stream.linear.gather [hbm4b:s0+s3], $0x320, $0x38;
	[tilespmem:$0x19640] =	vst v63  }
0x13: {  	_ =	swait.ge [sflag:s11], $0x320  }
0x14: {  	[sflag:s11] =	ssyncset.done $0x0  }
0x15: {  	[sflag:s11] =	ssyncadd.s32 $0xFFFFFCE0  }
0x16: {  	[tilespmem:s13], [sflag:$0x1] =	stream.indirect.gather [hbm4b:s5+s12], $0x40, s3, s12, $0xb8;
	[tilespmem:$0x19640] =	vst v63  }
0x17: {  	s1 =	simm.s32 $0x2640  }
0x18: {  	[tilespmem:s1], [sflag:$0x1] =	stream.indirect.gather [hbm4b:s5+s14], $0x40, s12, s14, $0xb8;
	[tilespmem:$0x19640] =	vst v63  }
0x19: {  	s7 =	simm.s32 $0xC8;
	s1 =	simm.s32 $0x3840  }
0x1a: {  	[tilespmem:s1], [sflag:$0x1] =	stream.indirect.gather [hbm4b:s5+s12], $0x40, s7, s12, $0xb8;
	[tilespmem:$0x19640] =	vst v63  }
0x1b: {  	s10 =	simm.s32 $0x148;
	s15 =	simm.s32 $0x5840  }
0x1c: {  	[tilespmem:s15], [sflag:$0x1] =	stream.indirect.gather [hbm4b:s5+s14], $0x40, s10, s14, $0xb8;
	[tilespmem:$0x19640] =	vst v63  }
0x1d: {  	s16 =	simm.s32 $0x190;
	s31 =	simm.s32 $0x6A40  }
0x1e: {  	[tilespmem:s31], [sflag:$0x1] =	stream.indirect.gather [hbm4b:s5+s12], $0x40, s16, s12, $0xb8;
	[tilespmem:$0x19640] =	vst v63  }
0x1f: {  	s1 =	simm.s32 $0x210;
	s7 =	simm.s32 $0x8A40  }
0x20: {  	[tilespmem:s7], [sflag:$0x1] =	stream.indirect.gather [hbm4b:s5+s14], $0x40, s1, s14, $0xb8;
	[tilespmem:$0x19640] =	vst v63  }
0x21: {  	s10 =	simm.s32 $0x258;
	s15 =	simm.s32 $0x9C40  }
0x22: {  	[tilespmem:s15], [sflag:$0x1] =	stream.indirect.gather [hbm4b:s5+s12], $0x40, s10, s12, $0xb8;
	[tilespmem:$0x19640] =	vst v63  }
0x23: {  	s16 =	simm.s32 $0x2D8;
	s31 =	simm.s32 $0xBC40;
	s10 =	simm.s32 $0x0  }
0x24: {  	[tilespmem:s31], [sflag:$0x1] =	stream.indirect.gather [hbm4b:s5+s14], $0x40, s16, s14, $0xb8;
	[tilespmem:$0x19640] =	vst v63  }
.LBB2_2:
0x25: {  	s31 =	sshll.u32 s10, $0x3;
	p0 =	seq.s32 s10, $0x0  }
0x26: {  	s0 =	simm.s32 @!p0 $0x4;
	s7 =	sadd.s32 s8, s31  }
0x27: {  	_ =	swait.ge @!p0 [sflag:s0], $0xC800;
	s1 =	smul.u32 $0x19, s7  }
0x28: {  	[sflag:s0] =	ssyncset.done @!p0 $0x0  }
0x29: {  	[sflag:s0] =	ssyncadd.s32 @!p0 $0xFFFF3800;
	s1 =	sadd.s32 s6, s1  }
0x2a: {  	[tilespmem:s29], [sflag:$0x5] =	stream.linear.gather [hbm4b:s1+s3], $0x320, $0x38;
	[tilespmem:$0x19640] =	vst v63  }
0x2b: {  	_ =	swait.ge [sflag:s11], $0x320  }
0x2c: {  	[sflag:s11] =	ssyncset.done $0x0  }
0x2d: {  	[sflag:s11] =	ssyncadd.s32 $0xFFFFFCE0  }
0x2e: {  	[tilespmem:s30], [sflag:$0x2] =	stream.indirect.gather [hbm4b:s5+s12], $0x40, s29, s12, $0xb8;
	[tilespmem:$0x19640] =	vst v63  }
0x2f: {  	s15 =	simm.s32 $0x3A0;
	s16 =	simm.s32 $0xEE40  }
0x30: {  	[tilespmem:s16], [sflag:$0x2] =	stream.indirect.gather [hbm4b:s5+s14], $0x40, s15, s14, $0xb8;
	[tilespmem:$0x19640] =	vst v63  }
0x31: {  	s1 =	simm.s32 $0x3E8;
	s15 =	simm.s32 $0x10040  }
0x32: {  	[tilespmem:s15], [sflag:$0x2] =	stream.indirect.gather [hbm4b:s5+s12], $0x40, s1, s12, $0xb8;
	[tilespmem:$0x19640] =	vst v63  }
0x33: {  	s16 =	simm.s32 $0x468  }
0x34: {  	[tilespmem:s17], [sflag:$0x2] =	stream.indirect.gather [hbm4b:s5+s14], $0x40, s16, s14, $0xb8;
	[tilespmem:$0x19640] =	vst v63  }
0x35: {  	_ = 	snop  }
0x36: {  	[tilespmem:s19], [sflag:$0x2] =	stream.indirect.gather [hbm4b:s5+s12], $0x40, s18, s12, $0xb8;
	[tilespmem:$0x19640] =	vst v63  }
0x37: {  	_ = 	snop  }
0x38: {  	[tilespmem:s21], [sflag:$0x2] =	stream.indirect.gather [hbm4b:s5+s14], $0x40, s20, s14, $0xb8;
	[tilespmem:$0x19640] =	vst v63  }
0x39: {  	_ = 	snop  }
0x3a: {  	[tilespmem:s23], [sflag:$0x2] =	stream.indirect.gather [hbm4b:s5+s12], $0x40, s22, s12, $0xb8;
	[tilespmem:$0x19640] =	vst v63  }
0x3b: {  	_ = 	snop  }
0x3c: {  	[tilespmem:s25], [sflag:$0x2] =	stream.indirect.gather [hbm4b:s5+s14], $0x40, s24, s14, $0xb8;
	[tilespmem:$0x19640] =	vst v63  }
0x3d: {  	_ =	swait.ge [sflag:s26], $0xC800  }
0x3e: {  	[sflag:s26] =	ssyncset.done $0x0  }
0x3f: {  	s1 =	simm.s32 $0x6C0;
	[sflag:s26] =	ssyncadd.s32 $0xFFFF3800  }
0x40: {  	v0 =	vld [tilespmem:s1+$0xFFFFFF80]  }
0x41: {  	v1 =	vld [tilespmem:s1+$0xFFFFFF90]  }
0x42: {  	v2 =	vld [tilespmem:s1+$0xFFFFFFA0]  }
0x43: {  	v3 =	vld [tilespmem:s1+$0xFFFFFFB0]  }
0x44: {  	v4 =	vld [tilespmem:s1+$0xFFFFFFC0]  }
0x45: {  	v5 =	vld [tilespmem:s1+$0xFFFFFFD0];
	v0 =	vmul.f32 $8.000000000e+00, v0  }
0x46: {  	v6 =	vld [tilespmem:s1+$0xFFFFFFE0];
	v1 =	vmul.f32 $8.000000000e+00, v1  }
0x47: {  	[tilespmem:s1+$0xFFFFFF80] =	vst v0;
	v0 =	vmul.f32 $8.000000000e+00, v2;
	v2 =	vld [tilespmem:s1+$0x0]  }
0x48: {  	[tilespmem:s1+$0xFFFFFF90] =	vst v1;
	v1 =	vmul.f32 $8.000000000e+00, v3;
	v3 =	vld [tilespmem:s1+$0x10]  }
0x49: {  	[tilespmem:s1+$0xFFFFFFA0] =	vst v0;
	v0 =	vmul.f32 $8.000000000e+00, v4;
	v4 =	vld [tilespmem:s1+$0x20]  }
0x4a: {  	v7 =	vld [tilespmem:s1+$0x30];
	[tilespmem:s1+$0xFFFFFFB0] =	vst v1;
	v1 =	vmul.f32 $8.000000000e+00, v5  }
0x4b: {  	v5 =	vmul.f32 $8.000000000e+00, v6;
	[tilespmem:s1+$0xFFFFFFC0] =	vst v0;
	v0 =	vld [tilespmem:s1+$0x40]  }
0x4c: {  	[tilespmem:s1+$0xFFFFFFD0] =	vst v1;
	v1 =	vld [tilespmem:s1+$0x50];
	v2 =	vmul.f32 $8.000000000e+00, v2  }
0x4d: {  	[tilespmem:s1+$0xFFFFFFE0] =	vst v5;
	v6 =	vmul.f32 $8.000000000e+00, v3;
	v3 =	vld [tilespmem:s1+$0x60]  }
0x4e: {  	[tilespmem:s1+$0x0] =	vst v2;
	v5 =	vmul.f32 $8.000000000e+00, v4;
	v4 =	vld [tilespmem:s1+$0x70]  }
0x4f: {  	s15 =	simm.s32 $0x0;
	s16 =	simm.s32 $0x7C0;
	v2 =	vld [tilespmem:s1+$0xFFFFFFF0];
	[tilespmem:s1+$0x10] =	vst v6;
	v6 =	vmul.f32 $8.000000000e+00, v7  }
.LBB2_3:
0x50: {  	v7 =	vld [tilespmem:s16+$0xFFFFFF80];
	[tilespmem:s1+$0x20] =	vst v5;
	v0 =	vmul.f32 $8.000000000e+00, v0  }
0x51: {  	v5 =	vld [tilespmem:s16+$0xFFFFFF90];
	[tilespmem:s1+$0x30] =	vst v6;
	v1 =	vmul.f32 $8.000000000e+00, v1  }
0x52: {  	v6 =	vld [tilespmem:s16+$0xFFFFFFA0];
	[tilespmem:s1+$0x40] =	vst v0;
	v0 =	vmul.f32 $8.000000000e+00, v3  }
0x53: {  	v3 =	vld [tilespmem:s16+$0xFFFFFFB0];
	[tilespmem:s1+$0x50] =	vst v1;
	v1 =	vmul.f32 $8.000000000e+00, v4  }
0x54: {  	v4 =	vld [tilespmem:s16+$0xFFFFFFC0];
	v2 =	vmul.f32 $8.000000000e+00, v2;
	[tilespmem:s1+$0x60] =	vst v0  }
0x55: {  	s0 =	simm.s32 $0x3930;
	v0 =	vmul.f32 $8.000000000e+00, v7;
	v7 =	vld [tilespmem:s16+$0xFFFFFFD0];
	[tilespmem:s1+$0x70] =	vst v1  }
0x56: {  	v1 =	vmul.f32 $8.000000000e+00, v5;
	v5 =	vld [tilespmem:s16+$0xFFFFFFE0];
	[tilespmem:s1+$0xFFFFFFF0] =	vst v2;
	s1 =	smov.u32 s16  }
0x57: {  	[tilespmem:s16+$0xFFFFFF80] =	vst v0;
	v0 =	vmul.f32 $8.000000000e+00, v6;
	v2 =	vld [tilespmem:s16+$0x0]  }
0x58: {  	[tilespmem:s16+$0xFFFFFF90] =	vst v1;
	v1 =	vmul.f32 $8.000000000e+00, v3;
	v3 =	vld [tilespmem:s16+$0x10]  }
0x59: {  	s15 =	sadd.s32 $0x4, s15;
	[tilespmem:s16+$0xFFFFFFA0] =	vst v0;
	v0 =	vmul.f32 $8.000000000e+00, v4;
	v4 =	vld [tilespmem:s16+$0x20]  }
0x5a: {  	p0 =	slt.u32 s15, $0xC4;
	[tilespmem:s16+$0xFFFFFFB0] =	vst v1;
	v1 =	vmul.f32 $8.000000000e+00, v7;
	v6 =	vld [tilespmem:s16+$0x30]  }
.Ltmp0:
0x5b: {  	[tilespmem:s16+$0xFFFFFFC0] =	vst v0;
	v5 =	vmul.f32 $8.000000000e+00, v5;
	v0 =	vld [tilespmem:s16+$0x40];
	(pc) =	sbr.rel @p0 .LBB2_3-.Ltmp0, $4  }
0x5c: {  	[tilespmem:s16+$0xFFFFFFD0] =	vst v1;
	v2 =	vmul.f32 $8.000000000e+00, v2;
	v1 =	vld [tilespmem:s16+$0x50]  }
0x5d: {  	[tilespmem:s16+$0xFFFFFFE0] =	vst v5;
	v7 =	vmul.f32 $8.000000000e+00, v3;
	v3 =	vld [tilespmem:s16+$0x60]  }
0x5e: {  	[tilespmem:s16+$0x0] =	vst v2;
	v5 =	vmul.f32 $8.000000000e+00, v4;
	v4 =	vld [tilespmem:s16+$0x70]  }
0x5f: {  	s16 =	sadd.s32 $0x100, s16;
	v2 =	vld [tilespmem:s1+$0xFFFFFFF0];
	[tilespmem:s1+$0x10] =	vst v7;
	v6 =	vmul.f32 $8.000000000e+00, v6  }
0x60: {  	[tilespmem:s1+$0x20] =	vst v5;
	v0 =	vmul.f32 $8.000000000e+00, v0  }
0x61: {  	[tilespmem:s1+$0x30] =	vst v6;
	v1 =	vmul.f32 $8.000000000e+00, v1  }
0x62: {  	[tilespmem:s1+$0x40] =	vst v0;
	v0 =	vmul.f32 $8.000000000e+00, v3  }
0x63: {  	[tilespmem:s1+$0x50] =	vst v1;
	v1 =	vmul.f32 $8.000000000e+00, v4  }
0x64: {  	v2 =	vmul.f32 $8.000000000e+00, v2;
	[tilespmem:s1+$0x60] =	vst v0  }
0x65: {  	[tilespmem:s1+$0x70] =	vst v1  }
0x66: {  	[tilespmem:s1+$0xFFFFFFF0] =	vst v2  }
0x67: {  	v0 =	vld [tilespmem:s0+$0xFFFFFF10]  }
0x68: {  	v1 =	vld [tilespmem:s0+$0xFFFFFF20]  }
0x69: {  	v2 =	vld [tilespmem:s0+$0xFFFFFF30]  }
0x6a: {  	v3 =	vld [tilespmem:s0+$0xFFFFFF40]  }
0x6b: {  	v4 =	vld [tilespmem:s0+$0xFFFFFF50]  }
0x6c: {  	v5 =	vld [tilespmem:s0+$0xFFFFFF60];
	v0 =	vmul.f32 $8.000000000e+00, v0  }
0x6d: {  	v6 =	vld [tilespmem:s0+$0xFFFFFF70];
	v1 =	vmul.f32 $8.000000000e+00, v1  }
0x6e: {  	[tilespmem:s0+$0xFFFFFF10] =	vst v0;
	v0 =	vmul.f32 $8.000000000e+00, v2;
	v2 =	vld [tilespmem:s0+$0xFFFFFF80]  }
0x6f: {  	[tilespmem:s0+$0xFFFFFF20] =	vst v1;
	v1 =	vmul.f32 $8.000000000e+00, v3;
	v3 =	vld [tilespmem:s0+$0xFFFFFF90]  }
0x70: {  	[tilespmem:s0+$0xFFFFFF30] =	vst v0;
	v0 =	vmul.f32 $8.000000000e+00, v4;
	v4 =	vld [tilespmem:s0+$0xFFFFFFA0]  }
0x71: {  	v7 =	vld [tilespmem:s0+$0xFFFFFFB0];
	[tilespmem:s0+$0xFFFFFF40] =	vst v1;
	v1 =	vmul.f32 $8.000000000e+00, v5  }
0x72: {  	v5 =	vmul.f32 $8.000000000e+00, v6;
	[tilespmem:s0+$0xFFFFFF50] =	vst v0;
	v0 =	vld [tilespmem:s0+$0xFFFFFFC0]  }
0x73: {  	[tilespmem:s0+$0xFFFFFF60] =	vst v1;
	v1 =	vld [tilespmem:s0+$0xFFFFFFD0];
	v6 =	vmul.f32 $8.000000000e+00, v2  }
0x74: {  	[tilespmem:s0+$0xFFFFFF70] =	vst v5;
	v8 =	vmul.f32 $8.000000000e+00, v3;
	v2 =	vld [tilespmem:s0+$0xFFFFFFE0]  }
0x75: {  	v3 =	vld [tilespmem:s0+$0x0];
	[tilespmem:s0+$0xFFFFFF80] =	vst v6;
	v5 =	vmul.f32 $8.000000000e+00, v4  }
0x76: {  	s15 =	simm.s32 $0x3A30;
	s1 =	simm.s32 $0x0;
	[tilespmem:s0+$0xFFFFFF90] =	vst v8;
	v6 =	vmul.f32 $8.000000000e+00, v7;
	v4 =	vld [tilespmem:s0+$0xFFFFFFF0]  }
.LBB2_5:
0x77: {  	v7 =	vld [tilespmem:s15+$0xFFFFFF10];
	[tilespmem:s0+$0xFFFFFFA0] =	vst v5;
	v0 =	vmul.f32 $8.000000000e+00, v0  }
0x78: {  	v5 =	vld [tilespmem:s15+$0xFFFFFF20];
	[tilespmem:s0+$0xFFFFFFB0] =	vst v6;
	v1 =	vmul.f32 $8.000000000e+00, v1  }
0x79: {  	v6 =	vld [tilespmem:s15+$0xFFFFFF30];
	[tilespmem:s0+$0xFFFFFFC0] =	vst v0;
	v0 =	vmul.f32 $8.000000000e+00, v2  }
0x7a: {  	v2 =	vld [tilespmem:s15+$0xFFFFFF40];
	[tilespmem:s0+$0xFFFFFFD0] =	vst v1;
	v1 =	vmul.f32 $8.000000000e+00, v3  }
0x7b: {  	v3 =	vld [tilespmem:s15+$0xFFFFFF50];
	[tilespmem:s0+$0xFFFFFFE0] =	vst v0;
	v0 =	vmul.f32 $8.000000000e+00, v4  }
0x7c: {  	v4 =	vmul.f32 $8.000000000e+00, v7;
	v7 =	vld [tilespmem:s15+$0xFFFFFF60];
	[tilespmem:s0+$0x0] =	vst v1  }
0x7d: {  	v1 =	vmul.f32 $8.000000000e+00, v5;
	v5 =	vld [tilespmem:s15+$0xFFFFFF70];
	[tilespmem:s0+$0xFFFFFFF0] =	vst v0;
	s0 =	smov.u32 s15  }
0x7e: {  	[tilespmem:s15+$0xFFFFFF10] =	vst v4;
	v0 =	vmul.f32 $8.000000000e+00, v6;
	v4 =	vld [tilespmem:s15+$0xFFFFFF80]  }
0x7f: {  	[tilespmem:s15+$0xFFFFFF20] =	vst v1;
	v1 =	vmul.f32 $8.000000000e+00, v2;
	v2 =	vld [tilespmem:s15+$0xFFFFFF90]  }
0x80: {  	s1 =	sadd.s32 $0x4, s1;
	[tilespmem:s15+$0xFFFFFF30] =	vst v0;
	v0 =	vmul.f32 $8.000000000e+00, v3;
	v3 =	vld [tilespmem:s15+$0xFFFFFFA0]  }
0x81: {  	p0 =	slt.u32 s1, $0xC4;
	[tilespmem:s15+$0xFFFFFF40] =	vst v1;
	v1 =	vmul.f32 $8.000000000e+00, v7;
	v6 =	vld [tilespmem:s15+$0xFFFFFFB0]  }
.Ltmp1:
0x82: {  	[tilespmem:s15+$0xFFFFFF50] =	vst v0;
	v5 =	vmul.f32 $8.000000000e+00, v5;
	v0 =	vld [tilespmem:s15+$0xFFFFFFC0];
	(pc) =	sbr.rel @p0 .LBB2_5-.Ltmp1, $4  }
0x83: {  	[tilespmem:s15+$0xFFFFFF60] =	vst v1;
	v4 =	vmul.f32 $8.000000000e+00, v4;
	v1 =	vld [tilespmem:s15+$0xFFFFFFD0]  }
0x84: {  	[tilespmem:s15+$0xFFFFFF70] =	vst v5;
	v7 =	vmul.f32 $8.000000000e+00, v2;
	v2 =	vld [tilespmem:s15+$0xFFFFFFE0]  }
0x85: {  	[tilespmem:s15+$0xFFFFFF80] =	vst v4;
	v5 =	vmul.f32 $8.000000000e+00, v3;
	v3 =	vld [tilespmem:s15+$0x0]  }
0x86: {  	s15 =	sadd.s32 $0x100, s15;
	[tilespmem:s0+$0xFFFFFF90] =	vst v7;
	v6 =	vmul.f32 $8.000000000e+00, v6;
	v4 =	vld [tilespmem:s0+$0xFFFFFFF0]  }
0x87: {  	[tilespmem:s0+$0xFFFFFFA0] =	vst v5;
	v0 =	vmul.f32 $8.000000000e+00, v0  }
0x88: {  	[tilespmem:s0+$0xFFFFFFB0] =	vst v6;
	v1 =	vmul.f32 $8.000000000e+00, v1  }
0x89: {  	[tilespmem:s0+$0xFFFFFFC0] =	vst v0;
	v0 =	vmul.f32 $8.000000000e+00, v2  }
0x8a: {  	[tilespmem:s0+$0xFFFFFFD0] =	vst v1;
	v1 =	vmul.f32 $8.000000000e+00, v3  }
0x8b: {  	[tilespmem:s0+$0xFFFFFFE0] =	vst v0;
	v0 =	vmul.f32 $8.000000000e+00, v4  }
0x8c: {  	[tilespmem:s0+$0x0] =	vst v1  }
0x8d: {  	s1 =	simm.s32 $0x6A40;
	[tilespmem:s0+$0xFFFFFFF0] =	vst v0  }
0x8e: {  	v1 =	vld [tilespmem:s1+$0xA0]  }
0x8f: {  	v2 =	vld [tilespmem:s1+$0x40]  }
0x90: {  	v3 =	vld [tilespmem:s1+$0xE0]  }
0x91: {  	v4 =	vld [tilespmem:s1+$0xD0]  }
0x92: {  	v5 =	vld [tilespmem:s1+$0x20]  }
0x93: {  	v0 =	vld [tilespmem:s1+$0x90]  }
0x94: {  	v8 =	vld [tilespmem:s1+$0xC0]  }
0x95: {  	v7 =	vld [tilespmem:s1+$0x10]  }
0x96: {  	v9 =	vld [tilespmem:s1+$0x0];
	v1 =	vmul.f32 $8.000000000e+00, v1  }
0x97: {  	v11 =	vld [tilespmem:s1+$0x50];
	v4 =	vmul.f32 $8.000000000e+00, v4  }
0x98: {  	v10 =	vld [tilespmem:s1+$0xB0];
	v12 =	vmul.f32 $8.000000000e+00, v5;
	[tilespmem:s1+$0xA0] =	vst v1  }
0x99: {  	v6 =	vld [tilespmem:s1+$0xF0];
	v13 =	vmul.f32 $8.000000000e+00, v8;
	[tilespmem:s1+$0xD0] =	vst v4  }
0x9a: {  	v1 =	vmul.f32 $8.000000000e+00, v2;
	v2 =	vmul.f32 $8.000000000e+00, v3;
	v3 =	vld [tilespmem:s1+$0x80];
	[tilespmem:s1+$0x20] =	vst v12  }
0x9b: {  	v4 =	vld [tilespmem:s1+$0x70];
	[tilespmem:s1+$0xC0] =	vst v13  }
0x9c: {  	v8 =	vmul.f32 $8.000000000e+00, v9;
	v5 =	vld [tilespmem:s1+$0x60];
	v9 =	vmul.f32 $8.000000000e+00, v11;
	[tilespmem:s1+$0x40] =	vst v1  }
0x9d: {  	s15 =	simm.s32 $0x6B40;
	s0 =	simm.s32 $0x0;
	[tilespmem:s1+$0xE0] =	vst v2;
	v1 =	vmul.f32 $8.000000000e+00, v7;
	v7 =	vld [tilespmem:s1+$0x30];
	v2 =	vmul.f32 $8.000000000e+00, v10  }
.LBB2_7:
0x9e: {  	v10 =	vld [tilespmem:s15+$0xA0];
	s0 =	sadd.s32 $0x4, s0;
	[tilespmem:s1+$0x0] =	vst v8;
	v0 =	vmul.f32 $8.000000000e+00, v0;
	v6 =	vmul.f32 $8.000000000e+00, v6  }
0x9f: {  	v8 =	vld [tilespmem:s15+$0x40];
	p0 =	slt.u32 s0, $0xC4;
	[tilespmem:s1+$0x50] =	vst v9;
	v3 =	vmul.f32 $8.000000000e+00, v3  }
0xa0: {  	v9 =	vld [tilespmem:s15+$0xE0];
	v4 =	vmul.f32 $8.000000000e+00, v4;
	[tilespmem:s1+$0xF0] =	vst v6  }
0xa1: {  	v11 =	vld [tilespmem:s15+$0x20];
	v5 =	vmul.f32 $8.000000000e+00, v5;
	[tilespmem:s1+$0x80] =	vst v3  }
0xa2: {  	v3 =	vld [tilespmem:s15+$0xD0];
	v6 =	vmul.f32 $8.000000000e+00, v7;
	[tilespmem:s1+$0x90] =	vst v0  }
0xa3: {  	v0 =	vld [tilespmem:s15+$0x90];
	v7 =	vmul.f32 $8.000000000e+00, v10;
	[tilespmem:s1+$0x10] =	vst v1  }
0xa4: {  	v1 =	vld [tilespmem:s15+$0x10];
	[tilespmem:s1+$0x30] =	vst v6  }
0xa5: {  	v10 =	vld [tilespmem:s15+$0xC0];
	v9 =	vmul.f32 $8.000000000e+00, v9;
	[tilespmem:s1+$0xB0] =	vst v2  }
0xa6: {  	v2 =	vld [tilespmem:s15+$0x0];
	[tilespmem:s1+$0x70] =	vst v4  }
0xa7: {  	v12 =	vld [tilespmem:s15+$0xB0];
	v3 =	vmul.f32 $8.000000000e+00, v3;
	[tilespmem:s1+$0x60] =	vst v5;
	s1 =	smov.u32 s15  }
0xa8: {  	v13 =	vld [tilespmem:s15+$0x50];
	[tilespmem:s15+$0xA0] =	vst v7  }
.Ltmp2:
0xa9: {  	v4 =	vmul.f32 $8.000000000e+00, v8;
	[tilespmem:s15+$0xD0] =	vst v3;
	v6 =	vld [tilespmem:s15+$0xF0];
	(pc) =	sbr.rel @p0 .LBB2_7-.Ltmp2, $4  }
0xaa: {  	v3 =	vld [tilespmem:s15+$0x80];
	v7 =	vmul.f32 $8.000000000e+00, v10;
	[tilespmem:s15+$0xE0] =	vst v9  }
0xab: {  	v9 =	vmul.f32 $8.000000000e+00, v11;
	[tilespmem:s15+$0x40] =	vst v4;
	v4 =	vld [tilespmem:s15+$0x70]  }
0xac: {  	v1 =	vmul.f32 $8.000000000e+00, v1;
	v8 =	vmul.f32 $8.000000000e+00, v2;
	v5 =	vld [tilespmem:s15+$0x60];
	[tilespmem:s15+$0xC0] =	vst v7  }
0xad: {  	v2 =	vmul.f32 $8.000000000e+00, v12;
	s15 =	sadd.s32 $0x100, s15;
	[tilespmem:s1+$0x20] =	vst v9;
	v7 =	vld [tilespmem:s1+$0x30];
	v9 =	vmul.f32 $8.000000000e+00, v13  }
0xae: {  	[tilespmem:s1+$0x0] =	vst v8  }
0xaf: {  	[tilespmem:s1+$0x10] =	vst v1  }
0xb0: {  	v6 =	vmul.f32 $8.000000000e+00, v6;
	[tilespmem:s1+$0x50] =	vst v9  }
0xb1: {  	v0 =	vmul.f32 $8.000000000e+00, v0;
	[tilespmem:s1+$0xB0] =	vst v2  }
0xb2: {  	v3 =	vmul.f32 $8.000000000e+00, v3;
	[tilespmem:s1+$0xF0] =	vst v6  }
0xb3: {  	[tilespmem:s1+$0x90] =	vst v0;
	v0 =	vmul.f32 $8.000000000e+00, v4  }
0xb4: {  	[tilespmem:s1+$0x80] =	vst v3;
	v1 =	vmul.f32 $8.000000000e+00, v5  }
0xb5: {  	v3 =	vmul.f32 $8.000000000e+00, v7;
	[tilespmem:s1+$0x70] =	vst v0  }
0xb6: {  	[tilespmem:s1+$0x60] =	vst v1  }
0xb7: {  	s0 =	simm.s32 $0x9C40;
	[tilespmem:s1+$0x30] =	vst v3  }
0xb8: {  	v1 =	vld [tilespmem:s0+$0xA0]  }
0xb9: {  	v2 =	vld [tilespmem:s0+$0x40]  }
0xba: {  	v3 =	vld [tilespmem:s0+$0xE0]  }
0xbb: {  	v4 =	vld [tilespmem:s0+$0xD0]  }
0xbc: {  	v5 =	vld [tilespmem:s0+$0x20]  }
0xbd: {  	v0 =	vld [tilespmem:s0+$0x90]  }
0xbe: {  	v8 =	vld [tilespmem:s0+$0xC0]  }
0xbf: {  	v7 =	vld [tilespmem:s0+$0x10]  }
0xc0: {  	v9 =	vld [tilespmem:s0+$0x0];
	v1 =	vmul.f32 $8.000000000e+00, v1  }
0xc1: {  	v11 =	vld [tilespmem:s0+$0x50];
	v4 =	vmul.f32 $8.000000000e+00, v4  }
0xc2: {  	v10 =	vld [tilespmem:s0+$0xB0];
	v12 =	vmul.f32 $8.000000000e+00, v5;
	[tilespmem:s0+$0xA0] =	vst v1  }
0xc3: {  	v6 =	vld [tilespmem:s0+$0xF0];
	v13 =	vmul.f32 $8.000000000e+00, v8;
	[tilespmem:s0+$0xD0] =	vst v4  }
0xc4: {  	v1 =	vmul.f32 $8.000000000e+00, v2;
	v2 =	vmul.f32 $8.000000000e+00, v3;
	v3 =	vld [tilespmem:s0+$0x80];
	[tilespmem:s0+$0x20] =	vst v12  }
0xc5: {  	v4 =	vld [tilespmem:s0+$0x70];
	[tilespmem:s0+$0xC0] =	vst v13  }
0xc6: {  	v8 =	vmul.f32 $8.000000000e+00, v9;
	v5 =	vld [tilespmem:s0+$0x60];
	v9 =	vmul.f32 $8.000000000e+00, v11;
	[tilespmem:s0+$0x40] =	vst v1  }
0xc7: {  	s15 =	simm.s32 $0x9D40;
	s1 =	simm.s32 $0x0;
	[tilespmem:s0+$0xE0] =	vst v2;
	v1 =	vmul.f32 $8.000000000e+00, v7;
	v7 =	vld [tilespmem:s0+$0x30];
	v2 =	vmul.f32 $8.000000000e+00, v10  }
.LBB2_9:
0xc8: {  	v10 =	vld [tilespmem:s15+$0xA0];
	s1 =	sadd.s32 $0x4, s1;
	[tilespmem:s0+$0x0] =	vst v8;
	v0 =	vmul.f32 $8.000000000e+00, v0;
	v6 =	vmul.f32 $8.000000000e+00, v6  }
0xc9: {  	v8 =	vld [tilespmem:s15+$0x40];
	p0 =	slt.u32 s1, $0xC4;
	[tilespmem:s0+$0x50] =	vst v9;
	v3 =	vmul.f32 $8.000000000e+00, v3  }
0xca: {  	v9 =	vld [tilespmem:s15+$0xE0];
	v4 =	vmul.f32 $8.000000000e+00, v4;
	[tilespmem:s0+$0xF0] =	vst v6  }
0xcb: {  	v11 =	vld [tilespmem:s15+$0x20];
	v5 =	vmul.f32 $8.000000000e+00, v5;
	[tilespmem:s0+$0x80] =	vst v3  }
0xcc: {  	v3 =	vld [tilespmem:s15+$0xD0];
	v6 =	vmul.f32 $8.000000000e+00, v7;
	[tilespmem:s0+$0x90] =	vst v0  }
0xcd: {  	v0 =	vld [tilespmem:s15+$0x90];
	v7 =	vmul.f32 $8.000000000e+00, v10;
	[tilespmem:s0+$0x10] =	vst v1  }
0xce: {  	v1 =	vld [tilespmem:s15+$0x10];
	[tilespmem:s0+$0x30] =	vst v6  }
0xcf: {  	v10 =	vld [tilespmem:s15+$0xC0];
	v9 =	vmul.f32 $8.000000000e+00, v9;
	[tilespmem:s0+$0xB0] =	vst v2  }
0xd0: {  	v2 =	vld [tilespmem:s15+$0x0];
	[tilespmem:s0+$0x70] =	vst v4  }
0xd1: {  	v12 =	vld [tilespmem:s15+$0xB0];
	v3 =	vmul.f32 $8.000000000e+00, v3;
	[tilespmem:s0+$0x60] =	vst v5;
	s0 =	smov.u32 s15  }
0xd2: {  	v13 =	vld [tilespmem:s15+$0x50];
	[tilespmem:s15+$0xA0] =	vst v7  }
.Ltmp3:
0xd3: {  	v4 =	vmul.f32 $8.000000000e+00, v8;
	[tilespmem:s15+$0xD0] =	vst v3;
	v6 =	vld [tilespmem:s15+$0xF0];
	(pc) =	sbr.rel @p0 .LBB2_9-.Ltmp3, $4  }
0xd4: {  	v3 =	vld [tilespmem:s15+$0x80];
	v7 =	vmul.f32 $8.000000000e+00, v10;
	[tilespmem:s15+$0xE0] =	vst v9  }
0xd5: {  	v9 =	vmul.f32 $8.000000000e+00, v11;
	[tilespmem:s15+$0x40] =	vst v4;
	v4 =	vld [tilespmem:s15+$0x70]  }
0xd6: {  	v1 =	vmul.f32 $8.000000000e+00, v1;
	v8 =	vmul.f32 $8.000000000e+00, v2;
	v5 =	vld [tilespmem:s15+$0x60];
	[tilespmem:s15+$0xC0] =	vst v7  }
0xd7: {  	v2 =	vmul.f32 $8.000000000e+00, v12;
	s15 =	sadd.s32 $0x100, s15;
	[tilespmem:s0+$0x20] =	vst v9;
	v7 =	vld [tilespmem:s0+$0x30];
	v9 =	vmul.f32 $8.000000000e+00, v13  }
0xd8: {  	[tilespmem:s0+$0x0] =	vst v8  }
0xd9: {  	[tilespmem:s0+$0x10] =	vst v1  }
0xda: {  	v6 =	vmul.f32 $8.000000000e+00, v6;
	[tilespmem:s0+$0x50] =	vst v9  }
0xdb: {  	v0 =	vmul.f32 $8.000000000e+00, v0;
	[tilespmem:s0+$0xB0] =	vst v2  }
0xdc: {  	v3 =	vmul.f32 $8.000000000e+00, v3;
	[tilespmem:s0+$0xF0] =	vst v6  }
0xdd: {  	[tilespmem:s0+$0x90] =	vst v0;
	v0 =	vmul.f32 $8.000000000e+00, v4  }
0xde: {  	s1 =	sadd.s32 s4, s31;
	[tilespmem:s0+$0x80] =	vst v3;
	v1 =	vmul.f32 $8.000000000e+00, v5  }
0xdf: {  	s1 =	smul.u32 $0x640, s1;
	v3 =	vmul.f32 $8.000000000e+00, v7;
	[tilespmem:s0+$0x70] =	vst v0  }
0xe0: {  	p0 =	seq.s32 s10, $0xF;
	[tilespmem:s0+$0x60] =	vst v1  }
0xe1: {  	s16 =	sadd.s32 s2, s1;
	s1 =	sadd.s32 @!p0 s31, s9;
	[tilespmem:s0+$0x30] =	vst v3;
	s0 =	simm.s32 @!p0 $0x3  }
0xe2: {  	[hbm4b:s16+s3] =	stream.linear.scatter [tilespmem:s13], [sflag:$0x3], $0xC800, $0x38;
	[tilespmem:$0x19640] =	vst v63  }
0xe3: {  	s1 =	smul.u32 @!p0 $0x19, s1;
	_ =	swait.ge @!p0 [sflag:s0], $0xC800  }
0xe4: {  	[sflag:s0] =	ssyncset.done @!p0 $0x0  }
0xe5: {  	[sflag:s0] =	ssyncadd.s32 @!p0 $0xFFFF3800;
	s0 =	sadd.s32 @!p0 s6, s1;
	s1 =	simm.s32 @!p0 $0x0  }
0xe6: {  	[tilespmem:s1], [sflag:$0x5] =	stream.linear.gather @!p0 [hbm4b:s0+s1], $0x320, $0x38;
	[tilespmem:$0x19640] =	vst v63  }
0xe7: {  	s0 =	simm.s32 @!p0 $0x5  }
0xe8: {  	_ =	swait.ge @!p0 [sflag:s0], $0x320  }
0xe9: {  	[sflag:s0] =	ssyncset.done @!p0 $0x0  }
0xea: {  	s15 =	simm.s32 @!p0 $0x640;
	[sflag:s0] =	ssyncadd.s32 @!p0 $0xFFFFFCE0;
	s0 =	simm.s32 @!p0 $0x80  }
0xeb: {  	[tilespmem:s15], [sflag:$0x1] =	stream.indirect.gather @!p0 [hbm4b:s5+s0], $0x40, s1, s0, $0xb8;
	[tilespmem:$0x19640] =	vst v63  }
0xec: {  	s1 =	simm.s32 @!p0 $0x48;
	s15 =	simm.s32 @!p0 $0x2640  }
0xed: {  	[tilespmem:s15], [sflag:$0x1] =	stream.indirect.gather @!p0 [hbm4b:s5+s1], $0x40, s0, s1, $0xb8;
	[tilespmem:$0x19640] =	vst v63  }
0xee: {  	s16 =	simm.s32 @!p0 $0x3840;
	s15 =	simm.s32 @!p0 $0xC8  }
0xef: {  	[tilespmem:s16], [sflag:$0x1] =	stream.indirect.gather @!p0 [hbm4b:s5+s0], $0x40, s15, s0, $0xb8;
	[tilespmem:$0x19640] =	vst v63  }
0xf0: {  	s15 =	simm.s32 @!p0 $0x148;
	s16 =	simm.s32 @!p0 $0x5840  }
0xf1: {  	[tilespmem:s16], [sflag:$0x1] =	stream.indirect.gather @!p0 [hbm4b:s5+s1], $0x40, s15, s1, $0xb8;
	[tilespmem:$0x19640] =	vst v63  }
0xf2: {  	s15 =	simm.s32 @!p0 $0x190;
	s16 =	simm.s32 @!p0 $0x6A40  }
0xf3: {  	[tilespmem:s16], [sflag:$0x1] =	stream.indirect.gather @!p0 [hbm4b:s5+s0], $0x40, s15, s0, $0xb8;
	[tilespmem:$0x19640] =	vst v63  }
0xf4: {  	s15 =	simm.s32 @!p0 $0x210;
	s16 =	simm.s32 @!p0 $0x8A40  }
0xf5: {  	[tilespmem:s16], [sflag:$0x1] =	stream.indirect.gather @!p0 [hbm4b:s5+s1], $0x40, s15, s1, $0xb8;
	[tilespmem:$0x19640] =	vst v63  }
0xf6: {  	s15 =	simm.s32 @!p0 $0x258;
	s16 =	simm.s32 @!p0 $0x9C40  }
0xf7: {  	[tilespmem:s16], [sflag:$0x1] =	stream.indirect.gather @!p0 [hbm4b:s5+s0], $0x40, s15, s0, $0xb8;
	[tilespmem:$0x19640] =	vst v63  }
0xf8: {  	s0 =	simm.s32 @!p0 $0x2D8;
	s15 =	simm.s32 @!p0 $0xBC40  }
0xf9: {  	[tilespmem:s15], [sflag:$0x1] =	stream.indirect.gather @!p0 [hbm4b:s5+s1], $0x40, s0, s1, $0xb8;
	[tilespmem:$0x19640] =	vst v63  }
0xfa: {  	_ =	swait.ge [sflag:s28], $0xC800  }
0xfb: {  	[sflag:s28] =	ssyncset.done $0x0  }
0xfc: {  	s1 =	simm.s32 $0xCE40;
	[sflag:s28] =	ssyncadd.s32 $0xFFFF3800  }
0xfd: {  	v1 =	vld [tilespmem:s1+$0xA0]  }
0xfe: {  	v2 =	vld [tilespmem:s1+$0x40]  }
0xff: {  	v3 =	vld [tilespmem:s1+$0xE0]  }
0x100: {  	v4 =	vld [tilespmem:s1+$0xD0]  }
0x101: {  	v5 =	vld [tilespmem:s1+$0x20]  }
0x102: {  	v0 =	vld [tilespmem:s1+$0x90]  }
0x103: {  	v8 =	vld [tilespmem:s1+$0xC0]  }
0x104: {  	v7 =	vld [tilespmem:s1+$0x10]  }
0x105: {  	v9 =	vld [tilespmem:s1+$0x0];
	v1 =	vmul.f32 $8.000000000e+00, v1  }
0x106: {  	v11 =	vld [tilespmem:s1+$0x50];
	v4 =	vmul.f32 $8.000000000e+00, v4  }
0x107: {  	v10 =	vld [tilespmem:s1+$0xB0];
	v12 =	vmul.f32 $8.000000000e+00, v5;
	[tilespmem:s1+$0xA0] =	vst v1  }
0x108: {  	v6 =	vld [tilespmem:s1+$0xF0];
	v13 =	vmul.f32 $8.000000000e+00, v8;
	[tilespmem:s1+$0xD0] =	vst v4  }
0x109: {  	v1 =	vmul.f32 $8.000000000e+00, v2;
	v2 =	vmul.f32 $8.000000000e+00, v3;
	v3 =	vld [tilespmem:s1+$0x80];
	[tilespmem:s1+$0x20] =	vst v12  }
0x10a: {  	v4 =	vld [tilespmem:s1+$0x70];
	[tilespmem:s1+$0xC0] =	vst v13  }
0x10b: {  	v8 =	vmul.f32 $8.000000000e+00, v9;
	v5 =	vld [tilespmem:s1+$0x60];
	v9 =	vmul.f32 $8.000000000e+00, v11;
	[tilespmem:s1+$0x40] =	vst v1  }
0x10c: {  	s0 =	simm.s32 $0x0;
	s15 =	simm.s32 $0xCF40;
	[tilespmem:s1+$0xE0] =	vst v2;
	v1 =	vmul.f32 $8.000000000e+00, v7;
	v7 =	vld [tilespmem:s1+$0x30];
	v2 =	vmul.f32 $8.000000000e+00, v10  }
.LBB2_11:
0x10d: {  	v10 =	vld [tilespmem:s15+$0xA0];
	s0 =	sadd.s32 $0x4, s0;
	[tilespmem:s1+$0x0] =	vst v8;
	v0 =	vmul.f32 $8.000000000e+00, v0;
	v6 =	vmul.f32 $8.000000000e+00, v6  }
0x10e: {  	v8 =	vld [tilespmem:s15+$0x40];
	p0 =	slt.u32 s0, $0xC4;
	[tilespmem:s1+$0x50] =	vst v9;
	v3 =	vmul.f32 $8.000000000e+00, v3  }
0x10f: {  	v9 =	vld [tilespmem:s15+$0xE0];
	v4 =	vmul.f32 $8.000000000e+00, v4;
	[tilespmem:s1+$0xF0] =	vst v6  }
0x110: {  	v11 =	vld [tilespmem:s15+$0x20];
	v5 =	vmul.f32 $8.000000000e+00, v5;
	[tilespmem:s1+$0x80] =	vst v3  }
0x111: {  	v3 =	vld [tilespmem:s15+$0xD0];
	v6 =	vmul.f32 $8.000000000e+00, v7;
	[tilespmem:s1+$0x90] =	vst v0  }
0x112: {  	v0 =	vld [tilespmem:s15+$0x90];
	v7 =	vmul.f32 $8.000000000e+00, v10;
	[tilespmem:s1+$0x10] =	vst v1  }
0x113: {  	v1 =	vld [tilespmem:s15+$0x10];
	[tilespmem:s1+$0x30] =	vst v6  }
0x114: {  	v10 =	vld [tilespmem:s15+$0xC0];
	v9 =	vmul.f32 $8.000000000e+00, v9;
	[tilespmem:s1+$0xB0] =	vst v2  }
0x115: {  	v2 =	vld [tilespmem:s15+$0x0];
	[tilespmem:s1+$0x70] =	vst v4  }
0x116: {  	v12 =	vld [tilespmem:s15+$0xB0];
	v3 =	vmul.f32 $8.000000000e+00, v3;
	[tilespmem:s1+$0x60] =	vst v5;
	s1 =	smov.u32 s15  }
0x117: {  	v13 =	vld [tilespmem:s15+$0x50];
	[tilespmem:s15+$0xA0] =	vst v7  }
.Ltmp4:
0x118: {  	v4 =	vmul.f32 $8.000000000e+00, v8;
	[tilespmem:s15+$0xD0] =	vst v3;
	v6 =	vld [tilespmem:s15+$0xF0];
	(pc) =	sbr.rel @p0 .LBB2_11-.Ltmp4, $4  }
0x119: {  	v3 =	vld [tilespmem:s15+$0x80];
	v7 =	vmul.f32 $8.000000000e+00, v10;
	[tilespmem:s15+$0xE0] =	vst v9  }
0x11a: {  	v9 =	vmul.f32 $8.000000000e+00, v11;
	[tilespmem:s15+$0x40] =	vst v4;
	v4 =	vld [tilespmem:s15+$0x70]  }
0x11b: {  	v1 =	vmul.f32 $8.000000000e+00, v1;
	v8 =	vmul.f32 $8.000000000e+00, v2;
	v5 =	vld [tilespmem:s15+$0x60];
	[tilespmem:s15+$0xC0] =	vst v7  }
0x11c: {  	v2 =	vmul.f32 $8.000000000e+00, v12;
	s15 =	sadd.s32 $0x100, s15;
	[tilespmem:s1+$0x20] =	vst v9;
	v7 =	vld [tilespmem:s1+$0x30];
	v9 =	vmul.f32 $8.000000000e+00, v13  }
0x11d: {  	[tilespmem:s1+$0x0] =	vst v8  }
0x11e: {  	[tilespmem:s1+$0x10] =	vst v1  }
0x11f: {  	v6 =	vmul.f32 $8.000000000e+00, v6;
	[tilespmem:s1+$0x50] =	vst v9  }
0x120: {  	v0 =	vmul.f32 $8.000000000e+00, v0;
	[tilespmem:s1+$0xB0] =	vst v2  }
0x121: {  	v3 =	vmul.f32 $8.000000000e+00, v3;
	[tilespmem:s1+$0xF0] =	vst v6  }
0x122: {  	[tilespmem:s1+$0x90] =	vst v0;
	v0 =	vmul.f32 $8.000000000e+00, v4  }
0x123: {  	[tilespmem:s1+$0x80] =	vst v3;
	v1 =	vmul.f32 $8.000000000e+00, v5  }
0x124: {  	v3 =	vmul.f32 $8.000000000e+00, v7;
	[tilespmem:s1+$0x70] =	vst v0  }
0x125: {  	[tilespmem:s1+$0x60] =	vst v1  }
0x126: {  	s0 =	simm.s32 $0x10040;
	[tilespmem:s1+$0x30] =	vst v3  }
0x127: {  	v1 =	vld [tilespmem:s0+$0xA0]  }
0x128: {  	v2 =	vld [tilespmem:s0+$0x40]  }
0x129: {  	v3 =	vld [tilespmem:s0+$0xE0]  }
0x12a: {  	v4 =	vld [tilespmem:s0+$0xD0]  }
0x12b: {  	v5 =	vld [tilespmem:s0+$0x20]  }
0x12c: {  	v0 =	vld [tilespmem:s0+$0x90]  }
0x12d: {  	v8 =	vld [tilespmem:s0+$0xC0]  }
0x12e: {  	v7 =	vld [tilespmem:s0+$0x10]  }
0x12f: {  	v9 =	vld [tilespmem:s0+$0x0];
	v1 =	vmul.f32 $8.000000000e+00, v1  }
0x130: {  	v11 =	vld [tilespmem:s0+$0x50];
	v4 =	vmul.f32 $8.000000000e+00, v4  }
0x131: {  	v10 =	vld [tilespmem:s0+$0xB0];
	v12 =	vmul.f32 $8.000000000e+00, v5;
	[tilespmem:s0+$0xA0] =	vst v1  }
0x132: {  	v6 =	vld [tilespmem:s0+$0xF0];
	v13 =	vmul.f32 $8.000000000e+00, v8;
	[tilespmem:s0+$0xD0] =	vst v4  }
0x133: {  	v1 =	vmul.f32 $8.000000000e+00, v2;
	v2 =	vmul.f32 $8.000000000e+00, v3;
	v3 =	vld [tilespmem:s0+$0x80];
	[tilespmem:s0+$0x20] =	vst v12  }
0x134: {  	v4 =	vld [tilespmem:s0+$0x70];
	[tilespmem:s0+$0xC0] =	vst v13  }
0x135: {  	v8 =	vmul.f32 $8.000000000e+00, v9;
	v5 =	vld [tilespmem:s0+$0x60];
	v9 =	vmul.f32 $8.000000000e+00, v11;
	[tilespmem:s0+$0x40] =	vst v1  }
0x136: {  	s15 =	simm.s32 $0x10140;
	s1 =	simm.s32 $0x0;
	[tilespmem:s0+$0xE0] =	vst v2;
	v1 =	vmul.f32 $8.000000000e+00, v7;
	v7 =	vld [tilespmem:s0+$0x30];
	v2 =	vmul.f32 $8.000000000e+00, v10  }
.LBB2_13:
0x137: {  	v10 =	vld [tilespmem:s15+$0xA0];
	s1 =	sadd.s32 $0x4, s1;
	[tilespmem:s0+$0x0] =	vst v8;
	v0 =	vmul.f32 $8.000000000e+00, v0;
	v6 =	vmul.f32 $8.000000000e+00, v6  }
0x138: {  	v8 =	vld [tilespmem:s15+$0x40];
	p0 =	slt.u32 s1, $0xC4;
	[tilespmem:s0+$0x50] =	vst v9;
	v3 =	vmul.f32 $8.000000000e+00, v3  }
0x139: {  	v9 =	vld [tilespmem:s15+$0xE0];
	v4 =	vmul.f32 $8.000000000e+00, v4;
	[tilespmem:s0+$0xF0] =	vst v6  }
0x13a: {  	v11 =	vld [tilespmem:s15+$0x20];
	v5 =	vmul.f32 $8.000000000e+00, v5;
	[tilespmem:s0+$0x80] =	vst v3  }
0x13b: {  	v3 =	vld [tilespmem:s15+$0xD0];
	v6 =	vmul.f32 $8.000000000e+00, v7;
	[tilespmem:s0+$0x90] =	vst v0  }
0x13c: {  	v0 =	vld [tilespmem:s15+$0x90];
	v7 =	vmul.f32 $8.000000000e+00, v10;
	[tilespmem:s0+$0x10] =	vst v1  }
0x13d: {  	v1 =	vld [tilespmem:s15+$0x10];
	[tilespmem:s0+$0x30] =	vst v6  }
0x13e: {  	v10 =	vld [tilespmem:s15+$0xC0];
	v9 =	vmul.f32 $8.000000000e+00, v9;
	[tilespmem:s0+$0xB0] =	vst v2  }
0x13f: {  	v2 =	vld [tilespmem:s15+$0x0];
	[tilespmem:s0+$0x70] =	vst v4  }
0x140: {  	v12 =	vld [tilespmem:s15+$0xB0];
	v3 =	vmul.f32 $8.000000000e+00, v3;
	[tilespmem:s0+$0x60] =	vst v5;
	s0 =	smov.u32 s15  }
0x141: {  	v13 =	vld [tilespmem:s15+$0x50];
	[tilespmem:s15+$0xA0] =	vst v7  }
.Ltmp5:
0x142: {  	v4 =	vmul.f32 $8.000000000e+00, v8;
	[tilespmem:s15+$0xD0] =	vst v3;
	v6 =	vld [tilespmem:s15+$0xF0];
	(pc) =	sbr.rel @p0 .LBB2_13-.Ltmp5, $4  }
0x143: {  	v3 =	vld [tilespmem:s15+$0x80];
	v7 =	vmul.f32 $8.000000000e+00, v10;
	[tilespmem:s15+$0xE0] =	vst v9  }
0x144: {  	v9 =	vmul.f32 $8.000000000e+00, v11;
	[tilespmem:s15+$0x40] =	vst v4;
	v4 =	vld [tilespmem:s15+$0x70]  }
0x145: {  	v1 =	vmul.f32 $8.000000000e+00, v1;
	v8 =	vmul.f32 $8.000000000e+00, v2;
	v5 =	vld [tilespmem:s15+$0x60];
	[tilespmem:s15+$0xC0] =	vst v7  }
0x146: {  	v2 =	vmul.f32 $8.000000000e+00, v12;
	s15 =	sadd.s32 $0x100, s15;
	[tilespmem:s0+$0x20] =	vst v9;
	v7 =	vld [tilespmem:s0+$0x30];
	v9 =	vmul.f32 $8.000000000e+00, v13  }
0x147: {  	[tilespmem:s0+$0x0] =	vst v8  }
0x148: {  	[tilespmem:s0+$0x10] =	vst v1  }
0x149: {  	v6 =	vmul.f32 $8.000000000e+00, v6;
	[tilespmem:s0+$0x50] =	vst v9  }
0x14a: {  	v0 =	vmul.f32 $8.000000000e+00, v0;
	[tilespmem:s0+$0xB0] =	vst v2  }
0x14b: {  	v3 =	vmul.f32 $8.000000000e+00, v3;
	[tilespmem:s0+$0xF0] =	vst v6  }
0x14c: {  	[tilespmem:s0+$0x90] =	vst v0;
	v0 =	vmul.f32 $8.000000000e+00, v4  }
0x14d: {  	[tilespmem:s0+$0x80] =	vst v3;
	v1 =	vmul.f32 $8.000000000e+00, v5  }
0x14e: {  	v3 =	vmul.f32 $8.000000000e+00, v7;
	[tilespmem:s0+$0x70] =	vst v0  }
0x14f: {  	[tilespmem:s0+$0x60] =	vst v1  }
0x150: {  	s1 =	simm.s32 $0x13240;
	[tilespmem:s0+$0x30] =	vst v3  }
0x151: {  	v1 =	vld [tilespmem:s1+$0xA0]  }
0x152: {  	v2 =	vld [tilespmem:s1+$0x40]  }
0x153: {  	v3 =	vld [tilespmem:s1+$0xE0]  }
0x154: {  	v4 =	vld [tilespmem:s1+$0xD0]  }
0x155: {  	v5 =	vld [tilespmem:s1+$0x20]  }
0x156: {  	v0 =	vld [tilespmem:s1+$0x90]  }
0x157: {  	v8 =	vld [tilespmem:s1+$0xC0]  }
0x158: {  	v7 =	vld [tilespmem:s1+$0x10]  }
0x159: {  	v9 =	vld [tilespmem:s1+$0x0];
	v1 =	vmul.f32 $8.000000000e+00, v1  }
0x15a: {  	v11 =	vld [tilespmem:s1+$0x50];
	v4 =	vmul.f32 $8.000000000e+00, v4  }
0x15b: {  	v10 =	vld [tilespmem:s1+$0xB0];
	v12 =	vmul.f32 $8.000000000e+00, v5;
	[tilespmem:s1+$0xA0] =	vst v1  }
0x15c: {  	v6 =	vld [tilespmem:s1+$0xF0];
	v13 =	vmul.f32 $8.000000000e+00, v8;
	[tilespmem:s1+$0xD0] =	vst v4  }
0x15d: {  	v1 =	vmul.f32 $8.000000000e+00, v2;
	v2 =	vmul.f32 $8.000000000e+00, v3;
	v3 =	vld [tilespmem:s1+$0x80];
	[tilespmem:s1+$0x20] =	vst v12  }
0x15e: {  	v4 =	vld [tilespmem:s1+$0x70];
	[tilespmem:s1+$0xC0] =	vst v13  }
0x15f: {  	v8 =	vmul.f32 $8.000000000e+00, v9;
	v5 =	vld [tilespmem:s1+$0x60];
	v9 =	vmul.f32 $8.000000000e+00, v11;
	[tilespmem:s1+$0x40] =	vst v1  }
0x160: {  	s15 =	simm.s32 $0x13340;
	s0 =	simm.s32 $0x0;
	[tilespmem:s1+$0xE0] =	vst v2;
	v1 =	vmul.f32 $8.000000000e+00, v7;
	v7 =	vld [tilespmem:s1+$0x30];
	v2 =	vmul.f32 $8.000000000e+00, v10  }
.LBB2_15:
0x161: {  	v10 =	vld [tilespmem:s15+$0xA0];
	s0 =	sadd.s32 $0x4, s0;
	[tilespmem:s1+$0x0] =	vst v8;
	v0 =	vmul.f32 $8.000000000e+00, v0;
	v6 =	vmul.f32 $8.000000000e+00, v6  }
0x162: {  	v8 =	vld [tilespmem:s15+$0x40];
	p0 =	slt.u32 s0, $0xC4;
	[tilespmem:s1+$0x50] =	vst v9;
	v3 =	vmul.f32 $8.000000000e+00, v3  }
0x163: {  	v9 =	vld [tilespmem:s15+$0xE0];
	v4 =	vmul.f32 $8.000000000e+00, v4;
	[tilespmem:s1+$0xF0] =	vst v6  }
0x164: {  	v11 =	vld [tilespmem:s15+$0x20];
	v5 =	vmul.f32 $8.000000000e+00, v5;
	[tilespmem:s1+$0x80] =	vst v3  }
0x165: {  	v3 =	vld [tilespmem:s15+$0xD0];
	v6 =	vmul.f32 $8.000000000e+00, v7;
	[tilespmem:s1+$0x90] =	vst v0  }
0x166: {  	v0 =	vld [tilespmem:s15+$0x90];
	v7 =	vmul.f32 $8.000000000e+00, v10;
	[tilespmem:s1+$0x10] =	vst v1  }
0x167: {  	v1 =	vld [tilespmem:s15+$0x10];
	[tilespmem:s1+$0x30] =	vst v6  }
0x168: {  	v10 =	vld [tilespmem:s15+$0xC0];
	v9 =	vmul.f32 $8.000000000e+00, v9;
	[tilespmem:s1+$0xB0] =	vst v2  }
0x169: {  	v2 =	vld [tilespmem:s15+$0x0];
	[tilespmem:s1+$0x70] =	vst v4  }
0x16a: {  	v12 =	vld [tilespmem:s15+$0xB0];
	v3 =	vmul.f32 $8.000000000e+00, v3;
	[tilespmem:s1+$0x60] =	vst v5;
	s1 =	smov.u32 s15  }
0x16b: {  	v13 =	vld [tilespmem:s15+$0x50];
	[tilespmem:s15+$0xA0] =	vst v7  }
.Ltmp6:
0x16c: {  	v4 =	vmul.f32 $8.000000000e+00, v8;
	[tilespmem:s15+$0xD0] =	vst v3;
	v6 =	vld [tilespmem:s15+$0xF0];
	(pc) =	sbr.rel @p0 .LBB2_15-.Ltmp6, $4  }
0x16d: {  	v3 =	vld [tilespmem:s15+$0x80];
	v7 =	vmul.f32 $8.000000000e+00, v10;
	[tilespmem:s15+$0xE0] =	vst v9  }
0x16e: {  	v9 =	vmul.f32 $8.000000000e+00, v11;
	[tilespmem:s15+$0x40] =	vst v4;
	v4 =	vld [tilespmem:s15+$0x70]  }
0x16f: {  	v1 =	vmul.f32 $8.000000000e+00, v1;
	v8 =	vmul.f32 $8.000000000e+00, v2;
	v5 =	vld [tilespmem:s15+$0x60];
	[tilespmem:s15+$0xC0] =	vst v7  }
0x170: {  	v2 =	vmul.f32 $8.000000000e+00, v12;
	s15 =	sadd.s32 $0x100, s15;
	[tilespmem:s1+$0x20] =	vst v9;
	v7 =	vld [tilespmem:s1+$0x30];
	v9 =	vmul.f32 $8.000000000e+00, v13  }
0x171: {  	[tilespmem:s1+$0x0] =	vst v8  }
0x172: {  	[tilespmem:s1+$0x10] =	vst v1  }
0x173: {  	v6 =	vmul.f32 $8.000000000e+00, v6;
	[tilespmem:s1+$0x50] =	vst v9  }
0x174: {  	v0 =	vmul.f32 $8.000000000e+00, v0;
	[tilespmem:s1+$0xB0] =	vst v2  }
0x175: {  	v3 =	vmul.f32 $8.000000000e+00, v3;
	[tilespmem:s1+$0xF0] =	vst v6  }
0x176: {  	[tilespmem:s1+$0x90] =	vst v0;
	v0 =	vmul.f32 $8.000000000e+00, v4  }
0x177: {  	[tilespmem:s1+$0x80] =	vst v3;
	v1 =	vmul.f32 $8.000000000e+00, v5  }
0x178: {  	v3 =	vmul.f32 $8.000000000e+00, v7;
	[tilespmem:s1+$0x70] =	vst v0  }
0x179: {  	[tilespmem:s1+$0x60] =	vst v1  }
0x17a: {  	s0 =	simm.s32 $0x16440;
	[tilespmem:s1+$0x30] =	vst v3  }
0x17b: {  	v1 =	vld [tilespmem:s0+$0xA0]  }
0x17c: {  	v2 =	vld [tilespmem:s0+$0x40]  }
0x17d: {  	v3 =	vld [tilespmem:s0+$0xE0]  }
0x17e: {  	v4 =	vld [tilespmem:s0+$0xD0]  }
0x17f: {  	v5 =	vld [tilespmem:s0+$0x20]  }
0x180: {  	v0 =	vld [tilespmem:s0+$0x90]  }
0x181: {  	v8 =	vld [tilespmem:s0+$0xC0]  }
0x182: {  	v7 =	vld [tilespmem:s0+$0x10]  }
0x183: {  	v9 =	vld [tilespmem:s0+$0x0];
	v1 =	vmul.f32 $8.000000000e+00, v1  }
0x184: {  	v11 =	vld [tilespmem:s0+$0x50];
	v4 =	vmul.f32 $8.000000000e+00, v4  }
0x185: {  	v10 =	vld [tilespmem:s0+$0xB0];
	v12 =	vmul.f32 $8.000000000e+00, v5;
	[tilespmem:s0+$0xA0] =	vst v1  }
0x186: {  	v6 =	vld [tilespmem:s0+$0xF0];
	v13 =	vmul.f32 $8.000000000e+00, v8;
	[tilespmem:s0+$0xD0] =	vst v4  }
0x187: {  	v1 =	vmul.f32 $8.000000000e+00, v2;
	v2 =	vmul.f32 $8.000000000e+00, v3;
	v3 =	vld [tilespmem:s0+$0x80];
	[tilespmem:s0+$0x20] =	vst v12  }
0x188: {  	v4 =	vld [tilespmem:s0+$0x70];
	[tilespmem:s0+$0xC0] =	vst v13  }
0x189: {  	v8 =	vmul.f32 $8.000000000e+00, v9;
	v5 =	vld [tilespmem:s0+$0x60];
	v9 =	vmul.f32 $8.000000000e+00, v11;
	[tilespmem:s0+$0x40] =	vst v1  }
0x18a: {  	s15 =	simm.s32 $0x16540;
	s1 =	simm.s32 $0x0;
	[tilespmem:s0+$0xE0] =	vst v2;
	v1 =	vmul.f32 $8.000000000e+00, v7;
	v7 =	vld [tilespmem:s0+$0x30];
	v2 =	vmul.f32 $8.000000000e+00, v10  }
.LBB2_17:
0x18b: {  	v10 =	vld [tilespmem:s15+$0xA0];
	s1 =	sadd.s32 $0x4, s1;
	[tilespmem:s0+$0x0] =	vst v8;
	v0 =	vmul.f32 $8.000000000e+00, v0;
	v6 =	vmul.f32 $8.000000000e+00, v6  }
0x18c: {  	v8 =	vld [tilespmem:s15+$0x40];
	p0 =	slt.u32 s1, $0xC4;
	[tilespmem:s0+$0x50] =	vst v9;
	v3 =	vmul.f32 $8.000000000e+00, v3  }
0x18d: {  	v9 =	vld [tilespmem:s15+$0xE0];
	v4 =	vmul.f32 $8.000000000e+00, v4;
	[tilespmem:s0+$0xF0] =	vst v6  }
0x18e: {  	v11 =	vld [tilespmem:s15+$0x20];
	v5 =	vmul.f32 $8.000000000e+00, v5;
	[tilespmem:s0+$0x80] =	vst v3  }
0x18f: {  	v3 =	vld [tilespmem:s15+$0xD0];
	v6 =	vmul.f32 $8.000000000e+00, v7;
	[tilespmem:s0+$0x90] =	vst v0  }
0x190: {  	v0 =	vld [tilespmem:s15+$0x90];
	v7 =	vmul.f32 $8.000000000e+00, v10;
	[tilespmem:s0+$0x10] =	vst v1  }
0x191: {  	v1 =	vld [tilespmem:s15+$0x10];
	[tilespmem:s0+$0x30] =	vst v6  }
0x192: {  	v10 =	vld [tilespmem:s15+$0xC0];
	v9 =	vmul.f32 $8.000000000e+00, v9;
	[tilespmem:s0+$0xB0] =	vst v2  }
0x193: {  	v2 =	vld [tilespmem:s15+$0x0];
	[tilespmem:s0+$0x70] =	vst v4  }
0x194: {  	v12 =	vld [tilespmem:s15+$0xB0];
	v3 =	vmul.f32 $8.000000000e+00, v3;
	[tilespmem:s0+$0x60] =	vst v5;
	s0 =	smov.u32 s15  }
0x195: {  	v13 =	vld [tilespmem:s15+$0x50];
	[tilespmem:s15+$0xA0] =	vst v7  }
.Ltmp7:
0x196: {  	v4 =	vmul.f32 $8.000000000e+00, v8;
	[tilespmem:s15+$0xD0] =	vst v3;
	v6 =	vld [tilespmem:s15+$0xF0];
	(pc) =	sbr.rel @p0 .LBB2_17-.Ltmp7, $4  }
0x197: {  	v3 =	vld [tilespmem:s15+$0x80];
	v7 =	vmul.f32 $8.000000000e+00, v10;
	[tilespmem:s15+$0xE0] =	vst v9  }
0x198: {  	v9 =	vmul.f32 $8.000000000e+00, v11;
	[tilespmem:s15+$0x40] =	vst v4;
	v4 =	vld [tilespmem:s15+$0x70]  }
0x199: {  	v1 =	vmul.f32 $8.000000000e+00, v1;
	v8 =	vmul.f32 $8.000000000e+00, v2;
	v5 =	vld [tilespmem:s15+$0x60];
	[tilespmem:s15+$0xC0] =	vst v7  }
0x19a: {  	v2 =	vmul.f32 $8.000000000e+00, v12;
	s15 =	sadd.s32 $0x100, s15;
	[tilespmem:s0+$0x20] =	vst v9;
	v7 =	vld [tilespmem:s0+$0x30];
	v9 =	vmul.f32 $8.000000000e+00, v13  }
0x19b: {  	[tilespmem:s0+$0x0] =	vst v8  }
0x19c: {  	[tilespmem:s0+$0x10] =	vst v1  }
0x19d: {  	v6 =	vmul.f32 $8.000000000e+00, v6;
	[tilespmem:s0+$0x50] =	vst v9  }
0x19e: {  	v0 =	vmul.f32 $8.000000000e+00, v0;
	[tilespmem:s0+$0xB0] =	vst v2  }
0x19f: {  	s10 =	sadd.s32 $0x1, s10;
	v3 =	vmul.f32 $8.000000000e+00, v3;
	[tilespmem:s0+$0xF0] =	vst v6  }
0x1a0: {  	p0 =	sne.s32 s10, $0x10;
	[tilespmem:s0+$0x90] =	vst v0;
	v62 =	vmul.f32 $8.000000000e+00, v4  }
.Ltmp8:
0x1a1: {  	[tilespmem:s0+$0x80] =	vst v3;
	v63 =	vmul.f32 $8.000000000e+00, v5;
	(pc) =	sbr.rel @p0 .LBB2_2-.Ltmp8, $4  }
0x1a2: {  	s1 =	smul.u32 $0x640, s7;
	v61 =	vmul.f32 $8.000000000e+00, v7;
	[tilespmem:s0+$0x70] =	vst v62  }
0x1a3: {  	[tilespmem:s0+$0x60] =	vst v63  }
0x1a4: {  	s31 =	sadd.s32 s2, s1;
	[tilespmem:s0+$0x30] =	vst v61  }
0x1a5: {  	[hbm4b:s31+s3] =	stream.linear.scatter [tilespmem:s30], [sflag:$0x4], $0xC800, $0x38;
	[tilespmem:$0x19640] =	vst v63  }
0x1a6: {  	s0 =	simm.s32 $0x3  }
0x1a7: {  	_ =	swait.ge [sflag:s0], $0xC800  }
0x1a8: {  	[sflag:s0] =	ssyncset.done $0x0  }
0x1a9: {  	s1 =	simm.s32 $0x4;
	[sflag:s0] =	ssyncadd.s32 $0xFFFF3800  }
0x1aa: {  	_ =	swait.ge [sflag:s1], $0xC800  }
0x1ab: {  	s7 =	rddreg [dreg:$0x5]  }
0x1ac: {  	s31 =	rddreg [dreg:$0x4];
	s7 =	sadd.s32 $0x1, s7  }
0x1ad: {  	p0 =	sne.s32 s7, s31  }
.Ltmp9:
0x1ae: {  	_ = 	snop;
	(pc) =	sbr.rel @p0 .LBB2_1-.Ltmp9, $3  }
0x1af: {  	_ =	sdelay $0x1  }
0x1b0: {  	[sflag:s1] =	ssyncset.done $0x0  }
0x1b1: {  	[sflag:s1] =	ssyncadd.s32 $0xFFFF3800  }
0x1b2: {  	_ =	sfence.sel $0x180000  }
0x1b3: {  	[bflag:$0x0] =	sbarrier.arrive $0xFFFF  }
0x1b4: {  	_ =	strace $0x90000047  }
0x1b5: {  	s0 =	stileid.u32;
	[bflag:$0x2] =	sbarrier.arrive $0xFFFF  }
0x1b6: {  	p0 =	sne.s32 s0, $0x0;
	s0 =	rddreg [dreg:$0x2]  }
0x1b7: {  	s0 =	sadd.s32 @!p0 $0x100000, s0  }
0x1b8: {  	[sflag:s0] =	ssyncadd.tile.s32 @!p0 $0x1;
	_ =	shalt  }
.Lfunc_end2:
_tile_overlayer_lowered:
.L_overlay_start_2:
0x1b9: {  	(tag) =	ssettag $0x2  }
0x1ba: {  	s0 =	rddreg [dreg:$0x0];
	s2 =	stileid.u32  }
0x1bb: {  	s1 =	rddreg [dreg:$0x1];
	p0 =	sne.s32 s2, $0x0  }
0x1bc: {  	s3 =	rddreg [dreg:$0x2];
	[bflag:$0x3] =	sbarrier.arrive $0xFFFF;
	s2 =	simm.s32 @!p0 $0x1C05  }
0x1bd: {  	[timem:s3], [sflag:s2] =	dma.local @!p0 [hbm:s0], s1  }
0x1be: {  	s0 =	simm.s32 @!p0 $0x5  }
0x1bf: {  	_ =	swait.ge @!p0 [sflag:s0], s1  }
0x1c0: {  	s1 =	ssub.s32 @!p0 $0x0, s1;
	[sflag:s0] =	ssyncset.done @!p0 $0x0  }
0x1c1: {  	[sflag:s0] =	ssyncadd.s32 @!p0 s1  }
0x1c2: {  	[bflag:$0x3] =	sbarrier.arrive $0xFFFF  }
0x1c3: {  	_ =	shalt  }

// kernel: sparse-core-data-format-call.cloned.1.call-start
scs
called_computation_lowered:
.L_overlay_start_0:
0x0: {  	s2 =	sld [smem:$0x3FD9]  }
0x1: {  	s3 =	sld [smem:$0x3FFE];
	_ =	sdelay $0x1  }
0x2: {  	s1 =	srdreg.scid  }
0x3: {  	s0 =	sand.u32 $0x1, s1  }
0x4: {  	s18 =	sshll.u32 s0, $0xA;
	s2 =	sadd.s32 s3, s2  }
0x5: {  	s2 =	sadd.s32 s2, s18  }
0x6: {  	[smem:$0x3FC6] =	sst s2  }
0x7: {  	_ = 	snop  }
0x8: {  	s2 =	sld [smem:$0x3FD0];
	(tm) =	ssettm $0x1  }
0x9: {  	s19 =	sld [smem:$0x3FFB];
	_ =	sdelay $0x3  }
0xa: {  	_ =	strace s19  }
0xb: {  	s3 =	sld [smem:$0x3FFC];
	_ =	sdelay $0x3  }
0xc: {  	_ =	strace s3  }
0xd: {  	s3 =	sld [smem:$0x3FFD];
	_ =	sdelay $0x3  }
0xe: {  	_ =	strace s3  }
0xf: {  	_ =	strace $0x8FFFFFFF  }
0x10: {  	s20 =	sld [smem:$0x3FDB];
	_ =	sdelay $0x1  }
0x11: {  	s4 =	simm.s32 $_scs_section_size  }
0x12: {  	s5 =	simm.s32 $_size__tile_overlayer_lowered;
	s6 =	simm.s32 $_tile_overlayer_lowered  }
0x13: {  	s23 =	simm.s32 $0x1BFF;
	s22 =	sshll.u32 s6, $0x1;
	s3 =	sadd.s32 s4, s20  }
0x14: {  	s7 =	simm.s32 $0x0;
	s21 =	sshll.u32 s5, $0x1;
	s5 =	sadd.s32 s22, s3  }
0x15: {  	[timem:s7], [sflag:s23] =	dma.local [hbm:s5], s21  }
0x16: {  	_ =	swait.ge [sflag:s23], s21  }
0x17: {  	s4 =	ssub.s32 $0x0, s21;
	[sflag:s23] =	ssyncset.done $0x0  }
0x18: {  	[sflag:s23] =	ssyncadd.s32 s4;
	_ =	sdelay $0x1  }
0x19: {  	s24 =	simm.s32 $0x1B8B  }
0x1a: {  	_ =	swait.ge [sflag:s24], $0x1  }
0x1b: {  	[sflag:s24] =	ssyncset.done $0x0  }
0x1c: {  	s26 =	simm.s32 $0x1B8E;
	s25 =	sld [smem:$0x3FFE];
	[sflag:s24] =	ssyncadd.s32 $0xFFFFFFFF  }
0x1d: {  	s27 =	simm.s32 $execute0_lowered;
	[smem:$0x3FD2] =	sst s26  }
0x1e: {  	s5 =	sshll.u32 s27, $0x1;
	_ =	strace $0x80000049;
	[dreg:$0x1] =	wrdreg $0xFFFFFFFF  }
0x1f: {  	s28 =	simm.s32 $_size_execute0_lowered;
	s3 =	sadd.s32 s3, s5;
	[dreg:$0x0] =	wrdreg $0x0  }
0x20: {  	s5 =	sshll.u32 s28, $0x1;
	[dreg:$0x2] =	wrdreg s3  }
0x21: {  	[dreg:$0x3] =	wrdreg s5  }
0x22: {  	[dreg:$0x4] =	wrdreg $0xC0  }
0x23: {  	_ =	task [dreg:s7], $0x5FFFF  }
0x24: {  	[dreg:$0x1] =	wrdreg $0xFFFFFFFF  }
0x25: {  	[dreg:$0x0] =	wrdreg $0x60  }
0x26: {  	[dreg:$0x2] =	wrdreg s25  }
0x27: {  	[dreg:$0x3] =	wrdreg s2  }
0x28: {  	[dreg:$0x4] =	wrdreg $0x9  }
0x29: {  	_ =	task.clear_ibuf [dreg:s7], $0x5FFFF;
	_ =	strace $0x90000049  }
0x2a: {  	s29 =	simm.s32 $0x9;
	_ =	strace $0x8000004B  }
0x2b: {  	_ =	swait.ge [sflag:s29], $0x1  }
0x2c: {  	[sflag:s29] =	ssyncadd.s32 $0xFFFFFFFF  }
0x2d: {  	_ =	strace $0x9000004B  }
0x2e: {  	_ =	sfence  }
0x2f: {  	s30 =	sld [smem:$0x0];
	_ =	sdelay $0x2  }
0x30: {  	s31 =	sshll.u32 s1, $0xD;
	s1 =	sshrl.u32 s1, $0x2  }
0x31: {  	s3 =	sand.u32 $0x4000, s31;
	s1 =	sadd.s32 s1, s30  }
0x32: {  	s0 =	sor.u32 s3, s0;
	s1 =	sshll.u32 s1, $0x11  }
0x33: {  	s0 =	sor.u32 s1, s0  }
0x34: {  	s0 =	sadd.s32 $0x8F2B, s0  }
0x35: {  	[sflag:s0] =	ssyncadd.remote.s32 $0x1  }
0x36: {  	_ =	sfence.sel $0xFFFF  }
0x37: {  	[dreg:$0x0] =	wrdreg $0xFFFFFFFF;
	(pc) =	sbr.abs _section_cstart, $3  }
0x38: {  	[dreg:$0x1] =	wrdreg $0xFFFFFFFF  }
0x39: {  	_ =	task.clear_ibuf [dreg:s7], $0x2FFFF;
	_ =	strace $0x9FFFFFFF  }
0x3a: {  	(tm) =	ssettm $0x7FFFFFFF  }
0x3b: {  	_ =	shalt  }
tec
execute0_lowered:
.L_overlay_start_1:
0x0: {  	(tag) =	ssettag $0x1  }
0x1: {  	s0 =	srdreg.scid  }
0x2: {  	s1 =	sshll.u32 s0, $0x4  }
0x3: {  	s0 =	stileid.u32;
	s1 =	sand.u32 $0x10, s1  }
0x4: {  	s1 =	sor.u32 s0, s1  }
0x5: {  	s6 =	rddreg [dreg:$0x0];
	s4 =	simm.s32 $0x1;
	s2 =	sshll.u32 s1, $0x7  }
0x6: {  	s7 =	simm.s32 $0x2;
	s12 =	simm.s32 $0x0;
	s1 =	ssub.s32 $0x1000, s2  }
0x7: {  	s8 =	simm.s32 $0x8000;
	s13 =	simm.s32 $0x0;
	s3 =	sand.u32 $0xF80, s1  }
0x8: {  	s9 =	simm.s32 $0x0;
	s5 =	sshrl.u32 s1, $0xC;
	p0 =	sne.s32 s3, $0x0  }
.Ltmp0:
0x9: {  	s1 =	rddreg [dreg:$0x2];
	s4 =	simm.s32 @!p0 $0x0;
	(pc) =	sbr.rel .LBB1_1-.Ltmp0, $4  }
0xa: {  	s11 =	simm.s32 $0x0;
	s3 =	rddreg [dreg:$0x1];
	s5 =	sadd.s32 s4, s5  }
0xb: {  	_ =	strace $0x8000004A;
	s4 =	simm.s32 $0x1;
	s5 =	smul.u32 $0xC8, s5  }
0xc: {  	s6 =	sadd.s32 $0xA00, s6;
	s10 =	smov.u32 s2;
	[sflag:s4] =	ssyncpa.u1 $0x0  }
0xd: {  	p0 =	por $0x0, $0x0;
	[sflag:s7] =	ssyncpa.u1 $0x0;
	s7 =	sor.u32 $0x1, s5  }
.LBB1_4:
0xe: {  	s16 =	sshll.u32 s13, $0x3;
	s17 =	sand.u32 $0x78, s13  }
0xf: {  	s30 =	sand.u32 $0x7E00, s13;
	s12 =	sshll.u32 s12, $0xF;
	s16 =	sand.u32 $0xC00, s16  }
0x10: {  	[tilespmem:s15+$0x810 ss:$0x81] =	vst.msk $0xffff, v2;
	s31 =	sand.u32 $0x7, s13;
	s16 =	sor.u32 s17, s16;
	s17 =	sadd.s32 s3, s30  }
0x11: {  	[tilespmem:s15+$0x1020 ss:$0x81] =	vst.msk $0xffff, v0;
	s13 =	sshll.u32 s31, $0x12;
	s12 =	sadd.s32 s12, s17;
	s16 =	sshrl.u32 s16, $0x3  }
0x12: {  	[tilespmem:s15+$0x0 ss:$0x81] =	vst.msk $0xffff, v1;
	s13 =	sor.u32 $0x400, s13;
	s12 =	sadd.s32 s16, s12  }
0x13: {  	[hbm4b:s12+s13] =	stream.strided.scatter [tilespmem:s14], [sflag:$0x2], $0x2000, s8, s13, $0x20;
	[tilespmem:$0x8080] =	vst v63  }
.LBB1_5:
0x14: {  	s14 =	sadd.s32 $0x1, s9  }
0x15: {  	s12 =	sadd.s32 $0x1000, s10;
	s16 =	smov.u32 s10;
	p2 =	sgt.s32 s14, $0xC7  }
0x16: {  	s16 =	smov.u32 @p2 s12  }
0x17: {  	s14 =	simm.s32 @p2 $0x0;
	p2 =	sgt.s32 s16, $0xFFF  }
0x18: {  	s16 =	smov.u32 @p2 s2;
	p2 =	sne.s32 s11, s7  }
.Ltmp1:
0x19: {  	p1 =	slt.u32 s11, $0x2;
	(pc) =	sbr.rel @!p2 .LBB1_6-.Ltmp1, $4  }
0x1a: {  	s15 =	simm.s32 @!p1 $0x2  }
0x1b: {  	s13 =	smov.u32 s10;
	p0 =	por !p0, !p0;
	_ =	swait.ge @!p1 [sflag:s15], $0x2000  }
0x1c: {  	s12 =	smov.u32 s9;
	[sflag:s15] =	ssyncset.done @!p1 $0x0;
	s9 =	smov.u32 s14  }
0x1d: {  	s11 =	sadd.s32 $0x1, s11;
	[sflag:s15] =	ssyncadd.s32 @!p1 $0xFFFFE000;
	s10 =	smov.u32 s16  }
.LBB1_1:
0x1e: {  	p1 =	sge.u32 s11, s5  }
0x1f: {  	s14 =	sand.u32 @!p1 $0x1FFFFFF, s9  }
0x20: {  	s15 =	smulhi.u32 @!p1 $0x147AE15, s14;
	_ =	sdelay $0x1  }
0x21: {  	s15 =	smul.u32 @!p1 $0xC8, s15  }
0x22: {  	s16 =	sxor.u32 @!p1 $0xFFFFFFFF, s11;
	s17 =	smul.u32 @!p1 $0xC80, s10  }
0x23: {  	s31 =	sadd.s32 $0xFFFFFFFF, s11;
	s16 =	sshll.u32 @!p1 s16, $0xD;
	s14 =	ssub.s32 @!p1 s14, s15  }
0x24: {  	s15 =	sand.u32 @!p1 $0x2000, s16;
	s16 =	sadd.s32 @!p1 s6, s17;
	s14 =	sshll.u32 @!p1 s14, $0x4  }
0x25: {  	s17 =	simm.s32 @!p1 $0x6400;
	s14 =	sadd.s32 @!p1 s14, s16;
	s16 =	simm.s32 @!p1 $0x40  }
0x26: {  	[tilespmem:s15], [sflag:$0x1] =	stream.strided.gather @!p1 [hbm4b:s14+s16], $0x2000, s17, s16, $0x38;
	[tilespmem:$0x8080] =	vst v63  }
0x27: {  	p1 =	sge.u32 s31, s5  }
.Ltmp2:
0x28: {  	_ = 	snop;
	(pc) =	sbr.rel @p1 .LBB1_5-.Ltmp2, $1  }
0x29: {  	_ =	sdelay $0x3  }
0x2a: {  	s14 =	simm.s32 $0x1  }
0x2b: {  	_ =	swait.ge [sflag:s4], $0x2000;
	s14 =	simm.s32 @!p0 $0x0  }
0x2c: {  	[sflag:s4] =	ssyncset.done $0x0;
	s15 =	sshll.u32 s14, $0xD  }
0x2d: {  	[sflag:s4] =	ssyncadd.s32 $0xFFFFE000;
	s18 =	sor.u32 $0x20, s15  }
0x2e: {  	s14 =	smul.u32 $0x8100, s14;
	v3 =	vld [tilespmem:s18+$0x10]  }
0x2f: {  	s30 =	sand.u32 $0x1, s11;
	v2 =	vld [tilespmem:s18+$0xFFFFFFF0]  }
0x30: {  	s15 =	smul.u32 $0x8100, s30;
	s14 =	sshrl.u32 s14, $0x2;
	v0 =	vld [tilespmem:s18+$0x0]  }
0x31: {  	v1 =	vld [tilespmem:s18+$0xFFFFFFE0];
	s16 =	sor.u32 $0x4000, s14  }
0x32: {  	s31 =	sshrl.u32 s15, $0x2;
	s15 =	sadd.s32 $0x0, s16  }
0x33: {  	s17 =	simm.s32 $0x4;
	s18 =	sadd.s32 $0x40, s18;
	s14 =	sor.u32 $0x4000, s31;
	[tilespmem:s15+$0x1830 ss:$0x81] =	vst.msk $0xffff, v3  }
.LBB1_3:
0x34: {  	v3 =	vld [tilespmem:s18+$0x10];
	p1 =	sne.s32 s17, $0x1FC;
	[tilespmem:s15+$0x810 ss:$0x81] =	vst.msk $0xffff, v2;
	s19 =	smov.u32 s17;
	s17 =	sadd.s32 $0x4, s17  }
.Ltmp3:
0x35: {  	v2 =	vld [tilespmem:s18+$0xFFFFFFF0];
	[tilespmem:s15+$0x1020 ss:$0x81] =	vst.msk $0xffff, v0;
	(pc) =	sbr.rel @p1 .LBB1_3-.Ltmp3, $4  }
0x36: {  	v0 =	vld [tilespmem:s18+$0x0];
	[tilespmem:s15+$0x0 ss:$0x81] =	vst.msk $0xffff, v1  }
0x37: {  	s15 =	sshra.s32 s19, $0x2;
	v1 =	vld [tilespmem:s18+$0xFFFFFFE0]  }
0x38: {  	s15 =	sadd.s32 s15, s16  }
0x39: {  	s18 =	sadd.s32 $0x40, s18;
	[tilespmem:s15+$0x1830 ss:$0x81] =	vst.msk $0xffff, v3  }
.Ltmp4:
0x3a: {  	_ = 	snop;
	(pc) =	sbr.rel .LBB1_4-.Ltmp4, $1  }
0x3b: {  	_ =	sdelay $0x3  }
.LBB1_6:
0x3c: {  	_ =	sfence.sel $0x180000  }
0x3d: {  	s2 =	simm.s32 $0x1;
	[bflag:$0x0] =	sbarrier.arrive $0xFFFF  }
0x3e: {  	s31 =	simm.s32 $0x2;
	[sflag:s2] =	ssyncpa.u1 $0x1  }
0x3f: {  	[sflag:s31] =	ssyncpa.u1 $0x1  }
0x40: {  	p0 =	sne.s32 s0, $0x0;
	_ =	strace $0x9000004A  }
0x41: {  	s0 =	sadd.s32 @!p0 $0x100000, s1;
	[bflag:$0x2] =	sbarrier.arrive $0xFFFF  }
0x42: {  	[sflag:s0] =	ssyncadd.tile.s32 @!p0 $0x1;
	_ =	shalt  }
.Lfunc_end1:
_tile_overlayer_lowered:
.L_overlay_start_2:
0x43: {  	(tag) =	ssettag $0x2  }
0x44: {  	s0 =	rddreg [dreg:$0x0];
	s2 =	stileid.u32  }
0x45: {  	s1 =	rddreg [dreg:$0x1];
	p0 =	sne.s32 s2, $0x0  }
0x46: {  	s3 =	rddreg [dreg:$0x2];
	[bflag:$0x3] =	sbarrier.arrive $0xFFFF;
	s2 =	simm.s32 @!p0 $0x1C01  }
0x47: {  	[timem:s3], [sflag:s2] =	dma.local @!p0 [hbm:s0], s1  }
0x48: {  	s0 =	simm.s32 @!p0 $0x1  }
0x49: {  	_ =	swait.ge @!p0 [sflag:s0], s1  }
0x4a: {  	s1 =	ssub.s32 @!p0 $0x0, s1;
	[sflag:s0] =	ssyncset.done @!p0 $0x0  }
0x4b: {  	[sflag:s0] =	ssyncadd.s32 @!p0 s1  }
0x4c: {  	[bflag:$0x3] =	sbarrier.arrive $0xFFFF  }
0x4d: {  	_ =	shalt  }

</sc_bundles>
